<compile_context>
chip_gen: v7x
topology: tpu7x:2x2x1
jax: 0.10.2.dev20260603
libtpu: 0.0.44.dev20260713+nightly
codegen_flags: <defaults>
</compile_context>

<pallas_src>
import functools

import jax
import jax.numpy as jnp
from jax import lax
from jax.experimental import pallas as pl
from jax.experimental.pallas import tpu as pltpu
from jax.experimental.pallas import tpu_sc as plsc

_NU = 50000
_NI = 50000
_H = 32
_DEPTH = 2
_B = 16384

_info = plsc.get_sparse_core_info()
_NC, _NS = _info.num_cores, _info.num_subcores
_NW = _NC * _NS


def _decoder_sc(out_user, out_item, idx_u, idx_i):
    b_per_w = _B // _NW
    mesh = plsc.VectorSubcoreMesh(core_axis_name="c", subcore_axis_name="s")

    @functools.partial(
        pl.kernel,
        mesh=mesh,
        compiler_params=pltpu.CompilerParams(
            needs_layout_passes=False, use_tc_tiling_on_sc=False
        ),
        out_type=jax.ShapeDtypeStruct((_B,), jnp.float32),
        scratch_types=[
            pltpu.VMEM((b_per_w,), jnp.int32),
            pltpu.VMEM((b_per_w,), jnp.int32),
            pltpu.VMEM((b_per_w, _H), jnp.float32),
            pltpu.VMEM((b_per_w, _H), jnp.float32),
            pltpu.VMEM((b_per_w,), jnp.float32),
            pltpu.SemaphoreType.DMA,
        ],
    )
    def dec(u_hbm, i_hbm, iu_hbm, ii_hbm, out_hbm, iu_v, ii_v, ru_v, ri_v, o_v, sem):
        wid = lax.axis_index("s") * _NC + lax.axis_index("c")
        base = wid * b_per_w
        pltpu.sync_copy(iu_hbm.at[pl.ds(base, b_per_w)], iu_v)
        pltpu.sync_copy(ii_hbm.at[pl.ds(base, b_per_w)], ii_v)
        pltpu.async_copy(u_hbm.at[iu_v], ru_v, sem).wait()
        pltpu.async_copy(i_hbm.at[ii_v], ri_v, sem).wait()

        def body(g, carry):
            lanes = lax.iota(jnp.int32, 16)
            dots = jnp.zeros((16,), jnp.float32)
            for l in range(16):
                j = g * 16 + l
                a = ru_v[j, pl.ds(0, 16)] * ri_v[j, pl.ds(0, 16)]
                b = ru_v[j, pl.ds(16, 16)] * ri_v[j, pl.ds(16, 16)]
                s = jnp.sum(a + b)
                dots = jnp.where(lanes == l, s, dots)
            o_v[pl.ds(g * 16, 16)] = dots
            return carry

        lax.fori_loop(0, b_per_w // 16, body, 0)
        pltpu.sync_copy(o_v, out_hbm.at[pl.ds(base, b_per_w)])

    return dec(out_user, out_item, idx_u, idx_i)


_NPAD = 48
_NT = _NU + _NPAD
_CH = 400
_CHD = 6400
_EPT = 102400
_EPAD = _EPT * _NS


def _deg_dinv_sc(su_eff, si_eff, zeros_vec):
    mesh = plsc.VectorSubcoreMesh(core_axis_name="c", subcore_axis_name="s")
    rpt = _NT // _NS

    @functools.partial(
        pl.kernel,
        mesh=mesh,
        compiler_params=pltpu.CompilerParams(
            needs_layout_passes=False, use_tc_tiling_on_sc=False
        ),
        out_type=(
            jax.ShapeDtypeStruct((_NT,), jnp.float32),
            jax.ShapeDtypeStruct((_NT,), jnp.float32),
        ),
        scratch_types=[
            pltpu.VMEM((_CHD,), jnp.int32),
            pltpu.VMEM((_CHD,), jnp.float32),
            pltpu.VMEM_SHARED((_NT,), jnp.float32),
        ],
    )
    def degk(su_hbm, si_hbm, z_hbm, du_hbm, di_hbm, idx_v, ones_v, deg_sh):
        c = lax.axis_index("c")
        t = lax.axis_index("s")
        pltpu.sync_copy(z_hbm.at[pl.ds(t * rpt, rpt)], deg_sh.at[pl.ds(t * rpt, rpt)])

        def fill(j, carry):
            ones_v[pl.ds(16 * j, 16)] = jnp.full((16,), 1.0, jnp.float32)
            return carry

        lax.fori_loop(0, _CHD // 16, fill, 0)
        plsc.subcore_barrier()

        def run(sidx_hbm):
            def body(g, carry):
                e0 = t * _EPT + g * _CHD
                pltpu.sync_copy(sidx_hbm.at[pl.ds(e0, _CHD)], idx_v)
                pltpu.sync_copy(ones_v, deg_sh.at[idx_v], add=True)
                return carry

            lax.fori_loop(0, _EPT // _CHD, body, 0)

        @pl.when(c == 0)
        def _():
            run(su_hbm)

        @pl.when(c == 1)
        def _():
            run(si_hbm)

        plsc.subcore_barrier()

        @pl.when(c == 0)
        def _():
            pltpu.sync_copy(deg_sh.at[pl.ds(t * rpt, rpt)], du_hbm.at[pl.ds(t * rpt, rpt)])

        @pl.when(c == 1)
        def _():
            pltpu.sync_copy(deg_sh.at[pl.ds(t * rpt, rpt)], di_hbm.at[pl.ds(t * rpt, rpt)])

    return degk(su_eff, si_eff, zeros_vec)


def _propagate_sc(xsu, xsi, su_eff, si_eff, zeros_tab):
    mesh = plsc.VectorSubcoreMesh(core_axis_name="c", subcore_axis_name="s")

    @functools.partial(
        pl.kernel,
        mesh=mesh,
        compiler_params=pltpu.CompilerParams(
            needs_layout_passes=False, use_tc_tiling_on_sc=False
        ),
        out_type=(
            jax.ShapeDtypeStruct((_NU, _H), jnp.float32),
            jax.ShapeDtypeStruct((_NI, _H), jnp.float32),
        ),
        scratch_types=[
            pltpu.VMEM((2, _CH), jnp.int32),
            pltpu.VMEM((2, _CH), jnp.int32),
            pltpu.VMEM((2, _CH, _H), jnp.float32),
            pltpu.VMEM_SHARED((_NT, _H), jnp.float32),
            pltpu.SemaphoreType.DMA((2,)),
            pltpu.SemaphoreType.DMA((2,)),
            pltpu.SemaphoreType.DMA((2,)),
        ],
    )
    def prop(xu_hbm, xi_hbm, su_hbm, si_hbm, z_hbm, ou_hbm, oi_hbm,
             gi_v, si_v, rows_v, acc_sh, isem, gsem, ssem):
        c = lax.axis_index("c")
        t = lax.axis_index("s")
        rpt = _NT // _NS
        pltpu.sync_copy(z_hbm.at[pl.ds(t * rpt, rpt)], acc_sh.at[pl.ds(t * rpt, rpt)])
        plsc.subcore_barrier()

        nchunk = _EPT // _CH

        def run(gtab_hbm, gidx_hbm, sidx_hbm):
            def start_idx(g, b):
                e0 = t * _EPT + g * _CH
                pltpu.async_copy(gidx_hbm.at[pl.ds(e0, _CH)], gi_v.at[b], isem.at[b])
                pltpu.async_copy(sidx_hbm.at[pl.ds(e0, _CH)], si_v.at[b], isem.at[b])

            def wait_idx(b):
                pltpu.make_async_copy(gidx_hbm.at[pl.ds(0, _CH)], gi_v.at[b], isem.at[b]).wait()
                pltpu.make_async_copy(sidx_hbm.at[pl.ds(0, _CH)], si_v.at[b], isem.at[b]).wait()

            def wait_rows(b, sem):
                pltpu.make_async_copy(
                    gtab_hbm.at[pl.ds(0, _CH)], rows_v.at[b], sem.at[b]
                ).wait()

            start_idx(0, 0)

            def outer(g0, carry):
                for b in range(2):
                    g = g0 * 2 + b
                    o = 1 - b
                    wait_idx(b)
                    pltpu.async_copy(gtab_hbm.at[gi_v.at[b]], rows_v.at[b], gsem.at[b])

                    @pl.when(g > 0)
                    def _():
                        wait_rows(o, ssem)

                    @pl.when(g + 1 < nchunk)
                    def _():
                        start_idx(g + 1, o)

                    wait_rows(b, gsem)
                    pltpu.async_copy(
                        rows_v.at[b], acc_sh.at[si_v.at[b]], ssem.at[b], add=True
                    )
                return carry

            lax.fori_loop(0, nchunk // 2, outer, 0)
            wait_rows(1, ssem)

        @pl.when(c == 0)
        def _():
            run(xi_hbm, si_hbm, su_hbm)

        @pl.when(c == 1)
        def _():
            run(xu_hbm, su_hbm, si_hbm)

        plsc.subcore_barrier()
        wpt = _NU // _NS

        @pl.when(c == 0)
        def _():
            pltpu.sync_copy(
                acc_sh.at[pl.ds(t * wpt, wpt)], ou_hbm.at[pl.ds(t * wpt, wpt)]
            )

        @pl.when(c == 1)
        def _():
            pltpu.sync_copy(
                acc_sh.at[pl.ds(t * wpt, wpt)], oi_hbm.at[pl.ds(t * wpt, wpt)]
            )

    return prop(xsu, xsi, su_eff, si_eff, zeros_tab)


def kernel(user_emb, item_emb, edge_index_u2i, edge_index_i2u, edge_label_index):
    u_all = jnp.concatenate([edge_index_u2i[0], edge_index_i2u[1]])
    i_all = jnp.concatenate([edge_index_u2i[1], edge_index_i2u[0]])
    key = u_all.astype(jnp.uint32) * jnp.uint32(_NI) + i_all.astype(jnp.uint32)
    skey = lax.sort(key)
    first = jnp.concatenate(
        [jnp.ones((1,), bool), skey[1:] != skey[:-1]]
    )
    su = (skey // jnp.uint32(_NI)).astype(jnp.int32)
    si = (skey % jnp.uint32(_NI)).astype(jnp.int32)

    e_tot = su.shape[0]
    dummy = (jnp.arange(e_tot, dtype=jnp.int32) % _NPAD) + _NU
    su_eff = jnp.where(first, su, dummy)
    si_eff = jnp.where(first, si, dummy)
    pad_idx = (jnp.arange(_EPAD - e_tot, dtype=jnp.int32) % _NPAD) + _NU
    su_eff = jnp.concatenate([su_eff, pad_idx])
    si_eff = jnp.concatenate([si_eff, pad_idx])
    zeros_tab = jnp.zeros((_NT, _H), jnp.float32)
    zpad = jnp.zeros((_NPAD, _H), jnp.float32)

    du, di = _deg_dinv_sc(su_eff, si_eff, jnp.zeros((_NT,), jnp.float32))
    dinv_u = jnp.where(du[:_NU] > 0, du[:_NU] ** -0.5, 0.0)
    dinv_i = jnp.where(di[:_NU] > 0, di[:_NU] ** -0.5, 0.0)

    alpha = 1.0 / (_DEPTH + 1)
    xu, xi = user_emb, item_emb
    ou = xu * alpha
    oi = xi * alpha
    for _ in range(_DEPTH):
        xsu = jnp.concatenate([xu * dinv_u[:, None], zpad])
        xsi = jnp.concatenate([xi * dinv_i[:, None], zpad])
        au, ai = _propagate_sc(xsu, xsi, su_eff, si_eff, zeros_tab)
        xu = au * dinv_u[:, None]
        xi = ai * dinv_i[:, None]
        ou = ou + xu * alpha
        oi = oi + xi * alpha

    return _decoder_sc(ou, oi, edge_label_index[0], edge_label_index[1])

# --- scband reference (transcript-rebuilt; emitter-appended) ---
"""Pipeline reference for scband-rec-model-72267119723220 (READ-ONLY COPY).

The authoritative reference and input builder live on the scoring server;
editing this copy changes nothing except your own understanding.
"""

import jax, jax.numpy as jnp
import numpy as np

NUM_USERS = 50000
NUM_ITEMS = 50000
HIDDEN = 32
DEPTH = 2
E = 800000
B = 16384


def setup_inputs(seed: int = 0) -> dict:
    key = jax.random.key(seed)
    ks = jax.random.split(key, 7)
    user_emb = jax.random.normal(ks[0], (NUM_USERS, HIDDEN), dtype=jnp.float32)
    item_emb = jax.random.normal(ks[1], (NUM_ITEMS, HIDDEN), dtype=jnp.float32)
    src_u = jax.random.randint(ks[2], (1, E), 0, NUM_USERS, dtype=jnp.int32)
    dst_i = jax.random.randint(ks[3], (1, E), 0, NUM_ITEMS, dtype=jnp.int32)
    edge_index_u2i = jnp.concatenate([src_u, dst_i], axis=0)
    src_i = jax.random.randint(ks[4], (1, E), 0, NUM_ITEMS, dtype=jnp.int32)
    dst_u = jax.random.randint(ks[5], (1, E), 0, NUM_USERS, dtype=jnp.int32)
    edge_index_i2u = jnp.concatenate([src_i, dst_u], axis=0)
    eli_u = jax.random.randint(jax.random.fold_in(ks[6], 0), (1, B), 0, NUM_USERS, dtype=jnp.int32)
    eli_i = jax.random.randint(jax.random.fold_in(ks[6], 1), (1, B), 0, NUM_ITEMS, dtype=jnp.int32)
    edge_label_index = jnp.concatenate([eli_u, eli_i], axis=0)
    return {
        'user_emb': user_emb,
        'item_emb': item_emb,
        'edge_index_u2i': edge_index_u2i,
        'edge_index_i2u': edge_index_i2u,
        'edge_label_index': edge_label_index,
    }


def _build_graph(edge_index_u2i, edge_index_i2u):
    # Mirrors GNNEncoder.forward graph construction for the LGConv path.
    N = NUM_USERS + NUM_ITEMS
    u2i = jnp.stack([edge_index_u2i[0], edge_index_u2i[1] + NUM_USERS])  # user_to_item[1,:] += num_users
    i2u = jnp.stack([edge_index_i2u[0] + NUM_USERS, edge_index_i2u[1]])  # item_to_user[0,:] += num_users
    full = jnp.concatenate([u2i, jnp.flip(i2u, axis=0)], axis=1)
    # to_undirected: add reversed edges and coalesce (deduplicate)
    both = jnp.concatenate([full, jnp.flip(full, axis=0)], axis=1)
    src, dst = jax.lax.sort((both[0], both[1]), num_keys=2)
    first = jnp.concatenate([
        jnp.ones((1,), dtype=bool),
        (src[1:] != src[:-1]) | (dst[1:] != dst[:-1]),
    ])
    # gcn_norm(add_self_loops=False): norm = deg^-1/2[src] * deg^-1/2[dst], deg over dst
    ones = first.astype(jnp.float32)
    deg = jax.ops.segment_sum(ones, dst, num_segments=N)
    dinv = jnp.where(deg > 0, jnp.where(deg > 0, deg, 1.0) ** -0.5, 0.0)
    w = dinv[src] * dinv[dst] * ones
    return src, dst, w


def reference(user_emb, item_emb, edge_index_u2i, edge_index_i2u, edge_label_index):
    src, dst, w = _build_graph(edge_index_u2i, edge_index_i2u)
    N = NUM_USERS + NUM_ITEMS
    x = jnp.concatenate([user_emb, item_emb], axis=0)
    alpha = 1.0 / (DEPTH + 1)
    out = x * alpha
    for _ in range(DEPTH):
        # LGConv(normalize=False) with edge_weight: out[dst] += w * x[src]
        x = jax.ops.segment_sum(w[:, None] * x[src], dst, num_segments=N)
        out = out + x * alpha
    out_user = out[:NUM_USERS]
    out_item = out[NUM_USERS:]
    # Decoder: (x_src * x_dst).sum(-1)
    x_src = out_user[edge_label_index[0]]
    x_dst = out_item[edge_label_index[1]]
    return (x_src * x_dst).sum(axis=-1)

if __name__ == "__main__":
    import jax
    _d = setup_inputs()
    print(jax.jit(kernel)(*tuple(_d.values())))

</pallas_src>

<mosaic_0001>
#map = affine_map<(d0, d1) -> (0, 0)>
#map1 = affine_map<(d0, d1) -> (0)>
module attributes {stable_mosaic.version = 14 : i64} {
  func.func @prop(%arg0: i32, %arg1: i32, %arg2: memref<50048x32xf32, #tpu.memory_space<hbm>>, %arg3: memref<50048x32xf32, #tpu.memory_space<hbm>>, %arg4: memref<1638400xi32, #tpu.memory_space<hbm>>, %arg5: memref<1638400xi32, #tpu.memory_space<hbm>>, %arg6: memref<50048x32xf32, #tpu.memory_space<hbm>>, %arg7: memref<50000x32xf32, #tpu.memory_space<hbm>>, %arg8: memref<50000x32xf32, #tpu.memory_space<hbm>>, %arg9: memref<2x400xi32, #tpu.memory_space<vmem>>, %arg10: memref<2x400xi32, #tpu.memory_space<vmem>>, %arg11: memref<2x400x32xf32, #tpu.memory_space<vmem>>, %arg12: memref<50048x32xf32, #tpu.memory_space<vmem_shared>>, %arg13: memref<2x!tpu.dma_semaphore, #tpu.memory_space<semaphore_mem>>, %arg14: memref<2x!tpu.dma_semaphore, #tpu.memory_space<semaphore_mem>>, %arg15: memref<2x!tpu.dma_semaphore, #tpu.memory_space<semaphore_mem>>) attributes {dimension_semantics = [#tpu.dimension_semantics<core_parallel>, #tpu.dimension_semantics<subcore_parallel>], iteration_bounds = array<i64: 2, 16>, scalar_prefetch = 0 : i64, scratch_operands = 7 : i64, tpu.core_type = #tpu.core_type<sc_vector_subcore>, window_params = [{transform_indices = #map}, {transform_indices = #map}, {transform_indices = #map1}, {transform_indices = #map1}, {transform_indices = #map}, {transform_indices = #map}, {transform_indices = #map}]} {
    %mul3A = arith.constant 3128 : i32
    %mul3A_0 = arith.muli %arg1, %mul3A : i32
    %mul3A_1 = arith.constant 3128 : i32
    %mul3A_2 = arith.muli %arg1, %mul3A_1 : i32
    "tpu.region"() ({
      %run_scoped3A = tpu.sem_alloc : memref<!tpu.dma_semaphore, #tpu.memory_space<semaphore_mem>>
      %dma_start3A = arith.constant 0 : i32
      %dma_start3A_21 = tpu.memref_slice %arg12[%mul3A_2, %dma_start3A] : memref<50048x32xf32, #tpu.memory_space<vmem_shared>> -> memref<3128x32xf32, #tpu.memory_space<vmem_shared>>
      %dma_start3A_22 = arith.constant 0 : i32
      %dma_start3A_23 = tpu.memref_slice %arg6[%mul3A_0, %dma_start3A_22] : memref<50048x32xf32, #tpu.memory_space<hbm>> -> memref<3128x32xf32, #tpu.memory_space<hbm>>
      tpu.enqueue_dma source(%dma_start3A_23 : memref<3128x32xf32, #tpu.memory_space<hbm>>) target(%dma_start3A_21 : memref<3128x32xf32, #tpu.memory_space<vmem_shared>>) target_semaphore(%run_scoped3A : memref<!tpu.dma_semaphore, #tpu.memory_space<semaphore_mem>>)
      %dma_wait3A = arith.constant 0 : i32
      %dma_wait3A_24 = tpu.memref_slice %arg12[%mul3A_2, %dma_wait3A] : memref<50048x32xf32, #tpu.memory_space<vmem_shared>> -> memref<3128x32xf32, #tpu.memory_space<vmem_shared>>
      %dma_wait3A_25 = arith.constant 0 : i32
      %dma_wait3A_26 = tpu.memref_slice %arg6[%mul3A_0, %dma_wait3A_25] : memref<50048x32xf32, #tpu.memory_space<hbm>> -> memref<3128x32xf32, #tpu.memory_space<hbm>>
      tpu.wait_dma2 semaphore(%run_scoped3A : memref<!tpu.dma_semaphore, #tpu.memory_space<semaphore_mem>>) src(%dma_wait3A_26 : memref<3128x32xf32, #tpu.memory_space<hbm>>) dst(%dma_wait3A_24 : memref<3128x32xf32, #tpu.memory_space<vmem_shared>>)
      tpu.yield
    }) : () -> ()
    %barrier3A = arith.constant 0 : index
    tpu.barrier barrier_id(%barrier3A)
    %eq3A = arith.constant 0 : i32
    %eq3A_3 = arith.cmpi eq, %arg0, %eq3A : i32
    %convert_element_type3A = arith.extui %eq3A_3 : i1 to i32
    %cond3A = arith.constant 0 : i32
    %cond3A_4 = arith.cmpi ne, %convert_element_type3A, %cond3A : i32
    scf.if %cond3A_4 {
      %mul3A_21 = arith.constant 102400 : i32
      %mul3A_22 = arith.muli %arg1, %mul3A_21 : i32
      %add3A = arith.constant 0 : i32
      %add3A_23 = arith.addi %mul3A_22, %add3A : i32
      %dma_start3A = arith.constant 0 : i32
      %dma_start3A_24 = arith.constant 0 : i32
      %dma_start3A_25 = arith.constant 0 : i32
      %dma_start3A_26 = tpu.memref_slice %arg9[%dma_start3A, %dma_start3A_25] : memref<2x400xi32, #tpu.memory_space<vmem>> -> memref<1x400xi32, #tpu.memory_space<vmem>>
      %dma_start3A_27 = tpu.memref_squeeze %dma_start3A_26 : memref<1x400xi32, #tpu.memory_space<vmem>> -> memref<400xi32, #tpu.memory_space<vmem>>
      %dma_start3A_28 = tpu.memref_slice %arg5[%add3A_23] : memref<1638400xi32, #tpu.memory_space<hbm>> -> memref<400xi32, #tpu.memory_space<hbm>>
      %dma_start3A_29 = tpu.memref_slice %arg13[%dma_start3A_24] : memref<2x!tpu.dma_semaphore, #tpu.memory_space<semaphore_mem>> -> memref<1x!tpu.dma_semaphore, #tpu.memory_space<semaphore_mem>>
      %dma_start3A_30 = tpu.memref_squeeze %dma_start3A_29 : memref<1x!tpu.dma_semaphore, #tpu.memory_space<semaphore_mem>> -> memref<!tpu.dma_semaphore, #tpu.memory_space<semaphore_mem>>
      %dma_start3A_31 = arith.constant 0 : i32
      %dma_start3A_32 = tpu.memref_slice %arg9[%dma_start3A, %dma_start3A_31] : memref<2x400xi32, #tpu.memory_space<vmem>> -> memref<1x400xi32, #tpu.memory_space<vmem>>
      %dma_start3A_33 = tpu.memref_squeeze %dma_start3A_32 : memref<1x400xi32, #tpu.memory_space<vmem>> -> memref<400xi32, #tpu.memory_space<vmem>>
      %dma_start3A_34 = tpu.memref_slice %arg5[%add3A_23] : memref<1638400xi32, #tpu.memory_space<hbm>> -> memref<400xi32, #tpu.memory_space<hbm>>
      tpu.enqueue_dma source(%dma_start3A_34 : memref<400xi32, #tpu.memory_space<hbm>>) target(%dma_start3A_33 : memref<400xi32, #tpu.memory_space<vmem>>) target_semaphore(%dma_start3A_30 : memref<!tpu.dma_semaphore, #tpu.memory_space<semaphore_mem>>)
      %dma_start3A_35 = arith.constant 0 : i32
      %dma_start3A_36 = arith.constant 0 : i32
      %dma_start3A_37 = arith.constant 0 : i32
      %dma_start3A_38 = tpu.memref_slice %arg10[%dma_start3A_35, %dma_start3A_37] : memref<2x400xi32, #tpu.memory_space<vmem>> -> memref<1x400xi32, #tpu.memory_space<vmem>>
      %dma_start3A_39 = tpu.memref_squeeze %dma_start3A_38 : memref<1x400xi32, #tpu.memory_space<vmem>> -> memref<400xi32, #tpu.memory_space<vmem>>
      %dma_start3A_40 = tpu.memref_slice %arg4[%add3A_23] : memref<1638400xi32, #tpu.memory_space<hbm>> -> memref<400xi32, #tpu.memory_space<hbm>>
      %dma_start3A_41 = tpu.memref_slice %arg13[%dma_start3A_36] : memref<2x!tpu.dma_semaphore, #tpu.memory_space<semaphore_mem>> -> memref<1x!tpu.dma_semaphore, #tpu.memory_space<semaphore_mem>>
      %dma_start3A_42 = tpu.memref_squeeze %dma_start3A_41 : memref<1x!tpu.dma_semaphore, #tpu.memory_space<semaphore_mem>> -> memref<!tpu.dma_semaphore, #tpu.memory_space<semaphore_mem>>
      %dma_start3A_43 = arith.constant 0 : i32
      %dma_start3A_44 = tpu.memref_slice %arg10[%dma_start3A_35, %dma_start3A_43] : memref<2x400xi32, #tpu.memory_space<vmem>> -> memref<1x400xi32, #tpu.memory_space<vmem>>
      %dma_start3A_45 = tpu.memref_squeeze %dma_start3A_44 : memref<1x400xi32, #tpu.memory_space<vmem>> -> memref<400xi32, #tpu.memory_space<vmem>>
      %dma_start3A_46 = tpu.memref_slice %arg4[%add3A_23] : memref<1638400xi32, #tpu.memory_space<hbm>> -> memref<400xi32, #tpu.memory_space<hbm>>
      tpu.enqueue_dma source(%dma_start3A_46 : memref<400xi32, #tpu.memory_space<hbm>>) target(%dma_start3A_45 : memref<400xi32, #tpu.memory_space<vmem>>) target_semaphore(%dma_start3A_42 : memref<!tpu.dma_semaphore, #tpu.memory_space<semaphore_mem>>)
      %scan3A = arith.constant 0 : i32
      %scan3A_47 = arith.constant 0 : i32
      %scan3A_48 = arith.constant 128 : i32
      %scan3A_49 = arith.addi %scan3A_47, %scan3A_48 : i32
      %scan3A_50 = arith.constant 1 : i32
      scf.for %scan3A_69 = %scan3A_47 to %scan3A_49 step %scan3A_50  : i32 {
        %mul3A_70 = arith.constant 2 : i32
        %mul3A_71 = arith.muli %scan3A_69, %mul3A_70 : i32
        %add3A_72 = arith.constant 0 : i32
        %add3A_73 = arith.addi %mul3A_71, %add3A_72 : i32
        %dma_wait3A_74 = arith.constant 0 : i32
        %dma_wait3A_75 = arith.constant 0 : i32
        %dma_wait3A_76 = arith.constant 0 : i32
        %dma_wait3A_77 = tpu.memref_slice %arg9[%dma_wait3A_74, %dma_wait3A_76] : memref<2x400xi32, #tpu.memory_space<vmem>> -> memref<1x400xi32, #tpu.memory_space<vmem>>
        %dma_wait3A_78 = tpu.memref_squeeze %dma_wait3A_77 : memref<1x400xi32, #tpu.memory_space<vmem>> -> memref<400xi32, #tpu.memory_space<vmem>>
        %dma_wait3A_79 = arith.constant 0 : i32
        %dma_wait3A_80 = tpu.memref_slice %arg5[%dma_wait3A_79] : memref<1638400xi32, #tpu.memory_space<hbm>> -> memref<400xi32, #tpu.memory_space<hbm>>
        %dma_wait3A_81 = tpu.memref_slice %arg13[%dma_wait3A_75] : memref<2x!tpu.dma_semaphore, #tpu.memory_space<semaphore_mem>> -> memref<1x!tpu.dma_semaphore, #tpu.memory_space<semaphore_mem>>
        %dma_wait3A_82 = tpu.memref_squeeze %dma_wait3A_81 : memref<1x!tpu.dma_semaphore, #tpu.memory_space<semaphore_mem>> -> memref<!tpu.dma_semaphore, #tpu.memory_space<semaphore_mem>>
        %dma_wait3A_83 = arith.constant 0 : i32
        %dma_wait3A_84 = tpu.memref_slice %arg9[%dma_wait3A_74, %dma_wait3A_83] : memref<2x400xi32, #tpu.memory_space<vmem>> -> memref<1x400xi32, #tpu.memory_space<vmem>>
        %dma_wait3A_85 = tpu.memref_squeeze %dma_wait3A_84 : memref<1x400xi32, #tpu.memory_space<vmem>> -> memref<400xi32, #tpu.memory_space<vmem>>
        %dma_wait3A_86 = arith.constant 0 : i32
        %dma_wait3A_87 = tpu.memref_slice %arg5[%dma_wait3A_86] : memref<1638400xi32, #tpu.memory_space<hbm>> -> memref<400xi32, #tpu.memory_space<hbm>>
        tpu.wait_dma2 semaphore(%dma_wait3A_82 : memref<!tpu.dma_semaphore, #tpu.memory_space<semaphore_mem>>) src(%dma_wait3A_87 : memref<400xi32, #tpu.memory_space<hbm>>) dst(%dma_wait3A_85 : memref<400xi32, #tpu.memory_space<vmem>>)
        %dma_wait3A_88 = arith.constant 0 : i32
        %dma_wait3A_89 = arith.constant 0 : i32
        %dma_wait3A_90 = arith.constant 0 : i32
        %dma_wait3A_91 = tpu.memref_slice %arg10[%dma_wait3A_88, %dma_wait3A_90] : memref<2x400xi32, #tpu.memory_space<vmem>> -> memref<1x400xi32, #tpu.memory_space<vmem>>
        %dma_wait3A_92 = tpu.memref_squeeze %dma_wait3A_91 : memref<1x400xi32, #tpu.memory_space<vmem>> -> memref<400xi32, #tpu.memory_space<vmem>>
        %dma_wait3A_93 = arith.constant 0 : i32
        %dma_wait3A_94 = tpu.memref_slice %arg4[%dma_wait3A_93] : memref<1638400xi32, #tpu.memory_space<hbm>> -> memref<400xi32, #tpu.memory_space<hbm>>
        %dma_wait3A_95 = tpu.memref_slice %arg13[%dma_wait3A_89] : memref<2x!tpu.dma_semaphore, #tpu.memory_space<semaphore_mem>> -> memref<1x!tpu.dma_semaphore, #tpu.memory_space<semaphore_mem>>
        %dma_wait3A_96 = tpu.memref_squeeze %dma_wait3A_95 : memref<1x!tpu.dma_semaphore, #tpu.memory_space<semaphore_mem>> -> memref<!tpu.dma_semaphore, #tpu.memory_space<semaphore_mem>>
        %dma_wait3A_97 = arith.constant 0 : i32
        %dma_wait3A_98 = tpu.memref_slice %arg10[%dma_wait3A_88, %dma_wait3A_97] : memref<2x400xi32, #tpu.memory_space<vmem>> -> memref<1x400xi32, #tpu.memory_space<vmem>>
        %dma_wait3A_99 = tpu.memref_squeeze %dma_wait3A_98 : memref<1x400xi32, #tpu.memory_space<vmem>> -> memref<400xi32, #tpu.memory_space<vmem>>
        %dma_wait3A_100 = arith.constant 0 : i32
        %dma_wait3A_101 = tpu.memref_slice %arg4[%dma_wait3A_100] : memref<1638400xi32, #tpu.memory_space<hbm>> -> memref<400xi32, #tpu.memory_space<hbm>>
        tpu.wait_dma2 semaphore(%dma_wait3A_96 : memref<!tpu.dma_semaphore, #tpu.memory_space<semaphore_mem>>) src(%dma_wait3A_101 : memref<400xi32, #tpu.memory_space<hbm>>) dst(%dma_wait3A_99 : memref<400xi32, #tpu.memory_space<vmem>>)
        %dma_start3A_102 = arith.constant 0 : i32
        %dma_start3A_103 = arith.constant 0 : i32
        %dma_start3A_104 = arith.constant 0 : i32
        %dma_start3A_105 = arith.constant 0 : i32
        %dma_start3A_106 = arith.constant 0 : i32
        %dma_start3A_107 = tpu.memref_slice %arg11[%dma_start3A_103, %dma_start3A_105, %dma_start3A_106] : memref<2x400x32xf32, #tpu.memory_space<vmem>> -> memref<1x400x32xf32, #tpu.memory_space<vmem>>
        %dma_start3A_108 = tpu.memref_squeeze %dma_start3A_107 : memref<1x400x32xf32, #tpu.memory_space<vmem>> -> memref<400x32xf32, #tpu.memory_space<vmem>>
        %dma_start3A_109 = arith.constant 0 : i32
        %dma_start3A_110 = tpu.memref_slice %arg9[%dma_start3A_102, %dma_start3A_109] : memref<2x400xi32, #tpu.memory_space<vmem>> -> memref<1x400xi32, #tpu.memory_space<vmem>>
        %dma_start3A_111 = tpu.memref_squeeze %dma_start3A_110 : memref<1x400xi32, #tpu.memory_space<vmem>> -> memref<400xi32, #tpu.memory_space<vmem>>
        %dma_start3A_112 = arith.constant 0 : i32
        %dma_start3A_113 = arith.constant 0 : i32
        %dma_start3A_114 = tpu.memref_slice %arg3[%dma_start3A_112, %dma_start3A_113] : memref<50048x32xf32, #tpu.memory_space<hbm>> -> memref<50048x32xf32, #tpu.memory_space<hbm>>
        %dma_start3A_115 = tpu.memref_slice %arg14[%dma_start3A_104] : memref<2x!tpu.dma_semaphore, #tpu.memory_space<semaphore_mem>> -> memref<1x!tpu.dma_semaphore, #tpu.memory_space<semaphore_mem>>
        %dma_start3A_116 = tpu.memref_squeeze %dma_start3A_115 : memref<1x!tpu.dma_semaphore, #tpu.memory_space<semaphore_mem>> -> memref<!tpu.dma_semaphore, #tpu.memory_space<semaphore_mem>>
        tpu.enqueue_indirect_dma source(%dma_start3A_114 : memref<50048x32xf32, #tpu.memory_space<hbm>>) target(%dma_start3A_108 : memref<400x32xf32, #tpu.memory_space<vmem>>) offsets(%dma_start3A_111 : memref<400xi32, #tpu.memory_space<vmem>>) semaphore(%dma_start3A_116 : memref<!tpu.dma_semaphore, #tpu.memory_space<semaphore_mem>>)
        %gt3A = arith.constant 0 : i32
        %gt3A_117 = arith.cmpi sgt, %add3A_73, %gt3A : i32
        %convert_element_type3A_118 = arith.extui %gt3A_117 : i1 to i32
        %cond3A_119 = arith.constant 0 : i32
        %cond3A_120 = arith.cmpi ne, %convert_element_type3A_118, %cond3A_119 : i32
        scf.if %cond3A_120 {
          %dma_wait3A_252 = arith.constant 1 : i32
          %dma_wait3A_253 = arith.constant 1 : i32
          %dma_wait3A_254 = arith.constant 0 : i32
          %dma_wait3A_255 = arith.constant 0 : i32
          %dma_wait3A_256 = tpu.memref_slice %arg11[%dma_wait3A_252, %dma_wait3A_254, %dma_wait3A_255] : memref<2x400x32xf32, #tpu.memory_space<vmem>> -> memref<1x400x32xf32, #tpu.memory_space<vmem>>
          %dma_wait3A_257 = tpu.memref_squeeze %dma_wait3A_256 : memref<1x400x32xf32, #tpu.memory_space<vmem>> -> memref<400x32xf32, #tpu.memory_space<vmem>>
          %dma_wait3A_258 = arith.constant 0 : i32
          %dma_wait3A_259 = arith.constant 0 : i32
          %dma_wait3A_260 = tpu.memref_slice %arg3[%dma_wait3A_258, %dma_wait3A_259] : memref<50048x32xf32, #tpu.memory_space<hbm>> -> memref<400x32xf32, #tpu.memory_space<hbm>>
          %dma_wait3A_261 = tpu.memref_slice %arg15[%dma_wait3A_253] : memref<2x!tpu.dma_semaphore, #tpu.memory_space<semaphore_mem>> -> memref<1x!tpu.dma_semaphore, #tpu.memory_space<semaphore_mem>>
          %dma_wait3A_262 = tpu.memref_squeeze %dma_wait3A_261 : memref<1x!tpu.dma_semaphore, #tpu.memory_space<semaphore_mem>> -> memref<!tpu.dma_semaphore, #tpu.memory_space<semaphore_mem>>
          %dma_wait3A_263 = arith.constant 0 : i32
          %dma_wait3A_264 = arith.constant 0 : i32
          %dma_wait3A_265 = tpu.memref_slice %arg11[%dma_wait3A_252, %dma_wait3A_263, %dma_wait3A_264] : memref<2x400x32xf32, #tpu.memory_space<vmem>> -> memref<1x400x32xf32, #tpu.memory_space<vmem>>
          %dma_wait3A_266 = tpu.memref_squeeze %dma_wait3A_265 : memref<1x400x32xf32, #tpu.memory_space<vmem>> -> memref<400x32xf32, #tpu.memory_space<vmem>>
          %dma_wait3A_267 = arith.constant 0 : i32
          %dma_wait3A_268 = arith.constant 0 : i32
          %dma_wait3A_269 = tpu.memref_slice %arg3[%dma_wait3A_267, %dma_wait3A_268] : memref<50048x32xf32, #tpu.memory_space<hbm>> -> memref<400x32xf32, #tpu.memory_space<hbm>>
          tpu.wait_dma2 semaphore(%dma_wait3A_262 : memref<!tpu.dma_semaphore, #tpu.memory_space<semaphore_mem>>) src(%dma_wait3A_269 : memref<400x32xf32, #tpu.memory_space<hbm>>) dst(%dma_wait3A_266 : memref<400x32xf32, #tpu.memory_space<vmem>>)
        } else {
        }
        %add3A_121 = arith.constant 1 : i32
        %add3A_122 = arith.addi %add3A_73, %add3A_121 : i32
        %lt3A = arith.constant 256 : i32
        %lt3A_123 = arith.cmpi slt, %add3A_122, %lt3A : i32
        %convert_element_type3A_124 = arith.extui %lt3A_123 : i1 to i32
        %cond3A_125 = arith.constant 0 : i32
        %cond3A_126 = arith.cmpi ne, %convert_element_type3A_124, %cond3A_125 : i32
        scf.if %cond3A_126 {
          %add3A_252 = arith.constant 1 : i32
          %add3A_253 = arith.addi %add3A_73, %add3A_252 : i32
          %mul3A_254 = arith.constant 102400 : i32
          %mul3A_255 = arith.muli %arg1, %mul3A_254 : i32
          %mul3A_256 = arith.constant 400 : i32
          %mul3A_257 = arith.muli %add3A_253, %mul3A_256 : i32
          %add3A_258 = arith.addi %mul3A_255, %mul3A_257 : i32
          %dma_start3A_259 = arith.constant 1 : i32
          %dma_start3A_260 = arith.constant 1 : i32
          %dma_start3A_261 = arith.constant 0 : i32
          %dma_start3A_262 = tpu.memref_slice %arg9[%dma_start3A_259, %dma_start3A_261] : memref<2x400xi32, #tpu.memory_space<vmem>> -> memref<1x400xi32, #tpu.memory_space<vmem>>
          %dma_start3A_263 = tpu.memref_squeeze %dma_start3A_262 : memref<1x400xi32, #tpu.memory_space<vmem>> -> memref<400xi32, #tpu.memory_space<vmem>>
          %dma_start3A_264 = tpu.memref_slice %arg5[%add3A_258] : memref<1638400xi32, #tpu.memory_space<hbm>> -> memref<400xi32, #tpu.memory_space<hbm>>
          %dma_start3A_265 = tpu.memref_slice %arg13[%dma_start3A_260] : memref<2x!tpu.dma_semaphore, #tpu.memory_space<semaphore_mem>> -> memref<1x!tpu.dma_semaphore, #tpu.memory_space<semaphore_mem>>
          %dma_start3A_266 = tpu.memref_squeeze %dma_start3A_265 : memref<1x!tpu.dma_semaphore, #tpu.memory_space<semaphore_mem>> -> memref<!tpu.dma_semaphore, #tpu.memory_space<semaphore_mem>>
          %dma_start3A_267 = arith.constant 0 : i32
          %dma_start3A_268 = tpu.memref_slice %arg9[%dma_start3A_259, %dma_start3A_267] : memref<2x400xi32, #tpu.memory_space<vmem>> -> memref<1x400xi32, #tpu.memory_space<vmem>>
          %dma_start3A_269 = tpu.memref_squeeze %dma_start3A_268 : memref<1x400xi32, #tpu.memory_space<vmem>> -> memref<400xi32, #tpu.memory_space<vmem>>
          %dma_start3A_270 = tpu.memref_slice %arg5[%add3A_258] : memref<1638400xi32, #tpu.memory_space<hbm>> -> memref<400xi32, #tpu.memory_space<hbm>>
          tpu.enqueue_dma source(%dma_start3A_270 : memref<400xi32, #tpu.memory_space<hbm>>) target(%dma_start3A_269 : memref<400xi32, #tpu.memory_space<vmem>>) target_semaphore(%dma_start3A_266 : memref<!tpu.dma_semaphore, #tpu.memory_space<semaphore_mem>>)
          %dma_start3A_271 = arith.constant 1 : i32
          %dma_start3A_272 = arith.constant 1 : i32
          %dma_start3A_273 = arith.constant 0 : i32
          %dma_start3A_274 = tpu.memref_slice %arg10[%dma_start3A_271, %dma_start3A_273] : memref<2x400xi32, #tpu.memory_space<vmem>> -> memref<1x400xi32, #tpu.memory_space<vmem>>
          %dma_start3A_275 = tpu.memref_squeeze %dma_start3A_274 : memref<1x400xi32, #tpu.memory_space<vmem>> -> memref<400xi32, #tpu.memory_space<vmem>>
          %dma_start3A_276 = tpu.memref_slice %arg4[%add3A_258] : memref<1638400xi32, #tpu.memory_space<hbm>> -> memref<400xi32, #tpu.memory_space<hbm>>
          %dma_start3A_277 = tpu.memref_slice %arg13[%dma_start3A_272] : memref<2x!tpu.dma_semaphore, #tpu.memory_space<semaphore_mem>> -> memref<1x!tpu.dma_semaphore, #tpu.memory_space<semaphore_mem>>
          %dma_start3A_278 = tpu.memref_squeeze %dma_start3A_277 : memref<1x!tpu.dma_semaphore, #tpu.memory_space<semaphore_mem>> -> memref<!tpu.dma_semaphore, #tpu.memory_space<semaphore_mem>>
          %dma_start3A_279 = arith.constant 0 : i32
          %dma_start3A_280 = tpu.memref_slice %arg10[%dma_start3A_271, %dma_start3A_279] : memref<2x400xi32, #tpu.memory_space<vmem>> -> memref<1x400xi32, #tpu.memory_space<vmem>>
          %dma_start3A_281 = tpu.memref_squeeze %dma_start3A_280 : memref<1x400xi32, #tpu.memory_space<vmem>> -> memref<400xi32, #tpu.memory_space<vmem>>
          %dma_start3A_282 = tpu.memref_slice %arg4[%add3A_258] : memref<1638400xi32, #tpu.memory_space<hbm>> -> memref<400xi32, #tpu.memory_space<hbm>>
          tpu.enqueue_dma source(%dma_start3A_282 : memref<400xi32, #tpu.memory_space<hbm>>) target(%dma_start3A_281 : memref<400xi32, #tpu.memory_space<vmem>>) target_semaphore(%dma_start3A_278 : memref<!tpu.dma_semaphore, #tpu.memory_space<semaphore_mem>>)
        } else {
        }
        %dma_wait3A_127 = arith.constant 0 : i32
        %dma_wait3A_128 = arith.constant 0 : i32
        %dma_wait3A_129 = arith.constant 0 : i32
        %dma_wait3A_130 = arith.constant 0 : i32
        %dma_wait3A_131 = tpu.memref_slice %arg11[%dma_wait3A_127, %dma_wait3A_129, %dma_wait3A_130] : memref<2x400x32xf32, #tpu.memory_space<vmem>> -> memref<1x400x32xf32, #tpu.memory_space<vmem>>
        %dma_wait3A_132 = tpu.memref_squeeze %dma_wait3A_131 : memref<1x400x32xf32, #tpu.memory_space<vmem>> -> memref<400x32xf32, #tpu.memory_space<vmem>>
        %dma_wait3A_133 = arith.constant 0 : i32
        %dma_wait3A_134 = arith.constant 0 : i32
        %dma_wait3A_135 = tpu.memref_slice %arg3[%dma_wait3A_133, %dma_wait3A_134] : memref<50048x32xf32, #tpu.memory_space<hbm>> -> memref<400x32xf32, #tpu.memory_space<hbm>>
        %dma_wait3A_136 = tpu.memref_slice %arg14[%dma_wait3A_128] : memref<2x!tpu.dma_semaphore, #tpu.memory_space<semaphore_mem>> -> memref<1x!tpu.dma_semaphore, #tpu.memory_space<semaphore_mem>>
        %dma_wait3A_137 = tpu.memref_squeeze %dma_wait3A_136 : memref<1x!tpu.dma_semaphore, #tpu.memory_space<semaphore_mem>> -> memref<!tpu.dma_semaphore, #tpu.memory_space<semaphore_mem>>
        %dma_wait3A_138 = arith.constant 0 : i32
        %dma_wait3A_139 = arith.constant 0 : i32
        %dma_wait3A_140 = tpu.memref_slice %arg11[%dma_wait3A_127, %dma_wait3A_138, %dma_wait3A_139] : memref<2x400x32xf32, #tpu.memory_space<vmem>> -> memref<1x400x32xf32, #tpu.memory_space<vmem>>
        %dma_wait3A_141 = tpu.memref_squeeze %dma_wait3A_140 : memref<1x400x32xf32, #tpu.memory_space<vmem>> -> memref<400x32xf32, #tpu.memory_space<vmem>>
        %dma_wait3A_142 = arith.constant 0 : i32
        %dma_wait3A_143 = arith.constant 0 : i32
        %dma_wait3A_144 = tpu.memref_slice %arg3[%dma_wait3A_142, %dma_wait3A_143] : memref<50048x32xf32, #tpu.memory_space<hbm>> -> memref<400x32xf32, #tpu.memory_space<hbm>>
        tpu.wait_dma2 semaphore(%dma_wait3A_137 : memref<!tpu.dma_semaphore, #tpu.memory_space<semaphore_mem>>) src(%dma_wait3A_144 : memref<400x32xf32, #tpu.memory_space<hbm>>) dst(%dma_wait3A_141 : memref<400x32xf32, #tpu.memory_space<vmem>>)
        %dma_start3A_145 = arith.constant 0 : i32
        %dma_start3A_146 = arith.constant 0 : i32
        %dma_start3A_147 = arith.constant 0 : i32
        %dma_start3A_148 = arith.constant 0 : i32
        %dma_start3A_149 = arith.constant 0 : i32
        %dma_start3A_150 = tpu.memref_slice %arg11[%dma_start3A_145, %dma_start3A_148, %dma_start3A_149] : memref<2x400x32xf32, #tpu.memory_space<vmem>> -> memref<1x400x32xf32, #tpu.memory_space<vmem>>
        %dma_start3A_151 = tpu.memref_squeeze %dma_start3A_150 : memref<1x400x32xf32, #tpu.memory_space<vmem>> -> memref<400x32xf32, #tpu.memory_space<vmem>>
        %dma_start3A_152 = arith.constant 0 : i32
        %dma_start3A_153 = tpu.memref_slice %arg10[%dma_start3A_146, %dma_start3A_152] : memref<2x400xi32, #tpu.memory_space<vmem>> -> memref<1x400xi32, #tpu.memory_space<vmem>>
        %dma_start3A_154 = tpu.memref_squeeze %dma_start3A_153 : memref<1x400xi32, #tpu.memory_space<vmem>> -> memref<400xi32, #tpu.memory_space<vmem>>
        %dma_start3A_155 = arith.constant 0 : i32
        %dma_start3A_156 = arith.constant 0 : i32
        %dma_start3A_157 = tpu.memref_slice %arg12[%dma_start3A_155, %dma_start3A_156] : memref<50048x32xf32, #tpu.memory_space<vmem_shared>> -> memref<50048x32xf32, #tpu.memory_space<vmem_shared>>
        %dma_start3A_158 = tpu.memref_slice %arg15[%dma_start3A_147] : memref<2x!tpu.dma_semaphore, #tpu.memory_space<semaphore_mem>> -> memref<1x!tpu.dma_semaphore, #tpu.memory_space<semaphore_mem>>
        %dma_start3A_159 = tpu.memref_squeeze %dma_start3A_158 : memref<1x!tpu.dma_semaphore, #tpu.memory_space<semaphore_mem>> -> memref<!tpu.dma_semaphore, #tpu.memory_space<semaphore_mem>>
        tpu.enqueue_indirect_dma source(%dma_start3A_151 : memref<400x32xf32, #tpu.memory_space<vmem>>) target(%dma_start3A_157 : memref<50048x32xf32, #tpu.memory_space<vmem_shared>>) offsets(%dma_start3A_154 : memref<400xi32, #tpu.memory_space<vmem>>) semaphore(%dma_start3A_159 : memref<!tpu.dma_semaphore, #tpu.memory_space<semaphore_mem>>) {add = true}
        %mul3A_160 = arith.constant 2 : i32
        %mul3A_161 = arith.muli %scan3A_69, %mul3A_160 : i32
        %add3A_162 = arith.constant 1 : i32
        %add3A_163 = arith.addi %mul3A_161, %add3A_162 : i32
        %dma_wait3A_164 = arith.constant 1 : i32
        %dma_wait3A_165 = arith.constant 1 : i32
        %dma_wait3A_166 = arith.constant 0 : i32
        %dma_wait3A_167 = tpu.memref_slice %arg9[%dma_wait3A_164, %dma_wait3A_166] : memref<2x400xi32, #tpu.memory_space<vmem>> -> memref<1x400xi32, #tpu.memory_space<vmem>>
        %dma_wait3A_168 = tpu.memref_squeeze %dma_wait3A_167 : memref<1x400xi32, #tpu.memory_space<vmem>> -> memref<400xi32, #tpu.memory_space<vmem>>
        %dma_wait3A_169 = arith.constant 0 : i32
        %dma_wait3A_170 = tpu.memref_slice %arg5[%dma_wait3A_169] : memref<1638400xi32, #tpu.memory_space<hbm>> -> memref<400xi32, #tpu.memory_space<hbm>>
        %dma_wait3A_171 = tpu.memref_slice %arg13[%dma_wait3A_165] : memref<2x!tpu.dma_semaphore, #tpu.memory_space<semaphore_mem>> -> memref<1x!tpu.dma_semaphore, #tpu.memory_space<semaphore_mem>>
        %dma_wait3A_172 = tpu.memref_squeeze %dma_wait3A_171 : memref<1x!tpu.dma_semaphore, #tpu.memory_space<semaphore_mem>> -> memref<!tpu.dma_semaphore, #tpu.memory_space<semaphore_mem>>
        %dma_wait3A_173 = arith.constant 0 : i32
        %dma_wait3A_174 = tpu.memref_slice %arg9[%dma_wait3A_164, %dma_wait3A_173] : memref<2x400xi32, #tpu.memory_space<vmem>> -> memref<1x400xi32, #tpu.memory_space<vmem>>
        %dma_wait3A_175 = tpu.memref_squeeze %dma_wait3A_174 : memref<1x400xi32, #tpu.memory_space<vmem>> -> memref<400xi32, #tpu.memory_space<vmem>>
        %dma_wait3A_176 = arith.constant 0 : i32
        %dma_wait3A_177 = tpu.memref_slice %arg5[%dma_wait3A_176] : memref<1638400xi32, #tpu.memory_space<hbm>> -> memref<400xi32, #tpu.memory_space<hbm>>
        tpu.wait_dma2 semaphore(%dma_wait3A_172 : memref<!tpu.dma_semaphore, #tpu.memory_space<semaphore_mem>>) src(%dma_wait3A_177 : memref<400xi32, #tpu.memory_space<hbm>>) dst(%dma_wait3A_175 : memref<400xi32, #tpu.memory_space<vmem>>)
        %dma_wait3A_178 = arith.constant 1 : i32
        %dma_wait3A_179 = arith.constant 1 : i32
        %dma_wait3A_180 = arith.constant 0 : i32
        %dma_wait3A_181 = tpu.memref_slice %arg10[%dma_wait3A_178, %dma_wait3A_180] : memref<2x400xi32, #tpu.memory_space<vmem>> -> memref<1x400xi32, #tpu.memory_space<vmem>>
        %dma_wait3A_182 = tpu.memref_squeeze %dma_wait3A_181 : memref<1x400xi32, #tpu.memory_space<vmem>> -> memref<400xi32, #tpu.memory_space<vmem>>
        %dma_wait3A_183 = arith.constant 0 : i32
        %dma_wait3A_184 = tpu.memref_slice %arg4[%dma_wait3A_183] : memref<1638400xi32, #tpu.memory_space<hbm>> -> memref<400xi32, #tpu.memory_space<hbm>>
        %dma_wait3A_185 = tpu.memref_slice %arg13[%dma_wait3A_179] : memref<2x!tpu.dma_semaphore, #tpu.memory_space<semaphore_mem>> -> memref<1x!tpu.dma_semaphore, #tpu.memory_space<semaphore_mem>>
        %dma_wait3A_186 = tpu.memref_squeeze %dma_wait3A_185 : memref<1x!tpu.dma_semaphore, #tpu.memory_space<semaphore_mem>> -> memref<!tpu.dma_semaphore, #tpu.memory_space<semaphore_mem>>
        %dma_wait3A_187 = arith.constant 0 : i32
        %dma_wait3A_188 = tpu.memref_slice %arg10[%dma_wait3A_178, %dma_wait3A_187] : memref<2x400xi32, #tpu.memory_space<vmem>> -> memref<1x400xi32, #tpu.memory_space<vmem>>
        %dma_wait3A_189 = tpu.memref_squeeze %dma_wait3A_188 : memref<1x400xi32, #tpu.memory_space<vmem>> -> memref<400xi32, #tpu.memory_space<vmem>>
        %dma_wait3A_190 = arith.constant 0 : i32
        %dma_wait3A_191 = tpu.memref_slice %arg4[%dma_wait3A_190] : memref<1638400xi32, #tpu.memory_space<hbm>> -> memref<400xi32, #tpu.memory_space<hbm>>
        tpu.wait_dma2 semaphore(%dma_wait3A_186 : memref<!tpu.dma_semaphore, #tpu.memory_space<semaphore_mem>>) src(%dma_wait3A_191 : memref<400xi32, #tpu.memory_space<hbm>>) dst(%dma_wait3A_189 : memref<400xi32, #tpu.memory_space<vmem>>)
        %dma_start3A_192 = arith.constant 1 : i32
        %dma_start3A_193 = arith.constant 1 : i32
        %dma_start3A_194 = arith.constant 1 : i32
        %dma_start3A_195 = arith.constant 0 : i32
        %dma_start3A_196 = arith.constant 0 : i32
        %dma_start3A_197 = tpu.memref_slice %arg11[%dma_start3A_193, %dma_start3A_195, %dma_start3A_196] : memref<2x400x32xf32, #tpu.memory_space<vmem>> -> memref<1x400x32xf32, #tpu.memory_space<vmem>>
        %dma_start3A_198 = tpu.memref_squeeze %dma_start3A_197 : memref<1x400x32xf32, #tpu.memory_space<vmem>> -> memref<400x32xf32, #tpu.memory_space<vmem>>
        %dma_start3A_199 = arith.constant 0 : i32
        %dma_start3A_200 = tpu.memref_slice %arg9[%dma_start3A_192, %dma_start3A_199] : memref<2x400xi32, #tpu.memory_space<vmem>> -> memref<1x400xi32, #tpu.memory_space<vmem>>
        %dma_start3A_201 = tpu.memref_squeeze %dma_start3A_200 : memref<1x400xi32, #tpu.memory_space<vmem>> -> memref<400xi32, #tpu.memory_space<vmem>>
        %dma_start3A_202 = arith.constant 0 : i32
        %dma_start3A_203 = arith.constant 0 : i32
        %dma_start3A_204 = tpu.memref_slice %arg3[%dma_start3A_202, %dma_start3A_203] : memref<50048x32xf32, #tpu.memory_space<hbm>> -> memref<50048x32xf32, #tpu.memory_space<hbm>>
        %dma_start3A_205 = tpu.memref_slice %arg14[%dma_start3A_194] : memref<2x!tpu.dma_semaphore, #tpu.memory_space<semaphore_mem>> -> memref<1x!tpu.dma_semaphore, #tpu.memory_space<semaphore_mem>>
        %dma_start3A_206 = tpu.memref_squeeze %dma_start3A_205 : memref<1x!tpu.dma_semaphore, #tpu.memory_space<semaphore_mem>> -> memref<!tpu.dma_semaphore, #tpu.memory_space<semaphore_mem>>
        tpu.enqueue_indirect_dma source(%dma_start3A_204 : memref<50048x32xf32, #tpu.memory_space<hbm>>) target(%dma_start3A_198 : memref<400x32xf32, #tpu.memory_space<vmem>>) offsets(%dma_start3A_201 : memref<400xi32, #tpu.memory_space<vmem>>) semaphore(%dma_start3A_206 : memref<!tpu.dma_semaphore, #tpu.memory_space<semaphore_mem>>)
        %gt3A_207 = arith.constant 0 : i32
        %gt3A_208 = arith.cmpi sgt, %add3A_163, %gt3A_207 : i32
        %convert_element_type3A_209 = arith.extui %gt3A_208 : i1 to i32
        %cond3A_210 = arith.constant 0 : i32
        %cond3A_211 = arith.cmpi ne, %convert_element_type3A_209, %cond3A_210 : i32
        scf.if %cond3A_211 {
          %dma_wait3A_252 = arith.constant 0 : i32
          %dma_wait3A_253 = arith.constant 0 : i32
          %dma_wait3A_254 = arith.constant 0 : i32
          %dma_wait3A_255 = arith.constant 0 : i32
          %dma_wait3A_256 = tpu.memref_slice %arg11[%dma_wait3A_252, %dma_wait3A_254, %dma_wait3A_255] : memref<2x400x32xf32, #tpu.memory_space<vmem>> -> memref<1x400x32xf32, #tpu.memory_space<vmem>>
          %dma_wait3A_257 = tpu.memref_squeeze %dma_wait3A_256 : memref<1x400x32xf32, #tpu.memory_space<vmem>> -> memref<400x32xf32, #tpu.memory_space<vmem>>
          %dma_wait3A_258 = arith.constant 0 : i32
          %dma_wait3A_259 = arith.constant 0 : i32
          %dma_wait3A_260 = tpu.memref_slice %arg3[%dma_wait3A_258, %dma_wait3A_259] : memref<50048x32xf32, #tpu.memory_space<hbm>> -> memref<400x32xf32, #tpu.memory_space<hbm>>
          %dma_wait3A_261 = tpu.memref_slice %arg15[%dma_wait3A_253] : memref<2x!tpu.dma_semaphore, #tpu.memory_space<semaphore_mem>> -> memref<1x!tpu.dma_semaphore, #tpu.memory_space<semaphore_mem>>
          %dma_wait3A_262 = tpu.memref_squeeze %dma_wait3A_261 : memref<1x!tpu.dma_semaphore, #tpu.memory_space<semaphore_mem>> -> memref<!tpu.dma_semaphore, #tpu.memory_space<semaphore_mem>>
          %dma_wait3A_263 = arith.constant 0 : i32
          %dma_wait3A_264 = arith.constant 0 : i32
          %dma_wait3A_265 = tpu.memref_slice %arg11[%dma_wait3A_252, %dma_wait3A_263, %dma_wait3A_264] : memref<2x400x32xf32, #tpu.memory_space<vmem>> -> memref<1x400x32xf32, #tpu.memory_space<vmem>>
          %dma_wait3A_266 = tpu.memref_squeeze %dma_wait3A_265 : memref<1x400x32xf32, #tpu.memory_space<vmem>> -> memref<400x32xf32, #tpu.memory_space<vmem>>
          %dma_wait3A_267 = arith.constant 0 : i32
          %dma_wait3A_268 = arith.constant 0 : i32
          %dma_wait3A_269 = tpu.memref_slice %arg3[%dma_wait3A_267, %dma_wait3A_268] : memref<50048x32xf32, #tpu.memory_space<hbm>> -> memref<400x32xf32, #tpu.memory_space<hbm>>
          tpu.wait_dma2 semaphore(%dma_wait3A_262 : memref<!tpu.dma_semaphore, #tpu.memory_space<semaphore_mem>>) src(%dma_wait3A_269 : memref<400x32xf32, #tpu.memory_space<hbm>>) dst(%dma_wait3A_266 : memref<400x32xf32, #tpu.memory_space<vmem>>)
        } else {
        }
        %add3A_212 = arith.constant 1 : i32
        %add3A_213 = arith.addi %add3A_163, %add3A_212 : i32
        %lt3A_214 = arith.constant 256 : i32
        %lt3A_215 = arith.cmpi slt, %add3A_213, %lt3A_214 : i32
        %convert_element_type3A_216 = arith.extui %lt3A_215 : i1 to i32
        %cond3A_217 = arith.constant 0 : i32
        %cond3A_218 = arith.cmpi ne, %convert_element_type3A_216, %cond3A_217 : i32
        scf.if %cond3A_218 {
          %add3A_252 = arith.constant 1 : i32
          %add3A_253 = arith.addi %add3A_163, %add3A_252 : i32
          %mul3A_254 = arith.constant 102400 : i32
          %mul3A_255 = arith.muli %arg1, %mul3A_254 : i32
          %mul3A_256 = arith.constant 400 : i32
          %mul3A_257 = arith.muli %add3A_253, %mul3A_256 : i32
          %add3A_258 = arith.addi %mul3A_255, %mul3A_257 : i32
          %dma_start3A_259 = arith.constant 0 : i32
          %dma_start3A_260 = arith.constant 0 : i32
          %dma_start3A_261 = arith.constant 0 : i32
          %dma_start3A_262 = tpu.memref_slice %arg9[%dma_start3A_259, %dma_start3A_261] : memref<2x400xi32, #tpu.memory_space<vmem>> -> memref<1x400xi32, #tpu.memory_space<vmem>>
          %dma_start3A_263 = tpu.memref_squeeze %dma_start3A_262 : memref<1x400xi32, #tpu.memory_space<vmem>> -> memref<400xi32, #tpu.memory_space<vmem>>
          %dma_start3A_264 = tpu.memref_slice %arg5[%add3A_258] : memref<1638400xi32, #tpu.memory_space<hbm>> -> memref<400xi32, #tpu.memory_space<hbm>>
          %dma_start3A_265 = tpu.memref_slice %arg13[%dma_start3A_260] : memref<2x!tpu.dma_semaphore, #tpu.memory_space<semaphore_mem>> -> memref<1x!tpu.dma_semaphore, #tpu.memory_space<semaphore_mem>>
          %dma_start3A_266 = tpu.memref_squeeze %dma_start3A_265 : memref<1x!tpu.dma_semaphore, #tpu.memory_space<semaphore_mem>> -> memref<!tpu.dma_semaphore, #tpu.memory_space<semaphore_mem>>
          %dma_start3A_267 = arith.constant 0 : i32
          %dma_start3A_268 = tpu.memref_slice %arg9[%dma_start3A_259, %dma_start3A_267] : memref<2x400xi32, #tpu.memory_space<vmem>> -> memref<1x400xi32, #tpu.memory_space<vmem>>
          %dma_start3A_269 = tpu.memref_squeeze %dma_start3A_268 : memref<1x400xi32, #tpu.memory_space<vmem>> -> memref<400xi32, #tpu.memory_space<vmem>>
          %dma_start3A_270 = tpu.memref_slice %arg5[%add3A_258] : memref<1638400xi32, #tpu.memory_space<hbm>> -> memref<400xi32, #tpu.memory_space<hbm>>
          tpu.enqueue_dma source(%dma_start3A_270 : memref<400xi32, #tpu.memory_space<hbm>>) target(%dma_start3A_269 : memref<400xi32, #tpu.memory_space<vmem>>) target_semaphore(%dma_start3A_266 : memref<!tpu.dma_semaphore, #tpu.memory_space<semaphore_mem>>)
          %dma_start3A_271 = arith.constant 0 : i32
          %dma_start3A_272 = arith.constant 0 : i32
          %dma_start3A_273 = arith.constant 0 : i32
          %dma_start3A_274 = tpu.memref_slice %arg10[%dma_start3A_271, %dma_start3A_273] : memref<2x400xi32, #tpu.memory_space<vmem>> -> memref<1x400xi32, #tpu.memory_space<vmem>>
          %dma_start3A_275 = tpu.memref_squeeze %dma_start3A_274 : memref<1x400xi32, #tpu.memory_space<vmem>> -> memref<400xi32, #tpu.memory_space<vmem>>
          %dma_start3A_276 = tpu.memref_slice %arg4[%add3A_258] : memref<1638400xi32, #tpu.memory_space<hbm>> -> memref<400xi32, #tpu.memory_space<hbm>>
          %dma_start3A_277 = tpu.memref_slice %arg13[%dma_start3A_272] : memref<2x!tpu.dma_semaphore, #tpu.memory_space<semaphore_mem>> -> memref<1x!tpu.dma_semaphore, #tpu.memory_space<semaphore_mem>>
          %dma_start3A_278 = tpu.memref_squeeze %dma_start3A_277 : memref<1x!tpu.dma_semaphore, #tpu.memory_space<semaphore_mem>> -> memref<!tpu.dma_semaphore, #tpu.memory_space<semaphore_mem>>
          %dma_start3A_279 = arith.constant 0 : i32
          %dma_start3A_280 = tpu.memref_slice %arg10[%dma_start3A_271, %dma_start3A_279] : memref<2x400xi32, #tpu.memory_space<vmem>> -> memref<1x400xi32, #tpu.memory_space<vmem>>
          %dma_start3A_281 = tpu.memref_squeeze %dma_start3A_280 : memref<1x400xi32, #tpu.memory_space<vmem>> -> memref<400xi32, #tpu.memory_space<vmem>>
          %dma_start3A_282 = tpu.memref_slice %arg4[%add3A_258] : memref<1638400xi32, #tpu.memory_space<hbm>> -> memref<400xi32, #tpu.memory_space<hbm>>
          tpu.enqueue_dma source(%dma_start3A_282 : memref<400xi32, #tpu.memory_space<hbm>>) target(%dma_start3A_281 : memref<400xi32, #tpu.memory_space<vmem>>) target_semaphore(%dma_start3A_278 : memref<!tpu.dma_semaphore, #tpu.memory_space<semaphore_mem>>)
        } else {
        }
        %dma_wait3A_219 = arith.constant 1 : i32
        %dma_wait3A_220 = arith.constant 1 : i32
        %dma_wait3A_221 = arith.constant 0 : i32
        %dma_wait3A_222 = arith.constant 0 : i32
        %dma_wait3A_223 = tpu.memref_slice %arg11[%dma_wait3A_219, %dma_wait3A_221, %dma_wait3A_222] : memref<2x400x32xf32, #tpu.memory_space<vmem>> -> memref<1x400x32xf32, #tpu.memory_space<vmem>>
        %dma_wait3A_224 = tpu.memref_squeeze %dma_wait3A_223 : memref<1x400x32xf32, #tpu.memory_space<vmem>> -> memref<400x32xf32, #tpu.memory_space<vmem>>
        %dma_wait3A_225 = arith.constant 0 : i32
        %dma_wait3A_226 = arith.constant 0 : i32
        %dma_wait3A_227 = tpu.memref_slice %arg3[%dma_wait3A_225, %dma_wait3A_226] : memref<50048x32xf32, #tpu.memory_space<hbm>> -> memref<400x32xf32, #tpu.memory_space<hbm>>
        %dma_wait3A_228 = tpu.memref_slice %arg14[%dma_wait3A_220] : memref<2x!tpu.dma_semaphore, #tpu.memory_space<semaphore_mem>> -> memref<1x!tpu.dma_semaphore, #tpu.memory_space<semaphore_mem>>
        %dma_wait3A_229 = tpu.memref_squeeze %dma_wait3A_228 : memref<1x!tpu.dma_semaphore, #tpu.memory_space<semaphore_mem>> -> memref<!tpu.dma_semaphore, #tpu.memory_space<semaphore_mem>>
        %dma_wait3A_230 = arith.constant 0 : i32
        %dma_wait3A_231 = arith.constant 0 : i32
        %dma_wait3A_232 = tpu.memref_slice %arg11[%dma_wait3A_219, %dma_wait3A_230, %dma_wait3A_231] : memref<2x400x32xf32, #tpu.memory_space<vmem>> -> memref<1x400x32xf32, #tpu.memory_space<vmem>>
        %dma_wait3A_233 = tpu.memref_squeeze %dma_wait3A_232 : memref<1x400x32xf32, #tpu.memory_space<vmem>> -> memref<400x32xf32, #tpu.memory_space<vmem>>
        %dma_wait3A_234 = arith.constant 0 : i32
        %dma_wait3A_235 = arith.constant 0 : i32
        %dma_wait3A_236 = tpu.memref_slice %arg3[%dma_wait3A_234, %dma_wait3A_235] : memref<50048x32xf32, #tpu.memory_space<hbm>> -> memref<400x32xf32, #tpu.memory_space<hbm>>
        tpu.wait_dma2 semaphore(%dma_wait3A_229 : memref<!tpu.dma_semaphore, #tpu.memory_space<semaphore_mem>>) src(%dma_wait3A_236 : memref<400x32xf32, #tpu.memory_space<hbm>>) dst(%dma_wait3A_233 : memref<400x32xf32, #tpu.memory_space<vmem>>)
        %dma_start3A_237 = arith.constant 1 : i32
        %dma_start3A_238 = arith.constant 1 : i32
        %dma_start3A_239 = arith.constant 1 : i32
        %dma_start3A_240 = arith.constant 0 : i32
        %dma_start3A_241 = arith.constant 0 : i32
        %dma_start3A_242 = tpu.memref_slice %arg11[%dma_start3A_237, %dma_start3A_240, %dma_start3A_241] : memref<2x400x32xf32, #tpu.memory_space<vmem>> -> memref<1x400x32xf32, #tpu.memory_space<vmem>>
        %dma_start3A_243 = tpu.memref_squeeze %dma_start3A_242 : memref<1x400x32xf32, #tpu.memory_space<vmem>> -> memref<400x32xf32, #tpu.memory_space<vmem>>
        %dma_start3A_244 = arith.constant 0 : i32
        %dma_start3A_245 = tpu.memref_slice %arg10[%dma_start3A_238, %dma_start3A_244] : memref<2x400xi32, #tpu.memory_space<vmem>> -> memref<1x400xi32, #tpu.memory_space<vmem>>
        %dma_start3A_246 = tpu.memref_squeeze %dma_start3A_245 : memref<1x400xi32, #tpu.memory_space<vmem>> -> memref<400xi32, #tpu.memory_space<vmem>>
        %dma_start3A_247 = arith.constant 0 : i32
        %dma_start3A_248 = arith.constant 0 : i32
        %dma_start3A_249 = tpu.memref_slice %arg12[%dma_start3A_247, %dma_start3A_248] : memref<50048x32xf32, #tpu.memory_space<vmem_shared>> -> memref<50048x32xf32, #tpu.memory_space<vmem_shared>>
        %dma_start3A_250 = tpu.memref_slice %arg15[%dma_start3A_239] : memref<2x!tpu.dma_semaphore, #tpu.memory_space<semaphore_mem>> -> memref<1x!tpu.dma_semaphore, #tpu.memory_space<semaphore_mem>>
        %dma_start3A_251 = tpu.memref_squeeze %dma_start3A_250 : memref<1x!tpu.dma_semaphore, #tpu.memory_space<semaphore_mem>> -> memref<!tpu.dma_semaphore, #tpu.memory_space<semaphore_mem>>
        tpu.enqueue_indirect_dma source(%dma_start3A_243 : memref<400x32xf32, #tpu.memory_space<vmem>>) target(%dma_start3A_249 : memref<50048x32xf32, #tpu.memory_space<vmem_shared>>) offsets(%dma_start3A_246 : memref<400xi32, #tpu.memory_space<vmem>>) semaphore(%dma_start3A_251 : memref<!tpu.dma_semaphore, #tpu.memory_space<semaphore_mem>>) {add = true}
      }
      %scan3A_51 = arith.constant 128 : i32
      %dma_wait3A = arith.constant 1 : i32
      %dma_wait3A_52 = arith.constant 1 : i32
      %dma_wait3A_53 = arith.constant 0 : i32
      %dma_wait3A_54 = arith.constant 0 : i32
      %dma_wait3A_55 = tpu.memref_slice %arg11[%dma_wait3A, %dma_wait3A_53, %dma_wait3A_54] : memref<2x400x32xf32, #tpu.memory_space<vmem>> -> memref<1x400x32xf32, #tpu.memory_space<vmem>>
      %dma_wait3A_56 = tpu.memref_squeeze %dma_wait3A_55 : memref<1x400x32xf32, #tpu.memory_space<vmem>> -> memref<400x32xf32, #tpu.memory_space<vmem>>
      %dma_wait3A_57 = arith.constant 0 : i32
      %dma_wait3A_58 = arith.constant 0 : i32
      %dma_wait3A_59 = tpu.memref_slice %arg3[%dma_wait3A_57, %dma_wait3A_58] : memref<50048x32xf32, #tpu.memory_space<hbm>> -> memref<400x32xf32, #tpu.memory_space<hbm>>
      %dma_wait3A_60 = tpu.memref_slice %arg15[%dma_wait3A_52] : memref<2x!tpu.dma_semaphore, #tpu.memory_space<semaphore_mem>> -> memref<1x!tpu.dma_semaphore, #tpu.memory_space<semaphore_mem>>
      %dma_wait3A_61 = tpu.memref_squeeze %dma_wait3A_60 : memref<1x!tpu.dma_semaphore, #tpu.memory_space<semaphore_mem>> -> memref<!tpu.dma_semaphore, #tpu.memory_space<semaphore_mem>>
      %dma_wait3A_62 = arith.constant 0 : i32
      %dma_wait3A_63 = arith.constant 0 : i32
      %dma_wait3A_64 = tpu.memref_slice %arg11[%dma_wait3A, %dma_wait3A_62, %dma_wait3A_63] : memref<2x400x32xf32, #tpu.memory_space<vmem>> -> memref<1x400x32xf32, #tpu.memory_space<vmem>>
      %dma_wait3A_65 = tpu.memref_squeeze %dma_wait3A_64 : memref<1x400x32xf32, #tpu.memory_space<vmem>> -> memref<400x32xf32, #tpu.memory_space<vmem>>
      %dma_wait3A_66 = arith.constant 0 : i32
      %dma_wait3A_67 = arith.constant 0 : i32
      %dma_wait3A_68 = tpu.memref_slice %arg3[%dma_wait3A_66, %dma_wait3A_67] : memref<50048x32xf32, #tpu.memory_space<hbm>> -> memref<400x32xf32, #tpu.memory_space<hbm>>
      tpu.wait_dma2 semaphore(%dma_wait3A_61 : memref<!tpu.dma_semaphore, #tpu.memory_space<semaphore_mem>>) src(%dma_wait3A_68 : memref<400x32xf32, #tpu.memory_space<hbm>>) dst(%dma_wait3A_65 : memref<400x32xf32, #tpu.memory_space<vmem>>)
    } else {
    }
    %eq3A_5 = arith.constant 1 : i32
    %eq3A_6 = arith.cmpi eq, %arg0, %eq3A_5 : i32
    %convert_element_type3A_7 = arith.extui %eq3A_6 : i1 to i32
    %cond3A_8 = arith.constant 0 : i32
    %cond3A_9 = arith.cmpi ne, %convert_element_type3A_7, %cond3A_8 : i32
    scf.if %cond3A_9 {
      %mul3A_21 = arith.constant 102400 : i32
      %mul3A_22 = arith.muli %arg1, %mul3A_21 : i32
      %add3A = arith.constant 0 : i32
      %add3A_23 = arith.addi %mul3A_22, %add3A : i32
      %dma_start3A = arith.constant 0 : i32
      %dma_start3A_24 = arith.constant 0 : i32
      %dma_start3A_25 = arith.constant 0 : i32
      %dma_start3A_26 = tpu.memref_slice %arg9[%dma_start3A, %dma_start3A_25] : memref<2x400xi32, #tpu.memory_space<vmem>> -> memref<1x400xi32, #tpu.memory_space<vmem>>
      %dma_start3A_27 = tpu.memref_squeeze %dma_start3A_26 : memref<1x400xi32, #tpu.memory_space<vmem>> -> memref<400xi32, #tpu.memory_space<vmem>>
      %dma_start3A_28 = tpu.memref_slice %arg4[%add3A_23] : memref<1638400xi32, #tpu.memory_space<hbm>> -> memref<400xi32, #tpu.memory_space<hbm>>
      %dma_start3A_29 = tpu.memref_slice %arg13[%dma_start3A_24] : memref<2x!tpu.dma_semaphore, #tpu.memory_space<semaphore_mem>> -> memref<1x!tpu.dma_semaphore, #tpu.memory_space<semaphore_mem>>
      %dma_start3A_30 = tpu.memref_squeeze %dma_start3A_29 : memref<1x!tpu.dma_semaphore, #tpu.memory_space<semaphore_mem>> -> memref<!tpu.dma_semaphore, #tpu.memory_space<semaphore_mem>>
      %dma_start3A_31 = arith.constant 0 : i32
      %dma_start3A_32 = tpu.memref_slice %arg9[%dma_start3A, %dma_start3A_31] : memref<2x400xi32, #tpu.memory_space<vmem>> -> memref<1x400xi32, #tpu.memory_space<vmem>>
      %dma_start3A_33 = tpu.memref_squeeze %dma_start3A_32 : memref<1x400xi32, #tpu.memory_space<vmem>> -> memref<400xi32, #tpu.memory_space<vmem>>
      %dma_start3A_34 = tpu.memref_slice %arg4[%add3A_23] : memref<1638400xi32, #tpu.memory_space<hbm>> -> memref<400xi32, #tpu.memory_space<hbm>>
      tpu.enqueue_dma source(%dma_start3A_34 : memref<400xi32, #tpu.memory_space<hbm>>) target(%dma_start3A_33 : memref<400xi32, #tpu.memory_space<vmem>>) target_semaphore(%dma_start3A_30 : memref<!tpu.dma_semaphore, #tpu.memory_space<semaphore_mem>>)
      %dma_start3A_35 = arith.constant 0 : i32
      %dma_start3A_36 = arith.constant 0 : i32
      %dma_start3A_37 = arith.constant 0 : i32
      %dma_start3A_38 = tpu.memref_slice %arg10[%dma_start3A_35, %dma_start3A_37] : memref<2x400xi32, #tpu.memory_space<vmem>> -> memref<1x400xi32, #tpu.memory_space<vmem>>
      %dma_start3A_39 = tpu.memref_squeeze %dma_start3A_38 : memref<1x400xi32, #tpu.memory_space<vmem>> -> memref<400xi32, #tpu.memory_space<vmem>>
      %dma_start3A_40 = tpu.memref_slice %arg5[%add3A_23] : memref<1638400xi32, #tpu.memory_space<hbm>> -> memref<400xi32, #tpu.memory_space<hbm>>
      %dma_start3A_41 = tpu.memref_slice %arg13[%dma_start3A_36] : memref<2x!tpu.dma_semaphore, #tpu.memory_space<semaphore_mem>> -> memref<1x!tpu.dma_semaphore, #tpu.memory_space<semaphore_mem>>
      %dma_start3A_42 = tpu.memref_squeeze %dma_start3A_41 : memref<1x!tpu.dma_semaphore, #tpu.memory_space<semaphore_mem>> -> memref<!tpu.dma_semaphore, #tpu.memory_space<semaphore_mem>>
      %dma_start3A_43 = arith.constant 0 : i32
      %dma_start3A_44 = tpu.memref_slice %arg10[%dma_start3A_35, %dma_start3A_43] : memref<2x400xi32, #tpu.memory_space<vmem>> -> memref<1x400xi32, #tpu.memory_space<vmem>>
      %dma_start3A_45 = tpu.memref_squeeze %dma_start3A_44 : memref<1x400xi32, #tpu.memory_space<vmem>> -> memref<400xi32, #tpu.memory_space<vmem>>
      %dma_start3A_46 = tpu.memref_slice %arg5[%add3A_23] : memref<1638400xi32, #tpu.memory_space<hbm>> -> memref<400xi32, #tpu.memory_space<hbm>>
      tpu.enqueue_dma source(%dma_start3A_46 : memref<400xi32, #tpu.memory_space<hbm>>) target(%dma_start3A_45 : memref<400xi32, #tpu.memory_space<vmem>>) target_semaphore(%dma_start3A_42 : memref<!tpu.dma_semaphore, #tpu.memory_space<semaphore_mem>>)
      %scan3A = arith.constant 0 : i32
      %scan3A_47 = arith.constant 0 : i32
      %scan3A_48 = arith.constant 128 : i32
      %scan3A_49 = arith.addi %scan3A_47, %scan3A_48 : i32
      %scan3A_50 = arith.constant 1 : i32
      scf.for %scan3A_69 = %scan3A_47 to %scan3A_49 step %scan3A_50  : i32 {
        %mul3A_70 = arith.constant 2 : i32
        %mul3A_71 = arith.muli %scan3A_69, %mul3A_70 : i32
        %add3A_72 = arith.constant 0 : i32
        %add3A_73 = arith.addi %mul3A_71, %add3A_72 : i32
        %dma_wait3A_74 = arith.constant 0 : i32
        %dma_wait3A_75 = arith.constant 0 : i32
        %dma_wait3A_76 = arith.constant 0 : i32
        %dma_wait3A_77 = tpu.memref_slice %arg9[%dma_wait3A_74, %dma_wait3A_76] : memref<2x400xi32, #tpu.memory_space<vmem>> -> memref<1x400xi32, #tpu.memory_space<vmem>>
        %dma_wait3A_78 = tpu.memref_squeeze %dma_wait3A_77 : memref<1x400xi32, #tpu.memory_space<vmem>> -> memref<400xi32, #tpu.memory_space<vmem>>
        %dma_wait3A_79 = arith.constant 0 : i32
        %dma_wait3A_80 = tpu.memref_slice %arg4[%dma_wait3A_79] : memref<1638400xi32, #tpu.memory_space<hbm>> -> memref<400xi32, #tpu.memory_space<hbm>>
        %dma_wait3A_81 = tpu.memref_slice %arg13[%dma_wait3A_75] : memref<2x!tpu.dma_semaphore, #tpu.memory_space<semaphore_mem>> -> memref<1x!tpu.dma_semaphore, #tpu.memory_space<semaphore_mem>>
        %dma_wait3A_82 = tpu.memref_squeeze %dma_wait3A_81 : memref<1x!tpu.dma_semaphore, #tpu.memory_space<semaphore_mem>> -> memref<!tpu.dma_semaphore, #tpu.memory_space<semaphore_mem>>
        %dma_wait3A_83 = arith.constant 0 : i32
        %dma_wait3A_84 = tpu.memref_slice %arg9[%dma_wait3A_74, %dma_wait3A_83] : memref<2x400xi32, #tpu.memory_space<vmem>> -> memref<1x400xi32, #tpu.memory_space<vmem>>
        %dma_wait3A_85 = tpu.memref_squeeze %dma_wait3A_84 : memref<1x400xi32, #tpu.memory_space<vmem>> -> memref<400xi32, #tpu.memory_space<vmem>>
        %dma_wait3A_86 = arith.constant 0 : i32
        %dma_wait3A_87 = tpu.memref_slice %arg4[%dma_wait3A_86] : memref<1638400xi32, #tpu.memory_space<hbm>> -> memref<400xi32, #tpu.memory_space<hbm>>
        tpu.wait_dma2 semaphore(%dma_wait3A_82 : memref<!tpu.dma_semaphore, #tpu.memory_space<semaphore_mem>>) src(%dma_wait3A_87 : memref<400xi32, #tpu.memory_space<hbm>>) dst(%dma_wait3A_85 : memref<400xi32, #tpu.memory_space<vmem>>)
        %dma_wait3A_88 = arith.constant 0 : i32
        %dma_wait3A_89 = arith.constant 0 : i32
        %dma_wait3A_90 = arith.constant 0 : i32
        %dma_wait3A_91 = tpu.memref_slice %arg10[%dma_wait3A_88, %dma_wait3A_90] : memref<2x400xi32, #tpu.memory_space<vmem>> -> memref<1x400xi32, #tpu.memory_space<vmem>>
        %dma_wait3A_92 = tpu.memref_squeeze %dma_wait3A_91 : memref<1x400xi32, #tpu.memory_space<vmem>> -> memref<400xi32, #tpu.memory_space<vmem>>
        %dma_wait3A_93 = arith.constant 0 : i32
        %dma_wait3A_94 = tpu.memref_slice %arg5[%dma_wait3A_93] : memref<1638400xi32, #tpu.memory_space<hbm>> -> memref<400xi32, #tpu.memory_space<hbm>>
        %dma_wait3A_95 = tpu.memref_slice %arg13[%dma_wait3A_89] : memref<2x!tpu.dma_semaphore, #tpu.memory_space<semaphore_mem>> -> memref<1x!tpu.dma_semaphore, #tpu.memory_space<semaphore_mem>>
        %dma_wait3A_96 = tpu.memref_squeeze %dma_wait3A_95 : memref<1x!tpu.dma_semaphore, #tpu.memory_space<semaphore_mem>> -> memref<!tpu.dma_semaphore, #tpu.memory_space<semaphore_mem>>
        %dma_wait3A_97 = arith.constant 0 : i32
        %dma_wait3A_98 = tpu.memref_slice %arg10[%dma_wait3A_88, %dma_wait3A_97] : memref<2x400xi32, #tpu.memory_space<vmem>> -> memref<1x400xi32, #tpu.memory_space<vmem>>
        %dma_wait3A_99 = tpu.memref_squeeze %dma_wait3A_98 : memref<1x400xi32, #tpu.memory_space<vmem>> -> memref<400xi32, #tpu.memory_space<vmem>>
        %dma_wait3A_100 = arith.constant 0 : i32
        %dma_wait3A_101 = tpu.memref_slice %arg5[%dma_wait3A_100] : memref<1638400xi32, #tpu.memory_space<hbm>> -> memref<400xi32, #tpu.memory_space<hbm>>
        tpu.wait_dma2 semaphore(%dma_wait3A_96 : memref<!tpu.dma_semaphore, #tpu.memory_space<semaphore_mem>>) src(%dma_wait3A_101 : memref<400xi32, #tpu.memory_space<hbm>>) dst(%dma_wait3A_99 : memref<400xi32, #tpu.memory_space<vmem>>)
        %dma_start3A_102 = arith.constant 0 : i32
        %dma_start3A_103 = arith.constant 0 : i32
        %dma_start3A_104 = arith.constant 0 : i32
        %dma_start3A_105 = arith.constant 0 : i32
        %dma_start3A_106 = arith.constant 0 : i32
        %dma_start3A_107 = tpu.memref_slice %arg11[%dma_start3A_103, %dma_start3A_105, %dma_start3A_106] : memref<2x400x32xf32, #tpu.memory_space<vmem>> -> memref<1x400x32xf32, #tpu.memory_space<vmem>>
        %dma_start3A_108 = tpu.memref_squeeze %dma_start3A_107 : memref<1x400x32xf32, #tpu.memory_space<vmem>> -> memref<400x32xf32, #tpu.memory_space<vmem>>
        %dma_start3A_109 = arith.constant 0 : i32
        %dma_start3A_110 = tpu.memref_slice %arg9[%dma_start3A_102, %dma_start3A_109] : memref<2x400xi32, #tpu.memory_space<vmem>> -> memref<1x400xi32, #tpu.memory_space<vmem>>
        %dma_start3A_111 = tpu.memref_squeeze %dma_start3A_110 : memref<1x400xi32, #tpu.memory_space<vmem>> -> memref<400xi32, #tpu.memory_space<vmem>>
        %dma_start3A_112 = arith.constant 0 : i32
        %dma_start3A_113 = arith.constant 0 : i32
        %dma_start3A_114 = tpu.memref_slice %arg2[%dma_start3A_112, %dma_start3A_113] : memref<50048x32xf32, #tpu.memory_space<hbm>> -> memref<50048x32xf32, #tpu.memory_space<hbm>>
        %dma_start3A_115 = tpu.memref_slice %arg14[%dma_start3A_104] : memref<2x!tpu.dma_semaphore, #tpu.memory_space<semaphore_mem>> -> memref<1x!tpu.dma_semaphore, #tpu.memory_space<semaphore_mem>>
        %dma_start3A_116 = tpu.memref_squeeze %dma_start3A_115 : memref<1x!tpu.dma_semaphore, #tpu.memory_space<semaphore_mem>> -> memref<!tpu.dma_semaphore, #tpu.memory_space<semaphore_mem>>
        tpu.enqueue_indirect_dma source(%dma_start3A_114 : memref<50048x32xf32, #tpu.memory_space<hbm>>) target(%dma_start3A_108 : memref<400x32xf32, #tpu.memory_space<vmem>>) offsets(%dma_start3A_111 : memref<400xi32, #tpu.memory_space<vmem>>) semaphore(%dma_start3A_116 : memref<!tpu.dma_semaphore, #tpu.memory_space<semaphore_mem>>)
        %gt3A = arith.constant 0 : i32
        %gt3A_117 = arith.cmpi sgt, %add3A_73, %gt3A : i32
        %convert_element_type3A_118 = arith.extui %gt3A_117 : i1 to i32
        %cond3A_119 = arith.constant 0 : i32
        %cond3A_120 = arith.cmpi ne, %convert_element_type3A_118, %cond3A_119 : i32
        scf.if %cond3A_120 {
          %dma_wait3A_252 = arith.constant 1 : i32
          %dma_wait3A_253 = arith.constant 1 : i32
          %dma_wait3A_254 = arith.constant 0 : i32
          %dma_wait3A_255 = arith.constant 0 : i32
          %dma_wait3A_256 = tpu.memref_slice %arg11[%dma_wait3A_252, %dma_wait3A_254, %dma_wait3A_255] : memref<2x400x32xf32, #tpu.memory_space<vmem>> -> memref<1x400x32xf32, #tpu.memory_space<vmem>>
          %dma_wait3A_257 = tpu.memref_squeeze %dma_wait3A_256 : memref<1x400x32xf32, #tpu.memory_space<vmem>> -> memref<400x32xf32, #tpu.memory_space<vmem>>
          %dma_wait3A_258 = arith.constant 0 : i32
          %dma_wait3A_259 = arith.constant 0 : i32
          %dma_wait3A_260 = tpu.memref_slice %arg2[%dma_wait3A_258, %dma_wait3A_259] : memref<50048x32xf32, #tpu.memory_space<hbm>> -> memref<400x32xf32, #tpu.memory_space<hbm>>
          %dma_wait3A_261 = tpu.memref_slice %arg15[%dma_wait3A_253] : memref<2x!tpu.dma_semaphore, #tpu.memory_space<semaphore_mem>> -> memref<1x!tpu.dma_semaphore, #tpu.memory_space<semaphore_mem>>
          %dma_wait3A_262 = tpu.memref_squeeze %dma_wait3A_261 : memref<1x!tpu.dma_semaphore, #tpu.memory_space<semaphore_mem>> -> memref<!tpu.dma_semaphore, #tpu.memory_space<semaphore_mem>>
          %dma_wait3A_263 = arith.constant 0 : i32
          %dma_wait3A_264 = arith.constant 0 : i32
          %dma_wait3A_265 = tpu.memref_slice %arg11[%dma_wait3A_252, %dma_wait3A_263, %dma_wait3A_264] : memref<2x400x32xf32, #tpu.memory_space<vmem>> -> memref<1x400x32xf32, #tpu.memory_space<vmem>>
          %dma_wait3A_266 = tpu.memref_squeeze %dma_wait3A_265 : memref<1x400x32xf32, #tpu.memory_space<vmem>> -> memref<400x32xf32, #tpu.memory_space<vmem>>
          %dma_wait3A_267 = arith.constant 0 : i32
          %dma_wait3A_268 = arith.constant 0 : i32
          %dma_wait3A_269 = tpu.memref_slice %arg2[%dma_wait3A_267, %dma_wait3A_268] : memref<50048x32xf32, #tpu.memory_space<hbm>> -> memref<400x32xf32, #tpu.memory_space<hbm>>
          tpu.wait_dma2 semaphore(%dma_wait3A_262 : memref<!tpu.dma_semaphore, #tpu.memory_space<semaphore_mem>>) src(%dma_wait3A_269 : memref<400x32xf32, #tpu.memory_space<hbm>>) dst(%dma_wait3A_266 : memref<400x32xf32, #tpu.memory_space<vmem>>)
        } else {
        }
        %add3A_121 = arith.constant 1 : i32
        %add3A_122 = arith.addi %add3A_73, %add3A_121 : i32
        %lt3A = arith.constant 256 : i32
        %lt3A_123 = arith.cmpi slt, %add3A_122, %lt3A : i32
        %convert_element_type3A_124 = arith.extui %lt3A_123 : i1 to i32
        %cond3A_125 = arith.constant 0 : i32
        %cond3A_126 = arith.cmpi ne, %convert_element_type3A_124, %cond3A_125 : i32
        scf.if %cond3A_126 {
          %add3A_252 = arith.constant 1 : i32
          %add3A_253 = arith.addi %add3A_73, %add3A_252 : i32
          %mul3A_254 = arith.constant 102400 : i32
          %mul3A_255 = arith.muli %arg1, %mul3A_254 : i32
          %mul3A_256 = arith.constant 400 : i32
          %mul3A_257 = arith.muli %add3A_253, %mul3A_256 : i32
          %add3A_258 = arith.addi %mul3A_255, %mul3A_257 : i32
          %dma_start3A_259 = arith.constant 1 : i32
          %dma_start3A_260 = arith.constant 1 : i32
          %dma_start3A_261 = arith.constant 0 : i32
          %dma_start3A_262 = tpu.memref_slice %arg9[%dma_start3A_259, %dma_start3A_261] : memref<2x400xi32, #tpu.memory_space<vmem>> -> memref<1x400xi32, #tpu.memory_space<vmem>>
          %dma_start3A_263 = tpu.memref_squeeze %dma_start3A_262 : memref<1x400xi32, #tpu.memory_space<vmem>> -> memref<400xi32, #tpu.memory_space<vmem>>
          %dma_start3A_264 = tpu.memref_slice %arg4[%add3A_258] : memref<1638400xi32, #tpu.memory_space<hbm>> -> memref<400xi32, #tpu.memory_space<hbm>>
          %dma_start3A_265 = tpu.memref_slice %arg13[%dma_start3A_260] : memref<2x!tpu.dma_semaphore, #tpu.memory_space<semaphore_mem>> -> memref<1x!tpu.dma_semaphore, #tpu.memory_space<semaphore_mem>>
          %dma_start3A_266 = tpu.memref_squeeze %dma_start3A_265 : memref<1x!tpu.dma_semaphore, #tpu.memory_space<semaphore_mem>> -> memref<!tpu.dma_semaphore, #tpu.memory_space<semaphore_mem>>
          %dma_start3A_267 = arith.constant 0 : i32
          %dma_start3A_268 = tpu.memref_slice %arg9[%dma_start3A_259, %dma_start3A_267] : memref<2x400xi32, #tpu.memory_space<vmem>> -> memref<1x400xi32, #tpu.memory_space<vmem>>
          %dma_start3A_269 = tpu.memref_squeeze %dma_start3A_268 : memref<1x400xi32, #tpu.memory_space<vmem>> -> memref<400xi32, #tpu.memory_space<vmem>>
          %dma_start3A_270 = tpu.memref_slice %arg4[%add3A_258] : memref<1638400xi32, #tpu.memory_space<hbm>> -> memref<400xi32, #tpu.memory_space<hbm>>
          tpu.enqueue_dma source(%dma_start3A_270 : memref<400xi32, #tpu.memory_space<hbm>>) target(%dma_start3A_269 : memref<400xi32, #tpu.memory_space<vmem>>) target_semaphore(%dma_start3A_266 : memref<!tpu.dma_semaphore, #tpu.memory_space<semaphore_mem>>)
          %dma_start3A_271 = arith.constant 1 : i32
          %dma_start3A_272 = arith.constant 1 : i32
          %dma_start3A_273 = arith.constant 0 : i32
          %dma_start3A_274 = tpu.memref_slice %arg10[%dma_start3A_271, %dma_start3A_273] : memref<2x400xi32, #tpu.memory_space<vmem>> -> memref<1x400xi32, #tpu.memory_space<vmem>>
          %dma_start3A_275 = tpu.memref_squeeze %dma_start3A_274 : memref<1x400xi32, #tpu.memory_space<vmem>> -> memref<400xi32, #tpu.memory_space<vmem>>
          %dma_start3A_276 = tpu.memref_slice %arg5[%add3A_258] : memref<1638400xi32, #tpu.memory_space<hbm>> -> memref<400xi32, #tpu.memory_space<hbm>>
          %dma_start3A_277 = tpu.memref_slice %arg13[%dma_start3A_272] : memref<2x!tpu.dma_semaphore, #tpu.memory_space<semaphore_mem>> -> memref<1x!tpu.dma_semaphore, #tpu.memory_space<semaphore_mem>>
          %dma_start3A_278 = tpu.memref_squeeze %dma_start3A_277 : memref<1x!tpu.dma_semaphore, #tpu.memory_space<semaphore_mem>> -> memref<!tpu.dma_semaphore, #tpu.memory_space<semaphore_mem>>
          %dma_start3A_279 = arith.constant 0 : i32
          %dma_start3A_280 = tpu.memref_slice %arg10[%dma_start3A_271, %dma_start3A_279] : memref<2x400xi32, #tpu.memory_space<vmem>> -> memref<1x400xi32, #tpu.memory_space<vmem>>
          %dma_start3A_281 = tpu.memref_squeeze %dma_start3A_280 : memref<1x400xi32, #tpu.memory_space<vmem>> -> memref<400xi32, #tpu.memory_space<vmem>>
          %dma_start3A_282 = tpu.memref_slice %arg5[%add3A_258] : memref<1638400xi32, #tpu.memory_space<hbm>> -> memref<400xi32, #tpu.memory_space<hbm>>
          tpu.enqueue_dma source(%dma_start3A_282 : memref<400xi32, #tpu.memory_space<hbm>>) target(%dma_start3A_281 : memref<400xi32, #tpu.memory_space<vmem>>) target_semaphore(%dma_start3A_278 : memref<!tpu.dma_semaphore, #tpu.memory_space<semaphore_mem>>)
        } else {
        }
        %dma_wait3A_127 = arith.constant 0 : i32
        %dma_wait3A_128 = arith.constant 0 : i32
        %dma_wait3A_129 = arith.constant 0 : i32
        %dma_wait3A_130 = arith.constant 0 : i32
        %dma_wait3A_131 = tpu.memref_slice %arg11[%dma_wait3A_127, %dma_wait3A_129, %dma_wait3A_130] : memref<2x400x32xf32, #tpu.memory_space<vmem>> -> memref<1x400x32xf32, #tpu.memory_space<vmem>>
        %dma_wait3A_132 = tpu.memref_squeeze %dma_wait3A_131 : memref<1x400x32xf32, #tpu.memory_space<vmem>> -> memref<400x32xf32, #tpu.memory_space<vmem>>
        %dma_wait3A_133 = arith.constant 0 : i32
        %dma_wait3A_134 = arith.constant 0 : i32
        %dma_wait3A_135 = tpu.memref_slice %arg2[%dma_wait3A_133, %dma_wait3A_134] : memref<50048x32xf32, #tpu.memory_space<hbm>> -> memref<400x32xf32, #tpu.memory_space<hbm>>
        %dma_wait3A_136 = tpu.memref_slice %arg14[%dma_wait3A_128] : memref<2x!tpu.dma_semaphore, #tpu.memory_space<semaphore_mem>> -> memref<1x!tpu.dma_semaphore, #tpu.memory_space<semaphore_mem>>
        %dma_wait3A_137 = tpu.memref_squeeze %dma_wait3A_136 : memref<1x!tpu.dma_semaphore, #tpu.memory_space<semaphore_mem>> -> memref<!tpu.dma_semaphore, #tpu.memory_space<semaphore_mem>>
        %dma_wait3A_138 = arith.constant 0 : i32
        %dma_wait3A_139 = arith.constant 0 : i32
        %dma_wait3A_140 = tpu.memref_slice %arg11[%dma_wait3A_127, %dma_wait3A_138, %dma_wait3A_139] : memref<2x400x32xf32, #tpu.memory_space<vmem>> -> memref<1x400x32xf32, #tpu.memory_space<vmem>>
        %dma_wait3A_141 = tpu.memref_squeeze %dma_wait3A_140 : memref<1x400x32xf32, #tpu.memory_space<vmem>> -> memref<400x32xf32, #tpu.memory_space<vmem>>
        %dma_wait3A_142 = arith.constant 0 : i32
        %dma_wait3A_143 = arith.constant 0 : i32
        %dma_wait3A_144 = tpu.memref_slice %arg2[%dma_wait3A_142, %dma_wait3A_143] : memref<50048x32xf32, #tpu.memory_space<hbm>> -> memref<400x32xf32, #tpu.memory_space<hbm>>
        tpu.wait_dma2 semaphore(%dma_wait3A_137 : memref<!tpu.dma_semaphore, #tpu.memory_space<semaphore_mem>>) src(%dma_wait3A_144 : memref<400x32xf32, #tpu.memory_space<hbm>>) dst(%dma_wait3A_141 : memref<400x32xf32, #tpu.memory_space<vmem>>)
        %dma_start3A_145 = arith.constant 0 : i32
        %dma_start3A_146 = arith.constant 0 : i32
        %dma_start3A_147 = arith.constant 0 : i32
        %dma_start3A_148 = arith.constant 0 : i32
        %dma_start3A_149 = arith.constant 0 : i32
        %dma_start3A_150 = tpu.memref_slice %arg11[%dma_start3A_145, %dma_start3A_148, %dma_start3A_149] : memref<2x400x32xf32, #tpu.memory_space<vmem>> -> memref<1x400x32xf32, #tpu.memory_space<vmem>>
        %dma_start3A_151 = tpu.memref_squeeze %dma_start3A_150 : memref<1x400x32xf32, #tpu.memory_space<vmem>> -> memref<400x32xf32, #tpu.memory_space<vmem>>
        %dma_start3A_152 = arith.constant 0 : i32
        %dma_start3A_153 = tpu.memref_slice %arg10[%dma_start3A_146, %dma_start3A_152] : memref<2x400xi32, #tpu.memory_space<vmem>> -> memref<1x400xi32, #tpu.memory_space<vmem>>
        %dma_start3A_154 = tpu.memref_squeeze %dma_start3A_153 : memref<1x400xi32, #tpu.memory_space<vmem>> -> memref<400xi32, #tpu.memory_space<vmem>>
        %dma_start3A_155 = arith.constant 0 : i32
        %dma_start3A_156 = arith.constant 0 : i32
        %dma_start3A_157 = tpu.memref_slice %arg12[%dma_start3A_155, %dma_start3A_156] : memref<50048x32xf32, #tpu.memory_space<vmem_shared>> -> memref<50048x32xf32, #tpu.memory_space<vmem_shared>>
        %dma_start3A_158 = tpu.memref_slice %arg15[%dma_start3A_147] : memref<2x!tpu.dma_semaphore, #tpu.memory_space<semaphore_mem>> -> memref<1x!tpu.dma_semaphore, #tpu.memory_space<semaphore_mem>>
        %dma_start3A_159 = tpu.memref_squeeze %dma_start3A_158 : memref<1x!tpu.dma_semaphore, #tpu.memory_space<semaphore_mem>> -> memref<!tpu.dma_semaphore, #tpu.memory_space<semaphore_mem>>
        tpu.enqueue_indirect_dma source(%dma_start3A_151 : memref<400x32xf32, #tpu.memory_space<vmem>>) target(%dma_start3A_157 : memref<50048x32xf32, #tpu.memory_space<vmem_shared>>) offsets(%dma_start3A_154 : memref<400xi32, #tpu.memory_space<vmem>>) semaphore(%dma_start3A_159 : memref<!tpu.dma_semaphore, #tpu.memory_space<semaphore_mem>>) {add = true}
        %mul3A_160 = arith.constant 2 : i32
        %mul3A_161 = arith.muli %scan3A_69, %mul3A_160 : i32
        %add3A_162 = arith.constant 1 : i32
        %add3A_163 = arith.addi %mul3A_161, %add3A_162 : i32
        %dma_wait3A_164 = arith.constant 1 : i32
        %dma_wait3A_165 = arith.constant 1 : i32
        %dma_wait3A_166 = arith.constant 0 : i32
        %dma_wait3A_167 = tpu.memref_slice %arg9[%dma_wait3A_164, %dma_wait3A_166] : memref<2x400xi32, #tpu.memory_space<vmem>> -> memref<1x400xi32, #tpu.memory_space<vmem>>
        %dma_wait3A_168 = tpu.memref_squeeze %dma_wait3A_167 : memref<1x400xi32, #tpu.memory_space<vmem>> -> memref<400xi32, #tpu.memory_space<vmem>>
        %dma_wait3A_169 = arith.constant 0 : i32
        %dma_wait3A_170 = tpu.memref_slice %arg4[%dma_wait3A_169] : memref<1638400xi32, #tpu.memory_space<hbm>> -> memref<400xi32, #tpu.memory_space<hbm>>
        %dma_wait3A_171 = tpu.memref_slice %arg13[%dma_wait3A_165] : memref<2x!tpu.dma_semaphore, #tpu.memory_space<semaphore_mem>> -> memref<1x!tpu.dma_semaphore, #tpu.memory_space<semaphore_mem>>
        %dma_wait3A_172 = tpu.memref_squeeze %dma_wait3A_171 : memref<1x!tpu.dma_semaphore, #tpu.memory_space<semaphore_mem>> -> memref<!tpu.dma_semaphore, #tpu.memory_space<semaphore_mem>>
        %dma_wait3A_173 = arith.constant 0 : i32
        %dma_wait3A_174 = tpu.memref_slice %arg9[%dma_wait3A_164, %dma_wait3A_173] : memref<2x400xi32, #tpu.memory_space<vmem>> -> memref<1x400xi32, #tpu.memory_space<vmem>>
        %dma_wait3A_175 = tpu.memref_squeeze %dma_wait3A_174 : memref<1x400xi32, #tpu.memory_space<vmem>> -> memref<400xi32, #tpu.memory_space<vmem>>
        %dma_wait3A_176 = arith.constant 0 : i32
        %dma_wait3A_177 = tpu.memref_slice %arg4[%dma_wait3A_176] : memref<1638400xi32, #tpu.memory_space<hbm>> -> memref<400xi32, #tpu.memory_space<hbm>>
        tpu.wait_dma2 semaphore(%dma_wait3A_172 : memref<!tpu.dma_semaphore, #tpu.memory_space<semaphore_mem>>) src(%dma_wait3A_177 : memref<400xi32, #tpu.memory_space<hbm>>) dst(%dma_wait3A_175 : memref<400xi32, #tpu.memory_space<vmem>>)
        %dma_wait3A_178 = arith.constant 1 : i32
        %dma_wait3A_179 = arith.constant 1 : i32
        %dma_wait3A_180 = arith.constant 0 : i32
        %dma_wait3A_181 = tpu.memref_slice %arg10[%dma_wait3A_178, %dma_wait3A_180] : memref<2x400xi32, #tpu.memory_space<vmem>> -> memref<1x400xi32, #tpu.memory_space<vmem>>
        %dma_wait3A_182 = tpu.memref_squeeze %dma_wait3A_181 : memref<1x400xi32, #tpu.memory_space<vmem>> -> memref<400xi32, #tpu.memory_space<vmem>>
        %dma_wait3A_183 = arith.constant 0 : i32
        %dma_wait3A_184 = tpu.memref_slice %arg5[%dma_wait3A_183] : memref<1638400xi32, #tpu.memory_space<hbm>> -> memref<400xi32, #tpu.memory_space<hbm>>
        %dma_wait3A_185 = tpu.memref_slice %arg13[%dma_wait3A_179] : memref<2x!tpu.dma_semaphore, #tpu.memory_space<semaphore_mem>> -> memref<1x!tpu.dma_semaphore, #tpu.memory_space<semaphore_mem>>
        %dma_wait3A_186 = tpu.memref_squeeze %dma_wait3A_185 : memref<1x!tpu.dma_semaphore, #tpu.memory_space<semaphore_mem>> -> memref<!tpu.dma_semaphore, #tpu.memory_space<semaphore_mem>>
        %dma_wait3A_187 = arith.constant 0 : i32
        %dma_wait3A_188 = tpu.memref_slice %arg10[%dma_wait3A_178, %dma_wait3A_187] : memref<2x400xi32, #tpu.memory_space<vmem>> -> memref<1x400xi32, #tpu.memory_space<vmem>>
        %dma_wait3A_189 = tpu.memref_squeeze %dma_wait3A_188 : memref<1x400xi32, #tpu.memory_space<vmem>> -> memref<400xi32, #tpu.memory_space<vmem>>
        %dma_wait3A_190 = arith.constant 0 : i32
        %dma_wait3A_191 = tpu.memref_slice %arg5[%dma_wait3A_190] : memref<1638400xi32, #tpu.memory_space<hbm>> -> memref<400xi32, #tpu.memory_space<hbm>>
        tpu.wait_dma2 semaphore(%dma_wait3A_186 : memref<!tpu.dma_semaphore, #tpu.memory_space<semaphore_mem>>) src(%dma_wait3A_191 : memref<400xi32, #tpu.memory_space<hbm>>) dst(%dma_wait3A_189 : memref<400xi32, #tpu.memory_space<vmem>>)
        %dma_start3A_192 = arith.constant 1 : i32
        %dma_start3A_193 = arith.constant 1 : i32
        %dma_start3A_194 = arith.constant 1 : i32
        %dma_start3A_195 = arith.constant 0 : i32
        %dma_start3A_196 = arith.constant 0 : i32
        %dma_start3A_197 = tpu.memref_slice %arg11[%dma_start3A_193, %dma_start3A_195, %dma_start3A_196] : memref<2x400x32xf32, #tpu.memory_space<vmem>> -> memref<1x400x32xf32, #tpu.memory_space<vmem>>
        %dma_start3A_198 = tpu.memref_squeeze %dma_start3A_197 : memref<1x400x32xf32, #tpu.memory_space<vmem>> -> memref<400x32xf32, #tpu.memory_space<vmem>>
        %dma_start3A_199 = arith.constant 0 : i32
        %dma_start3A_200 = tpu.memref_slice %arg9[%dma_start3A_192, %dma_start3A_199] : memref<2x400xi32, #tpu.memory_space<vmem>> -> memref<1x400xi32, #tpu.memory_space<vmem>>
        %dma_start3A_201 = tpu.memref_squeeze %dma_start3A_200 : memref<1x400xi32, #tpu.memory_space<vmem>> -> memref<400xi32, #tpu.memory_space<vmem>>
        %dma_start3A_202 = arith.constant 0 : i32
        %dma_start3A_203 = arith.constant 0 : i32
        %dma_start3A_204 = tpu.memref_slice %arg2[%dma_start3A_202, %dma_start3A_203] : memref<50048x32xf32, #tpu.memory_space<hbm>> -> memref<50048x32xf32, #tpu.memory_space<hbm>>
        %dma_start3A_205 = tpu.memref_slice %arg14[%dma_start3A_194] : memref<2x!tpu.dma_semaphore, #tpu.memory_space<semaphore_mem>> -> memref<1x!tpu.dma_semaphore, #tpu.memory_space<semaphore_mem>>
        %dma_start3A_206 = tpu.memref_squeeze %dma_start3A_205 : memref<1x!tpu.dma_semaphore, #tpu.memory_space<semaphore_mem>> -> memref<!tpu.dma_semaphore, #tpu.memory_space<semaphore_mem>>
        tpu.enqueue_indirect_dma source(%dma_start3A_204 : memref<50048x32xf32, #tpu.memory_space<hbm>>) target(%dma_start3A_198 : memref<400x32xf32, #tpu.memory_space<vmem>>) offsets(%dma_start3A_201 : memref<400xi32, #tpu.memory_space<vmem>>) semaphore(%dma_start3A_206 : memref<!tpu.dma_semaphore, #tpu.memory_space<semaphore_mem>>)
        %gt3A_207 = arith.constant 0 : i32
        %gt3A_208 = arith.cmpi sgt, %add3A_163, %gt3A_207 : i32
        %convert_element_type3A_209 = arith.extui %gt3A_208 : i1 to i32
        %cond3A_210 = arith.constant 0 : i32
        %cond3A_211 = arith.cmpi ne, %convert_element_type3A_209, %cond3A_210 : i32
        scf.if %cond3A_211 {
          %dma_wait3A_252 = arith.constant 0 : i32
          %dma_wait3A_253 = arith.constant 0 : i32
          %dma_wait3A_254 = arith.constant 0 : i32
          %dma_wait3A_255 = arith.constant 0 : i32
          %dma_wait3A_256 = tpu.memref_slice %arg11[%dma_wait3A_252, %dma_wait3A_254, %dma_wait3A_255] : memref<2x400x32xf32, #tpu.memory_space<vmem>> -> memref<1x400x32xf32, #tpu.memory_space<vmem>>
          %dma_wait3A_257 = tpu.memref_squeeze %dma_wait3A_256 : memref<1x400x32xf32, #tpu.memory_space<vmem>> -> memref<400x32xf32, #tpu.memory_space<vmem>>
          %dma_wait3A_258 = arith.constant 0 : i32
          %dma_wait3A_259 = arith.constant 0 : i32
          %dma_wait3A_260 = tpu.memref_slice %arg2[%dma_wait3A_258, %dma_wait3A_259] : memref<50048x32xf32, #tpu.memory_space<hbm>> -> memref<400x32xf32, #tpu.memory_space<hbm>>
          %dma_wait3A_261 = tpu.memref_slice %arg15[%dma_wait3A_253] : memref<2x!tpu.dma_semaphore, #tpu.memory_space<semaphore_mem>> -> memref<1x!tpu.dma_semaphore, #tpu.memory_space<semaphore_mem>>
          %dma_wait3A_262 = tpu.memref_squeeze %dma_wait3A_261 : memref<1x!tpu.dma_semaphore, #tpu.memory_space<semaphore_mem>> -> memref<!tpu.dma_semaphore, #tpu.memory_space<semaphore_mem>>
          %dma_wait3A_263 = arith.constant 0 : i32
          %dma_wait3A_264 = arith.constant 0 : i32
          %dma_wait3A_265 = tpu.memref_slice %arg11[%dma_wait3A_252, %dma_wait3A_263, %dma_wait3A_264] : memref<2x400x32xf32, #tpu.memory_space<vmem>> -> memref<1x400x32xf32, #tpu.memory_space<vmem>>
          %dma_wait3A_266 = tpu.memref_squeeze %dma_wait3A_265 : memref<1x400x32xf32, #tpu.memory_space<vmem>> -> memref<400x32xf32, #tpu.memory_space<vmem>>
          %dma_wait3A_267 = arith.constant 0 : i32
          %dma_wait3A_268 = arith.constant 0 : i32
          %dma_wait3A_269 = tpu.memref_slice %arg2[%dma_wait3A_267, %dma_wait3A_268] : memref<50048x32xf32, #tpu.memory_space<hbm>> -> memref<400x32xf32, #tpu.memory_space<hbm>>
          tpu.wait_dma2 semaphore(%dma_wait3A_262 : memref<!tpu.dma_semaphore, #tpu.memory_space<semaphore_mem>>) src(%dma_wait3A_269 : memref<400x32xf32, #tpu.memory_space<hbm>>) dst(%dma_wait3A_266 : memref<400x32xf32, #tpu.memory_space<vmem>>)
        } else {
        }
        %add3A_212 = arith.constant 1 : i32
        %add3A_213 = arith.addi %add3A_163, %add3A_212 : i32
        %lt3A_214 = arith.constant 256 : i32
        %lt3A_215 = arith.cmpi slt, %add3A_213, %lt3A_214 : i32
        %convert_element_type3A_216 = arith.extui %lt3A_215 : i1 to i32
        %cond3A_217 = arith.constant 0 : i32
        %cond3A_218 = arith.cmpi ne, %convert_element_type3A_216, %cond3A_217 : i32
        scf.if %cond3A_218 {
          %add3A_252 = arith.constant 1 : i32
          %add3A_253 = arith.addi %add3A_163, %add3A_252 : i32
          %mul3A_254 = arith.constant 102400 : i32
          %mul3A_255 = arith.muli %arg1, %mul3A_254 : i32
          %mul3A_256 = arith.constant 400 : i32
          %mul3A_257 = arith.muli %add3A_253, %mul3A_256 : i32
          %add3A_258 = arith.addi %mul3A_255, %mul3A_257 : i32
          %dma_start3A_259 = arith.constant 0 : i32
          %dma_start3A_260 = arith.constant 0 : i32
          %dma_start3A_261 = arith.constant 0 : i32
          %dma_start3A_262 = tpu.memref_slice %arg9[%dma_start3A_259, %dma_start3A_261] : memref<2x400xi32, #tpu.memory_space<vmem>> -> memref<1x400xi32, #tpu.memory_space<vmem>>
          %dma_start3A_263 = tpu.memref_squeeze %dma_start3A_262 : memref<1x400xi32, #tpu.memory_space<vmem>> -> memref<400xi32, #tpu.memory_space<vmem>>
          %dma_start3A_264 = tpu.memref_slice %arg4[%add3A_258] : memref<1638400xi32, #tpu.memory_space<hbm>> -> memref<400xi32, #tpu.memory_space<hbm>>
          %dma_start3A_265 = tpu.memref_slice %arg13[%dma_start3A_260] : memref<2x!tpu.dma_semaphore, #tpu.memory_space<semaphore_mem>> -> memref<1x!tpu.dma_semaphore, #tpu.memory_space<semaphore_mem>>
          %dma_start3A_266 = tpu.memref_squeeze %dma_start3A_265 : memref<1x!tpu.dma_semaphore, #tpu.memory_space<semaphore_mem>> -> memref<!tpu.dma_semaphore, #tpu.memory_space<semaphore_mem>>
          %dma_start3A_267 = arith.constant 0 : i32
          %dma_start3A_268 = tpu.memref_slice %arg9[%dma_start3A_259, %dma_start3A_267] : memref<2x400xi32, #tpu.memory_space<vmem>> -> memref<1x400xi32, #tpu.memory_space<vmem>>
          %dma_start3A_269 = tpu.memref_squeeze %dma_start3A_268 : memref<1x400xi32, #tpu.memory_space<vmem>> -> memref<400xi32, #tpu.memory_space<vmem>>
          %dma_start3A_270 = tpu.memref_slice %arg4[%add3A_258] : memref<1638400xi32, #tpu.memory_space<hbm>> -> memref<400xi32, #tpu.memory_space<hbm>>
          tpu.enqueue_dma source(%dma_start3A_270 : memref<400xi32, #tpu.memory_space<hbm>>) target(%dma_start3A_269 : memref<400xi32, #tpu.memory_space<vmem>>) target_semaphore(%dma_start3A_266 : memref<!tpu.dma_semaphore, #tpu.memory_space<semaphore_mem>>)
          %dma_start3A_271 = arith.constant 0 : i32
          %dma_start3A_272 = arith.constant 0 : i32
          %dma_start3A_273 = arith.constant 0 : i32
          %dma_start3A_274 = tpu.memref_slice %arg10[%dma_start3A_271, %dma_start3A_273] : memref<2x400xi32, #tpu.memory_space<vmem>> -> memref<1x400xi32, #tpu.memory_space<vmem>>
          %dma_start3A_275 = tpu.memref_squeeze %dma_start3A_274 : memref<1x400xi32, #tpu.memory_space<vmem>> -> memref<400xi32, #tpu.memory_space<vmem>>
          %dma_start3A_276 = tpu.memref_slice %arg5[%add3A_258] : memref<1638400xi32, #tpu.memory_space<hbm>> -> memref<400xi32, #tpu.memory_space<hbm>>
          %dma_start3A_277 = tpu.memref_slice %arg13[%dma_start3A_272] : memref<2x!tpu.dma_semaphore, #tpu.memory_space<semaphore_mem>> -> memref<1x!tpu.dma_semaphore, #tpu.memory_space<semaphore_mem>>
          %dma_start3A_278 = tpu.memref_squeeze %dma_start3A_277 : memref<1x!tpu.dma_semaphore, #tpu.memory_space<semaphore_mem>> -> memref<!tpu.dma_semaphore, #tpu.memory_space<semaphore_mem>>
          %dma_start3A_279 = arith.constant 0 : i32
          %dma_start3A_280 = tpu.memref_slice %arg10[%dma_start3A_271, %dma_start3A_279] : memref<2x400xi32, #tpu.memory_space<vmem>> -> memref<1x400xi32, #tpu.memory_space<vmem>>
          %dma_start3A_281 = tpu.memref_squeeze %dma_start3A_280 : memref<1x400xi32, #tpu.memory_space<vmem>> -> memref<400xi32, #tpu.memory_space<vmem>>
          %dma_start3A_282 = tpu.memref_slice %arg5[%add3A_258] : memref<1638400xi32, #tpu.memory_space<hbm>> -> memref<400xi32, #tpu.memory_space<hbm>>
          tpu.enqueue_dma source(%dma_start3A_282 : memref<400xi32, #tpu.memory_space<hbm>>) target(%dma_start3A_281 : memref<400xi32, #tpu.memory_space<vmem>>) target_semaphore(%dma_start3A_278 : memref<!tpu.dma_semaphore, #tpu.memory_space<semaphore_mem>>)
        } else {
        }
        %dma_wait3A_219 = arith.constant 1 : i32
        %dma_wait3A_220 = arith.constant 1 : i32
        %dma_wait3A_221 = arith.constant 0 : i32
        %dma_wait3A_222 = arith.constant 0 : i32
        %dma_wait3A_223 = tpu.memref_slice %arg11[%dma_wait3A_219, %dma_wait3A_221, %dma_wait3A_222] : memref<2x400x32xf32, #tpu.memory_space<vmem>> -> memref<1x400x32xf32, #tpu.memory_space<vmem>>
        %dma_wait3A_224 = tpu.memref_squeeze %dma_wait3A_223 : memref<1x400x32xf32, #tpu.memory_space<vmem>> -> memref<400x32xf32, #tpu.memory_space<vmem>>
        %dma_wait3A_225 = arith.constant 0 : i32
        %dma_wait3A_226 = arith.constant 0 : i32
        %dma_wait3A_227 = tpu.memref_slice %arg2[%dma_wait3A_225, %dma_wait3A_226] : memref<50048x32xf32, #tpu.memory_space<hbm>> -> memref<400x32xf32, #tpu.memory_space<hbm>>
        %dma_wait3A_228 = tpu.memref_slice %arg14[%dma_wait3A_220] : memref<2x!tpu.dma_semaphore, #tpu.memory_space<semaphore_mem>> -> memref<1x!tpu.dma_semaphore, #tpu.memory_space<semaphore_mem>>
        %dma_wait3A_229 = tpu.memref_squeeze %dma_wait3A_228 : memref<1x!tpu.dma_semaphore, #tpu.memory_space<semaphore_mem>> -> memref<!tpu.dma_semaphore, #tpu.memory_space<semaphore_mem>>
        %dma_wait3A_230 = arith.constant 0 : i32
        %dma_wait3A_231 = arith.constant 0 : i32
        %dma_wait3A_232 = tpu.memref_slice %arg11[%dma_wait3A_219, %dma_wait3A_230, %dma_wait3A_231] : memref<2x400x32xf32, #tpu.memory_space<vmem>> -> memref<1x400x32xf32, #tpu.memory_space<vmem>>
        %dma_wait3A_233 = tpu.memref_squeeze %dma_wait3A_232 : memref<1x400x32xf32, #tpu.memory_space<vmem>> -> memref<400x32xf32, #tpu.memory_space<vmem>>
        %dma_wait3A_234 = arith.constant 0 : i32
        %dma_wait3A_235 = arith.constant 0 : i32
        %dma_wait3A_236 = tpu.memref_slice %arg2[%dma_wait3A_234, %dma_wait3A_235] : memref<50048x32xf32, #tpu.memory_space<hbm>> -> memref<400x32xf32, #tpu.memory_space<hbm>>
        tpu.wait_dma2 semaphore(%dma_wait3A_229 : memref<!tpu.dma_semaphore, #tpu.memory_space<semaphore_mem>>) src(%dma_wait3A_236 : memref<400x32xf32, #tpu.memory_space<hbm>>) dst(%dma_wait3A_233 : memref<400x32xf32, #tpu.memory_space<vmem>>)
        %dma_start3A_237 = arith.constant 1 : i32
        %dma_start3A_238 = arith.constant 1 : i32
        %dma_start3A_239 = arith.constant 1 : i32
        %dma_start3A_240 = arith.constant 0 : i32
        %dma_start3A_241 = arith.constant 0 : i32
        %dma_start3A_242 = tpu.memref_slice %arg11[%dma_start3A_237, %dma_start3A_240, %dma_start3A_241] : memref<2x400x32xf32, #tpu.memory_space<vmem>> -> memref<1x400x32xf32, #tpu.memory_space<vmem>>
        %dma_start3A_243 = tpu.memref_squeeze %dma_start3A_242 : memref<1x400x32xf32, #tpu.memory_space<vmem>> -> memref<400x32xf32, #tpu.memory_space<vmem>>
        %dma_start3A_244 = arith.constant 0 : i32
        %dma_start3A_245 = tpu.memref_slice %arg10[%dma_start3A_238, %dma_start3A_244] : memref<2x400xi32, #tpu.memory_space<vmem>> -> memref<1x400xi32, #tpu.memory_space<vmem>>
        %dma_start3A_246 = tpu.memref_squeeze %dma_start3A_245 : memref<1x400xi32, #tpu.memory_space<vmem>> -> memref<400xi32, #tpu.memory_space<vmem>>
        %dma_start3A_247 = arith.constant 0 : i32
        %dma_start3A_248 = arith.constant 0 : i32
        %dma_start3A_249 = tpu.memref_slice %arg12[%dma_start3A_247, %dma_start3A_248] : memref<50048x32xf32, #tpu.memory_space<vmem_shared>> -> memref<50048x32xf32, #tpu.memory_space<vmem_shared>>
        %dma_start3A_250 = tpu.memref_slice %arg15[%dma_start3A_239] : memref<2x!tpu.dma_semaphore, #tpu.memory_space<semaphore_mem>> -> memref<1x!tpu.dma_semaphore, #tpu.memory_space<semaphore_mem>>
        %dma_start3A_251 = tpu.memref_squeeze %dma_start3A_250 : memref<1x!tpu.dma_semaphore, #tpu.memory_space<semaphore_mem>> -> memref<!tpu.dma_semaphore, #tpu.memory_space<semaphore_mem>>
        tpu.enqueue_indirect_dma source(%dma_start3A_243 : memref<400x32xf32, #tpu.memory_space<vmem>>) target(%dma_start3A_249 : memref<50048x32xf32, #tpu.memory_space<vmem_shared>>) offsets(%dma_start3A_246 : memref<400xi32, #tpu.memory_space<vmem>>) semaphore(%dma_start3A_251 : memref<!tpu.dma_semaphore, #tpu.memory_space<semaphore_mem>>) {add = true}
      }
      %scan3A_51 = arith.constant 128 : i32
      %dma_wait3A = arith.constant 1 : i32
      %dma_wait3A_52 = arith.constant 1 : i32
      %dma_wait3A_53 = arith.constant 0 : i32
      %dma_wait3A_54 = arith.constant 0 : i32
      %dma_wait3A_55 = tpu.memref_slice %arg11[%dma_wait3A, %dma_wait3A_53, %dma_wait3A_54] : memref<2x400x32xf32, #tpu.memory_space<vmem>> -> memref<1x400x32xf32, #tpu.memory_space<vmem>>
      %dma_wait3A_56 = tpu.memref_squeeze %dma_wait3A_55 : memref<1x400x32xf32, #tpu.memory_space<vmem>> -> memref<400x32xf32, #tpu.memory_space<vmem>>
      %dma_wait3A_57 = arith.constant 0 : i32
      %dma_wait3A_58 = arith.constant 0 : i32
      %dma_wait3A_59 = tpu.memref_slice %arg2[%dma_wait3A_57, %dma_wait3A_58] : memref<50048x32xf32, #tpu.memory_space<hbm>> -> memref<400x32xf32, #tpu.memory_space<hbm>>
      %dma_wait3A_60 = tpu.memref_slice %arg15[%dma_wait3A_52] : memref<2x!tpu.dma_semaphore, #tpu.memory_space<semaphore_mem>> -> memref<1x!tpu.dma_semaphore, #tpu.memory_space<semaphore_mem>>
      %dma_wait3A_61 = tpu.memref_squeeze %dma_wait3A_60 : memref<1x!tpu.dma_semaphore, #tpu.memory_space<semaphore_mem>> -> memref<!tpu.dma_semaphore, #tpu.memory_space<semaphore_mem>>
      %dma_wait3A_62 = arith.constant 0 : i32
      %dma_wait3A_63 = arith.constant 0 : i32
      %dma_wait3A_64 = tpu.memref_slice %arg11[%dma_wait3A, %dma_wait3A_62, %dma_wait3A_63] : memref<2x400x32xf32, #tpu.memory_space<vmem>> -> memref<1x400x32xf32, #tpu.memory_space<vmem>>
      %dma_wait3A_65 = tpu.memref_squeeze %dma_wait3A_64 : memref<1x400x32xf32, #tpu.memory_space<vmem>> -> memref<400x32xf32, #tpu.memory_space<vmem>>
      %dma_wait3A_66 = arith.constant 0 : i32
      %dma_wait3A_67 = arith.constant 0 : i32
      %dma_wait3A_68 = tpu.memref_slice %arg2[%dma_wait3A_66, %dma_wait3A_67] : memref<50048x32xf32, #tpu.memory_space<hbm>> -> memref<400x32xf32, #tpu.memory_space<hbm>>
      tpu.wait_dma2 semaphore(%dma_wait3A_61 : memref<!tpu.dma_semaphore, #tpu.memory_space<semaphore_mem>>) src(%dma_wait3A_68 : memref<400x32xf32, #tpu.memory_space<hbm>>) dst(%dma_wait3A_65 : memref<400x32xf32, #tpu.memory_space<vmem>>)
    } else {
    }
    %barrier3A_10 = arith.constant 0 : index
    tpu.barrier barrier_id(%barrier3A_10)
    %eq3A_11 = arith.constant 0 : i32
    %eq3A_12 = arith.cmpi eq, %arg0, %eq3A_11 : i32
    %convert_element_type3A_13 = arith.extui %eq3A_12 : i1 to i32
    %cond3A_14 = arith.constant 0 : i32
    %cond3A_15 = arith.cmpi ne, %convert_element_type3A_13, %cond3A_14 : i32
    scf.if %cond3A_15 {
      %mul3A_21 = arith.constant 3125 : i32
      %mul3A_22 = arith.muli %arg1, %mul3A_21 : i32
      %mul3A_23 = arith.constant 3125 : i32
      %mul3A_24 = arith.muli %arg1, %mul3A_23 : i32
      "tpu.region"() ({
        %run_scoped3A = tpu.sem_alloc : memref<!tpu.dma_semaphore, #tpu.memory_space<semaphore_mem>>
        %dma_start3A = arith.constant 0 : i32
        %dma_start3A_25 = tpu.memref_slice %arg7[%mul3A_24, %dma_start3A] : memref<50000x32xf32, #tpu.memory_space<hbm>> -> memref<3125x32xf32, #tpu.memory_space<hbm>>
        %dma_start3A_26 = arith.constant 0 : i32
        %dma_start3A_27 = tpu.memref_slice %arg12[%mul3A_22, %dma_start3A_26] : memref<50048x32xf32, #tpu.memory_space<vmem_shared>> -> memref<3125x32xf32, #tpu.memory_space<vmem_shared>>
        tpu.enqueue_dma source(%dma_start3A_27 : memref<3125x32xf32, #tpu.memory_space<vmem_shared>>) target(%dma_start3A_25 : memref<3125x32xf32, #tpu.memory_space<hbm>>) target_semaphore(%run_scoped3A : memref<!tpu.dma_semaphore, #tpu.memory_space<semaphore_mem>>)
        %dma_wait3A = arith.constant 0 : i32
        %dma_wait3A_28 = tpu.memref_slice %arg7[%mul3A_24, %dma_wait3A] : memref<50000x32xf32, #tpu.memory_space<hbm>> -> memref<3125x32xf32, #tpu.memory_space<hbm>>
        %dma_wait3A_29 = arith.constant 0 : i32
        %dma_wait3A_30 = tpu.memref_slice %arg12[%mul3A_22, %dma_wait3A_29] : memref<50048x32xf32, #tpu.memory_space<vmem_shared>> -> memref<3125x32xf32, #tpu.memory_space<vmem_shared>>
        tpu.wait_dma2 semaphore(%run_scoped3A : memref<!tpu.dma_semaphore, #tpu.memory_space<semaphore_mem>>) src(%dma_wait3A_30 : memref<3125x32xf32, #tpu.memory_space<vmem_shared>>) dst(%dma_wait3A_28 : memref<3125x32xf32, #tpu.memory_space<hbm>>)
        tpu.yield
      }) : () -> ()
    } else {
    }
    %eq3A_16 = arith.constant 1 : i32
    %eq3A_17 = arith.cmpi eq, %arg0, %eq3A_16 : i32
    %convert_element_type3A_18 = arith.extui %eq3A_17 : i1 to i32
    %cond3A_19 = arith.constant 0 : i32
    %cond3A_20 = arith.cmpi ne, %convert_element_type3A_18, %cond3A_19 : i32
    scf.if %cond3A_20 {
      %mul3A_21 = arith.constant 3125 : i32
      %mul3A_22 = arith.muli %arg1, %mul3A_21 : i32
      %mul3A_23 = arith.constant 3125 : i32
      %mul3A_24 = arith.muli %arg1, %mul3A_23 : i32
      "tpu.region"() ({
        %run_scoped3A = tpu.sem_alloc : memref<!tpu.dma_semaphore, #tpu.memory_space<semaphore_mem>>
        %dma_start3A = arith.constant 0 : i32
        %dma_start3A_25 = tpu.memref_slice %arg8[%mul3A_24, %dma_start3A] : memref<50000x32xf32, #tpu.memory_space<hbm>> -> memref<3125x32xf32, #tpu.memory_space<hbm>>
        %dma_start3A_26 = arith.constant 0 : i32
        %dma_start3A_27 = tpu.memref_slice %arg12[%mul3A_22, %dma_start3A_26] : memref<50048x32xf32, #tpu.memory_space<vmem_shared>> -> memref<3125x32xf32, #tpu.memory_space<vmem_shared>>
        tpu.enqueue_dma source(%dma_start3A_27 : memref<3125x32xf32, #tpu.memory_space<vmem_shared>>) target(%dma_start3A_25 : memref<3125x32xf32, #tpu.memory_space<hbm>>) target_semaphore(%run_scoped3A : memref<!tpu.dma_semaphore, #tpu.memory_space<semaphore_mem>>)
        %dma_wait3A = arith.constant 0 : i32
        %dma_wait3A_28 = tpu.memref_slice %arg8[%mul3A_24, %dma_wait3A] : memref<50000x32xf32, #tpu.memory_space<hbm>> -> memref<3125x32xf32, #tpu.memory_space<hbm>>
        %dma_wait3A_29 = arith.constant 0 : i32
        %dma_wait3A_30 = tpu.memref_slice %arg12[%mul3A_22, %dma_wait3A_29] : memref<50048x32xf32, #tpu.memory_space<vmem_shared>> -> memref<3125x32xf32, #tpu.memory_space<vmem_shared>>
        tpu.wait_dma2 semaphore(%run_scoped3A : memref<!tpu.dma_semaphore, #tpu.memory_space<semaphore_mem>>) src(%dma_wait3A_30 : memref<3125x32xf32, #tpu.memory_space<vmem_shared>>) dst(%dma_wait3A_28 : memref<3125x32xf32, #tpu.memory_space<hbm>>)
        tpu.yield
      }) : () -> ()
    } else {
    }
    return
  }
}

#map = affine_map<(d0, d1) -> (0)>
module attributes {stable_mosaic.version = 14 : i64} {
  func.func @degk(%arg0: i32, %arg1: i32, %arg2: memref<1638400xi32, #tpu.memory_space<hbm>>, %arg3: memref<1638400xi32, #tpu.memory_space<hbm>>, %arg4: memref<50048xf32, #tpu.memory_space<hbm>>, %arg5: memref<50048xf32, #tpu.memory_space<hbm>>, %arg6: memref<50048xf32, #tpu.memory_space<hbm>>, %arg7: memref<6400xi32, #tpu.memory_space<vmem>>, %arg8: memref<6400xf32, #tpu.memory_space<vmem>>, %arg9: memref<50048xf32, #tpu.memory_space<vmem_shared>>) attributes {dimension_semantics = [#tpu.dimension_semantics<core_parallel>, #tpu.dimension_semantics<subcore_parallel>], iteration_bounds = array<i64: 2, 16>, scalar_prefetch = 0 : i64, scratch_operands = 3 : i64, tpu.core_type = #tpu.core_type<sc_vector_subcore>, window_params = [{transform_indices = #map}, {transform_indices = #map}, {transform_indices = #map}, {transform_indices = #map}, {transform_indices = #map}]} {
    %mul3A = arith.constant 3128 : i32
    %mul3A_0 = arith.muli %arg1, %mul3A : i32
    %mul3A_1 = arith.constant 3128 : i32
    %mul3A_2 = arith.muli %arg1, %mul3A_1 : i32
    "tpu.region"() ({
      %run_scoped3A = tpu.sem_alloc : memref<!tpu.dma_semaphore, #tpu.memory_space<semaphore_mem>>
      %dma_start3A = tpu.memref_slice %arg9[%mul3A_2] : memref<50048xf32, #tpu.memory_space<vmem_shared>> -> memref<3128xf32, #tpu.memory_space<vmem_shared>>
      %dma_start3A_26 = tpu.memref_slice %arg4[%mul3A_0] : memref<50048xf32, #tpu.memory_space<hbm>> -> memref<3128xf32, #tpu.memory_space<hbm>>
      tpu.enqueue_dma source(%dma_start3A_26 : memref<3128xf32, #tpu.memory_space<hbm>>) target(%dma_start3A : memref<3128xf32, #tpu.memory_space<vmem_shared>>) target_semaphore(%run_scoped3A : memref<!tpu.dma_semaphore, #tpu.memory_space<semaphore_mem>>)
      %dma_wait3A = tpu.memref_slice %arg9[%mul3A_2] : memref<50048xf32, #tpu.memory_space<vmem_shared>> -> memref<3128xf32, #tpu.memory_space<vmem_shared>>
      %dma_wait3A_27 = tpu.memref_slice %arg4[%mul3A_0] : memref<50048xf32, #tpu.memory_space<hbm>> -> memref<3128xf32, #tpu.memory_space<hbm>>
      tpu.wait_dma2 semaphore(%run_scoped3A : memref<!tpu.dma_semaphore, #tpu.memory_space<semaphore_mem>>) src(%dma_wait3A_27 : memref<3128xf32, #tpu.memory_space<hbm>>) dst(%dma_wait3A : memref<3128xf32, #tpu.memory_space<vmem_shared>>)
      tpu.yield
    }) : () -> ()
    %scan3A = arith.constant 0 : i32
    %scan3A_3 = arith.constant 0 : i32
    %scan3A_4 = arith.constant 400 : i32
    %scan3A_5 = arith.addi %scan3A_3, %scan3A_4 : i32
    %scan3A_6 = arith.constant 1 : i32
    scf.for %scan3A_26 = %scan3A_3 to %scan3A_5 step %scan3A_6  : i32 {
      %broadcast_in_dim3A = arith.constant 1.000000e+00 : f32
      %broadcast_in_dim3A_27 = vector.broadcast %broadcast_in_dim3A : f32 to vector<16xf32>
      %mul3A_28 = arith.constant 16 : i32
      %mul3A_29 = arith.muli %mul3A_28, %scan3A_26 : i32
      %swap3A = arith.index_cast %mul3A_29 : i32 to index
      %swap3A_30 = tpu.vector_load %arg8[%swap3A] {strides = array<i32>} : memref<6400xf32, #tpu.memory_space<vmem>>, vector<16xf32>,
      tpu.vector_store %arg8[%swap3A], %broadcast_in_dim3A_27 {strides = array<i32>} : memref<6400xf32, #tpu.memory_space<vmem>>, vector<16xf32>,
    }
    %scan3A_7 = arith.constant 400 : i32
    %barrier3A = arith.constant 0 : index
    tpu.barrier barrier_id(%barrier3A)
    %eq3A = arith.constant 0 : i32
    %eq3A_8 = arith.cmpi eq, %arg0, %eq3A : i32
    %convert_element_type3A = arith.extui %eq3A_8 : i1 to i32
    %cond3A = arith.constant 0 : i32
    %cond3A_9 = arith.cmpi ne, %convert_element_type3A, %cond3A : i32
    scf.if %cond3A_9 {
      %scan3A_26 = arith.constant 0 : i32
      %scan3A_27 = arith.constant 0 : i32
      %scan3A_28 = arith.constant 16 : i32
      %scan3A_29 = arith.addi %scan3A_27, %scan3A_28 : i32
      %scan3A_30 = arith.constant 1 : i32
      scf.for %scan3A_32 = %scan3A_27 to %scan3A_29 step %scan3A_30  : i32 {
        %mul3A_33 = arith.constant 102400 : i32
        %mul3A_34 = arith.muli %arg1, %mul3A_33 : i32
        %mul3A_35 = arith.constant 6400 : i32
        %mul3A_36 = arith.muli %scan3A_32, %mul3A_35 : i32
        %add3A = arith.addi %mul3A_34, %mul3A_36 : i32
        "tpu.region"() ({
          %run_scoped3A = tpu.sem_alloc : memref<!tpu.dma_semaphore, #tpu.memory_space<semaphore_mem>>
          %dma_start3A = tpu.memref_slice %arg2[%add3A] : memref<1638400xi32, #tpu.memory_space<hbm>> -> memref<6400xi32, #tpu.memory_space<hbm>>
          %dma_start3A_37 = tpu.memref_slice %arg2[%add3A] : memref<1638400xi32, #tpu.memory_space<hbm>> -> memref<6400xi32, #tpu.memory_space<hbm>>
          tpu.enqueue_dma source(%dma_start3A_37 : memref<6400xi32, #tpu.memory_space<hbm>>) target(%arg7 : memref<6400xi32, #tpu.memory_space<vmem>>) target_semaphore(%run_scoped3A : memref<!tpu.dma_semaphore, #tpu.memory_space<semaphore_mem>>)
          %dma_wait3A = tpu.memref_slice %arg2[%add3A] : memref<1638400xi32, #tpu.memory_space<hbm>> -> memref<6400xi32, #tpu.memory_space<hbm>>
          %dma_wait3A_38 = tpu.memref_slice %arg2[%add3A] : memref<1638400xi32, #tpu.memory_space<hbm>> -> memref<6400xi32, #tpu.memory_space<hbm>>
          tpu.wait_dma2 semaphore(%run_scoped3A : memref<!tpu.dma_semaphore, #tpu.memory_space<semaphore_mem>>) src(%dma_wait3A_38 : memref<6400xi32, #tpu.memory_space<hbm>>) dst(%arg7 : memref<6400xi32, #tpu.memory_space<vmem>>)
          tpu.yield
        }) : () -> ()
        "tpu.region"() ({
          %run_scoped3A = tpu.sem_alloc : memref<!tpu.dma_semaphore, #tpu.memory_space<semaphore_mem>>
          %dma_start3A = arith.constant 0 : i32
          %dma_start3A_37 = tpu.memref_slice %arg9[%dma_start3A] : memref<50048xf32, #tpu.memory_space<vmem_shared>> -> memref<50048xf32, #tpu.memory_space<vmem_shared>>
          tpu.enqueue_indirect_dma source(%arg8 : memref<6400xf32, #tpu.memory_space<vmem>>) target(%dma_start3A_37 : memref<50048xf32, #tpu.memory_space<vmem_shared>>) offsets(%arg7 : memref<6400xi32, #tpu.memory_space<vmem>>) semaphore(%run_scoped3A : memref<!tpu.dma_semaphore, #tpu.memory_space<semaphore_mem>>) {add = true}
          %dma_wait3A = arith.constant 0 : i32
          %dma_wait3A_38 = tpu.memref_slice %arg9[%dma_wait3A] : memref<50048xf32, #tpu.memory_space<vmem_shared>> -> memref<50048xf32, #tpu.memory_space<vmem_shared>>
          tpu.wait_indirect_dma semaphore(%run_scoped3A : memref<!tpu.dma_semaphore, #tpu.memory_space<semaphore_mem>>) src(%arg8 : memref<6400xf32, #tpu.memory_space<vmem>>) dst(%dma_wait3A_38 : memref<50048xf32, #tpu.memory_space<vmem_shared>>)
          tpu.yield
        }) : () -> ()
      }
      %scan3A_31 = arith.constant 16 : i32
    } else {
    }
    %eq3A_10 = arith.constant 1 : i32
    %eq3A_11 = arith.cmpi eq, %arg0, %eq3A_10 : i32
    %convert_element_type3A_12 = arith.extui %eq3A_11 : i1 to i32
    %cond3A_13 = arith.constant 0 : i32
    %cond3A_14 = arith.cmpi ne, %convert_element_type3A_12, %cond3A_13 : i32
    scf.if %cond3A_14 {
      %scan3A_26 = arith.constant 0 : i32
      %scan3A_27 = arith.constant 0 : i32
      %scan3A_28 = arith.constant 16 : i32
      %scan3A_29 = arith.addi %scan3A_27, %scan3A_28 : i32
      %scan3A_30 = arith.constant 1 : i32
      scf.for %scan3A_32 = %scan3A_27 to %scan3A_29 step %scan3A_30  : i32 {
        %mul3A_33 = arith.constant 102400 : i32
        %mul3A_34 = arith.muli %arg1, %mul3A_33 : i32
        %mul3A_35 = arith.constant 6400 : i32
        %mul3A_36 = arith.muli %scan3A_32, %mul3A_35 : i32
        %add3A = arith.addi %mul3A_34, %mul3A_36 : i32
        "tpu.region"() ({
          %run_scoped3A = tpu.sem_alloc : memref<!tpu.dma_semaphore, #tpu.memory_space<semaphore_mem>>
          %dma_start3A = tpu.memref_slice %arg3[%add3A] : memref<1638400xi32, #tpu.memory_space<hbm>> -> memref<6400xi32, #tpu.memory_space<hbm>>
          %dma_start3A_37 = tpu.memref_slice %arg3[%add3A] : memref<1638400xi32, #tpu.memory_space<hbm>> -> memref<6400xi32, #tpu.memory_space<hbm>>
          tpu.enqueue_dma source(%dma_start3A_37 : memref<6400xi32, #tpu.memory_space<hbm>>) target(%arg7 : memref<6400xi32, #tpu.memory_space<vmem>>) target_semaphore(%run_scoped3A : memref<!tpu.dma_semaphore, #tpu.memory_space<semaphore_mem>>)
          %dma_wait3A = tpu.memref_slice %arg3[%add3A] : memref<1638400xi32, #tpu.memory_space<hbm>> -> memref<6400xi32, #tpu.memory_space<hbm>>
          %dma_wait3A_38 = tpu.memref_slice %arg3[%add3A] : memref<1638400xi32, #tpu.memory_space<hbm>> -> memref<6400xi32, #tpu.memory_space<hbm>>
          tpu.wait_dma2 semaphore(%run_scoped3A : memref<!tpu.dma_semaphore, #tpu.memory_space<semaphore_mem>>) src(%dma_wait3A_38 : memref<6400xi32, #tpu.memory_space<hbm>>) dst(%arg7 : memref<6400xi32, #tpu.memory_space<vmem>>)
          tpu.yield
        }) : () -> ()
        "tpu.region"() ({
          %run_scoped3A = tpu.sem_alloc : memref<!tpu.dma_semaphore, #tpu.memory_space<semaphore_mem>>
          %dma_start3A = arith.constant 0 : i32
          %dma_start3A_37 = tpu.memref_slice %arg9[%dma_start3A] : memref<50048xf32, #tpu.memory_space<vmem_shared>> -> memref<50048xf32, #tpu.memory_space<vmem_shared>>
          tpu.enqueue_indirect_dma source(%arg8 : memref<6400xf32, #tpu.memory_space<vmem>>) target(%dma_start3A_37 : memref<50048xf32, #tpu.memory_space<vmem_shared>>) offsets(%arg7 : memref<6400xi32, #tpu.memory_space<vmem>>) semaphore(%run_scoped3A : memref<!tpu.dma_semaphore, #tpu.memory_space<semaphore_mem>>) {add = true}
          %dma_wait3A = arith.constant 0 : i32
          %dma_wait3A_38 = tpu.memref_slice %arg9[%dma_wait3A] : memref<50048xf32, #tpu.memory_space<vmem_shared>> -> memref<50048xf32, #tpu.memory_space<vmem_shared>>
          tpu.wait_indirect_dma semaphore(%run_scoped3A : memref<!tpu.dma_semaphore, #tpu.memory_space<semaphore_mem>>) src(%arg8 : memref<6400xf32, #tpu.memory_space<vmem>>) dst(%dma_wait3A_38 : memref<50048xf32, #tpu.memory_space<vmem_shared>>)
          tpu.yield
        }) : () -> ()
      }
      %scan3A_31 = arith.constant 16 : i32
    } else {
    }
    %barrier3A_15 = arith.constant 0 : index
    tpu.barrier barrier_id(%barrier3A_15)
    %eq3A_16 = arith.constant 0 : i32
    %eq3A_17 = arith.cmpi eq, %arg0, %eq3A_16 : i32
    %convert_element_type3A_18 = arith.extui %eq3A_17 : i1 to i32
    %cond3A_19 = arith.constant 0 : i32
    %cond3A_20 = arith.cmpi ne, %convert_element_type3A_18, %cond3A_19 : i32
    scf.if %cond3A_20 {
      %mul3A_26 = arith.constant 3128 : i32
      %mul3A_27 = arith.muli %arg1, %mul3A_26 : i32
      %mul3A_28 = arith.constant 3128 : i32
      %mul3A_29 = arith.muli %arg1, %mul3A_28 : i32
      "tpu.region"() ({
        %run_scoped3A = tpu.sem_alloc : memref<!tpu.dma_semaphore, #tpu.memory_space<semaphore_mem>>
        %dma_start3A = tpu.memref_slice %arg5[%mul3A_29] : memref<50048xf32, #tpu.memory_space<hbm>> -> memref<3128xf32, #tpu.memory_space<hbm>>
        %dma_start3A_30 = tpu.memref_slice %arg9[%mul3A_27] : memref<50048xf32, #tpu.memory_space<vmem_shared>> -> memref<3128xf32, #tpu.memory_space<vmem_shared>>
        tpu.enqueue_dma source(%dma_start3A_30 : memref<3128xf32, #tpu.memory_space<vmem_shared>>) target(%dma_start3A : memref<3128xf32, #tpu.memory_space<hbm>>) target_semaphore(%run_scoped3A : memref<!tpu.dma_semaphore, #tpu.memory_space<semaphore_mem>>)
        %dma_wait3A = tpu.memref_slice %arg5[%mul3A_29] : memref<50048xf32, #tpu.memory_space<hbm>> -> memref<3128xf32, #tpu.memory_space<hbm>>
        %dma_wait3A_31 = tpu.memref_slice %arg9[%mul3A_27] : memref<50048xf32, #tpu.memory_space<vmem_shared>> -> memref<3128xf32, #tpu.memory_space<vmem_shared>>
        tpu.wait_dma2 semaphore(%run_scoped3A : memref<!tpu.dma_semaphore, #tpu.memory_space<semaphore_mem>>) src(%dma_wait3A_31 : memref<3128xf32, #tpu.memory_space<vmem_shared>>) dst(%dma_wait3A : memref<3128xf32, #tpu.memory_space<hbm>>)
        tpu.yield
      }) : () -> ()
    } else {
    }
    %eq3A_21 = arith.constant 1 : i32
    %eq3A_22 = arith.cmpi eq, %arg0, %eq3A_21 : i32
    %convert_element_type3A_23 = arith.extui %eq3A_22 : i1 to i32
    %cond3A_24 = arith.constant 0 : i32
    %cond3A_25 = arith.cmpi ne, %convert_element_type3A_23, %cond3A_24 : i32
    scf.if %cond3A_25 {
      %mul3A_26 = arith.constant 3128 : i32
      %mul3A_27 = arith.muli %arg1, %mul3A_26 : i32
      %mul3A_28 = arith.constant 3128 : i32
      %mul3A_29 = arith.muli %arg1, %mul3A_28 : i32
      "tpu.region"() ({
        %run_scoped3A = tpu.sem_alloc : memref<!tpu.dma_semaphore, #tpu.memory_space<semaphore_mem>>
        %dma_start3A = tpu.memref_slice %arg6[%mul3A_29] : memref<50048xf32, #tpu.memory_space<hbm>> -> memref<3128xf32, #tpu.memory_space<hbm>>
        %dma_start3A_30 = tpu.memref_slice %arg9[%mul3A_27] : memref<50048xf32, #tpu.memory_space<vmem_shared>> -> memref<3128xf32, #tpu.memory_space<vmem_shared>>
        tpu.enqueue_dma source(%dma_start3A_30 : memref<3128xf32, #tpu.memory_space<vmem_shared>>) target(%dma_start3A : memref<3128xf32, #tpu.memory_space<hbm>>) target_semaphore(%run_scoped3A : memref<!tpu.dma_semaphore, #tpu.memory_space<semaphore_mem>>)
        %dma_wait3A = tpu.memref_slice %arg6[%mul3A_29] : memref<50048xf32, #tpu.memory_space<hbm>> -> memref<3128xf32, #tpu.memory_space<hbm>>
        %dma_wait3A_31 = tpu.memref_slice %arg9[%mul3A_27] : memref<50048xf32, #tpu.memory_space<vmem_shared>> -> memref<3128xf32, #tpu.memory_space<vmem_shared>>
        tpu.wait_dma2 semaphore(%run_scoped3A : memref<!tpu.dma_semaphore, #tpu.memory_space<semaphore_mem>>) src(%dma_wait3A_31 : memref<3128xf32, #tpu.memory_space<vmem_shared>>) dst(%dma_wait3A : memref<3128xf32, #tpu.memory_space<hbm>>)
        tpu.yield
      }) : () -> ()
    } else {
    }
    return
  }
}

#map = affine_map<(d0, d1) -> (0, 0)>
#map1 = affine_map<(d0, d1) -> (0)>
module attributes {stable_mosaic.version = 14 : i64} {
  func.func @dec(%arg0: i32, %arg1: i32, %arg2: memref<50000x32xf32, #tpu.memory_space<hbm>>, %arg3: memref<50000x32xf32, #tpu.memory_space<hbm>>, %arg4: memref<16384xi32, #tpu.memory_space<hbm>>, %arg5: memref<16384xi32, #tpu.memory_space<hbm>>, %arg6: memref<16384xf32, #tpu.memory_space<hbm>>, %arg7: memref<512xi32, #tpu.memory_space<vmem>>, %arg8: memref<512xi32, #tpu.memory_space<vmem>>, %arg9: memref<512x32xf32, #tpu.memory_space<vmem>>, %arg10: memref<512x32xf32, #tpu.memory_space<vmem>>, %arg11: memref<512xf32, #tpu.memory_space<vmem>>, %arg12: memref<!tpu.dma_semaphore, #tpu.memory_space<semaphore_mem>>) attributes {dimension_semantics = [#tpu.dimension_semantics<core_parallel>, #tpu.dimension_semantics<subcore_parallel>], iteration_bounds = array<i64: 2, 16>, scalar_prefetch = 0 : i64, scratch_operands = 6 : i64, tpu.core_type = #tpu.core_type<sc_vector_subcore>, window_params = [{transform_indices = #map}, {transform_indices = #map}, {transform_indices = #map1}, {transform_indices = #map1}, {transform_indices = #map1}]} {
    %mul3A = arith.constant 2 : i32
    %mul3A_0 = arith.muli %arg1, %mul3A : i32
    %add3A = arith.addi %mul3A_0, %arg0 : i32
    %mul3A_1 = arith.constant 512 : i32
    %mul3A_2 = arith.muli %add3A, %mul3A_1 : i32
    "tpu.region"() ({
      %run_scoped3A = tpu.sem_alloc : memref<!tpu.dma_semaphore, #tpu.memory_space<semaphore_mem>>
      %dma_start3A_18 = tpu.memref_slice %arg4[%mul3A_2] : memref<16384xi32, #tpu.memory_space<hbm>> -> memref<512xi32, #tpu.memory_space<hbm>>
      %dma_start3A_19 = tpu.memref_slice %arg4[%mul3A_2] : memref<16384xi32, #tpu.memory_space<hbm>> -> memref<512xi32, #tpu.memory_space<hbm>>
      tpu.enqueue_dma source(%dma_start3A_19 : memref<512xi32, #tpu.memory_space<hbm>>) target(%arg7 : memref<512xi32, #tpu.memory_space<vmem>>) target_semaphore(%run_scoped3A : memref<!tpu.dma_semaphore, #tpu.memory_space<semaphore_mem>>)
      %dma_wait3A_20 = tpu.memref_slice %arg4[%mul3A_2] : memref<16384xi32, #tpu.memory_space<hbm>> -> memref<512xi32, #tpu.memory_space<hbm>>
      %dma_wait3A_21 = tpu.memref_slice %arg4[%mul3A_2] : memref<16384xi32, #tpu.memory_space<hbm>> -> memref<512xi32, #tpu.memory_space<hbm>>
      tpu.wait_dma2 semaphore(%run_scoped3A : memref<!tpu.dma_semaphore, #tpu.memory_space<semaphore_mem>>) src(%dma_wait3A_21 : memref<512xi32, #tpu.memory_space<hbm>>) dst(%arg7 : memref<512xi32, #tpu.memory_space<vmem>>)
      tpu.yield
    }) : () -> ()
    "tpu.region"() ({
      %run_scoped3A = tpu.sem_alloc : memref<!tpu.dma_semaphore, #tpu.memory_space<semaphore_mem>>
      %dma_start3A_18 = tpu.memref_slice %arg5[%mul3A_2] : memref<16384xi32, #tpu.memory_space<hbm>> -> memref<512xi32, #tpu.memory_space<hbm>>
      %dma_start3A_19 = tpu.memref_slice %arg5[%mul3A_2] : memref<16384xi32, #tpu.memory_space<hbm>> -> memref<512xi32, #tpu.memory_space<hbm>>
      tpu.enqueue_dma source(%dma_start3A_19 : memref<512xi32, #tpu.memory_space<hbm>>) target(%arg8 : memref<512xi32, #tpu.memory_space<vmem>>) target_semaphore(%run_scoped3A : memref<!tpu.dma_semaphore, #tpu.memory_space<semaphore_mem>>)
      %dma_wait3A_20 = tpu.memref_slice %arg5[%mul3A_2] : memref<16384xi32, #tpu.memory_space<hbm>> -> memref<512xi32, #tpu.memory_space<hbm>>
      %dma_wait3A_21 = tpu.memref_slice %arg5[%mul3A_2] : memref<16384xi32, #tpu.memory_space<hbm>> -> memref<512xi32, #tpu.memory_space<hbm>>
      tpu.wait_dma2 semaphore(%run_scoped3A : memref<!tpu.dma_semaphore, #tpu.memory_space<semaphore_mem>>) src(%dma_wait3A_21 : memref<512xi32, #tpu.memory_space<hbm>>) dst(%arg8 : memref<512xi32, #tpu.memory_space<vmem>>)
      tpu.yield
    }) : () -> ()
    %dma_start3A = arith.constant 0 : i32
    %dma_start3A_3 = arith.constant 0 : i32
    %dma_start3A_4 = tpu.memref_slice %arg2[%dma_start3A, %dma_start3A_3] : memref<50000x32xf32, #tpu.memory_space<hbm>> -> memref<50000x32xf32, #tpu.memory_space<hbm>>
    tpu.enqueue_indirect_dma source(%dma_start3A_4 : memref<50000x32xf32, #tpu.memory_space<hbm>>) target(%arg9 : memref<512x32xf32, #tpu.memory_space<vmem>>) offsets(%arg7 : memref<512xi32, #tpu.memory_space<vmem>>) semaphore(%arg12 : memref<!tpu.dma_semaphore, #tpu.memory_space<semaphore_mem>>)
    %dma_wait3A = arith.constant 0 : i32
    %dma_wait3A_5 = arith.constant 0 : i32
    %dma_wait3A_6 = tpu.memref_slice %arg2[%dma_wait3A, %dma_wait3A_5] : memref<50000x32xf32, #tpu.memory_space<hbm>> -> memref<50000x32xf32, #tpu.memory_space<hbm>>
    tpu.wait_indirect_dma semaphore(%arg12 : memref<!tpu.dma_semaphore, #tpu.memory_space<semaphore_mem>>) src(%dma_wait3A_6 : memref<50000x32xf32, #tpu.memory_space<hbm>>) dst(%arg9 : memref<512x32xf32, #tpu.memory_space<vmem>>)
    %dma_start3A_7 = arith.constant 0 : i32
    %dma_start3A_8 = arith.constant 0 : i32
    %dma_start3A_9 = tpu.memref_slice %arg3[%dma_start3A_7, %dma_start3A_8] : memref<50000x32xf32, #tpu.memory_space<hbm>> -> memref<50000x32xf32, #tpu.memory_space<hbm>>
    tpu.enqueue_indirect_dma source(%dma_start3A_9 : memref<50000x32xf32, #tpu.memory_space<hbm>>) target(%arg10 : memref<512x32xf32, #tpu.memory_space<vmem>>) offsets(%arg8 : memref<512xi32, #tpu.memory_space<vmem>>) semaphore(%arg12 : memref<!tpu.dma_semaphore, #tpu.memory_space<semaphore_mem>>)
    %dma_wait3A_10 = arith.constant 0 : i32
    %dma_wait3A_11 = arith.constant 0 : i32
    %dma_wait3A_12 = tpu.memref_slice %arg3[%dma_wait3A_10, %dma_wait3A_11] : memref<50000x32xf32, #tpu.memory_space<hbm>> -> memref<50000x32xf32, #tpu.memory_space<hbm>>
    tpu.wait_indirect_dma semaphore(%arg12 : memref<!tpu.dma_semaphore, #tpu.memory_space<semaphore_mem>>) src(%dma_wait3A_12 : memref<50000x32xf32, #tpu.memory_space<hbm>>) dst(%arg10 : memref<512x32xf32, #tpu.memory_space<vmem>>)
    %scan3A = arith.constant 0 : i32
    %scan3A_13 = arith.constant 0 : i32
    %scan3A_14 = arith.constant 32 : i32
    %scan3A_15 = arith.addi %scan3A_13, %scan3A_14 : i32
    %scan3A_16 = arith.constant 1 : i32
    scf.for %scan3A_18 = %scan3A_13 to %scan3A_15 step %scan3A_16  : i32 {
      %iota3A = tpu.iota {dimensions = array<i32: 0>} : vector<16xi32>
      %broadcast_in_dim3A = arith.constant 0.000000e+00 : f32
      %broadcast_in_dim3A_19 = vector.broadcast %broadcast_in_dim3A : f32 to vector<16xf32>
      %mul3A_20 = arith.constant 16 : i32
      %mul3A_21 = arith.muli %scan3A_18, %mul3A_20 : i32
      %add3A_22 = arith.constant 0 : i32
      %add3A_23 = arith.addi %mul3A_21, %add3A_22 : i32
      %get3A = arith.index_cast %add3A_23 : i32 to index
      %get3A_24 = arith.constant 0 : index
      %get3A_25 = tpu.vector_load %arg9[%get3A, %get3A_24] {strides = array<i32>} : memref<512x32xf32, #tpu.memory_space<vmem>>, vector<16xf32>,
      %get3A_26 = arith.index_cast %add3A_23 : i32 to index
      %get3A_27 = arith.constant 0 : index
      %get3A_28 = tpu.vector_load %arg10[%get3A_26, %get3A_27] {strides = array<i32>} : memref<512x32xf32, #tpu.memory_space<vmem>>, vector<16xf32>,
      %mul3A_29 = arith.mulf %get3A_25, %get3A_28 : vector<16xf32>
      %get3A_30 = arith.index_cast %add3A_23 : i32 to index
      %get3A_31 = arith.constant 16 : index
      %get3A_32 = tpu.vector_load %arg9[%get3A_30, %get3A_31] {strides = array<i32>} : memref<512x32xf32, #tpu.memory_space<vmem>>, vector<16xf32>,
      %get3A_33 = arith.index_cast %add3A_23 : i32 to index
      %get3A_34 = arith.constant 16 : index
      %get3A_35 = tpu.vector_load %arg10[%get3A_33, %get3A_34] {strides = array<i32>} : memref<512x32xf32, #tpu.memory_space<vmem>>, vector<16xf32>,
      %mul3A_36 = arith.mulf %get3A_32, %get3A_35 : vector<16xf32>
      %add3A_37 = arith.addf %mul3A_29, %mul3A_36 : vector<16xf32>
      %reduce_sum3A = arith.constant true
      %reduce_sum3A_38 = vector.broadcast %reduce_sum3A : i1 to vector<16xi1>
      %reduce_sum3A_39 = tpu.scan <sum>, %add3A_37 masked %reduce_sum3A_38 : vector<16xf32>, vector<16xi1> -> vector<16xf32>
      %reduce_sum3A_40 = vector.extract %reduce_sum3A_39[15] : f32 from vector<16xf32>
      %eq3A = arith.constant 0 : i32
      %eq3A_41 = vector.broadcast %eq3A : i32 to vector<16xi32>
      %eq3A_42 = arith.cmpi eq, %iota3A, %eq3A_41 : vector<16xi32>
      %broadcast_in_dim3A_43 = vector.broadcast %reduce_sum3A_40 : f32 to vector<16xf32>
      %select_n3A = arith.select %eq3A_42, %broadcast_in_dim3A_43, %broadcast_in_dim3A_19 : vector<16xi1>, vector<16xf32>
      %mul3A_44 = arith.constant 16 : i32
      %mul3A_45 = arith.muli %scan3A_18, %mul3A_44 : i32
      %add3A_46 = arith.constant 1 : i32
      %add3A_47 = arith.addi %mul3A_45, %add3A_46 : i32
      %get3A_48 = arith.index_cast %add3A_47 : i32 to index
      %get3A_49 = arith.constant 0 : index
      %get3A_50 = tpu.vector_load %arg9[%get3A_48, %get3A_49] {strides = array<i32>} : memref<512x32xf32, #tpu.memory_space<vmem>>, vector<16xf32>,
      %get3A_51 = arith.index_cast %add3A_47 : i32 to index
      %get3A_52 = arith.constant 0 : index
      %get3A_53 = tpu.vector_load %arg10[%get3A_51, %get3A_52] {strides = array<i32>} : memref<512x32xf32, #tpu.memory_space<vmem>>, vector<16xf32>,
      %mul3A_54 = arith.mulf %get3A_50, %get3A_53 : vector<16xf32>
      %get3A_55 = arith.index_cast %add3A_47 : i32 to index
      %get3A_56 = arith.constant 16 : index
      %get3A_57 = tpu.vector_load %arg9[%get3A_55, %get3A_56] {strides = array<i32>} : memref<512x32xf32, #tpu.memory_space<vmem>>, vector<16xf32>,
      %get3A_58 = arith.index_cast %add3A_47 : i32 to index
      %get3A_59 = arith.constant 16 : index
      %get3A_60 = tpu.vector_load %arg10[%get3A_58, %get3A_59] {strides = array<i32>} : memref<512x32xf32, #tpu.memory_space<vmem>>, vector<16xf32>,
      %mul3A_61 = arith.mulf %get3A_57, %get3A_60 : vector<16xf32>
      %add3A_62 = arith.addf %mul3A_54, %mul3A_61 : vector<16xf32>
      %reduce_sum3A_63 = arith.constant true
      %reduce_sum3A_64 = vector.broadcast %reduce_sum3A_63 : i1 to vector<16xi1>
      %reduce_sum3A_65 = tpu.scan <sum>, %add3A_62 masked %reduce_sum3A_64 : vector<16xf32>, vector<16xi1> -> vector<16xf32>
      %reduce_sum3A_66 = vector.extract %reduce_sum3A_65[15] : f32 from vector<16xf32>
      %eq3A_67 = arith.constant 1 : i32
      %eq3A_68 = vector.broadcast %eq3A_67 : i32 to vector<16xi32>
      %eq3A_69 = arith.cmpi eq, %iota3A, %eq3A_68 : vector<16xi32>
      %broadcast_in_dim3A_70 = vector.broadcast %reduce_sum3A_66 : f32 to vector<16xf32>
      %select_n3A_71 = arith.select %eq3A_69, %broadcast_in_dim3A_70, %select_n3A : vector<16xi1>, vector<16xf32>
      %mul3A_72 = arith.constant 16 : i32
      %mul3A_73 = arith.muli %scan3A_18, %mul3A_72 : i32
      %add3A_74 = arith.constant 2 : i32
      %add3A_75 = arith.addi %mul3A_73, %add3A_74 : i32
      %get3A_76 = arith.index_cast %add3A_75 : i32 to index
      %get3A_77 = arith.constant 0 : index
      %get3A_78 = tpu.vector_load %arg9[%get3A_76, %get3A_77] {strides = array<i32>} : memref<512x32xf32, #tpu.memory_space<vmem>>, vector<16xf32>,
      %get3A_79 = arith.index_cast %add3A_75 : i32 to index
      %get3A_80 = arith.constant 0 : index
      %get3A_81 = tpu.vector_load %arg10[%get3A_79, %get3A_80] {strides = array<i32>} : memref<512x32xf32, #tpu.memory_space<vmem>>, vector<16xf32>,
      %mul3A_82 = arith.mulf %get3A_78, %get3A_81 : vector<16xf32>
      %get3A_83 = arith.index_cast %add3A_75 : i32 to index
      %get3A_84 = arith.constant 16 : index
      %get3A_85 = tpu.vector_load %arg9[%get3A_83, %get3A_84] {strides = array<i32>} : memref<512x32xf32, #tpu.memory_space<vmem>>, vector<16xf32>,
      %get3A_86 = arith.index_cast %add3A_75 : i32 to index
      %get3A_87 = arith.constant 16 : index
      %get3A_88 = tpu.vector_load %arg10[%get3A_86, %get3A_87] {strides = array<i32>} : memref<512x32xf32, #tpu.memory_space<vmem>>, vector<16xf32>,
      %mul3A_89 = arith.mulf %get3A_85, %get3A_88 : vector<16xf32>
      %add3A_90 = arith.addf %mul3A_82, %mul3A_89 : vector<16xf32>
      %reduce_sum3A_91 = arith.constant true
      %reduce_sum3A_92 = vector.broadcast %reduce_sum3A_91 : i1 to vector<16xi1>
      %reduce_sum3A_93 = tpu.scan <sum>, %add3A_90 masked %reduce_sum3A_92 : vector<16xf32>, vector<16xi1> -> vector<16xf32>
      %reduce_sum3A_94 = vector.extract %reduce_sum3A_93[15] : f32 from vector<16xf32>
      %eq3A_95 = arith.constant 2 : i32
      %eq3A_96 = vector.broadcast %eq3A_95 : i32 to vector<16xi32>
      %eq3A_97 = arith.cmpi eq, %iota3A, %eq3A_96 : vector<16xi32>
      %broadcast_in_dim3A_98 = vector.broadcast %reduce_sum3A_94 : f32 to vector<16xf32>
      %select_n3A_99 = arith.select %eq3A_97, %broadcast_in_dim3A_98, %select_n3A_71 : vector<16xi1>, vector<16xf32>
      %mul3A_100 = arith.constant 16 : i32
      %mul3A_101 = arith.muli %scan3A_18, %mul3A_100 : i32
      %add3A_102 = arith.constant 3 : i32
      %add3A_103 = arith.addi %mul3A_101, %add3A_102 : i32
      %get3A_104 = arith.index_cast %add3A_103 : i32 to index
      %get3A_105 = arith.constant 0 : index
      %get3A_106 = tpu.vector_load %arg9[%get3A_104, %get3A_105] {strides = array<i32>} : memref<512x32xf32, #tpu.memory_space<vmem>>, vector<16xf32>,
      %get3A_107 = arith.index_cast %add3A_103 : i32 to index
      %get3A_108 = arith.constant 0 : index
      %get3A_109 = tpu.vector_load %arg10[%get3A_107, %get3A_108] {strides = array<i32>} : memref<512x32xf32, #tpu.memory_space<vmem>>, vector<16xf32>,
      %mul3A_110 = arith.mulf %get3A_106, %get3A_109 : vector<16xf32>
      %get3A_111 = arith.index_cast %add3A_103 : i32 to index
      %get3A_112 = arith.constant 16 : index
      %get3A_113 = tpu.vector_load %arg9[%get3A_111, %get3A_112] {strides = array<i32>} : memref<512x32xf32, #tpu.memory_space<vmem>>, vector<16xf32>,
      %get3A_114 = arith.index_cast %add3A_103 : i32 to index
      %get3A_115 = arith.constant 16 : index
      %get3A_116 = tpu.vector_load %arg10[%get3A_114, %get3A_115] {strides = array<i32>} : memref<512x32xf32, #tpu.memory_space<vmem>>, vector<16xf32>,
      %mul3A_117 = arith.mulf %get3A_113, %get3A_116 : vector<16xf32>
      %add3A_118 = arith.addf %mul3A_110, %mul3A_117 : vector<16xf32>
      %reduce_sum3A_119 = arith.constant true
      %reduce_sum3A_120 = vector.broadcast %reduce_sum3A_119 : i1 to vector<16xi1>
      %reduce_sum3A_121 = tpu.scan <sum>, %add3A_118 masked %reduce_sum3A_120 : vector<16xf32>, vector<16xi1> -> vector<16xf32>
      %reduce_sum3A_122 = vector.extract %reduce_sum3A_121[15] : f32 from vector<16xf32>
      %eq3A_123 = arith.constant 3 : i32
      %eq3A_124 = vector.broadcast %eq3A_123 : i32 to vector<16xi32>
      %eq3A_125 = arith.cmpi eq, %iota3A, %eq3A_124 : vector<16xi32>
      %broadcast_in_dim3A_126 = vector.broadcast %reduce_sum3A_122 : f32 to vector<16xf32>
      %select_n3A_127 = arith.select %eq3A_125, %broadcast_in_dim3A_126, %select_n3A_99 : vector<16xi1>, vector<16xf32>
      %mul3A_128 = arith.constant 16 : i32
      %mul3A_129 = arith.muli %scan3A_18, %mul3A_128 : i32
      %add3A_130 = arith.constant 4 : i32
      %add3A_131 = arith.addi %mul3A_129, %add3A_130 : i32
      %get3A_132 = arith.index_cast %add3A_131 : i32 to index
      %get3A_133 = arith.constant 0 : index
      %get3A_134 = tpu.vector_load %arg9[%get3A_132, %get3A_133] {strides = array<i32>} : memref<512x32xf32, #tpu.memory_space<vmem>>, vector<16xf32>,
      %get3A_135 = arith.index_cast %add3A_131 : i32 to index
      %get3A_136 = arith.constant 0 : index
      %get3A_137 = tpu.vector_load %arg10[%get3A_135, %get3A_136] {strides = array<i32>} : memref<512x32xf32, #tpu.memory_space<vmem>>, vector<16xf32>,
      %mul3A_138 = arith.mulf %get3A_134, %get3A_137 : vector<16xf32>
      %get3A_139 = arith.index_cast %add3A_131 : i32 to index
      %get3A_140 = arith.constant 16 : index
      %get3A_141 = tpu.vector_load %arg9[%get3A_139, %get3A_140] {strides = array<i32>} : memref<512x32xf32, #tpu.memory_space<vmem>>, vector<16xf32>,
      %get3A_142 = arith.index_cast %add3A_131 : i32 to index
      %get3A_143 = arith.constant 16 : index
      %get3A_144 = tpu.vector_load %arg10[%get3A_142, %get3A_143] {strides = array<i32>} : memref<512x32xf32, #tpu.memory_space<vmem>>, vector<16xf32>,
      %mul3A_145 = arith.mulf %get3A_141, %get3A_144 : vector<16xf32>
      %add3A_146 = arith.addf %mul3A_138, %mul3A_145 : vector<16xf32>
      %reduce_sum3A_147 = arith.constant true
      %reduce_sum3A_148 = vector.broadcast %reduce_sum3A_147 : i1 to vector<16xi1>
      %reduce_sum3A_149 = tpu.scan <sum>, %add3A_146 masked %reduce_sum3A_148 : vector<16xf32>, vector<16xi1> -> vector<16xf32>
      %reduce_sum3A_150 = vector.extract %reduce_sum3A_149[15] : f32 from vector<16xf32>
      %eq3A_151 = arith.constant 4 : i32
      %eq3A_152 = vector.broadcast %eq3A_151 : i32 to vector<16xi32>
      %eq3A_153 = arith.cmpi eq, %iota3A, %eq3A_152 : vector<16xi32>
      %broadcast_in_dim3A_154 = vector.broadcast %reduce_sum3A_150 : f32 to vector<16xf32>
      %select_n3A_155 = arith.select %eq3A_153, %broadcast_in_dim3A_154, %select_n3A_127 : vector<16xi1>, vector<16xf32>
      %mul3A_156 = arith.constant 16 : i32
      %mul3A_157 = arith.muli %scan3A_18, %mul3A_156 : i32
      %add3A_158 = arith.constant 5 : i32
      %add3A_159 = arith.addi %mul3A_157, %add3A_158 : i32
      %get3A_160 = arith.index_cast %add3A_159 : i32 to index
      %get3A_161 = arith.constant 0 : index
      %get3A_162 = tpu.vector_load %arg9[%get3A_160, %get3A_161] {strides = array<i32>} : memref<512x32xf32, #tpu.memory_space<vmem>>, vector<16xf32>,
      %get3A_163 = arith.index_cast %add3A_159 : i32 to index
      %get3A_164 = arith.constant 0 : index
      %get3A_165 = tpu.vector_load %arg10[%get3A_163, %get3A_164] {strides = array<i32>} : memref<512x32xf32, #tpu.memory_space<vmem>>, vector<16xf32>,
      %mul3A_166 = arith.mulf %get3A_162, %get3A_165 : vector<16xf32>
      %get3A_167 = arith.index_cast %add3A_159 : i32 to index
      %get3A_168 = arith.constant 16 : index
      %get3A_169 = tpu.vector_load %arg9[%get3A_167, %get3A_168] {strides = array<i32>} : memref<512x32xf32, #tpu.memory_space<vmem>>, vector<16xf32>,
      %get3A_170 = arith.index_cast %add3A_159 : i32 to index
      %get3A_171 = arith.constant 16 : index
      %get3A_172 = tpu.vector_load %arg10[%get3A_170, %get3A_171] {strides = array<i32>} : memref<512x32xf32, #tpu.memory_space<vmem>>, vector<16xf32>,
      %mul3A_173 = arith.mulf %get3A_169, %get3A_172 : vector<16xf32>
      %add3A_174 = arith.addf %mul3A_166, %mul3A_173 : vector<16xf32>
      %reduce_sum3A_175 = arith.constant true
      %reduce_sum3A_176 = vector.broadcast %reduce_sum3A_175 : i1 to vector<16xi1>
      %reduce_sum3A_177 = tpu.scan <sum>, %add3A_174 masked %reduce_sum3A_176 : vector<16xf32>, vector<16xi1> -> vector<16xf32>
      %reduce_sum3A_178 = vector.extract %reduce_sum3A_177[15] : f32 from vector<16xf32>
      %eq3A_179 = arith.constant 5 : i32
      %eq3A_180 = vector.broadcast %eq3A_179 : i32 to vector<16xi32>
      %eq3A_181 = arith.cmpi eq, %iota3A, %eq3A_180 : vector<16xi32>
      %broadcast_in_dim3A_182 = vector.broadcast %reduce_sum3A_178 : f32 to vector<16xf32>
      %select_n3A_183 = arith.select %eq3A_181, %broadcast_in_dim3A_182, %select_n3A_155 : vector<16xi1>, vector<16xf32>
      %mul3A_184 = arith.constant 16 : i32
      %mul3A_185 = arith.muli %scan3A_18, %mul3A_184 : i32
      %add3A_186 = arith.constant 6 : i32
      %add3A_187 = arith.addi %mul3A_185, %add3A_186 : i32
      %get3A_188 = arith.index_cast %add3A_187 : i32 to index
      %get3A_189 = arith.constant 0 : index
      %get3A_190 = tpu.vector_load %arg9[%get3A_188, %get3A_189] {strides = array<i32>} : memref<512x32xf32, #tpu.memory_space<vmem>>, vector<16xf32>,
      %get3A_191 = arith.index_cast %add3A_187 : i32 to index
      %get3A_192 = arith.constant 0 : index
      %get3A_193 = tpu.vector_load %arg10[%get3A_191, %get3A_192] {strides = array<i32>} : memref<512x32xf32, #tpu.memory_space<vmem>>, vector<16xf32>,
      %mul3A_194 = arith.mulf %get3A_190, %get3A_193 : vector<16xf32>
      %get3A_195 = arith.index_cast %add3A_187 : i32 to index
      %get3A_196 = arith.constant 16 : index
      %get3A_197 = tpu.vector_load %arg9[%get3A_195, %get3A_196] {strides = array<i32>} : memref<512x32xf32, #tpu.memory_space<vmem>>, vector<16xf32>,
      %get3A_198 = arith.index_cast %add3A_187 : i32 to index
      %get3A_199 = arith.constant 16 : index
      %get3A_200 = tpu.vector_load %arg10[%get3A_198, %get3A_199] {strides = array<i32>} : memref<512x32xf32, #tpu.memory_space<vmem>>, vector<16xf32>,
      %mul3A_201 = arith.mulf %get3A_197, %get3A_200 : vector<16xf32>
      %add3A_202 = arith.addf %mul3A_194, %mul3A_201 : vector<16xf32>
      %reduce_sum3A_203 = arith.constant true
      %reduce_sum3A_204 = vector.broadcast %reduce_sum3A_203 : i1 to vector<16xi1>
      %reduce_sum3A_205 = tpu.scan <sum>, %add3A_202 masked %reduce_sum3A_204 : vector<16xf32>, vector<16xi1> -> vector<16xf32>
      %reduce_sum3A_206 = vector.extract %reduce_sum3A_205[15] : f32 from vector<16xf32>
      %eq3A_207 = arith.constant 6 : i32
      %eq3A_208 = vector.broadcast %eq3A_207 : i32 to vector<16xi32>
      %eq3A_209 = arith.cmpi eq, %iota3A, %eq3A_208 : vector<16xi32>
      %broadcast_in_dim3A_210 = vector.broadcast %reduce_sum3A_206 : f32 to vector<16xf32>
      %select_n3A_211 = arith.select %eq3A_209, %broadcast_in_dim3A_210, %select_n3A_183 : vector<16xi1>, vector<16xf32>
      %mul3A_212 = arith.constant 16 : i32
      %mul3A_213 = arith.muli %scan3A_18, %mul3A_212 : i32
      %add3A_214 = arith.constant 7 : i32
      %add3A_215 = arith.addi %mul3A_213, %add3A_214 : i32
      %get3A_216 = arith.index_cast %add3A_215 : i32 to index
      %get3A_217 = arith.constant 0 : index
      %get3A_218 = tpu.vector_load %arg9[%get3A_216, %get3A_217] {strides = array<i32>} : memref<512x32xf32, #tpu.memory_space<vmem>>, vector<16xf32>,
      %get3A_219 = arith.index_cast %add3A_215 : i32 to index
      %get3A_220 = arith.constant 0 : index
      %get3A_221 = tpu.vector_load %arg10[%get3A_219, %get3A_220] {strides = array<i32>} : memref<512x32xf32, #tpu.memory_space<vmem>>, vector<16xf32>,
      %mul3A_222 = arith.mulf %get3A_218, %get3A_221 : vector<16xf32>
      %get3A_223 = arith.index_cast %add3A_215 : i32 to index
      %get3A_224 = arith.constant 16 : index
      %get3A_225 = tpu.vector_load %arg9[%get3A_223, %get3A_224] {strides = array<i32>} : memref<512x32xf32, #tpu.memory_space<vmem>>, vector<16xf32>,
      %get3A_226 = arith.index_cast %add3A_215 : i32 to index
      %get3A_227 = arith.constant 16 : index
      %get3A_228 = tpu.vector_load %arg10[%get3A_226, %get3A_227] {strides = array<i32>} : memref<512x32xf32, #tpu.memory_space<vmem>>, vector<16xf32>,
      %mul3A_229 = arith.mulf %get3A_225, %get3A_228 : vector<16xf32>
      %add3A_230 = arith.addf %mul3A_222, %mul3A_229 : vector<16xf32>
      %reduce_sum3A_231 = arith.constant true
      %reduce_sum3A_232 = vector.broadcast %reduce_sum3A_231 : i1 to vector<16xi1>
      %reduce_sum3A_233 = tpu.scan <sum>, %add3A_230 masked %reduce_sum3A_232 : vector<16xf32>, vector<16xi1> -> vector<16xf32>
      %reduce_sum3A_234 = vector.extract %reduce_sum3A_233[15] : f32 from vector<16xf32>
      %eq3A_235 = arith.constant 7 : i32
      %eq3A_236 = vector.broadcast %eq3A_235 : i32 to vector<16xi32>
      %eq3A_237 = arith.cmpi eq, %iota3A, %eq3A_236 : vector<16xi32>
      %broadcast_in_dim3A_238 = vector.broadcast %reduce_sum3A_234 : f32 to vector<16xf32>
      %select_n3A_239 = arith.select %eq3A_237, %broadcast_in_dim3A_238, %select_n3A_211 : vector<16xi1>, vector<16xf32>
      %mul3A_240 = arith.constant 16 : i32
      %mul3A_241 = arith.muli %scan3A_18, %mul3A_240 : i32
      %add3A_242 = arith.constant 8 : i32
      %add3A_243 = arith.addi %mul3A_241, %add3A_242 : i32
      %get3A_244 = arith.index_cast %add3A_243 : i32 to index
      %get3A_245 = arith.constant 0 : index
      %get3A_246 = tpu.vector_load %arg9[%get3A_244, %get3A_245] {strides = array<i32>} : memref<512x32xf32, #tpu.memory_space<vmem>>, vector<16xf32>,
      %get3A_247 = arith.index_cast %add3A_243 : i32 to index
      %get3A_248 = arith.constant 0 : index
      %get3A_249 = tpu.vector_load %arg10[%get3A_247, %get3A_248] {strides = array<i32>} : memref<512x32xf32, #tpu.memory_space<vmem>>, vector<16xf32>,
      %mul3A_250 = arith.mulf %get3A_246, %get3A_249 : vector<16xf32>
      %get3A_251 = arith.index_cast %add3A_243 : i32 to index
      %get3A_252 = arith.constant 16 : index
      %get3A_253 = tpu.vector_load %arg9[%get3A_251, %get3A_252] {strides = array<i32>} : memref<512x32xf32, #tpu.memory_space<vmem>>, vector<16xf32>,
      %get3A_254 = arith.index_cast %add3A_243 : i32 to index
      %get3A_255 = arith.constant 16 : index
      %get3A_256 = tpu.vector_load %arg10[%get3A_254, %get3A_255] {strides = array<i32>} : memref<512x32xf32, #tpu.memory_space<vmem>>, vector<16xf32>,
      %mul3A_257 = arith.mulf %get3A_253, %get3A_256 : vector<16xf32>
      %add3A_258 = arith.addf %mul3A_250, %mul3A_257 : vector<16xf32>
      %reduce_sum3A_259 = arith.constant true
      %reduce_sum3A_260 = vector.broadcast %reduce_sum3A_259 : i1 to vector<16xi1>
      %reduce_sum3A_261 = tpu.scan <sum>, %add3A_258 masked %reduce_sum3A_260 : vector<16xf32>, vector<16xi1> -> vector<16xf32>
      %reduce_sum3A_262 = vector.extract %reduce_sum3A_261[15] : f32 from vector<16xf32>
      %eq3A_263 = arith.constant 8 : i32
      %eq3A_264 = vector.broadcast %eq3A_263 : i32 to vector<16xi32>
      %eq3A_265 = arith.cmpi eq, %iota3A, %eq3A_264 : vector<16xi32>
      %broadcast_in_dim3A_266 = vector.broadcast %reduce_sum3A_262 : f32 to vector<16xf32>
      %select_n3A_267 = arith.select %eq3A_265, %broadcast_in_dim3A_266, %select_n3A_239 : vector<16xi1>, vector<16xf32>
      %mul3A_268 = arith.constant 16 : i32
      %mul3A_269 = arith.muli %scan3A_18, %mul3A_268 : i32
      %add3A_270 = arith.constant 9 : i32
      %add3A_271 = arith.addi %mul3A_269, %add3A_270 : i32
      %get3A_272 = arith.index_cast %add3A_271 : i32 to index
      %get3A_273 = arith.constant 0 : index
      %get3A_274 = tpu.vector_load %arg9[%get3A_272, %get3A_273] {strides = array<i32>} : memref<512x32xf32, #tpu.memory_space<vmem>>, vector<16xf32>,
      %get3A_275 = arith.index_cast %add3A_271 : i32 to index
      %get3A_276 = arith.constant 0 : index
      %get3A_277 = tpu.vector_load %arg10[%get3A_275, %get3A_276] {strides = array<i32>} : memref<512x32xf32, #tpu.memory_space<vmem>>, vector<16xf32>,
      %mul3A_278 = arith.mulf %get3A_274, %get3A_277 : vector<16xf32>
      %get3A_279 = arith.index_cast %add3A_271 : i32 to index
      %get3A_280 = arith.constant 16 : index
      %get3A_281 = tpu.vector_load %arg9[%get3A_279, %get3A_280] {strides = array<i32>} : memref<512x32xf32, #tpu.memory_space<vmem>>, vector<16xf32>,
      %get3A_282 = arith.index_cast %add3A_271 : i32 to index
      %get3A_283 = arith.constant 16 : index
      %get3A_284 = tpu.vector_load %arg10[%get3A_282, %get3A_283] {strides = array<i32>} : memref<512x32xf32, #tpu.memory_space<vmem>>, vector<16xf32>,
      %mul3A_285 = arith.mulf %get3A_281, %get3A_284 : vector<16xf32>
      %add3A_286 = arith.addf %mul3A_278, %mul3A_285 : vector<16xf32>
      %reduce_sum3A_287 = arith.constant true
      %reduce_sum3A_288 = vector.broadcast %reduce_sum3A_287 : i1 to vector<16xi1>
      %reduce_sum3A_289 = tpu.scan <sum>, %add3A_286 masked %reduce_sum3A_288 : vector<16xf32>, vector<16xi1> -> vector<16xf32>
      %reduce_sum3A_290 = vector.extract %reduce_sum3A_289[15] : f32 from vector<16xf32>
      %eq3A_291 = arith.constant 9 : i32
      %eq3A_292 = vector.broadcast %eq3A_291 : i32 to vector<16xi32>
      %eq3A_293 = arith.cmpi eq, %iota3A, %eq3A_292 : vector<16xi32>
      %broadcast_in_dim3A_294 = vector.broadcast %reduce_sum3A_290 : f32 to vector<16xf32>
      %select_n3A_295 = arith.select %eq3A_293, %broadcast_in_dim3A_294, %select_n3A_267 : vector<16xi1>, vector<16xf32>
      %mul3A_296 = arith.constant 16 : i32
      %mul3A_297 = arith.muli %scan3A_18, %mul3A_296 : i32
      %add3A_298 = arith.constant 10 : i32
      %add3A_299 = arith.addi %mul3A_297, %add3A_298 : i32
      %get3A_300 = arith.index_cast %add3A_299 : i32 to index
      %get3A_301 = arith.constant 0 : index
      %get3A_302 = tpu.vector_load %arg9[%get3A_300, %get3A_301] {strides = array<i32>} : memref<512x32xf32, #tpu.memory_space<vmem>>, vector<16xf32>,
      %get3A_303 = arith.index_cast %add3A_299 : i32 to index
      %get3A_304 = arith.constant 0 : index
      %get3A_305 = tpu.vector_load %arg10[%get3A_303, %get3A_304] {strides = array<i32>} : memref<512x32xf32, #tpu.memory_space<vmem>>, vector<16xf32>,
      %mul3A_306 = arith.mulf %get3A_302, %get3A_305 : vector<16xf32>
      %get3A_307 = arith.index_cast %add3A_299 : i32 to index
      %get3A_308 = arith.constant 16 : index
      %get3A_309 = tpu.vector_load %arg9[%get3A_307, %get3A_308] {strides = array<i32>} : memref<512x32xf32, #tpu.memory_space<vmem>>, vector<16xf32>,
      %get3A_310 = arith.index_cast %add3A_299 : i32 to index
      %get3A_311 = arith.constant 16 : index
      %get3A_312 = tpu.vector_load %arg10[%get3A_310, %get3A_311] {strides = array<i32>} : memref<512x32xf32, #tpu.memory_space<vmem>>, vector<16xf32>,
      %mul3A_313 = arith.mulf %get3A_309, %get3A_312 : vector<16xf32>
      %add3A_314 = arith.addf %mul3A_306, %mul3A_313 : vector<16xf32>
      %reduce_sum3A_315 = arith.constant true
      %reduce_sum3A_316 = vector.broadcast %reduce_sum3A_315 : i1 to vector<16xi1>
      %reduce_sum3A_317 = tpu.scan <sum>, %add3A_314 masked %reduce_sum3A_316 : vector<16xf32>, vector<16xi1> -> vector<16xf32>
      %reduce_sum3A_318 = vector.extract %reduce_sum3A_317[15] : f32 from vector<16xf32>
      %eq3A_319 = arith.constant 10 : i32
      %eq3A_320 = vector.broadcast %eq3A_319 : i32 to vector<16xi32>
      %eq3A_321 = arith.cmpi eq, %iota3A, %eq3A_320 : vector<16xi32>
      %broadcast_in_dim3A_322 = vector.broadcast %reduce_sum3A_318 : f32 to vector<16xf32>
      %select_n3A_323 = arith.select %eq3A_321, %broadcast_in_dim3A_322, %select_n3A_295 : vector<16xi1>, vector<16xf32>
      %mul3A_324 = arith.constant 16 : i32
      %mul3A_325 = arith.muli %scan3A_18, %mul3A_324 : i32
      %add3A_326 = arith.constant 11 : i32
      %add3A_327 = arith.addi %mul3A_325, %add3A_326 : i32
      %get3A_328 = arith.index_cast %add3A_327 : i32 to index
      %get3A_329 = arith.constant 0 : index
      %get3A_330 = tpu.vector_load %arg9[%get3A_328, %get3A_329] {strides = array<i32>} : memref<512x32xf32, #tpu.memory_space<vmem>>, vector<16xf32>,
      %get3A_331 = arith.index_cast %add3A_327 : i32 to index
      %get3A_332 = arith.constant 0 : index
      %get3A_333 = tpu.vector_load %arg10[%get3A_331, %get3A_332] {strides = array<i32>} : memref<512x32xf32, #tpu.memory_space<vmem>>, vector<16xf32>,
      %mul3A_334 = arith.mulf %get3A_330, %get3A_333 : vector<16xf32>
      %get3A_335 = arith.index_cast %add3A_327 : i32 to index
      %get3A_336 = arith.constant 16 : index
      %get3A_337 = tpu.vector_load %arg9[%get3A_335, %get3A_336] {strides = array<i32>} : memref<512x32xf32, #tpu.memory_space<vmem>>, vector<16xf32>,
      %get3A_338 = arith.index_cast %add3A_327 : i32 to index
      %get3A_339 = arith.constant 16 : index
      %get3A_340 = tpu.vector_load %arg10[%get3A_338, %get3A_339] {strides = array<i32>} : memref<512x32xf32, #tpu.memory_space<vmem>>, vector<16xf32>,
      %mul3A_341 = arith.mulf %get3A_337, %get3A_340 : vector<16xf32>
      %add3A_342 = arith.addf %mul3A_334, %mul3A_341 : vector<16xf32>
      %reduce_sum3A_343 = arith.constant true
      %reduce_sum3A_344 = vector.broadcast %reduce_sum3A_343 : i1 to vector<16xi1>
      %reduce_sum3A_345 = tpu.scan <sum>, %add3A_342 masked %reduce_sum3A_344 : vector<16xf32>, vector<16xi1> -> vector<16xf32>
      %reduce_sum3A_346 = vector.extract %reduce_sum3A_345[15] : f32 from vector<16xf32>
      %eq3A_347 = arith.constant 11 : i32
      %eq3A_348 = vector.broadcast %eq3A_347 : i32 to vector<16xi32>
      %eq3A_349 = arith.cmpi eq, %iota3A, %eq3A_348 : vector<16xi32>
      %broadcast_in_dim3A_350 = vector.broadcast %reduce_sum3A_346 : f32 to vector<16xf32>
      %select_n3A_351 = arith.select %eq3A_349, %broadcast_in_dim3A_350, %select_n3A_323 : vector<16xi1>, vector<16xf32>
      %mul3A_352 = arith.constant 16 : i32
      %mul3A_353 = arith.muli %scan3A_18, %mul3A_352 : i32
      %add3A_354 = arith.constant 12 : i32
      %add3A_355 = arith.addi %mul3A_353, %add3A_354 : i32
      %get3A_356 = arith.index_cast %add3A_355 : i32 to index
      %get3A_357 = arith.constant 0 : index
      %get3A_358 = tpu.vector_load %arg9[%get3A_356, %get3A_357] {strides = array<i32>} : memref<512x32xf32, #tpu.memory_space<vmem>>, vector<16xf32>,
      %get3A_359 = arith.index_cast %add3A_355 : i32 to index
      %get3A_360 = arith.constant 0 : index
      %get3A_361 = tpu.vector_load %arg10[%get3A_359, %get3A_360] {strides = array<i32>} : memref<512x32xf32, #tpu.memory_space<vmem>>, vector<16xf32>,
      %mul3A_362 = arith.mulf %get3A_358, %get3A_361 : vector<16xf32>
      %get3A_363 = arith.index_cast %add3A_355 : i32 to index
      %get3A_364 = arith.constant 16 : index
      %get3A_365 = tpu.vector_load %arg9[%get3A_363, %get3A_364] {strides = array<i32>} : memref<512x32xf32, #tpu.memory_space<vmem>>, vector<16xf32>,
      %get3A_366 = arith.index_cast %add3A_355 : i32 to index
      %get3A_367 = arith.constant 16 : index
      %get3A_368 = tpu.vector_load %arg10[%get3A_366, %get3A_367] {strides = array<i32>} : memref<512x32xf32, #tpu.memory_space<vmem>>, vector<16xf32>,
      %mul3A_369 = arith.mulf %get3A_365, %get3A_368 : vector<16xf32>
      %add3A_370 = arith.addf %mul3A_362, %mul3A_369 : vector<16xf32>
      %reduce_sum3A_371 = arith.constant true
      %reduce_sum3A_372 = vector.broadcast %reduce_sum3A_371 : i1 to vector<16xi1>
      %reduce_sum3A_373 = tpu.scan <sum>, %add3A_370 masked %reduce_sum3A_372 : vector<16xf32>, vector<16xi1> -> vector<16xf32>
      %reduce_sum3A_374 = vector.extract %reduce_sum3A_373[15] : f32 from vector<16xf32>
      %eq3A_375 = arith.constant 12 : i32
      %eq3A_376 = vector.broadcast %eq3A_375 : i32 to vector<16xi32>
      %eq3A_377 = arith.cmpi eq, %iota3A, %eq3A_376 : vector<16xi32>
      %broadcast_in_dim3A_378 = vector.broadcast %reduce_sum3A_374 : f32 to vector<16xf32>
      %select_n3A_379 = arith.select %eq3A_377, %broadcast_in_dim3A_378, %select_n3A_351 : vector<16xi1>, vector<16xf32>
      %mul3A_380 = arith.constant 16 : i32
      %mul3A_381 = arith.muli %scan3A_18, %mul3A_380 : i32
      %add3A_382 = arith.constant 13 : i32
      %add3A_383 = arith.addi %mul3A_381, %add3A_382 : i32
      %get3A_384 = arith.index_cast %add3A_383 : i32 to index
      %get3A_385 = arith.constant 0 : index
      %get3A_386 = tpu.vector_load %arg9[%get3A_384, %get3A_385] {strides = array<i32>} : memref<512x32xf32, #tpu.memory_space<vmem>>, vector<16xf32>,
      %get3A_387 = arith.index_cast %add3A_383 : i32 to index
      %get3A_388 = arith.constant 0 : index
      %get3A_389 = tpu.vector_load %arg10[%get3A_387, %get3A_388] {strides = array<i32>} : memref<512x32xf32, #tpu.memory_space<vmem>>, vector<16xf32>,
      %mul3A_390 = arith.mulf %get3A_386, %get3A_389 : vector<16xf32>
      %get3A_391 = arith.index_cast %add3A_383 : i32 to index
      %get3A_392 = arith.constant 16 : index
      %get3A_393 = tpu.vector_load %arg9[%get3A_391, %get3A_392] {strides = array<i32>} : memref<512x32xf32, #tpu.memory_space<vmem>>, vector<16xf32>,
      %get3A_394 = arith.index_cast %add3A_383 : i32 to index
      %get3A_395 = arith.constant 16 : index
      %get3A_396 = tpu.vector_load %arg10[%get3A_394, %get3A_395] {strides = array<i32>} : memref<512x32xf32, #tpu.memory_space<vmem>>, vector<16xf32>,
      %mul3A_397 = arith.mulf %get3A_393, %get3A_396 : vector<16xf32>
      %add3A_398 = arith.addf %mul3A_390, %mul3A_397 : vector<16xf32>
      %reduce_sum3A_399 = arith.constant true
      %reduce_sum3A_400 = vector.broadcast %reduce_sum3A_399 : i1 to vector<16xi1>
      %reduce_sum3A_401 = tpu.scan <sum>, %add3A_398 masked %reduce_sum3A_400 : vector<16xf32>, vector<16xi1> -> vector<16xf32>
      %reduce_sum3A_402 = vector.extract %reduce_sum3A_401[15] : f32 from vector<16xf32>
      %eq3A_403 = arith.constant 13 : i32
      %eq3A_404 = vector.broadcast %eq3A_403 : i32 to vector<16xi32>
      %eq3A_405 = arith.cmpi eq, %iota3A, %eq3A_404 : vector<16xi32>
      %broadcast_in_dim3A_406 = vector.broadcast %reduce_sum3A_402 : f32 to vector<16xf32>
      %select_n3A_407 = arith.select %eq3A_405, %broadcast_in_dim3A_406, %select_n3A_379 : vector<16xi1>, vector<16xf32>
      %mul3A_408 = arith.constant 16 : i32
      %mul3A_409 = arith.muli %scan3A_18, %mul3A_408 : i32
      %add3A_410 = arith.constant 14 : i32
      %add3A_411 = arith.addi %mul3A_409, %add3A_410 : i32
      %get3A_412 = arith.index_cast %add3A_411 : i32 to index
      %get3A_413 = arith.constant 0 : index
      %get3A_414 = tpu.vector_load %arg9[%get3A_412, %get3A_413] {strides = array<i32>} : memref<512x32xf32, #tpu.memory_space<vmem>>, vector<16xf32>,
      %get3A_415 = arith.index_cast %add3A_411 : i32 to index
      %get3A_416 = arith.constant 0 : index
      %get3A_417 = tpu.vector_load %arg10[%get3A_415, %get3A_416] {strides = array<i32>} : memref<512x32xf32, #tpu.memory_space<vmem>>, vector<16xf32>,
      %mul3A_418 = arith.mulf %get3A_414, %get3A_417 : vector<16xf32>
      %get3A_419 = arith.index_cast %add3A_411 : i32 to index
      %get3A_420 = arith.constant 16 : index
      %get3A_421 = tpu.vector_load %arg9[%get3A_419, %get3A_420] {strides = array<i32>} : memref<512x32xf32, #tpu.memory_space<vmem>>, vector<16xf32>,
      %get3A_422 = arith.index_cast %add3A_411 : i32 to index
      %get3A_423 = arith.constant 16 : index
      %get3A_424 = tpu.vector_load %arg10[%get3A_422, %get3A_423] {strides = array<i32>} : memref<512x32xf32, #tpu.memory_space<vmem>>, vector<16xf32>,
      %mul3A_425 = arith.mulf %get3A_421, %get3A_424 : vector<16xf32>
      %add3A_426 = arith.addf %mul3A_418, %mul3A_425 : vector<16xf32>
      %reduce_sum3A_427 = arith.constant true
      %reduce_sum3A_428 = vector.broadcast %reduce_sum3A_427 : i1 to vector<16xi1>
      %reduce_sum3A_429 = tpu.scan <sum>, %add3A_426 masked %reduce_sum3A_428 : vector<16xf32>, vector<16xi1> -> vector<16xf32>
      %reduce_sum3A_430 = vector.extract %reduce_sum3A_429[15] : f32 from vector<16xf32>
      %eq3A_431 = arith.constant 14 : i32
      %eq3A_432 = vector.broadcast %eq3A_431 : i32 to vector<16xi32>
      %eq3A_433 = arith.cmpi eq, %iota3A, %eq3A_432 : vector<16xi32>
      %broadcast_in_dim3A_434 = vector.broadcast %reduce_sum3A_430 : f32 to vector<16xf32>
      %select_n3A_435 = arith.select %eq3A_433, %broadcast_in_dim3A_434, %select_n3A_407 : vector<16xi1>, vector<16xf32>
      %mul3A_436 = arith.constant 16 : i32
      %mul3A_437 = arith.muli %scan3A_18, %mul3A_436 : i32
      %add3A_438 = arith.constant 15 : i32
      %add3A_439 = arith.addi %mul3A_437, %add3A_438 : i32
      %get3A_440 = arith.index_cast %add3A_439 : i32 to index
      %get3A_441 = arith.constant 0 : index
      %get3A_442 = tpu.vector_load %arg9[%get3A_440, %get3A_441] {strides = array<i32>} : memref<512x32xf32, #tpu.memory_space<vmem>>, vector<16xf32>,
      %get3A_443 = arith.index_cast %add3A_439 : i32 to index
      %get3A_444 = arith.constant 0 : index
      %get3A_445 = tpu.vector_load %arg10[%get3A_443, %get3A_444] {strides = array<i32>} : memref<512x32xf32, #tpu.memory_space<vmem>>, vector<16xf32>,
      %mul3A_446 = arith.mulf %get3A_442, %get3A_445 : vector<16xf32>
      %get3A_447 = arith.index_cast %add3A_439 : i32 to index
      %get3A_448 = arith.constant 16 : index
      %get3A_449 = tpu.vector_load %arg9[%get3A_447, %get3A_448] {strides = array<i32>} : memref<512x32xf32, #tpu.memory_space<vmem>>, vector<16xf32>,
      %get3A_450 = arith.index_cast %add3A_439 : i32 to index
      %get3A_451 = arith.constant 16 : index
      %get3A_452 = tpu.vector_load %arg10[%get3A_450, %get3A_451] {strides = array<i32>} : memref<512x32xf32, #tpu.memory_space<vmem>>, vector<16xf32>,
      %mul3A_453 = arith.mulf %get3A_449, %get3A_452 : vector<16xf32>
      %add3A_454 = arith.addf %mul3A_446, %mul3A_453 : vector<16xf32>
      %reduce_sum3A_455 = arith.constant true
      %reduce_sum3A_456 = vector.broadcast %reduce_sum3A_455 : i1 to vector<16xi1>
      %reduce_sum3A_457 = tpu.scan <sum>, %add3A_454 masked %reduce_sum3A_456 : vector<16xf32>, vector<16xi1> -> vector<16xf32>
      %reduce_sum3A_458 = vector.extract %reduce_sum3A_457[15] : f32 from vector<16xf32>
      %eq3A_459 = arith.constant 15 : i32
      %eq3A_460 = vector.broadcast %eq3A_459 : i32 to vector<16xi32>
      %eq3A_461 = arith.cmpi eq, %iota3A, %eq3A_460 : vector<16xi32>
      %broadcast_in_dim3A_462 = vector.broadcast %reduce_sum3A_458 : f32 to vector<16xf32>
      %select_n3A_463 = arith.select %eq3A_461, %broadcast_in_dim3A_462, %select_n3A_435 : vector<16xi1>, vector<16xf32>
      %mul3A_464 = arith.constant 16 : i32
      %mul3A_465 = arith.muli %scan3A_18, %mul3A_464 : i32
      %swap3A = arith.index_cast %mul3A_465 : i32 to index
      %swap3A_466 = tpu.vector_load %arg11[%swap3A] {strides = array<i32>} : memref<512xf32, #tpu.memory_space<vmem>>, vector<16xf32>,
      tpu.vector_store %arg11[%swap3A], %select_n3A_463 {strides = array<i32>} : memref<512xf32, #tpu.memory_space<vmem>>, vector<16xf32>,
    }
    %scan3A_17 = arith.constant 32 : i32
    "tpu.region"() ({
      %run_scoped3A = tpu.sem_alloc : memref<!tpu.dma_semaphore, #tpu.memory_space<semaphore_mem>>
      %dma_start3A_18 = tpu.memref_slice %arg6[%mul3A_2] : memref<16384xf32, #tpu.memory_space<hbm>> -> memref<512xf32, #tpu.memory_space<hbm>>
      %dma_start3A_19 = tpu.memref_slice %arg6[%mul3A_2] : memref<16384xf32, #tpu.memory_space<hbm>> -> memref<512xf32, #tpu.memory_space<hbm>>
      tpu.enqueue_dma source(%arg11 : memref<512xf32, #tpu.memory_space<vmem>>) target(%dma_start3A_19 : memref<512xf32, #tpu.memory_space<hbm>>) target_semaphore(%run_scoped3A : memref<!tpu.dma_semaphore, #tpu.memory_space<semaphore_mem>>)
      %dma_wait3A_20 = tpu.memref_slice %arg6[%mul3A_2] : memref<16384xf32, #tpu.memory_space<hbm>> -> memref<512xf32, #tpu.memory_space<hbm>>
      %dma_wait3A_21 = tpu.memref_slice %arg6[%mul3A_2] : memref<16384xf32, #tpu.memory_space<hbm>> -> memref<512xf32, #tpu.memory_space<hbm>>
      tpu.wait_dma2 semaphore(%run_scoped3A : memref<!tpu.dma_semaphore, #tpu.memory_space<semaphore_mem>>) src(%arg11 : memref<512xf32, #tpu.memory_space<vmem>>) dst(%dma_wait3A_21 : memref<512xf32, #tpu.memory_space<hbm>>)
      tpu.yield
    }) : () -> ()
    return
  }
}

#map = affine_map<(d0, d1) -> (0, 0)>
#map1 = affine_map<(d0, d1) -> (0)>
module attributes {stable_mosaic.version = 14 : i64} {
  func.func @prop(%arg0: i32, %arg1: i32, %arg2: memref<50048x32xf32, #tpu.memory_space<hbm>>, %arg3: memref<50048x32xf32, #tpu.memory_space<hbm>>, %arg4: memref<1638400xi32, #tpu.memory_space<hbm>>, %arg5: memref<1638400xi32, #tpu.memory_space<hbm>>, %arg6: memref<50048x32xf32, #tpu.memory_space<hbm>>, %arg7: memref<50000x32xf32, #tpu.memory_space<hbm>>, %arg8: memref<50000x32xf32, #tpu.memory_space<hbm>>, %arg9: memref<2x400xi32, #tpu.memory_space<vmem>>, %arg10: memref<2x400xi32, #tpu.memory_space<vmem>>, %arg11: memref<2x400x32xf32, #tpu.memory_space<vmem>>, %arg12: memref<50048x32xf32, #tpu.memory_space<vmem_shared>>, %arg13: memref<2x!tpu.dma_semaphore, #tpu.memory_space<semaphore_mem>>, %arg14: memref<2x!tpu.dma_semaphore, #tpu.memory_space<semaphore_mem>>, %arg15: memref<2x!tpu.dma_semaphore, #tpu.memory_space<semaphore_mem>>) attributes {dimension_semantics = [#tpu.dimension_semantics<core_parallel>, #tpu.dimension_semantics<subcore_parallel>], iteration_bounds = array<i64: 2, 16>, scalar_prefetch = 0 : i64, scratch_operands = 7 : i64, tpu.core_type = #tpu.core_type<sc_vector_subcore>, window_params = [{transform_indices = #map}, {transform_indices = #map}, {transform_indices = #map1}, {transform_indices = #map1}, {transform_indices = #map}, {transform_indices = #map}, {transform_indices = #map}]} {
    %mul3A = arith.constant 3128 : i32
    %mul3A_0 = arith.muli %arg1, %mul3A : i32
    %mul3A_1 = arith.constant 3128 : i32
    %mul3A_2 = arith.muli %arg1, %mul3A_1 : i32
    "tpu.region"() ({
      %run_scoped3A = tpu.sem_alloc : memref<!tpu.dma_semaphore, #tpu.memory_space<semaphore_mem>>
      %dma_start3A = arith.constant 0 : i32
      %dma_start3A_21 = tpu.memref_slice %arg12[%mul3A_2, %dma_start3A] : memref<50048x32xf32, #tpu.memory_space<vmem_shared>> -> memref<3128x32xf32, #tpu.memory_space<vmem_shared>>
      %dma_start3A_22 = arith.constant 0 : i32
      %dma_start3A_23 = tpu.memref_slice %arg6[%mul3A_0, %dma_start3A_22] : memref<50048x32xf32, #tpu.memory_space<hbm>> -> memref<3128x32xf32, #tpu.memory_space<hbm>>
      tpu.enqueue_dma source(%dma_start3A_23 : memref<3128x32xf32, #tpu.memory_space<hbm>>) target(%dma_start3A_21 : memref<3128x32xf32, #tpu.memory_space<vmem_shared>>) target_semaphore(%run_scoped3A : memref<!tpu.dma_semaphore, #tpu.memory_space<semaphore_mem>>)
      %dma_wait3A = arith.constant 0 : i32
      %dma_wait3A_24 = tpu.memref_slice %arg12[%mul3A_2, %dma_wait3A] : memref<50048x32xf32, #tpu.memory_space<vmem_shared>> -> memref<3128x32xf32, #tpu.memory_space<vmem_shared>>
      %dma_wait3A_25 = arith.constant 0 : i32
      %dma_wait3A_26 = tpu.memref_slice %arg6[%mul3A_0, %dma_wait3A_25] : memref<50048x32xf32, #tpu.memory_space<hbm>> -> memref<3128x32xf32, #tpu.memory_space<hbm>>
      tpu.wait_dma2 semaphore(%run_scoped3A : memref<!tpu.dma_semaphore, #tpu.memory_space<semaphore_mem>>) src(%dma_wait3A_26 : memref<3128x32xf32, #tpu.memory_space<hbm>>) dst(%dma_wait3A_24 : memref<3128x32xf32, #tpu.memory_space<vmem_shared>>)
      tpu.yield
    }) : () -> ()
    %barrier3A = arith.constant 0 : index
    tpu.barrier barrier_id(%barrier3A)
    %eq3A = arith.constant 0 : i32
    %eq3A_3 = arith.cmpi eq, %arg0, %eq3A : i32
    %convert_element_type3A = arith.extui %eq3A_3 : i1 to i32
    %cond3A = arith.constant 0 : i32
    %cond3A_4 = arith.cmpi ne, %convert_element_type3A, %cond3A : i32
    scf.if %cond3A_4 {
      %mul3A_21 = arith.constant 102400 : i32
      %mul3A_22 = arith.muli %arg1, %mul3A_21 : i32
      %add3A = arith.constant 0 : i32
      %add3A_23 = arith.addi %mul3A_22, %add3A : i32
      %dma_start3A = arith.constant 0 : i32
      %dma_start3A_24 = arith.constant 0 : i32
      %dma_start3A_25 = arith.constant 0 : i32
      %dma_start3A_26 = tpu.memref_slice %arg9[%dma_start3A, %dma_start3A_25] : memref<2x400xi32, #tpu.memory_space<vmem>> -> memref<1x400xi32, #tpu.memory_space<vmem>>
      %dma_start3A_27 = tpu.memref_squeeze %dma_start3A_26 : memref<1x400xi32, #tpu.memory_space<vmem>> -> memref<400xi32, #tpu.memory_space<vmem>>
      %dma_start3A_28 = tpu.memref_slice %arg5[%add3A_23] : memref<1638400xi32, #tpu.memory_space<hbm>> -> memref<400xi32, #tpu.memory_space<hbm>>
      %dma_start3A_29 = tpu.memref_slice %arg13[%dma_start3A_24] : memref<2x!tpu.dma_semaphore, #tpu.memory_space<semaphore_mem>> -> memref<1x!tpu.dma_semaphore, #tpu.memory_space<semaphore_mem>>
      %dma_start3A_30 = tpu.memref_squeeze %dma_start3A_29 : memref<1x!tpu.dma_semaphore, #tpu.memory_space<semaphore_mem>> -> memref<!tpu.dma_semaphore, #tpu.memory_space<semaphore_mem>>
      %dma_start3A_31 = arith.constant 0 : i32
      %dma_start3A_32 = tpu.memref_slice %arg9[%dma_start3A, %dma_start3A_31] : memref<2x400xi32, #tpu.memory_space<vmem>> -> memref<1x400xi32, #tpu.memory_space<vmem>>
      %dma_start3A_33 = tpu.memref_squeeze %dma_start3A_32 : memref<1x400xi32, #tpu.memory_space<vmem>> -> memref<400xi32, #tpu.memory_space<vmem>>
      %dma_start3A_34 = tpu.memref_slice %arg5[%add3A_23] : memref<1638400xi32, #tpu.memory_space<hbm>> -> memref<400xi32, #tpu.memory_space<hbm>>
      tpu.enqueue_dma source(%dma_start3A_34 : memref<400xi32, #tpu.memory_space<hbm>>) target(%dma_start3A_33 : memref<400xi32, #tpu.memory_space<vmem>>) target_semaphore(%dma_start3A_30 : memref<!tpu.dma_semaphore, #tpu.memory_space<semaphore_mem>>)
      %dma_start3A_35 = arith.constant 0 : i32
      %dma_start3A_36 = arith.constant 0 : i32
      %dma_start3A_37 = arith.constant 0 : i32
      %dma_start3A_38 = tpu.memref_slice %arg10[%dma_start3A_35, %dma_start3A_37] : memref<2x400xi32, #tpu.memory_space<vmem>> -> memref<1x400xi32, #tpu.memory_space<vmem>>
      %dma_start3A_39 = tpu.memref_squeeze %dma_start3A_38 : memref<1x400xi32, #tpu.memory_space<vmem>> -> memref<400xi32, #tpu.memory_space<vmem>>
      %dma_start3A_40 = tpu.memref_slice %arg4[%add3A_23] : memref<1638400xi32, #tpu.memory_space<hbm>> -> memref<400xi32, #tpu.memory_space<hbm>>
      %dma_start3A_41 = tpu.memref_slice %arg13[%dma_start3A_36] : memref<2x!tpu.dma_semaphore, #tpu.memory_space<semaphore_mem>> -> memref<1x!tpu.dma_semaphore, #tpu.memory_space<semaphore_mem>>
      %dma_start3A_42 = tpu.memref_squeeze %dma_start3A_41 : memref<1x!tpu.dma_semaphore, #tpu.memory_space<semaphore_mem>> -> memref<!tpu.dma_semaphore, #tpu.memory_space<semaphore_mem>>
      %dma_start3A_43 = arith.constant 0 : i32
      %dma_start3A_44 = tpu.memref_slice %arg10[%dma_start3A_35, %dma_start3A_43] : memref<2x400xi32, #tpu.memory_space<vmem>> -> memref<1x400xi32, #tpu.memory_space<vmem>>
      %dma_start3A_45 = tpu.memref_squeeze %dma_start3A_44 : memref<1x400xi32, #tpu.memory_space<vmem>> -> memref<400xi32, #tpu.memory_space<vmem>>
      %dma_start3A_46 = tpu.memref_slice %arg4[%add3A_23] : memref<1638400xi32, #tpu.memory_space<hbm>> -> memref<400xi32, #tpu.memory_space<hbm>>
      tpu.enqueue_dma source(%dma_start3A_46 : memref<400xi32, #tpu.memory_space<hbm>>) target(%dma_start3A_45 : memref<400xi32, #tpu.memory_space<vmem>>) target_semaphore(%dma_start3A_42 : memref<!tpu.dma_semaphore, #tpu.memory_space<semaphore_mem>>)
      %scan3A = arith.constant 0 : i32
      %scan3A_47 = arith.constant 0 : i32
      %scan3A_48 = arith.constant 128 : i32
      %scan3A_49 = arith.addi %scan3A_47, %scan3A_48 : i32
      %scan3A_50 = arith.constant 1 : i32
      scf.for %scan3A_69 = %scan3A_47 to %scan3A_49 step %scan3A_50  : i32 {
        %mul3A_70 = arith.constant 2 : i32
        %mul3A_71 = arith.muli %scan3A_69, %mul3A_70 : i32
        %add3A_72 = arith.constant 0 : i32
        %add3A_73 = arith.addi %mul3A_71, %add3A_72 : i32
        %dma_wait3A_74 = arith.constant 0 : i32
        %dma_wait3A_75 = arith.constant 0 : i32
        %dma_wait3A_76 = arith.constant 0 : i32
        %dma_wait3A_77 = tpu.memref_slice %arg9[%dma_wait3A_74, %dma_wait3A_76] : memref<2x400xi32, #tpu.memory_space<vmem>> -> memref<1x400xi32, #tpu.memory_space<vmem>>
        %dma_wait3A_78 = tpu.memref_squeeze %dma_wait3A_77 : memref<1x400xi32, #tpu.memory_space<vmem>> -> memref<400xi32, #tpu.memory_space<vmem>>
        %dma_wait3A_79 = arith.constant 0 : i32
        %dma_wait3A_80 = tpu.memref_slice %arg5[%dma_wait3A_79] : memref<1638400xi32, #tpu.memory_space<hbm>> -> memref<400xi32, #tpu.memory_space<hbm>>
        %dma_wait3A_81 = tpu.memref_slice %arg13[%dma_wait3A_75] : memref<2x!tpu.dma_semaphore, #tpu.memory_space<semaphore_mem>> -> memref<1x!tpu.dma_semaphore, #tpu.memory_space<semaphore_mem>>
        %dma_wait3A_82 = tpu.memref_squeeze %dma_wait3A_81 : memref<1x!tpu.dma_semaphore, #tpu.memory_space<semaphore_mem>> -> memref<!tpu.dma_semaphore, #tpu.memory_space<semaphore_mem>>
        %dma_wait3A_83 = arith.constant 0 : i32
        %dma_wait3A_84 = tpu.memref_slice %arg9[%dma_wait3A_74, %dma_wait3A_83] : memref<2x400xi32, #tpu.memory_space<vmem>> -> memref<1x400xi32, #tpu.memory_space<vmem>>
        %dma_wait3A_85 = tpu.memref_squeeze %dma_wait3A_84 : memref<1x400xi32, #tpu.memory_space<vmem>> -> memref<400xi32, #tpu.memory_space<vmem>>
        %dma_wait3A_86 = arith.constant 0 : i32
        %dma_wait3A_87 = tpu.memref_slice %arg5[%dma_wait3A_86] : memref<1638400xi32, #tpu.memory_space<hbm>> -> memref<400xi32, #tpu.memory_space<hbm>>
        tpu.wait_dma2 semaphore(%dma_wait3A_82 : memref<!tpu.dma_semaphore, #tpu.memory_space<semaphore_mem>>) src(%dma_wait3A_87 : memref<400xi32, #tpu.memory_space<hbm>>) dst(%dma_wait3A_85 : memref<400xi32, #tpu.memory_space<vmem>>)
        %dma_wait3A_88 = arith.constant 0 : i32
        %dma_wait3A_89 = arith.constant 0 : i32
        %dma_wait3A_90 = arith.constant 0 : i32
        %dma_wait3A_91 = tpu.memref_slice %arg10[%dma_wait3A_88, %dma_wait3A_90] : memref<2x400xi32, #tpu.memory_space<vmem>> -> memref<1x400xi32, #tpu.memory_space<vmem>>
        %dma_wait3A_92 = tpu.memref_squeeze %dma_wait3A_91 : memref<1x400xi32, #tpu.memory_space<vmem>> -> memref<400xi32, #tpu.memory_space<vmem>>
        %dma_wait3A_93 = arith.constant 0 : i32
        %dma_wait3A_94 = tpu.memref_slice %arg4[%dma_wait3A_93] : memref<1638400xi32, #tpu.memory_space<hbm>> -> memref<400xi32, #tpu.memory_space<hbm>>
        %dma_wait3A_95 = tpu.memref_slice %arg13[%dma_wait3A_89] : memref<2x!tpu.dma_semaphore, #tpu.memory_space<semaphore_mem>> -> memref<1x!tpu.dma_semaphore, #tpu.memory_space<semaphore_mem>>
        %dma_wait3A_96 = tpu.memref_squeeze %dma_wait3A_95 : memref<1x!tpu.dma_semaphore, #tpu.memory_space<semaphore_mem>> -> memref<!tpu.dma_semaphore, #tpu.memory_space<semaphore_mem>>
        %dma_wait3A_97 = arith.constant 0 : i32
        %dma_wait3A_98 = tpu.memref_slice %arg10[%dma_wait3A_88, %dma_wait3A_97] : memref<2x400xi32, #tpu.memory_space<vmem>> -> memref<1x400xi32, #tpu.memory_space<vmem>>
        %dma_wait3A_99 = tpu.memref_squeeze %dma_wait3A_98 : memref<1x400xi32, #tpu.memory_space<vmem>> -> memref<400xi32, #tpu.memory_space<vmem>>
        %dma_wait3A_100 = arith.constant 0 : i32
        %dma_wait3A_101 = tpu.memref_slice %arg4[%dma_wait3A_100] : memref<1638400xi32, #tpu.memory_space<hbm>> -> memref<400xi32, #tpu.memory_space<hbm>>
        tpu.wait_dma2 semaphore(%dma_wait3A_96 : memref<!tpu.dma_semaphore, #tpu.memory_space<semaphore_mem>>) src(%dma_wait3A_101 : memref<400xi32, #tpu.memory_space<hbm>>) dst(%dma_wait3A_99 : memref<400xi32, #tpu.memory_space<vmem>>)
        %dma_start3A_102 = arith.constant 0 : i32
        %dma_start3A_103 = arith.constant 0 : i32
        %dma_start3A_104 = arith.constant 0 : i32
        %dma_start3A_105 = arith.constant 0 : i32
        %dma_start3A_106 = arith.constant 0 : i32
        %dma_start3A_107 = tpu.memref_slice %arg11[%dma_start3A_103, %dma_start3A_105, %dma_start3A_106] : memref<2x400x32xf32, #tpu.memory_space<vmem>> -> memref<1x400x32xf32, #tpu.memory_space<vmem>>
        %dma_start3A_108 = tpu.memref_squeeze %dma_start3A_107 : memref<1x400x32xf32, #tpu.memory_space<vmem>> -> memref<400x32xf32, #tpu.memory_space<vmem>>
        %dma_start3A_109 = arith.constant 0 : i32
        %dma_start3A_110 = tpu.memref_slice %arg9[%dma_start3A_102, %dma_start3A_109] : memref<2x400xi32, #tpu.memory_space<vmem>> -> memref<1x400xi32, #tpu.memory_space<vmem>>
        %dma_start3A_111 = tpu.memref_squeeze %dma_start3A_110 : memref<1x400xi32, #tpu.memory_space<vmem>> -> memref<400xi32, #tpu.memory_space<vmem>>
        %dma_start3A_112 = arith.constant 0 : i32
        %dma_start3A_113 = arith.constant 0 : i32
        %dma_start3A_114 = tpu.memref_slice %arg3[%dma_start3A_112, %dma_start3A_113] : memref<50048x32xf32, #tpu.memory_space<hbm>> -> memref<50048x32xf32, #tpu.memory_space<hbm>>
        %dma_start3A_115 = tpu.memref_slice %arg14[%dma_start3A_104] : memref<2x!tpu.dma_semaphore, #tpu.memory_space<semaphore_mem>> -> memref<1x!tpu.dma_semaphore, #tpu.memory_space<semaphore_mem>>
        %dma_start3A_116 = tpu.memref_squeeze %dma_start3A_115 : memref<1x!tpu.dma_semaphore, #tpu.memory_space<semaphore_mem>> -> memref<!tpu.dma_semaphore, #tpu.memory_space<semaphore_mem>>
        tpu.enqueue_indirect_dma source(%dma_start3A_114 : memref<50048x32xf32, #tpu.memory_space<hbm>>) target(%dma_start3A_108 : memref<400x32xf32, #tpu.memory_space<vmem>>) offsets(%dma_start3A_111 : memref<400xi32, #tpu.memory_space<vmem>>) semaphore(%dma_start3A_116 : memref<!tpu.dma_semaphore, #tpu.memory_space<semaphore_mem>>)
        %gt3A = arith.constant 0 : i32
        %gt3A_117 = arith.cmpi sgt, %add3A_73, %gt3A : i32
        %convert_element_type3A_118 = arith.extui %gt3A_117 : i1 to i32
        %cond3A_119 = arith.constant 0 : i32
        %cond3A_120 = arith.cmpi ne, %convert_element_type3A_118, %cond3A_119 : i32
        scf.if %cond3A_120 {
          %dma_wait3A_252 = arith.constant 1 : i32
          %dma_wait3A_253 = arith.constant 1 : i32
          %dma_wait3A_254 = arith.constant 0 : i32
          %dma_wait3A_255 = arith.constant 0 : i32
          %dma_wait3A_256 = tpu.memref_slice %arg11[%dma_wait3A_252, %dma_wait3A_254, %dma_wait3A_255] : memref<2x400x32xf32, #tpu.memory_space<vmem>> -> memref<1x400x32xf32, #tpu.memory_space<vmem>>
          %dma_wait3A_257 = tpu.memref_squeeze %dma_wait3A_256 : memref<1x400x32xf32, #tpu.memory_space<vmem>> -> memref<400x32xf32, #tpu.memory_space<vmem>>
          %dma_wait3A_258 = arith.constant 0 : i32
          %dma_wait3A_259 = arith.constant 0 : i32
          %dma_wait3A_260 = tpu.memref_slice %arg3[%dma_wait3A_258, %dma_wait3A_259] : memref<50048x32xf32, #tpu.memory_space<hbm>> -> memref<400x32xf32, #tpu.memory_space<hbm>>
          %dma_wait3A_261 = tpu.memref_slice %arg15[%dma_wait3A_253] : memref<2x!tpu.dma_semaphore, #tpu.memory_space<semaphore_mem>> -> memref<1x!tpu.dma_semaphore, #tpu.memory_space<semaphore_mem>>
          %dma_wait3A_262 = tpu.memref_squeeze %dma_wait3A_261 : memref<1x!tpu.dma_semaphore, #tpu.memory_space<semaphore_mem>> -> memref<!tpu.dma_semaphore, #tpu.memory_space<semaphore_mem>>
          %dma_wait3A_263 = arith.constant 0 : i32
          %dma_wait3A_264 = arith.constant 0 : i32
          %dma_wait3A_265 = tpu.memref_slice %arg11[%dma_wait3A_252, %dma_wait3A_263, %dma_wait3A_264] : memref<2x400x32xf32, #tpu.memory_space<vmem>> -> memref<1x400x32xf32, #tpu.memory_space<vmem>>
          %dma_wait3A_266 = tpu.memref_squeeze %dma_wait3A_265 : memref<1x400x32xf32, #tpu.memory_space<vmem>> -> memref<400x32xf32, #tpu.memory_space<vmem>>
          %dma_wait3A_267 = arith.constant 0 : i32
          %dma_wait3A_268 = arith.constant 0 : i32
          %dma_wait3A_269 = tpu.memref_slice %arg3[%dma_wait3A_267, %dma_wait3A_268] : memref<50048x32xf32, #tpu.memory_space<hbm>> -> memref<400x32xf32, #tpu.memory_space<hbm>>
          tpu.wait_dma2 semaphore(%dma_wait3A_262 : memref<!tpu.dma_semaphore, #tpu.memory_space<semaphore_mem>>) src(%dma_wait3A_269 : memref<400x32xf32, #tpu.memory_space<hbm>>) dst(%dma_wait3A_266 : memref<400x32xf32, #tpu.memory_space<vmem>>)
        } else {
        }
        %add3A_121 = arith.constant 1 : i32
        %add3A_122 = arith.addi %add3A_73, %add3A_121 : i32
        %lt3A = arith.constant 256 : i32
        %lt3A_123 = arith.cmpi slt, %add3A_122, %lt3A : i32
        %convert_element_type3A_124 = arith.extui %lt3A_123 : i1 to i32
        %cond3A_125 = arith.constant 0 : i32
        %cond3A_126 = arith.cmpi ne, %convert_element_type3A_124, %cond3A_125 : i32
        scf.if %cond3A_126 {
          %add3A_252 = arith.constant 1 : i32
          %add3A_253 = arith.addi %add3A_73, %add3A_252 : i32
          %mul3A_254 = arith.constant 102400 : i32
          %mul3A_255 = arith.muli %arg1, %mul3A_254 : i32
          %mul3A_256 = arith.constant 400 : i32
          %mul3A_257 = arith.muli %add3A_253, %mul3A_256 : i32
          %add3A_258 = arith.addi %mul3A_255, %mul3A_257 : i32
          %dma_start3A_259 = arith.constant 1 : i32
          %dma_start3A_260 = arith.constant 1 : i32
          %dma_start3A_261 = arith.constant 0 : i32
          %dma_start3A_262 = tpu.memref_slice %arg9[%dma_start3A_259, %dma_start3A_261] : memref<2x400xi32, #tpu.memory_space<vmem>> -> memref<1x400xi32, #tpu.memory_space<vmem>>
          %dma_start3A_263 = tpu.memref_squeeze %dma_start3A_262 : memref<1x400xi32, #tpu.memory_space<vmem>> -> memref<400xi32, #tpu.memory_space<vmem>>
          %dma_start3A_264 = tpu.memref_slice %arg5[%add3A_258] : memref<1638400xi32, #tpu.memory_space<hbm>> -> memref<400xi32, #tpu.memory_space<hbm>>
          %dma_start3A_265 = tpu.memref_slice %arg13[%dma_start3A_260] : memref<2x!tpu.dma_semaphore, #tpu.memory_space<semaphore_mem>> -> memref<1x!tpu.dma_semaphore, #tpu.memory_space<semaphore_mem>>
          %dma_start3A_266 = tpu.memref_squeeze %dma_start3A_265 : memref<1x!tpu.dma_semaphore, #tpu.memory_space<semaphore_mem>> -> memref<!tpu.dma_semaphore, #tpu.memory_space<semaphore_mem>>
          %dma_start3A_267 = arith.constant 0 : i32
          %dma_start3A_268 = tpu.memref_slice %arg9[%dma_start3A_259, %dma_start3A_267] : memref<2x400xi32, #tpu.memory_space<vmem>> -> memref<1x400xi32, #tpu.memory_space<vmem>>
          %dma_start3A_269 = tpu.memref_squeeze %dma_start3A_268 : memref<1x400xi32, #tpu.memory_space<vmem>> -> memref<400xi32, #tpu.memory_space<vmem>>
          %dma_start3A_270 = tpu.memref_slice %arg5[%add3A_258] : memref<1638400xi32, #tpu.memory_space<hbm>> -> memref<400xi32, #tpu.memory_space<hbm>>
          tpu.enqueue_dma source(%dma_start3A_270 : memref<400xi32, #tpu.memory_space<hbm>>) target(%dma_start3A_269 : memref<400xi32, #tpu.memory_space<vmem>>) target_semaphore(%dma_start3A_266 : memref<!tpu.dma_semaphore, #tpu.memory_space<semaphore_mem>>)
          %dma_start3A_271 = arith.constant 1 : i32
          %dma_start3A_272 = arith.constant 1 : i32
          %dma_start3A_273 = arith.constant 0 : i32
          %dma_start3A_274 = tpu.memref_slice %arg10[%dma_start3A_271, %dma_start3A_273] : memref<2x400xi32, #tpu.memory_space<vmem>> -> memref<1x400xi32, #tpu.memory_space<vmem>>
          %dma_start3A_275 = tpu.memref_squeeze %dma_start3A_274 : memref<1x400xi32, #tpu.memory_space<vmem>> -> memref<400xi32, #tpu.memory_space<vmem>>
          %dma_start3A_276 = tpu.memref_slice %arg4[%add3A_258] : memref<1638400xi32, #tpu.memory_space<hbm>> -> memref<400xi32, #tpu.memory_space<hbm>>
          %dma_start3A_277 = tpu.memref_slice %arg13[%dma_start3A_272] : memref<2x!tpu.dma_semaphore, #tpu.memory_space<semaphore_mem>> -> memref<1x!tpu.dma_semaphore, #tpu.memory_space<semaphore_mem>>
          %dma_start3A_278 = tpu.memref_squeeze %dma_start3A_277 : memref<1x!tpu.dma_semaphore, #tpu.memory_space<semaphore_mem>> -> memref<!tpu.dma_semaphore, #tpu.memory_space<semaphore_mem>>
          %dma_start3A_279 = arith.constant 0 : i32
          %dma_start3A_280 = tpu.memref_slice %arg10[%dma_start3A_271, %dma_start3A_279] : memref<2x400xi32, #tpu.memory_space<vmem>> -> memref<1x400xi32, #tpu.memory_space<vmem>>
          %dma_start3A_281 = tpu.memref_squeeze %dma_start3A_280 : memref<1x400xi32, #tpu.memory_space<vmem>> -> memref<400xi32, #tpu.memory_space<vmem>>
          %dma_start3A_282 = tpu.memref_slice %arg4[%add3A_258] : memref<1638400xi32, #tpu.memory_space<hbm>> -> memref<400xi32, #tpu.memory_space<hbm>>
          tpu.enqueue_dma source(%dma_start3A_282 : memref<400xi32, #tpu.memory_space<hbm>>) target(%dma_start3A_281 : memref<400xi32, #tpu.memory_space<vmem>>) target_semaphore(%dma_start3A_278 : memref<!tpu.dma_semaphore, #tpu.memory_space<semaphore_mem>>)
        } else {
        }
        %dma_wait3A_127 = arith.constant 0 : i32
        %dma_wait3A_128 = arith.constant 0 : i32
        %dma_wait3A_129 = arith.constant 0 : i32
        %dma_wait3A_130 = arith.constant 0 : i32
        %dma_wait3A_131 = tpu.memref_slice %arg11[%dma_wait3A_127, %dma_wait3A_129, %dma_wait3A_130] : memref<2x400x32xf32, #tpu.memory_space<vmem>> -> memref<1x400x32xf32, #tpu.memory_space<vmem>>
        %dma_wait3A_132 = tpu.memref_squeeze %dma_wait3A_131 : memref<1x400x32xf32, #tpu.memory_space<vmem>> -> memref<400x32xf32, #tpu.memory_space<vmem>>
        %dma_wait3A_133 = arith.constant 0 : i32
        %dma_wait3A_134 = arith.constant 0 : i32
        %dma_wait3A_135 = tpu.memref_slice %arg3[%dma_wait3A_133, %dma_wait3A_134] : memref<50048x32xf32, #tpu.memory_space<hbm>> -> memref<400x32xf32, #tpu.memory_space<hbm>>
        %dma_wait3A_136 = tpu.memref_slice %arg14[%dma_wait3A_128] : memref<2x!tpu.dma_semaphore, #tpu.memory_space<semaphore_mem>> -> memref<1x!tpu.dma_semaphore, #tpu.memory_space<semaphore_mem>>
        %dma_wait3A_137 = tpu.memref_squeeze %dma_wait3A_136 : memref<1x!tpu.dma_semaphore, #tpu.memory_space<semaphore_mem>> -> memref<!tpu.dma_semaphore, #tpu.memory_space<semaphore_mem>>
        %dma_wait3A_138 = arith.constant 0 : i32
        %dma_wait3A_139 = arith.constant 0 : i32
        %dma_wait3A_140 = tpu.memref_slice %arg11[%dma_wait3A_127, %dma_wait3A_138, %dma_wait3A_139] : memref<2x400x32xf32, #tpu.memory_space<vmem>> -> memref<1x400x32xf32, #tpu.memory_space<vmem>>
        %dma_wait3A_141 = tpu.memref_squeeze %dma_wait3A_140 : memref<1x400x32xf32, #tpu.memory_space<vmem>> -> memref<400x32xf32, #tpu.memory_space<vmem>>
        %dma_wait3A_142 = arith.constant 0 : i32
        %dma_wait3A_143 = arith.constant 0 : i32
        %dma_wait3A_144 = tpu.memref_slice %arg3[%dma_wait3A_142, %dma_wait3A_143] : memref<50048x32xf32, #tpu.memory_space<hbm>> -> memref<400x32xf32, #tpu.memory_space<hbm>>
        tpu.wait_dma2 semaphore(%dma_wait3A_137 : memref<!tpu.dma_semaphore, #tpu.memory_space<semaphore_mem>>) src(%dma_wait3A_144 : memref<400x32xf32, #tpu.memory_space<hbm>>) dst(%dma_wait3A_141 : memref<400x32xf32, #tpu.memory_space<vmem>>)
        %dma_start3A_145 = arith.constant 0 : i32
        %dma_start3A_146 = arith.constant 0 : i32
        %dma_start3A_147 = arith.constant 0 : i32
        %dma_start3A_148 = arith.constant 0 : i32
        %dma_start3A_149 = arith.constant 0 : i32
        %dma_start3A_150 = tpu.memref_slice %arg11[%dma_start3A_145, %dma_start3A_148, %dma_start3A_149] : memref<2x400x32xf32, #tpu.memory_space<vmem>> -> memref<1x400x32xf32, #tpu.memory_space<vmem>>
        %dma_start3A_151 = tpu.memref_squeeze %dma_start3A_150 : memref<1x400x32xf32, #tpu.memory_space<vmem>> -> memref<400x32xf32, #tpu.memory_space<vmem>>
        %dma_start3A_152 = arith.constant 0 : i32
        %dma_start3A_153 = tpu.memref_slice %arg10[%dma_start3A_146, %dma_start3A_152] : memref<2x400xi32, #tpu.memory_space<vmem>> -> memref<1x400xi32, #tpu.memory_space<vmem>>
        %dma_start3A_154 = tpu.memref_squeeze %dma_start3A_153 : memref<1x400xi32, #tpu.memory_space<vmem>> -> memref<400xi32, #tpu.memory_space<vmem>>
        %dma_start3A_155 = arith.constant 0 : i32
        %dma_start3A_156 = arith.constant 0 : i32
        %dma_start3A_157 = tpu.memref_slice %arg12[%dma_start3A_155, %dma_start3A_156] : memref<50048x32xf32, #tpu.memory_space<vmem_shared>> -> memref<50048x32xf32, #tpu.memory_space<vmem_shared>>
        %dma_start3A_158 = tpu.memref_slice %arg15[%dma_start3A_147] : memref<2x!tpu.dma_semaphore, #tpu.memory_space<semaphore_mem>> -> memref<1x!tpu.dma_semaphore, #tpu.memory_space<semaphore_mem>>
        %dma_start3A_159 = tpu.memref_squeeze %dma_start3A_158 : memref<1x!tpu.dma_semaphore, #tpu.memory_space<semaphore_mem>> -> memref<!tpu.dma_semaphore, #tpu.memory_space<semaphore_mem>>
        tpu.enqueue_indirect_dma source(%dma_start3A_151 : memref<400x32xf32, #tpu.memory_space<vmem>>) target(%dma_start3A_157 : memref<50048x32xf32, #tpu.memory_space<vmem_shared>>) offsets(%dma_start3A_154 : memref<400xi32, #tpu.memory_space<vmem>>) semaphore(%dma_start3A_159 : memref<!tpu.dma_semaphore, #tpu.memory_space<semaphore_mem>>) {add = true}
        %mul3A_160 = arith.constant 2 : i32
        %mul3A_161 = arith.muli %scan3A_69, %mul3A_160 : i32
        %add3A_162 = arith.constant 1 : i32
        %add3A_163 = arith.addi %mul3A_161, %add3A_162 : i32
        %dma_wait3A_164 = arith.constant 1 : i32
        %dma_wait3A_165 = arith.constant 1 : i32
        %dma_wait3A_166 = arith.constant 0 : i32
        %dma_wait3A_167 = tpu.memref_slice %arg9[%dma_wait3A_164, %dma_wait3A_166] : memref<2x400xi32, #tpu.memory_space<vmem>> -> memref<1x400xi32, #tpu.memory_space<vmem>>
        %dma_wait3A_168 = tpu.memref_squeeze %dma_wait3A_167 : memref<1x400xi32, #tpu.memory_space<vmem>> -> memref<400xi32, #tpu.memory_space<vmem>>
        %dma_wait3A_169 = arith.constant 0 : i32
        %dma_wait3A_170 = tpu.memref_slice %arg5[%dma_wait3A_169] : memref<1638400xi32, #tpu.memory_space<hbm>> -> memref<400xi32, #tpu.memory_space<hbm>>
        %dma_wait3A_171 = tpu.memref_slice %arg13[%dma_wait3A_165] : memref<2x!tpu.dma_semaphore, #tpu.memory_space<semaphore_mem>> -> memref<1x!tpu.dma_semaphore, #tpu.memory_space<semaphore_mem>>
        %dma_wait3A_172 = tpu.memref_squeeze %dma_wait3A_171 : memref<1x!tpu.dma_semaphore, #tpu.memory_space<semaphore_mem>> -> memref<!tpu.dma_semaphore, #tpu.memory_space<semaphore_mem>>
        %dma_wait3A_173 = arith.constant 0 : i32
        %dma_wait3A_174 = tpu.memref_slice %arg9[%dma_wait3A_164, %dma_wait3A_173] : memref<2x400xi32, #tpu.memory_space<vmem>> -> memref<1x400xi32, #tpu.memory_space<vmem>>
        %dma_wait3A_175 = tpu.memref_squeeze %dma_wait3A_174 : memref<1x400xi32, #tpu.memory_space<vmem>> -> memref<400xi32, #tpu.memory_space<vmem>>
        %dma_wait3A_176 = arith.constant 0 : i32
        %dma_wait3A_177 = tpu.memref_slice %arg5[%dma_wait3A_176] : memref<1638400xi32, #tpu.memory_space<hbm>> -> memref<400xi32, #tpu.memory_space<hbm>>
        tpu.wait_dma2 semaphore(%dma_wait3A_172 : memref<!tpu.dma_semaphore, #tpu.memory_space<semaphore_mem>>) src(%dma_wait3A_177 : memref<400xi32, #tpu.memory_space<hbm>>) dst(%dma_wait3A_175 : memref<400xi32, #tpu.memory_space<vmem>>)
        %dma_wait3A_178 = arith.constant 1 : i32
        %dma_wait3A_179 = arith.constant 1 : i32
        %dma_wait3A_180 = arith.constant 0 : i32
        %dma_wait3A_181 = tpu.memref_slice %arg10[%dma_wait3A_178, %dma_wait3A_180] : memref<2x400xi32, #tpu.memory_space<vmem>> -> memref<1x400xi32, #tpu.memory_space<vmem>>
        %dma_wait3A_182 = tpu.memref_squeeze %dma_wait3A_181 : memref<1x400xi32, #tpu.memory_space<vmem>> -> memref<400xi32, #tpu.memory_space<vmem>>
        %dma_wait3A_183 = arith.constant 0 : i32
        %dma_wait3A_184 = tpu.memref_slice %arg4[%dma_wait3A_183] : memref<1638400xi32, #tpu.memory_space<hbm>> -> memref<400xi32, #tpu.memory_space<hbm>>
        %dma_wait3A_185 = tpu.memref_slice %arg13[%dma_wait3A_179] : memref<2x!tpu.dma_semaphore, #tpu.memory_space<semaphore_mem>> -> memref<1x!tpu.dma_semaphore, #tpu.memory_space<semaphore_mem>>
        %dma_wait3A_186 = tpu.memref_squeeze %dma_wait3A_185 : memref<1x!tpu.dma_semaphore, #tpu.memory_space<semaphore_mem>> -> memref<!tpu.dma_semaphore, #tpu.memory_space<semaphore_mem>>
        %dma_wait3A_187 = arith.constant 0 : i32
        %dma_wait3A_188 = tpu.memref_slice %arg10[%dma_wait3A_178, %dma_wait3A_187] : memref<2x400xi32, #tpu.memory_space<vmem>> -> memref<1x400xi32, #tpu.memory_space<vmem>>
        %dma_wait3A_189 = tpu.memref_squeeze %dma_wait3A_188 : memref<1x400xi32, #tpu.memory_space<vmem>> -> memref<400xi32, #tpu.memory_space<vmem>>
        %dma_wait3A_190 = arith.constant 0 : i32
        %dma_wait3A_191 = tpu.memref_slice %arg4[%dma_wait3A_190] : memref<1638400xi32, #tpu.memory_space<hbm>> -> memref<400xi32, #tpu.memory_space<hbm>>
        tpu.wait_dma2 semaphore(%dma_wait3A_186 : memref<!tpu.dma_semaphore, #tpu.memory_space<semaphore_mem>>) src(%dma_wait3A_191 : memref<400xi32, #tpu.memory_space<hbm>>) dst(%dma_wait3A_189 : memref<400xi32, #tpu.memory_space<vmem>>)
        %dma_start3A_192 = arith.constant 1 : i32
        %dma_start3A_193 = arith.constant 1 : i32
        %dma_start3A_194 = arith.constant 1 : i32
        %dma_start3A_195 = arith.constant 0 : i32
        %dma_start3A_196 = arith.constant 0 : i32
        %dma_start3A_197 = tpu.memref_slice %arg11[%dma_start3A_193, %dma_start3A_195, %dma_start3A_196] : memref<2x400x32xf32, #tpu.memory_space<vmem>> -> memref<1x400x32xf32, #tpu.memory_space<vmem>>
        %dma_start3A_198 = tpu.memref_squeeze %dma_start3A_197 : memref<1x400x32xf32, #tpu.memory_space<vmem>> -> memref<400x32xf32, #tpu.memory_space<vmem>>
        %dma_start3A_199 = arith.constant 0 : i32
        %dma_start3A_200 = tpu.memref_slice %arg9[%dma_start3A_192, %dma_start3A_199] : memref<2x400xi32, #tpu.memory_space<vmem>> -> memref<1x400xi32, #tpu.memory_space<vmem>>
        %dma_start3A_201 = tpu.memref_squeeze %dma_start3A_200 : memref<1x400xi32, #tpu.memory_space<vmem>> -> memref<400xi32, #tpu.memory_space<vmem>>
        %dma_start3A_202 = arith.constant 0 : i32
        %dma_start3A_203 = arith.constant 0 : i32
        %dma_start3A_204 = tpu.memref_slice %arg3[%dma_start3A_202, %dma_start3A_203] : memref<50048x32xf32, #tpu.memory_space<hbm>> -> memref<50048x32xf32, #tpu.memory_space<hbm>>
        %dma_start3A_205 = tpu.memref_slice %arg14[%dma_start3A_194] : memref<2x!tpu.dma_semaphore, #tpu.memory_space<semaphore_mem>> -> memref<1x!tpu.dma_semaphore, #tpu.memory_space<semaphore_mem>>
        %dma_start3A_206 = tpu.memref_squeeze %dma_start3A_205 : memref<1x!tpu.dma_semaphore, #tpu.memory_space<semaphore_mem>> -> memref<!tpu.dma_semaphore, #tpu.memory_space<semaphore_mem>>
        tpu.enqueue_indirect_dma source(%dma_start3A_204 : memref<50048x32xf32, #tpu.memory_space<hbm>>) target(%dma_start3A_198 : memref<400x32xf32, #tpu.memory_space<vmem>>) offsets(%dma_start3A_201 : memref<400xi32, #tpu.memory_space<vmem>>) semaphore(%dma_start3A_206 : memref<!tpu.dma_semaphore, #tpu.memory_space<semaphore_mem>>)
        %gt3A_207 = arith.constant 0 : i32
        %gt3A_208 = arith.cmpi sgt, %add3A_163, %gt3A_207 : i32
        %convert_element_type3A_209 = arith.extui %gt3A_208 : i1 to i32
        %cond3A_210 = arith.constant 0 : i32
        %cond3A_211 = arith.cmpi ne, %convert_element_type3A_209, %cond3A_210 : i32
        scf.if %cond3A_211 {
          %dma_wait3A_252 = arith.constant 0 : i32
          %dma_wait3A_253 = arith.constant 0 : i32
          %dma_wait3A_254 = arith.constant 0 : i32
          %dma_wait3A_255 = arith.constant 0 : i32
          %dma_wait3A_256 = tpu.memref_slice %arg11[%dma_wait3A_252, %dma_wait3A_254, %dma_wait3A_255] : memref<2x400x32xf32, #tpu.memory_space<vmem>> -> memref<1x400x32xf32, #tpu.memory_space<vmem>>
          %dma_wait3A_257 = tpu.memref_squeeze %dma_wait3A_256 : memref<1x400x32xf32, #tpu.memory_space<vmem>> -> memref<400x32xf32, #tpu.memory_space<vmem>>
          %dma_wait3A_258 = arith.constant 0 : i32
          %dma_wait3A_259 = arith.constant 0 : i32
          %dma_wait3A_260 = tpu.memref_slice %arg3[%dma_wait3A_258, %dma_wait3A_259] : memref<50048x32xf32, #tpu.memory_space<hbm>> -> memref<400x32xf32, #tpu.memory_space<hbm>>
          %dma_wait3A_261 = tpu.memref_slice %arg15[%dma_wait3A_253] : memref<2x!tpu.dma_semaphore, #tpu.memory_space<semaphore_mem>> -> memref<1x!tpu.dma_semaphore, #tpu.memory_space<semaphore_mem>>
          %dma_wait3A_262 = tpu.memref_squeeze %dma_wait3A_261 : memref<1x!tpu.dma_semaphore, #tpu.memory_space<semaphore_mem>> -> memref<!tpu.dma_semaphore, #tpu.memory_space<semaphore_mem>>
          %dma_wait3A_263 = arith.constant 0 : i32
          %dma_wait3A_264 = arith.constant 0 : i32
          %dma_wait3A_265 = tpu.memref_slice %arg11[%dma_wait3A_252, %dma_wait3A_263, %dma_wait3A_264] : memref<2x400x32xf32, #tpu.memory_space<vmem>> -> memref<1x400x32xf32, #tpu.memory_space<vmem>>
          %dma_wait3A_266 = tpu.memref_squeeze %dma_wait3A_265 : memref<1x400x32xf32, #tpu.memory_space<vmem>> -> memref<400x32xf32, #tpu.memory_space<vmem>>
          %dma_wait3A_267 = arith.constant 0 : i32
          %dma_wait3A_268 = arith.constant 0 : i32
          %dma_wait3A_269 = tpu.memref_slice %arg3[%dma_wait3A_267, %dma_wait3A_268] : memref<50048x32xf32, #tpu.memory_space<hbm>> -> memref<400x32xf32, #tpu.memory_space<hbm>>
          tpu.wait_dma2 semaphore(%dma_wait3A_262 : memref<!tpu.dma_semaphore, #tpu.memory_space<semaphore_mem>>) src(%dma_wait3A_269 : memref<400x32xf32, #tpu.memory_space<hbm>>) dst(%dma_wait3A_266 : memref<400x32xf32, #tpu.memory_space<vmem>>)
        } else {
        }
        %add3A_212 = arith.constant 1 : i32
        %add3A_213 = arith.addi %add3A_163, %add3A_212 : i32
        %lt3A_214 = arith.constant 256 : i32
        %lt3A_215 = arith.cmpi slt, %add3A_213, %lt3A_214 : i32
        %convert_element_type3A_216 = arith.extui %lt3A_215 : i1 to i32
        %cond3A_217 = arith.constant 0 : i32
        %cond3A_218 = arith.cmpi ne, %convert_element_type3A_216, %cond3A_217 : i32
        scf.if %cond3A_218 {
          %add3A_252 = arith.constant 1 : i32
          %add3A_253 = arith.addi %add3A_163, %add3A_252 : i32
          %mul3A_254 = arith.constant 102400 : i32
          %mul3A_255 = arith.muli %arg1, %mul3A_254 : i32
          %mul3A_256 = arith.constant 400 : i32
          %mul3A_257 = arith.muli %add3A_253, %mul3A_256 : i32
          %add3A_258 = arith.addi %mul3A_255, %mul3A_257 : i32
          %dma_start3A_259 = arith.constant 0 : i32
          %dma_start3A_260 = arith.constant 0 : i32
          %dma_start3A_261 = arith.constant 0 : i32
          %dma_start3A_262 = tpu.memref_slice %arg9[%dma_start3A_259, %dma_start3A_261] : memref<2x400xi32, #tpu.memory_space<vmem>> -> memref<1x400xi32, #tpu.memory_space<vmem>>
          %dma_start3A_263 = tpu.memref_squeeze %dma_start3A_262 : memref<1x400xi32, #tpu.memory_space<vmem>> -> memref<400xi32, #tpu.memory_space<vmem>>
          %dma_start3A_264 = tpu.memref_slice %arg5[%add3A_258] : memref<1638400xi32, #tpu.memory_space<hbm>> -> memref<400xi32, #tpu.memory_space<hbm>>
          %dma_start3A_265 = tpu.memref_slice %arg13[%dma_start3A_260] : memref<2x!tpu.dma_semaphore, #tpu.memory_space<semaphore_mem>> -> memref<1x!tpu.dma_semaphore, #tpu.memory_space<semaphore_mem>>
          %dma_start3A_266 = tpu.memref_squeeze %dma_start3A_265 : memref<1x!tpu.dma_semaphore, #tpu.memory_space<semaphore_mem>> -> memref<!tpu.dma_semaphore, #tpu.memory_space<semaphore_mem>>
          %dma_start3A_267 = arith.constant 0 : i32
          %dma_start3A_268 = tpu.memref_slice %arg9[%dma_start3A_259, %dma_start3A_267] : memref<2x400xi32, #tpu.memory_space<vmem>> -> memref<1x400xi32, #tpu.memory_space<vmem>>
          %dma_start3A_269 = tpu.memref_squeeze %dma_start3A_268 : memref<1x400xi32, #tpu.memory_space<vmem>> -> memref<400xi32, #tpu.memory_space<vmem>>
          %dma_start3A_270 = tpu.memref_slice %arg5[%add3A_258] : memref<1638400xi32, #tpu.memory_space<hbm>> -> memref<400xi32, #tpu.memory_space<hbm>>
          tpu.enqueue_dma source(%dma_start3A_270 : memref<400xi32, #tpu.memory_space<hbm>>) target(%dma_start3A_269 : memref<400xi32, #tpu.memory_space<vmem>>) target_semaphore(%dma_start3A_266 : memref<!tpu.dma_semaphore, #tpu.memory_space<semaphore_mem>>)
          %dma_start3A_271 = arith.constant 0 : i32
          %dma_start3A_272 = arith.constant 0 : i32
          %dma_start3A_273 = arith.constant 0 : i32
          %dma_start3A_274 = tpu.memref_slice %arg10[%dma_start3A_271, %dma_start3A_273] : memref<2x400xi32, #tpu.memory_space<vmem>> -> memref<1x400xi32, #tpu.memory_space<vmem>>
          %dma_start3A_275 = tpu.memref_squeeze %dma_start3A_274 : memref<1x400xi32, #tpu.memory_space<vmem>> -> memref<400xi32, #tpu.memory_space<vmem>>
          %dma_start3A_276 = tpu.memref_slice %arg4[%add3A_258] : memref<1638400xi32, #tpu.memory_space<hbm>> -> memref<400xi32, #tpu.memory_space<hbm>>
          %dma_start3A_277 = tpu.memref_slice %arg13[%dma_start3A_272] : memref<2x!tpu.dma_semaphore, #tpu.memory_space<semaphore_mem>> -> memref<1x!tpu.dma_semaphore, #tpu.memory_space<semaphore_mem>>
          %dma_start3A_278 = tpu.memref_squeeze %dma_start3A_277 : memref<1x!tpu.dma_semaphore, #tpu.memory_space<semaphore_mem>> -> memref<!tpu.dma_semaphore, #tpu.memory_space<semaphore_mem>>
          %dma_start3A_279 = arith.constant 0 : i32
          %dma_start3A_280 = tpu.memref_slice %arg10[%dma_start3A_271, %dma_start3A_279] : memref<2x400xi32, #tpu.memory_space<vmem>> -> memref<1x400xi32, #tpu.memory_space<vmem>>
          %dma_start3A_281 = tpu.memref_squeeze %dma_start3A_280 : memref<1x400xi32, #tpu.memory_space<vmem>> -> memref<400xi32, #tpu.memory_space<vmem>>
          %dma_start3A_282 = tpu.memref_slice %arg4[%add3A_258] : memref<1638400xi32, #tpu.memory_space<hbm>> -> memref<400xi32, #tpu.memory_space<hbm>>
          tpu.enqueue_dma source(%dma_start3A_282 : memref<400xi32, #tpu.memory_space<hbm>>) target(%dma_start3A_281 : memref<400xi32, #tpu.memory_space<vmem>>) target_semaphore(%dma_start3A_278 : memref<!tpu.dma_semaphore, #tpu.memory_space<semaphore_mem>>)
        } else {
        }
        %dma_wait3A_219 = arith.constant 1 : i32
        %dma_wait3A_220 = arith.constant 1 : i32
        %dma_wait3A_221 = arith.constant 0 : i32
        %dma_wait3A_222 = arith.constant 0 : i32
        %dma_wait3A_223 = tpu.memref_slice %arg11[%dma_wait3A_219, %dma_wait3A_221, %dma_wait3A_222] : memref<2x400x32xf32, #tpu.memory_space<vmem>> -> memref<1x400x32xf32, #tpu.memory_space<vmem>>
        %dma_wait3A_224 = tpu.memref_squeeze %dma_wait3A_223 : memref<1x400x32xf32, #tpu.memory_space<vmem>> -> memref<400x32xf32, #tpu.memory_space<vmem>>
        %dma_wait3A_225 = arith.constant 0 : i32
        %dma_wait3A_226 = arith.constant 0 : i32
        %dma_wait3A_227 = tpu.memref_slice %arg3[%dma_wait3A_225, %dma_wait3A_226] : memref<50048x32xf32, #tpu.memory_space<hbm>> -> memref<400x32xf32, #tpu.memory_space<hbm>>
        %dma_wait3A_228 = tpu.memref_slice %arg14[%dma_wait3A_220] : memref<2x!tpu.dma_semaphore, #tpu.memory_space<semaphore_mem>> -> memref<1x!tpu.dma_semaphore, #tpu.memory_space<semaphore_mem>>
        %dma_wait3A_229 = tpu.memref_squeeze %dma_wait3A_228 : memref<1x!tpu.dma_semaphore, #tpu.memory_space<semaphore_mem>> -> memref<!tpu.dma_semaphore, #tpu.memory_space<semaphore_mem>>
        %dma_wait3A_230 = arith.constant 0 : i32
        %dma_wait3A_231 = arith.constant 0 : i32
        %dma_wait3A_232 = tpu.memref_slice %arg11[%dma_wait3A_219, %dma_wait3A_230, %dma_wait3A_231] : memref<2x400x32xf32, #tpu.memory_space<vmem>> -> memref<1x400x32xf32, #tpu.memory_space<vmem>>
        %dma_wait3A_233 = tpu.memref_squeeze %dma_wait3A_232 : memref<1x400x32xf32, #tpu.memory_space<vmem>> -> memref<400x32xf32, #tpu.memory_space<vmem>>
        %dma_wait3A_234 = arith.constant 0 : i32
        %dma_wait3A_235 = arith.constant 0 : i32
        %dma_wait3A_236 = tpu.memref_slice %arg3[%dma_wait3A_234, %dma_wait3A_235] : memref<50048x32xf32, #tpu.memory_space<hbm>> -> memref<400x32xf32, #tpu.memory_space<hbm>>
        tpu.wait_dma2 semaphore(%dma_wait3A_229 : memref<!tpu.dma_semaphore, #tpu.memory_space<semaphore_mem>>) src(%dma_wait3A_236 : memref<400x32xf32, #tpu.memory_space<hbm>>) dst(%dma_wait3A_233 : memref<400x32xf32, #tpu.memory_space<vmem>>)
        %dma_start3A_237 = arith.constant 1 : i32
        %dma_start3A_238 = arith.constant 1 : i32
        %dma_start3A_239 = arith.constant 1 : i32
        %dma_start3A_240 = arith.constant 0 : i32
        %dma_start3A_241 = arith.constant 0 : i32
        %dma_start3A_242 = tpu.memref_slice %arg11[%dma_start3A_237, %dma_start3A_240, %dma_start3A_241] : memref<2x400x32xf32, #tpu.memory_space<vmem>> -> memref<1x400x32xf32, #tpu.memory_space<vmem>>
        %dma_start3A_243 = tpu.memref_squeeze %dma_start3A_242 : memref<1x400x32xf32, #tpu.memory_space<vmem>> -> memref<400x32xf32, #tpu.memory_space<vmem>>
        %dma_start3A_244 = arith.constant 0 : i32
        %dma_start3A_245 = tpu.memref_slice %arg10[%dma_start3A_238, %dma_start3A_244] : memref<2x400xi32, #tpu.memory_space<vmem>> -> memref<1x400xi32, #tpu.memory_space<vmem>>
        %dma_start3A_246 = tpu.memref_squeeze %dma_start3A_245 : memref<1x400xi32, #tpu.memory_space<vmem>> -> memref<400xi32, #tpu.memory_space<vmem>>
        %dma_start3A_247 = arith.constant 0 : i32
        %dma_start3A_248 = arith.constant 0 : i32
        %dma_start3A_249 = tpu.memref_slice %arg12[%dma_start3A_247, %dma_start3A_248] : memref<50048x32xf32, #tpu.memory_space<vmem_shared>> -> memref<50048x32xf32, #tpu.memory_space<vmem_shared>>
        %dma_start3A_250 = tpu.memref_slice %arg15[%dma_start3A_239] : memref<2x!tpu.dma_semaphore, #tpu.memory_space<semaphore_mem>> -> memref<1x!tpu.dma_semaphore, #tpu.memory_space<semaphore_mem>>
        %dma_start3A_251 = tpu.memref_squeeze %dma_start3A_250 : memref<1x!tpu.dma_semaphore, #tpu.memory_space<semaphore_mem>> -> memref<!tpu.dma_semaphore, #tpu.memory_space<semaphore_mem>>
        tpu.enqueue_indirect_dma source(%dma_start3A_243 : memref<400x32xf32, #tpu.memory_space<vmem>>) target(%dma_start3A_249 : memref<50048x32xf32, #tpu.memory_space<vmem_shared>>) offsets(%dma_start3A_246 : memref<400xi32, #tpu.memory_space<vmem>>) semaphore(%dma_start3A_251 : memref<!tpu.dma_semaphore, #tpu.memory_space<semaphore_mem>>) {add = true}
      }
      %scan3A_51 = arith.constant 128 : i32
      %dma_wait3A = arith.constant 1 : i32
      %dma_wait3A_52 = arith.constant 1 : i32
      %dma_wait3A_53 = arith.constant 0 : i32
      %dma_wait3A_54 = arith.constant 0 : i32
      %dma_wait3A_55 = tpu.memref_slice %arg11[%dma_wait3A, %dma_wait3A_53, %dma_wait3A_54] : memref<2x400x32xf32, #tpu.memory_space<vmem>> -> memref<1x400x32xf32, #tpu.memory_space<vmem>>
      %dma_wait3A_56 = tpu.memref_squeeze %dma_wait3A_55 : memref<1x400x32xf32, #tpu.memory_space<vmem>> -> memref<400x32xf32, #tpu.memory_space<vmem>>
      %dma_wait3A_57 = arith.constant 0 : i32
      %dma_wait3A_58 = arith.constant 0 : i32
      %dma_wait3A_59 = tpu.memref_slice %arg3[%dma_wait3A_57, %dma_wait3A_58] : memref<50048x32xf32, #tpu.memory_space<hbm>> -> memref<400x32xf32, #tpu.memory_space<hbm>>
      %dma_wait3A_60 = tpu.memref_slice %arg15[%dma_wait3A_52] : memref<2x!tpu.dma_semaphore, #tpu.memory_space<semaphore_mem>> -> memref<1x!tpu.dma_semaphore, #tpu.memory_space<semaphore_mem>>
      %dma_wait3A_61 = tpu.memref_squeeze %dma_wait3A_60 : memref<1x!tpu.dma_semaphore, #tpu.memory_space<semaphore_mem>> -> memref<!tpu.dma_semaphore, #tpu.memory_space<semaphore_mem>>
      %dma_wait3A_62 = arith.constant 0 : i32
      %dma_wait3A_63 = arith.constant 0 : i32
      %dma_wait3A_64 = tpu.memref_slice %arg11[%dma_wait3A, %dma_wait3A_62, %dma_wait3A_63] : memref<2x400x32xf32, #tpu.memory_space<vmem>> -> memref<1x400x32xf32, #tpu.memory_space<vmem>>
      %dma_wait3A_65 = tpu.memref_squeeze %dma_wait3A_64 : memref<1x400x32xf32, #tpu.memory_space<vmem>> -> memref<400x32xf32, #tpu.memory_space<vmem>>
      %dma_wait3A_66 = arith.constant 0 : i32
      %dma_wait3A_67 = arith.constant 0 : i32
      %dma_wait3A_68 = tpu.memref_slice %arg3[%dma_wait3A_66, %dma_wait3A_67] : memref<50048x32xf32, #tpu.memory_space<hbm>> -> memref<400x32xf32, #tpu.memory_space<hbm>>
      tpu.wait_dma2 semaphore(%dma_wait3A_61 : memref<!tpu.dma_semaphore, #tpu.memory_space<semaphore_mem>>) src(%dma_wait3A_68 : memref<400x32xf32, #tpu.memory_space<hbm>>) dst(%dma_wait3A_65 : memref<400x32xf32, #tpu.memory_space<vmem>>)
    } else {
    }
    %eq3A_5 = arith.constant 1 : i32
    %eq3A_6 = arith.cmpi eq, %arg0, %eq3A_5 : i32
    %convert_element_type3A_7 = arith.extui %eq3A_6 : i1 to i32
    %cond3A_8 = arith.constant 0 : i32
    %cond3A_9 = arith.cmpi ne, %convert_element_type3A_7, %cond3A_8 : i32
    scf.if %cond3A_9 {
      %mul3A_21 = arith.constant 102400 : i32
      %mul3A_22 = arith.muli %arg1, %mul3A_21 : i32
      %add3A = arith.constant 0 : i32
      %add3A_23 = arith.addi %mul3A_22, %add3A : i32
      %dma_start3A = arith.constant 0 : i32
      %dma_start3A_24 = arith.constant 0 : i32
      %dma_start3A_25 = arith.constant 0 : i32
      %dma_start3A_26 = tpu.memref_slice %arg9[%dma_start3A, %dma_start3A_25] : memref<2x400xi32, #tpu.memory_space<vmem>> -> memref<1x400xi32, #tpu.memory_space<vmem>>
      %dma_start3A_27 = tpu.memref_squeeze %dma_start3A_26 : memref<1x400xi32, #tpu.memory_space<vmem>> -> memref<400xi32, #tpu.memory_space<vmem>>
      %dma_start3A_28 = tpu.memref_slice %arg4[%add3A_23] : memref<1638400xi32, #tpu.memory_space<hbm>> -> memref<400xi32, #tpu.memory_space<hbm>>
      %dma_start3A_29 = tpu.memref_slice %arg13[%dma_start3A_24] : memref<2x!tpu.dma_semaphore, #tpu.memory_space<semaphore_mem>> -> memref<1x!tpu.dma_semaphore, #tpu.memory_space<semaphore_mem>>
      %dma_start3A_30 = tpu.memref_squeeze %dma_start3A_29 : memref<1x!tpu.dma_semaphore, #tpu.memory_space<semaphore_mem>> -> memref<!tpu.dma_semaphore, #tpu.memory_space<semaphore_mem>>
      %dma_start3A_31 = arith.constant 0 : i32
      %dma_start3A_32 = tpu.memref_slice %arg9[%dma_start3A, %dma_start3A_31] : memref<2x400xi32, #tpu.memory_space<vmem>> -> memref<1x400xi32, #tpu.memory_space<vmem>>
      %dma_start3A_33 = tpu.memref_squeeze %dma_start3A_32 : memref<1x400xi32, #tpu.memory_space<vmem>> -> memref<400xi32, #tpu.memory_space<vmem>>
      %dma_start3A_34 = tpu.memref_slice %arg4[%add3A_23] : memref<1638400xi32, #tpu.memory_space<hbm>> -> memref<400xi32, #tpu.memory_space<hbm>>
      tpu.enqueue_dma source(%dma_start3A_34 : memref<400xi32, #tpu.memory_space<hbm>>) target(%dma_start3A_33 : memref<400xi32, #tpu.memory_space<vmem>>) target_semaphore(%dma_start3A_30 : memref<!tpu.dma_semaphore, #tpu.memory_space<semaphore_mem>>)
      %dma_start3A_35 = arith.constant 0 : i32
      %dma_start3A_36 = arith.constant 0 : i32
      %dma_start3A_37 = arith.constant 0 : i32
      %dma_start3A_38 = tpu.memref_slice %arg10[%dma_start3A_35, %dma_start3A_37] : memref<2x400xi32, #tpu.memory_space<vmem>> -> memref<1x400xi32, #tpu.memory_space<vmem>>
      %dma_start3A_39 = tpu.memref_squeeze %dma_start3A_38 : memref<1x400xi32, #tpu.memory_space<vmem>> -> memref<400xi32, #tpu.memory_space<vmem>>
      %dma_start3A_40 = tpu.memref_slice %arg5[%add3A_23] : memref<1638400xi32, #tpu.memory_space<hbm>> -> memref<400xi32, #tpu.memory_space<hbm>>
      %dma_start3A_41 = tpu.memref_slice %arg13[%dma_start3A_36] : memref<2x!tpu.dma_semaphore, #tpu.memory_space<semaphore_mem>> -> memref<1x!tpu.dma_semaphore, #tpu.memory_space<semaphore_mem>>
      %dma_start3A_42 = tpu.memref_squeeze %dma_start3A_41 : memref<1x!tpu.dma_semaphore, #tpu.memory_space<semaphore_mem>> -> memref<!tpu.dma_semaphore, #tpu.memory_space<semaphore_mem>>
      %dma_start3A_43 = arith.constant 0 : i32
      %dma_start3A_44 = tpu.memref_slice %arg10[%dma_start3A_35, %dma_start3A_43] : memref<2x400xi32, #tpu.memory_space<vmem>> -> memref<1x400xi32, #tpu.memory_space<vmem>>
      %dma_start3A_45 = tpu.memref_squeeze %dma_start3A_44 : memref<1x400xi32, #tpu.memory_space<vmem>> -> memref<400xi32, #tpu.memory_space<vmem>>
      %dma_start3A_46 = tpu.memref_slice %arg5[%add3A_23] : memref<1638400xi32, #tpu.memory_space<hbm>> -> memref<400xi32, #tpu.memory_space<hbm>>
      tpu.enqueue_dma source(%dma_start3A_46 : memref<400xi32, #tpu.memory_space<hbm>>) target(%dma_start3A_45 : memref<400xi32, #tpu.memory_space<vmem>>) target_semaphore(%dma_start3A_42 : memref<!tpu.dma_semaphore, #tpu.memory_space<semaphore_mem>>)
      %scan3A = arith.constant 0 : i32
      %scan3A_47 = arith.constant 0 : i32
      %scan3A_48 = arith.constant 128 : i32
      %scan3A_49 = arith.addi %scan3A_47, %scan3A_48 : i32
      %scan3A_50 = arith.constant 1 : i32
      scf.for %scan3A_69 = %scan3A_47 to %scan3A_49 step %scan3A_50  : i32 {
        %mul3A_70 = arith.constant 2 : i32
        %mul3A_71 = arith.muli %scan3A_69, %mul3A_70 : i32
        %add3A_72 = arith.constant 0 : i32
        %add3A_73 = arith.addi %mul3A_71, %add3A_72 : i32
        %dma_wait3A_74 = arith.constant 0 : i32
        %dma_wait3A_75 = arith.constant 0 : i32
        %dma_wait3A_76 = arith.constant 0 : i32
        %dma_wait3A_77 = tpu.memref_slice %arg9[%dma_wait3A_74, %dma_wait3A_76] : memref<2x400xi32, #tpu.memory_space<vmem>> -> memref<1x400xi32, #tpu.memory_space<vmem>>
        %dma_wait3A_78 = tpu.memref_squeeze %dma_wait3A_77 : memref<1x400xi32, #tpu.memory_space<vmem>> -> memref<400xi32, #tpu.memory_space<vmem>>
        %dma_wait3A_79 = arith.constant 0 : i32
        %dma_wait3A_80 = tpu.memref_slice %arg4[%dma_wait3A_79] : memref<1638400xi32, #tpu.memory_space<hbm>> -> memref<400xi32, #tpu.memory_space<hbm>>
        %dma_wait3A_81 = tpu.memref_slice %arg13[%dma_wait3A_75] : memref<2x!tpu.dma_semaphore, #tpu.memory_space<semaphore_mem>> -> memref<1x!tpu.dma_semaphore, #tpu.memory_space<semaphore_mem>>
        %dma_wait3A_82 = tpu.memref_squeeze %dma_wait3A_81 : memref<1x!tpu.dma_semaphore, #tpu.memory_space<semaphore_mem>> -> memref<!tpu.dma_semaphore, #tpu.memory_space<semaphore_mem>>
        %dma_wait3A_83 = arith.constant 0 : i32
        %dma_wait3A_84 = tpu.memref_slice %arg9[%dma_wait3A_74, %dma_wait3A_83] : memref<2x400xi32, #tpu.memory_space<vmem>> -> memref<1x400xi32, #tpu.memory_space<vmem>>
        %dma_wait3A_85 = tpu.memref_squeeze %dma_wait3A_84 : memref<1x400xi32, #tpu.memory_space<vmem>> -> memref<400xi32, #tpu.memory_space<vmem>>
        %dma_wait3A_86 = arith.constant 0 : i32
        %dma_wait3A_87 = tpu.memref_slice %arg4[%dma_wait3A_86] : memref<1638400xi32, #tpu.memory_space<hbm>> -> memref<400xi32, #tpu.memory_space<hbm>>
        tpu.wait_dma2 semaphore(%dma_wait3A_82 : memref<!tpu.dma_semaphore, #tpu.memory_space<semaphore_mem>>) src(%dma_wait3A_87 : memref<400xi32, #tpu.memory_space<hbm>>) dst(%dma_wait3A_85 : memref<400xi32, #tpu.memory_space<vmem>>)
        %dma_wait3A_88 = arith.constant 0 : i32
        %dma_wait3A_89 = arith.constant 0 : i32
        %dma_wait3A_90 = arith.constant 0 : i32
        %dma_wait3A_91 = tpu.memref_slice %arg10[%dma_wait3A_88, %dma_wait3A_90] : memref<2x400xi32, #tpu.memory_space<vmem>> -> memref<1x400xi32, #tpu.memory_space<vmem>>
        %dma_wait3A_92 = tpu.memref_squeeze %dma_wait3A_91 : memref<1x400xi32, #tpu.memory_space<vmem>> -> memref<400xi32, #tpu.memory_space<vmem>>
        %dma_wait3A_93 = arith.constant 0 : i32
        %dma_wait3A_94 = tpu.memref_slice %arg5[%dma_wait3A_93] : memref<1638400xi32, #tpu.memory_space<hbm>> -> memref<400xi32, #tpu.memory_space<hbm>>
        %dma_wait3A_95 = tpu.memref_slice %arg13[%dma_wait3A_89] : memref<2x!tpu.dma_semaphore, #tpu.memory_space<semaphore_mem>> -> memref<1x!tpu.dma_semaphore, #tpu.memory_space<semaphore_mem>>
        %dma_wait3A_96 = tpu.memref_squeeze %dma_wait3A_95 : memref<1x!tpu.dma_semaphore, #tpu.memory_space<semaphore_mem>> -> memref<!tpu.dma_semaphore, #tpu.memory_space<semaphore_mem>>
        %dma_wait3A_97 = arith.constant 0 : i32
        %dma_wait3A_98 = tpu.memref_slice %arg10[%dma_wait3A_88, %dma_wait3A_97] : memref<2x400xi32, #tpu.memory_space<vmem>> -> memref<1x400xi32, #tpu.memory_space<vmem>>
        %dma_wait3A_99 = tpu.memref_squeeze %dma_wait3A_98 : memref<1x400xi32, #tpu.memory_space<vmem>> -> memref<400xi32, #tpu.memory_space<vmem>>
        %dma_wait3A_100 = arith.constant 0 : i32
        %dma_wait3A_101 = tpu.memref_slice %arg5[%dma_wait3A_100] : memref<1638400xi32, #tpu.memory_space<hbm>> -> memref<400xi32, #tpu.memory_space<hbm>>
        tpu.wait_dma2 semaphore(%dma_wait3A_96 : memref<!tpu.dma_semaphore, #tpu.memory_space<semaphore_mem>>) src(%dma_wait3A_101 : memref<400xi32, #tpu.memory_space<hbm>>) dst(%dma_wait3A_99 : memref<400xi32, #tpu.memory_space<vmem>>)
        %dma_start3A_102 = arith.constant 0 : i32
        %dma_start3A_103 = arith.constant 0 : i32
        %dma_start3A_104 = arith.constant 0 : i32
        %dma_start3A_105 = arith.constant 0 : i32
        %dma_start3A_106 = arith.constant 0 : i32
        %dma_start3A_107 = tpu.memref_slice %arg11[%dma_start3A_103, %dma_start3A_105, %dma_start3A_106] : memref<2x400x32xf32, #tpu.memory_space<vmem>> -> memref<1x400x32xf32, #tpu.memory_space<vmem>>
        %dma_start3A_108 = tpu.memref_squeeze %dma_start3A_107 : memref<1x400x32xf32, #tpu.memory_space<vmem>> -> memref<400x32xf32, #tpu.memory_space<vmem>>
        %dma_start3A_109 = arith.constant 0 : i32
        %dma_start3A_110 = tpu.memref_slice %arg9[%dma_start3A_102, %dma_start3A_109] : memref<2x400xi32, #tpu.memory_space<vmem>> -> memref<1x400xi32, #tpu.memory_space<vmem>>
        %dma_start3A_111 = tpu.memref_squeeze %dma_start3A_110 : memref<1x400xi32, #tpu.memory_space<vmem>> -> memref<400xi32, #tpu.memory_space<vmem>>
        %dma_start3A_112 = arith.constant 0 : i32
        %dma_start3A_113 = arith.constant 0 : i32
        %dma_start3A_114 = tpu.memref_slice %arg2[%dma_start3A_112, %dma_start3A_113] : memref<50048x32xf32, #tpu.memory_space<hbm>> -> memref<50048x32xf32, #tpu.memory_space<hbm>>
        %dma_start3A_115 = tpu.memref_slice %arg14[%dma_start3A_104] : memref<2x!tpu.dma_semaphore, #tpu.memory_space<semaphore_mem>> -> memref<1x!tpu.dma_semaphore, #tpu.memory_space<semaphore_mem>>
        %dma_start3A_116 = tpu.memref_squeeze %dma_start3A_115 : memref<1x!tpu.dma_semaphore, #tpu.memory_space<semaphore_mem>> -> memref<!tpu.dma_semaphore, #tpu.memory_space<semaphore_mem>>
        tpu.enqueue_indirect_dma source(%dma_start3A_114 : memref<50048x32xf32, #tpu.memory_space<hbm>>) target(%dma_start3A_108 : memref<400x32xf32, #tpu.memory_space<vmem>>) offsets(%dma_start3A_111 : memref<400xi32, #tpu.memory_space<vmem>>) semaphore(%dma_start3A_116 : memref<!tpu.dma_semaphore, #tpu.memory_space<semaphore_mem>>)
        %gt3A = arith.constant 0 : i32
        %gt3A_117 = arith.cmpi sgt, %add3A_73, %gt3A : i32
        %convert_element_type3A_118 = arith.extui %gt3A_117 : i1 to i32
        %cond3A_119 = arith.constant 0 : i32
        %cond3A_120 = arith.cmpi ne, %convert_element_type3A_118, %cond3A_119 : i32
        scf.if %cond3A_120 {
          %dma_wait3A_252 = arith.constant 1 : i32
          %dma_wait3A_253 = arith.constant 1 : i32
          %dma_wait3A_254 = arith.constant 0 : i32
          %dma_wait3A_255 = arith.constant 0 : i32
          %dma_wait3A_256 = tpu.memref_slice %arg11[%dma_wait3A_252, %dma_wait3A_254, %dma_wait3A_255] : memref<2x400x32xf32, #tpu.memory_space<vmem>> -> memref<1x400x32xf32, #tpu.memory_space<vmem>>
          %dma_wait3A_257 = tpu.memref_squeeze %dma_wait3A_256 : memref<1x400x32xf32, #tpu.memory_space<vmem>> -> memref<400x32xf32, #tpu.memory_space<vmem>>
          %dma_wait3A_258 = arith.constant 0 : i32
          %dma_wait3A_259 = arith.constant 0 : i32
          %dma_wait3A_260 = tpu.memref_slice %arg2[%dma_wait3A_258, %dma_wait3A_259] : memref<50048x32xf32, #tpu.memory_space<hbm>> -> memref<400x32xf32, #tpu.memory_space<hbm>>
          %dma_wait3A_261 = tpu.memref_slice %arg15[%dma_wait3A_253] : memref<2x!tpu.dma_semaphore, #tpu.memory_space<semaphore_mem>> -> memref<1x!tpu.dma_semaphore, #tpu.memory_space<semaphore_mem>>
          %dma_wait3A_262 = tpu.memref_squeeze %dma_wait3A_261 : memref<1x!tpu.dma_semaphore, #tpu.memory_space<semaphore_mem>> -> memref<!tpu.dma_semaphore, #tpu.memory_space<semaphore_mem>>
          %dma_wait3A_263 = arith.constant 0 : i32
          %dma_wait3A_264 = arith.constant 0 : i32
          %dma_wait3A_265 = tpu.memref_slice %arg11[%dma_wait3A_252, %dma_wait3A_263, %dma_wait3A_264] : memref<2x400x32xf32, #tpu.memory_space<vmem>> -> memref<1x400x32xf32, #tpu.memory_space<vmem>>
          %dma_wait3A_266 = tpu.memref_squeeze %dma_wait3A_265 : memref<1x400x32xf32, #tpu.memory_space<vmem>> -> memref<400x32xf32, #tpu.memory_space<vmem>>
          %dma_wait3A_267 = arith.constant 0 : i32
          %dma_wait3A_268 = arith.constant 0 : i32
          %dma_wait3A_269 = tpu.memref_slice %arg2[%dma_wait3A_267, %dma_wait3A_268] : memref<50048x32xf32, #tpu.memory_space<hbm>> -> memref<400x32xf32, #tpu.memory_space<hbm>>
          tpu.wait_dma2 semaphore(%dma_wait3A_262 : memref<!tpu.dma_semaphore, #tpu.memory_space<semaphore_mem>>) src(%dma_wait3A_269 : memref<400x32xf32, #tpu.memory_space<hbm>>) dst(%dma_wait3A_266 : memref<400x32xf32, #tpu.memory_space<vmem>>)
        } else {
        }
        %add3A_121 = arith.constant 1 : i32
        %add3A_122 = arith.addi %add3A_73, %add3A_121 : i32
        %lt3A = arith.constant 256 : i32
        %lt3A_123 = arith.cmpi slt, %add3A_122, %lt3A : i32
        %convert_element_type3A_124 = arith.extui %lt3A_123 : i1 to i32
        %cond3A_125 = arith.constant 0 : i32
        %cond3A_126 = arith.cmpi ne, %convert_element_type3A_124, %cond3A_125 : i32
        scf.if %cond3A_126 {
          %add3A_252 = arith.constant 1 : i32
          %add3A_253 = arith.addi %add3A_73, %add3A_252 : i32
          %mul3A_254 = arith.constant 102400 : i32
          %mul3A_255 = arith.muli %arg1, %mul3A_254 : i32
          %mul3A_256 = arith.constant 400 : i32
          %mul3A_257 = arith.muli %add3A_253, %mul3A_256 : i32
          %add3A_258 = arith.addi %mul3A_255, %mul3A_257 : i32
          %dma_start3A_259 = arith.constant 1 : i32
          %dma_start3A_260 = arith.constant 1 : i32
          %dma_start3A_261 = arith.constant 0 : i32
          %dma_start3A_262 = tpu.memref_slice %arg9[%dma_start3A_259, %dma_start3A_261] : memref<2x400xi32, #tpu.memory_space<vmem>> -> memref<1x400xi32, #tpu.memory_space<vmem>>
          %dma_start3A_263 = tpu.memref_squeeze %dma_start3A_262 : memref<1x400xi32, #tpu.memory_space<vmem>> -> memref<400xi32, #tpu.memory_space<vmem>>
          %dma_start3A_264 = tpu.memref_slice %arg4[%add3A_258] : memref<1638400xi32, #tpu.memory_space<hbm>> -> memref<400xi32, #tpu.memory_space<hbm>>
          %dma_start3A_265 = tpu.memref_slice %arg13[%dma_start3A_260] : memref<2x!tpu.dma_semaphore, #tpu.memory_space<semaphore_mem>> -> memref<1x!tpu.dma_semaphore, #tpu.memory_space<semaphore_mem>>
          %dma_start3A_266 = tpu.memref_squeeze %dma_start3A_265 : memref<1x!tpu.dma_semaphore, #tpu.memory_space<semaphore_mem>> -> memref<!tpu.dma_semaphore, #tpu.memory_space<semaphore_mem>>
          %dma_start3A_267 = arith.constant 0 : i32
          %dma_start3A_268 = tpu.memref_slice %arg9[%dma_start3A_259, %dma_start3A_267] : memref<2x400xi32, #tpu.memory_space<vmem>> -> memref<1x400xi32, #tpu.memory_space<vmem>>
          %dma_start3A_269 = tpu.memref_squeeze %dma_start3A_268 : memref<1x400xi32, #tpu.memory_space<vmem>> -> memref<400xi32, #tpu.memory_space<vmem>>
          %dma_start3A_270 = tpu.memref_slice %arg4[%add3A_258] : memref<1638400xi32, #tpu.memory_space<hbm>> -> memref<400xi32, #tpu.memory_space<hbm>>
          tpu.enqueue_dma source(%dma_start3A_270 : memref<400xi32, #tpu.memory_space<hbm>>) target(%dma_start3A_269 : memref<400xi32, #tpu.memory_space<vmem>>) target_semaphore(%dma_start3A_266 : memref<!tpu.dma_semaphore, #tpu.memory_space<semaphore_mem>>)
          %dma_start3A_271 = arith.constant 1 : i32
          %dma_start3A_272 = arith.constant 1 : i32
          %dma_start3A_273 = arith.constant 0 : i32
          %dma_start3A_274 = tpu.memref_slice %arg10[%dma_start3A_271, %dma_start3A_273] : memref<2x400xi32, #tpu.memory_space<vmem>> -> memref<1x400xi32, #tpu.memory_space<vmem>>
          %dma_start3A_275 = tpu.memref_squeeze %dma_start3A_274 : memref<1x400xi32, #tpu.memory_space<vmem>> -> memref<400xi32, #tpu.memory_space<vmem>>
          %dma_start3A_276 = tpu.memref_slice %arg5[%add3A_258] : memref<1638400xi32, #tpu.memory_space<hbm>> -> memref<400xi32, #tpu.memory_space<hbm>>
          %dma_start3A_277 = tpu.memref_slice %arg13[%dma_start3A_272] : memref<2x!tpu.dma_semaphore, #tpu.memory_space<semaphore_mem>> -> memref<1x!tpu.dma_semaphore, #tpu.memory_space<semaphore_mem>>
          %dma_start3A_278 = tpu.memref_squeeze %dma_start3A_277 : memref<1x!tpu.dma_semaphore, #tpu.memory_space<semaphore_mem>> -> memref<!tpu.dma_semaphore, #tpu.memory_space<semaphore_mem>>
          %dma_start3A_279 = arith.constant 0 : i32
          %dma_start3A_280 = tpu.memref_slice %arg10[%dma_start3A_271, %dma_start3A_279] : memref<2x400xi32, #tpu.memory_space<vmem>> -> memref<1x400xi32, #tpu.memory_space<vmem>>
          %dma_start3A_281 = tpu.memref_squeeze %dma_start3A_280 : memref<1x400xi32, #tpu.memory_space<vmem>> -> memref<400xi32, #tpu.memory_space<vmem>>
          %dma_start3A_282 = tpu.memref_slice %arg5[%add3A_258] : memref<1638400xi32, #tpu.memory_space<hbm>> -> memref<400xi32, #tpu.memory_space<hbm>>
          tpu.enqueue_dma source(%dma_start3A_282 : memref<400xi32, #tpu.memory_space<hbm>>) target(%dma_start3A_281 : memref<400xi32, #tpu.memory_space<vmem>>) target_semaphore(%dma_start3A_278 : memref<!tpu.dma_semaphore, #tpu.memory_space<semaphore_mem>>)
        } else {
        }
        %dma_wait3A_127 = arith.constant 0 : i32
        %dma_wait3A_128 = arith.constant 0 : i32
        %dma_wait3A_129 = arith.constant 0 : i32
        %dma_wait3A_130 = arith.constant 0 : i32
        %dma_wait3A_131 = tpu.memref_slice %arg11[%dma_wait3A_127, %dma_wait3A_129, %dma_wait3A_130] : memref<2x400x32xf32, #tpu.memory_space<vmem>> -> memref<1x400x32xf32, #tpu.memory_space<vmem>>
        %dma_wait3A_132 = tpu.memref_squeeze %dma_wait3A_131 : memref<1x400x32xf32, #tpu.memory_space<vmem>> -> memref<400x32xf32, #tpu.memory_space<vmem>>
        %dma_wait3A_133 = arith.constant 0 : i32
        %dma_wait3A_134 = arith.constant 0 : i32
        %dma_wait3A_135 = tpu.memref_slice %arg2[%dma_wait3A_133, %dma_wait3A_134] : memref<50048x32xf32, #tpu.memory_space<hbm>> -> memref<400x32xf32, #tpu.memory_space<hbm>>
        %dma_wait3A_136 = tpu.memref_slice %arg14[%dma_wait3A_128] : memref<2x!tpu.dma_semaphore, #tpu.memory_space<semaphore_mem>> -> memref<1x!tpu.dma_semaphore, #tpu.memory_space<semaphore_mem>>
        %dma_wait3A_137 = tpu.memref_squeeze %dma_wait3A_136 : memref<1x!tpu.dma_semaphore, #tpu.memory_space<semaphore_mem>> -> memref<!tpu.dma_semaphore, #tpu.memory_space<semaphore_mem>>
        %dma_wait3A_138 = arith.constant 0 : i32
        %dma_wait3A_139 = arith.constant 0 : i32
        %dma_wait3A_140 = tpu.memref_slice %arg11[%dma_wait3A_127, %dma_wait3A_138, %dma_wait3A_139] : memref<2x400x32xf32, #tpu.memory_space<vmem>> -> memref<1x400x32xf32, #tpu.memory_space<vmem>>
        %dma_wait3A_141 = tpu.memref_squeeze %dma_wait3A_140 : memref<1x400x32xf32, #tpu.memory_space<vmem>> -> memref<400x32xf32, #tpu.memory_space<vmem>>
        %dma_wait3A_142 = arith.constant 0 : i32
        %dma_wait3A_143 = arith.constant 0 : i32
        %dma_wait3A_144 = tpu.memref_slice %arg2[%dma_wait3A_142, %dma_wait3A_143] : memref<50048x32xf32, #tpu.memory_space<hbm>> -> memref<400x32xf32, #tpu.memory_space<hbm>>
        tpu.wait_dma2 semaphore(%dma_wait3A_137 : memref<!tpu.dma_semaphore, #tpu.memory_space<semaphore_mem>>) src(%dma_wait3A_144 : memref<400x32xf32, #tpu.memory_space<hbm>>) dst(%dma_wait3A_141 : memref<400x32xf32, #tpu.memory_space<vmem>>)
        %dma_start3A_145 = arith.constant 0 : i32
        %dma_start3A_146 = arith.constant 0 : i32
        %dma_start3A_147 = arith.constant 0 : i32
        %dma_start3A_148 = arith.constant 0 : i32
        %dma_start3A_149 = arith.constant 0 : i32
        %dma_start3A_150 = tpu.memref_slice %arg11[%dma_start3A_145, %dma_start3A_148, %dma_start3A_149] : memref<2x400x32xf32, #tpu.memory_space<vmem>> -> memref<1x400x32xf32, #tpu.memory_space<vmem>>
        %dma_start3A_151 = tpu.memref_squeeze %dma_start3A_150 : memref<1x400x32xf32, #tpu.memory_space<vmem>> -> memref<400x32xf32, #tpu.memory_space<vmem>>
        %dma_start3A_152 = arith.constant 0 : i32
        %dma_start3A_153 = tpu.memref_slice %arg10[%dma_start3A_146, %dma_start3A_152] : memref<2x400xi32, #tpu.memory_space<vmem>> -> memref<1x400xi32, #tpu.memory_space<vmem>>
        %dma_start3A_154 = tpu.memref_squeeze %dma_start3A_153 : memref<1x400xi32, #tpu.memory_space<vmem>> -> memref<400xi32, #tpu.memory_space<vmem>>
        %dma_start3A_155 = arith.constant 0 : i32
        %dma_start3A_156 = arith.constant 0 : i32
        %dma_start3A_157 = tpu.memref_slice %arg12[%dma_start3A_155, %dma_start3A_156] : memref<50048x32xf32, #tpu.memory_space<vmem_shared>> -> memref<50048x32xf32, #tpu.memory_space<vmem_shared>>
        %dma_start3A_158 = tpu.memref_slice %arg15[%dma_start3A_147] : memref<2x!tpu.dma_semaphore, #tpu.memory_space<semaphore_mem>> -> memref<1x!tpu.dma_semaphore, #tpu.memory_space<semaphore_mem>>
        %dma_start3A_159 = tpu.memref_squeeze %dma_start3A_158 : memref<1x!tpu.dma_semaphore, #tpu.memory_space<semaphore_mem>> -> memref<!tpu.dma_semaphore, #tpu.memory_space<semaphore_mem>>
        tpu.enqueue_indirect_dma source(%dma_start3A_151 : memref<400x32xf32, #tpu.memory_space<vmem>>) target(%dma_start3A_157 : memref<50048x32xf32, #tpu.memory_space<vmem_shared>>) offsets(%dma_start3A_154 : memref<400xi32, #tpu.memory_space<vmem>>) semaphore(%dma_start3A_159 : memref<!tpu.dma_semaphore, #tpu.memory_space<semaphore_mem>>) {add = true}
        %mul3A_160 = arith.constant 2 : i32
        %mul3A_161 = arith.muli %scan3A_69, %mul3A_160 : i32
        %add3A_162 = arith.constant 1 : i32
        %add3A_163 = arith.addi %mul3A_161, %add3A_162 : i32
        %dma_wait3A_164 = arith.constant 1 : i32
        %dma_wait3A_165 = arith.constant 1 : i32
        %dma_wait3A_166 = arith.constant 0 : i32
        %dma_wait3A_167 = tpu.memref_slice %arg9[%dma_wait3A_164, %dma_wait3A_166] : memref<2x400xi32, #tpu.memory_space<vmem>> -> memref<1x400xi32, #tpu.memory_space<vmem>>
        %dma_wait3A_168 = tpu.memref_squeeze %dma_wait3A_167 : memref<1x400xi32, #tpu.memory_space<vmem>> -> memref<400xi32, #tpu.memory_space<vmem>>
        %dma_wait3A_169 = arith.constant 0 : i32
        %dma_wait3A_170 = tpu.memref_slice %arg4[%dma_wait3A_169] : memref<1638400xi32, #tpu.memory_space<hbm>> -> memref<400xi32, #tpu.memory_space<hbm>>
        %dma_wait3A_171 = tpu.memref_slice %arg13[%dma_wait3A_165] : memref<2x!tpu.dma_semaphore, #tpu.memory_space<semaphore_mem>> -> memref<1x!tpu.dma_semaphore, #tpu.memory_space<semaphore_mem>>
        %dma_wait3A_172 = tpu.memref_squeeze %dma_wait3A_171 : memref<1x!tpu.dma_semaphore, #tpu.memory_space<semaphore_mem>> -> memref<!tpu.dma_semaphore, #tpu.memory_space<semaphore_mem>>
        %dma_wait3A_173 = arith.constant 0 : i32
        %dma_wait3A_174 = tpu.memref_slice %arg9[%dma_wait3A_164, %dma_wait3A_173] : memref<2x400xi32, #tpu.memory_space<vmem>> -> memref<1x400xi32, #tpu.memory_space<vmem>>
        %dma_wait3A_175 = tpu.memref_squeeze %dma_wait3A_174 : memref<1x400xi32, #tpu.memory_space<vmem>> -> memref<400xi32, #tpu.memory_space<vmem>>
        %dma_wait3A_176 = arith.constant 0 : i32
        %dma_wait3A_177 = tpu.memref_slice %arg4[%dma_wait3A_176] : memref<1638400xi32, #tpu.memory_space<hbm>> -> memref<400xi32, #tpu.memory_space<hbm>>
        tpu.wait_dma2 semaphore(%dma_wait3A_172 : memref<!tpu.dma_semaphore, #tpu.memory_space<semaphore_mem>>) src(%dma_wait3A_177 : memref<400xi32, #tpu.memory_space<hbm>>) dst(%dma_wait3A_175 : memref<400xi32, #tpu.memory_space<vmem>>)
        %dma_wait3A_178 = arith.constant 1 : i32
        %dma_wait3A_179 = arith.constant 1 : i32
        %dma_wait3A_180 = arith.constant 0 : i32
        %dma_wait3A_181 = tpu.memref_slice %arg10[%dma_wait3A_178, %dma_wait3A_180] : memref<2x400xi32, #tpu.memory_space<vmem>> -> memref<1x400xi32, #tpu.memory_space<vmem>>
        %dma_wait3A_182 = tpu.memref_squeeze %dma_wait3A_181 : memref<1x400xi32, #tpu.memory_space<vmem>> -> memref<400xi32, #tpu.memory_space<vmem>>
        %dma_wait3A_183 = arith.constant 0 : i32
        %dma_wait3A_184 = tpu.memref_slice %arg5[%dma_wait3A_183] : memref<1638400xi32, #tpu.memory_space<hbm>> -> memref<400xi32, #tpu.memory_space<hbm>>
        %dma_wait3A_185 = tpu.memref_slice %arg13[%dma_wait3A_179] : memref<2x!tpu.dma_semaphore, #tpu.memory_space<semaphore_mem>> -> memref<1x!tpu.dma_semaphore, #tpu.memory_space<semaphore_mem>>
        %dma_wait3A_186 = tpu.memref_squeeze %dma_wait3A_185 : memref<1x!tpu.dma_semaphore, #tpu.memory_space<semaphore_mem>> -> memref<!tpu.dma_semaphore, #tpu.memory_space<semaphore_mem>>
        %dma_wait3A_187 = arith.constant 0 : i32
        %dma_wait3A_188 = tpu.memref_slice %arg10[%dma_wait3A_178, %dma_wait3A_187] : memref<2x400xi32, #tpu.memory_space<vmem>> -> memref<1x400xi32, #tpu.memory_space<vmem>>
        %dma_wait3A_189 = tpu.memref_squeeze %dma_wait3A_188 : memref<1x400xi32, #tpu.memory_space<vmem>> -> memref<400xi32, #tpu.memory_space<vmem>>
        %dma_wait3A_190 = arith.constant 0 : i32
        %dma_wait3A_191 = tpu.memref_slice %arg5[%dma_wait3A_190] : memref<1638400xi32, #tpu.memory_space<hbm>> -> memref<400xi32, #tpu.memory_space<hbm>>
        tpu.wait_dma2 semaphore(%dma_wait3A_186 : memref<!tpu.dma_semaphore, #tpu.memory_space<semaphore_mem>>) src(%dma_wait3A_191 : memref<400xi32, #tpu.memory_space<hbm>>) dst(%dma_wait3A_189 : memref<400xi32, #tpu.memory_space<vmem>>)
        %dma_start3A_192 = arith.constant 1 : i32
        %dma_start3A_193 = arith.constant 1 : i32
        %dma_start3A_194 = arith.constant 1 : i32
        %dma_start3A_195 = arith.constant 0 : i32
        %dma_start3A_196 = arith.constant 0 : i32
        %dma_start3A_197 = tpu.memref_slice %arg11[%dma_start3A_193, %dma_start3A_195, %dma_start3A_196] : memref<2x400x32xf32, #tpu.memory_space<vmem>> -> memref<1x400x32xf32, #tpu.memory_space<vmem>>
        %dma_start3A_198 = tpu.memref_squeeze %dma_start3A_197 : memref<1x400x32xf32, #tpu.memory_space<vmem>> -> memref<400x32xf32, #tpu.memory_space<vmem>>
        %dma_start3A_199 = arith.constant 0 : i32
        %dma_start3A_200 = tpu.memref_slice %arg9[%dma_start3A_192, %dma_start3A_199] : memref<2x400xi32, #tpu.memory_space<vmem>> -> memref<1x400xi32, #tpu.memory_space<vmem>>
        %dma_start3A_201 = tpu.memref_squeeze %dma_start3A_200 : memref<1x400xi32, #tpu.memory_space<vmem>> -> memref<400xi32, #tpu.memory_space<vmem>>
        %dma_start3A_202 = arith.constant 0 : i32
        %dma_start3A_203 = arith.constant 0 : i32
        %dma_start3A_204 = tpu.memref_slice %arg2[%dma_start3A_202, %dma_start3A_203] : memref<50048x32xf32, #tpu.memory_space<hbm>> -> memref<50048x32xf32, #tpu.memory_space<hbm>>
        %dma_start3A_205 = tpu.memref_slice %arg14[%dma_start3A_194] : memref<2x!tpu.dma_semaphore, #tpu.memory_space<semaphore_mem>> -> memref<1x!tpu.dma_semaphore, #tpu.memory_space<semaphore_mem>>
        %dma_start3A_206 = tpu.memref_squeeze %dma_start3A_205 : memref<1x!tpu.dma_semaphore, #tpu.memory_space<semaphore_mem>> -> memref<!tpu.dma_semaphore, #tpu.memory_space<semaphore_mem>>
        tpu.enqueue_indirect_dma source(%dma_start3A_204 : memref<50048x32xf32, #tpu.memory_space<hbm>>) target(%dma_start3A_198 : memref<400x32xf32, #tpu.memory_space<vmem>>) offsets(%dma_start3A_201 : memref<400xi32, #tpu.memory_space<vmem>>) semaphore(%dma_start3A_206 : memref<!tpu.dma_semaphore, #tpu.memory_space<semaphore_mem>>)
        %gt3A_207 = arith.constant 0 : i32
        %gt3A_208 = arith.cmpi sgt, %add3A_163, %gt3A_207 : i32
        %convert_element_type3A_209 = arith.extui %gt3A_208 : i1 to i32
        %cond3A_210 = arith.constant 0 : i32
        %cond3A_211 = arith.cmpi ne, %convert_element_type3A_209, %cond3A_210 : i32
        scf.if %cond3A_211 {
          %dma_wait3A_252 = arith.constant 0 : i32
          %dma_wait3A_253 = arith.constant 0 : i32
          %dma_wait3A_254 = arith.constant 0 : i32
          %dma_wait3A_255 = arith.constant 0 : i32
          %dma_wait3A_256 = tpu.memref_slice %arg11[%dma_wait3A_252, %dma_wait3A_254, %dma_wait3A_255] : memref<2x400x32xf32, #tpu.memory_space<vmem>> -> memref<1x400x32xf32, #tpu.memory_space<vmem>>
          %dma_wait3A_257 = tpu.memref_squeeze %dma_wait3A_256 : memref<1x400x32xf32, #tpu.memory_space<vmem>> -> memref<400x32xf32, #tpu.memory_space<vmem>>
          %dma_wait3A_258 = arith.constant 0 : i32
          %dma_wait3A_259 = arith.constant 0 : i32
          %dma_wait3A_260 = tpu.memref_slice %arg2[%dma_wait3A_258, %dma_wait3A_259] : memref<50048x32xf32, #tpu.memory_space<hbm>> -> memref<400x32xf32, #tpu.memory_space<hbm>>
          %dma_wait3A_261 = tpu.memref_slice %arg15[%dma_wait3A_253] : memref<2x!tpu.dma_semaphore, #tpu.memory_space<semaphore_mem>> -> memref<1x!tpu.dma_semaphore, #tpu.memory_space<semaphore_mem>>
          %dma_wait3A_262 = tpu.memref_squeeze %dma_wait3A_261 : memref<1x!tpu.dma_semaphore, #tpu.memory_space<semaphore_mem>> -> memref<!tpu.dma_semaphore, #tpu.memory_space<semaphore_mem>>
          %dma_wait3A_263 = arith.constant 0 : i32
          %dma_wait3A_264 = arith.constant 0 : i32
          %dma_wait3A_265 = tpu.memref_slice %arg11[%dma_wait3A_252, %dma_wait3A_263, %dma_wait3A_264] : memref<2x400x32xf32, #tpu.memory_space<vmem>> -> memref<1x400x32xf32, #tpu.memory_space<vmem>>
          %dma_wait3A_266 = tpu.memref_squeeze %dma_wait3A_265 : memref<1x400x32xf32, #tpu.memory_space<vmem>> -> memref<400x32xf32, #tpu.memory_space<vmem>>
          %dma_wait3A_267 = arith.constant 0 : i32
          %dma_wait3A_268 = arith.constant 0 : i32
          %dma_wait3A_269 = tpu.memref_slice %arg2[%dma_wait3A_267, %dma_wait3A_268] : memref<50048x32xf32, #tpu.memory_space<hbm>> -> memref<400x32xf32, #tpu.memory_space<hbm>>
          tpu.wait_dma2 semaphore(%dma_wait3A_262 : memref<!tpu.dma_semaphore, #tpu.memory_space<semaphore_mem>>) src(%dma_wait3A_269 : memref<400x32xf32, #tpu.memory_space<hbm>>) dst(%dma_wait3A_266 : memref<400x32xf32, #tpu.memory_space<vmem>>)
        } else {
        }
        %add3A_212 = arith.constant 1 : i32
        %add3A_213 = arith.addi %add3A_163, %add3A_212 : i32
        %lt3A_214 = arith.constant 256 : i32
        %lt3A_215 = arith.cmpi slt, %add3A_213, %lt3A_214 : i32
        %convert_element_type3A_216 = arith.extui %lt3A_215 : i1 to i32
        %cond3A_217 = arith.constant 0 : i32
        %cond3A_218 = arith.cmpi ne, %convert_element_type3A_216, %cond3A_217 : i32
        scf.if %cond3A_218 {
          %add3A_252 = arith.constant 1 : i32
          %add3A_253 = arith.addi %add3A_163, %add3A_252 : i32
          %mul3A_254 = arith.constant 102400 : i32
          %mul3A_255 = arith.muli %arg1, %mul3A_254 : i32
          %mul3A_256 = arith.constant 400 : i32
          %mul3A_257 = arith.muli %add3A_253, %mul3A_256 : i32
          %add3A_258 = arith.addi %mul3A_255, %mul3A_257 : i32
          %dma_start3A_259 = arith.constant 0 : i32
          %dma_start3A_260 = arith.constant 0 : i32
          %dma_start3A_261 = arith.constant 0 : i32
          %dma_start3A_262 = tpu.memref_slice %arg9[%dma_start3A_259, %dma_start3A_261] : memref<2x400xi32, #tpu.memory_space<vmem>> -> memref<1x400xi32, #tpu.memory_space<vmem>>
          %dma_start3A_263 = tpu.memref_squeeze %dma_start3A_262 : memref<1x400xi32, #tpu.memory_space<vmem>> -> memref<400xi32, #tpu.memory_space<vmem>>
          %dma_start3A_264 = tpu.memref_slice %arg4[%add3A_258] : memref<1638400xi32, #tpu.memory_space<hbm>> -> memref<400xi32, #tpu.memory_space<hbm>>
          %dma_start3A_265 = tpu.memref_slice %arg13[%dma_start3A_260] : memref<2x!tpu.dma_semaphore, #tpu.memory_space<semaphore_mem>> -> memref<1x!tpu.dma_semaphore, #tpu.memory_space<semaphore_mem>>
          %dma_start3A_266 = tpu.memref_squeeze %dma_start3A_265 : memref<1x!tpu.dma_semaphore, #tpu.memory_space<semaphore_mem>> -> memref<!tpu.dma_semaphore, #tpu.memory_space<semaphore_mem>>
          %dma_start3A_267 = arith.constant 0 : i32
          %dma_start3A_268 = tpu.memref_slice %arg9[%dma_start3A_259, %dma_start3A_267] : memref<2x400xi32, #tpu.memory_space<vmem>> -> memref<1x400xi32, #tpu.memory_space<vmem>>
          %dma_start3A_269 = tpu.memref_squeeze %dma_start3A_268 : memref<1x400xi32, #tpu.memory_space<vmem>> -> memref<400xi32, #tpu.memory_space<vmem>>
          %dma_start3A_270 = tpu.memref_slice %arg4[%add3A_258] : memref<1638400xi32, #tpu.memory_space<hbm>> -> memref<400xi32, #tpu.memory_space<hbm>>
          tpu.enqueue_dma source(%dma_start3A_270 : memref<400xi32, #tpu.memory_space<hbm>>) target(%dma_start3A_269 : memref<400xi32, #tpu.memory_space<vmem>>) target_semaphore(%dma_start3A_266 : memref<!tpu.dma_semaphore, #tpu.memory_space<semaphore_mem>>)
          %dma_start3A_271 = arith.constant 0 : i32
          %dma_start3A_272 = arith.constant 0 : i32
          %dma_start3A_273 = arith.constant 0 : i32
          %dma_start3A_274 = tpu.memref_slice %arg10[%dma_start3A_271, %dma_start3A_273] : memref<2x400xi32, #tpu.memory_space<vmem>> -> memref<1x400xi32, #tpu.memory_space<vmem>>
          %dma_start3A_275 = tpu.memref_squeeze %dma_start3A_274 : memref<1x400xi32, #tpu.memory_space<vmem>> -> memref<400xi32, #tpu.memory_space<vmem>>
          %dma_start3A_276 = tpu.memref_slice %arg5[%add3A_258] : memref<1638400xi32, #tpu.memory_space<hbm>> -> memref<400xi32, #tpu.memory_space<hbm>>
          %dma_start3A_277 = tpu.memref_slice %arg13[%dma_start3A_272] : memref<2x!tpu.dma_semaphore, #tpu.memory_space<semaphore_mem>> -> memref<1x!tpu.dma_semaphore, #tpu.memory_space<semaphore_mem>>
          %dma_start3A_278 = tpu.memref_squeeze %dma_start3A_277 : memref<1x!tpu.dma_semaphore, #tpu.memory_space<semaphore_mem>> -> memref<!tpu.dma_semaphore, #tpu.memory_space<semaphore_mem>>
          %dma_start3A_279 = arith.constant 0 : i32
          %dma_start3A_280 = tpu.memref_slice %arg10[%dma_start3A_271, %dma_start3A_279] : memref<2x400xi32, #tpu.memory_space<vmem>> -> memref<1x400xi32, #tpu.memory_space<vmem>>
          %dma_start3A_281 = tpu.memref_squeeze %dma_start3A_280 : memref<1x400xi32, #tpu.memory_space<vmem>> -> memref<400xi32, #tpu.memory_space<vmem>>
          %dma_start3A_282 = tpu.memref_slice %arg5[%add3A_258] : memref<1638400xi32, #tpu.memory_space<hbm>> -> memref<400xi32, #tpu.memory_space<hbm>>
          tpu.enqueue_dma source(%dma_start3A_282 : memref<400xi32, #tpu.memory_space<hbm>>) target(%dma_start3A_281 : memref<400xi32, #tpu.memory_space<vmem>>) target_semaphore(%dma_start3A_278 : memref<!tpu.dma_semaphore, #tpu.memory_space<semaphore_mem>>)
        } else {
        }
        %dma_wait3A_219 = arith.constant 1 : i32
        %dma_wait3A_220 = arith.constant 1 : i32
        %dma_wait3A_221 = arith.constant 0 : i32
        %dma_wait3A_222 = arith.constant 0 : i32
        %dma_wait3A_223 = tpu.memref_slice %arg11[%dma_wait3A_219, %dma_wait3A_221, %dma_wait3A_222] : memref<2x400x32xf32, #tpu.memory_space<vmem>> -> memref<1x400x32xf32, #tpu.memory_space<vmem>>
        %dma_wait3A_224 = tpu.memref_squeeze %dma_wait3A_223 : memref<1x400x32xf32, #tpu.memory_space<vmem>> -> memref<400x32xf32, #tpu.memory_space<vmem>>
        %dma_wait3A_225 = arith.constant 0 : i32
        %dma_wait3A_226 = arith.constant 0 : i32
        %dma_wait3A_227 = tpu.memref_slice %arg2[%dma_wait3A_225, %dma_wait3A_226] : memref<50048x32xf32, #tpu.memory_space<hbm>> -> memref<400x32xf32, #tpu.memory_space<hbm>>
        %dma_wait3A_228 = tpu.memref_slice %arg14[%dma_wait3A_220] : memref<2x!tpu.dma_semaphore, #tpu.memory_space<semaphore_mem>> -> memref<1x!tpu.dma_semaphore, #tpu.memory_space<semaphore_mem>>
        %dma_wait3A_229 = tpu.memref_squeeze %dma_wait3A_228 : memref<1x!tpu.dma_semaphore, #tpu.memory_space<semaphore_mem>> -> memref<!tpu.dma_semaphore, #tpu.memory_space<semaphore_mem>>
        %dma_wait3A_230 = arith.constant 0 : i32
        %dma_wait3A_231 = arith.constant 0 : i32
        %dma_wait3A_232 = tpu.memref_slice %arg11[%dma_wait3A_219, %dma_wait3A_230, %dma_wait3A_231] : memref<2x400x32xf32, #tpu.memory_space<vmem>> -> memref<1x400x32xf32, #tpu.memory_space<vmem>>
        %dma_wait3A_233 = tpu.memref_squeeze %dma_wait3A_232 : memref<1x400x32xf32, #tpu.memory_space<vmem>> -> memref<400x32xf32, #tpu.memory_space<vmem>>
        %dma_wait3A_234 = arith.constant 0 : i32
        %dma_wait3A_235 = arith.constant 0 : i32
        %dma_wait3A_236 = tpu.memref_slice %arg2[%dma_wait3A_234, %dma_wait3A_235] : memref<50048x32xf32, #tpu.memory_space<hbm>> -> memref<400x32xf32, #tpu.memory_space<hbm>>
        tpu.wait_dma2 semaphore(%dma_wait3A_229 : memref<!tpu.dma_semaphore, #tpu.memory_space<semaphore_mem>>) src(%dma_wait3A_236 : memref<400x32xf32, #tpu.memory_space<hbm>>) dst(%dma_wait3A_233 : memref<400x32xf32, #tpu.memory_space<vmem>>)
        %dma_start3A_237 = arith.constant 1 : i32
        %dma_start3A_238 = arith.constant 1 : i32
        %dma_start3A_239 = arith.constant 1 : i32
        %dma_start3A_240 = arith.constant 0 : i32
        %dma_start3A_241 = arith.constant 0 : i32
        %dma_start3A_242 = tpu.memref_slice %arg11[%dma_start3A_237, %dma_start3A_240, %dma_start3A_241] : memref<2x400x32xf32, #tpu.memory_space<vmem>> -> memref<1x400x32xf32, #tpu.memory_space<vmem>>
        %dma_start3A_243 = tpu.memref_squeeze %dma_start3A_242 : memref<1x400x32xf32, #tpu.memory_space<vmem>> -> memref<400x32xf32, #tpu.memory_space<vmem>>
        %dma_start3A_244 = arith.constant 0 : i32
        %dma_start3A_245 = tpu.memref_slice %arg10[%dma_start3A_238, %dma_start3A_244] : memref<2x400xi32, #tpu.memory_space<vmem>> -> memref<1x400xi32, #tpu.memory_space<vmem>>
        %dma_start3A_246 = tpu.memref_squeeze %dma_start3A_245 : memref<1x400xi32, #tpu.memory_space<vmem>> -> memref<400xi32, #tpu.memory_space<vmem>>
        %dma_start3A_247 = arith.constant 0 : i32
        %dma_start3A_248 = arith.constant 0 : i32
        %dma_start3A_249 = tpu.memref_slice %arg12[%dma_start3A_247, %dma_start3A_248] : memref<50048x32xf32, #tpu.memory_space<vmem_shared>> -> memref<50048x32xf32, #tpu.memory_space<vmem_shared>>
        %dma_start3A_250 = tpu.memref_slice %arg15[%dma_start3A_239] : memref<2x!tpu.dma_semaphore, #tpu.memory_space<semaphore_mem>> -> memref<1x!tpu.dma_semaphore, #tpu.memory_space<semaphore_mem>>
        %dma_start3A_251 = tpu.memref_squeeze %dma_start3A_250 : memref<1x!tpu.dma_semaphore, #tpu.memory_space<semaphore_mem>> -> memref<!tpu.dma_semaphore, #tpu.memory_space<semaphore_mem>>
        tpu.enqueue_indirect_dma source(%dma_start3A_243 : memref<400x32xf32, #tpu.memory_space<vmem>>) target(%dma_start3A_249 : memref<50048x32xf32, #tpu.memory_space<vmem_shared>>) offsets(%dma_start3A_246 : memref<400xi32, #tpu.memory_space<vmem>>) semaphore(%dma_start3A_251 : memref<!tpu.dma_semaphore, #tpu.memory_space<semaphore_mem>>) {add = true}
      }
      %scan3A_51 = arith.constant 128 : i32
      %dma_wait3A = arith.constant 1 : i32
      %dma_wait3A_52 = arith.constant 1 : i32
      %dma_wait3A_53 = arith.constant 0 : i32
      %dma_wait3A_54 = arith.constant 0 : i32
      %dma_wait3A_55 = tpu.memref_slice %arg11[%dma_wait3A, %dma_wait3A_53, %dma_wait3A_54] : memref<2x400x32xf32, #tpu.memory_space<vmem>> -> memref<1x400x32xf32, #tpu.memory_space<vmem>>
      %dma_wait3A_56 = tpu.memref_squeeze %dma_wait3A_55 : memref<1x400x32xf32, #tpu.memory_space<vmem>> -> memref<400x32xf32, #tpu.memory_space<vmem>>
      %dma_wait3A_57 = arith.constant 0 : i32
      %dma_wait3A_58 = arith.constant 0 : i32
      %dma_wait3A_59 = tpu.memref_slice %arg2[%dma_wait3A_57, %dma_wait3A_58] : memref<50048x32xf32, #tpu.memory_space<hbm>> -> memref<400x32xf32, #tpu.memory_space<hbm>>
      %dma_wait3A_60 = tpu.memref_slice %arg15[%dma_wait3A_52] : memref<2x!tpu.dma_semaphore, #tpu.memory_space<semaphore_mem>> -> memref<1x!tpu.dma_semaphore, #tpu.memory_space<semaphore_mem>>
      %dma_wait3A_61 = tpu.memref_squeeze %dma_wait3A_60 : memref<1x!tpu.dma_semaphore, #tpu.memory_space<semaphore_mem>> -> memref<!tpu.dma_semaphore, #tpu.memory_space<semaphore_mem>>
      %dma_wait3A_62 = arith.constant 0 : i32
      %dma_wait3A_63 = arith.constant 0 : i32
      %dma_wait3A_64 = tpu.memref_slice %arg11[%dma_wait3A, %dma_wait3A_62, %dma_wait3A_63] : memref<2x400x32xf32, #tpu.memory_space<vmem>> -> memref<1x400x32xf32, #tpu.memory_space<vmem>>
      %dma_wait3A_65 = tpu.memref_squeeze %dma_wait3A_64 : memref<1x400x32xf32, #tpu.memory_space<vmem>> -> memref<400x32xf32, #tpu.memory_space<vmem>>
      %dma_wait3A_66 = arith.constant 0 : i32
      %dma_wait3A_67 = arith.constant 0 : i32
      %dma_wait3A_68 = tpu.memref_slice %arg2[%dma_wait3A_66, %dma_wait3A_67] : memref<50048x32xf32, #tpu.memory_space<hbm>> -> memref<400x32xf32, #tpu.memory_space<hbm>>
      tpu.wait_dma2 semaphore(%dma_wait3A_61 : memref<!tpu.dma_semaphore, #tpu.memory_space<semaphore_mem>>) src(%dma_wait3A_68 : memref<400x32xf32, #tpu.memory_space<hbm>>) dst(%dma_wait3A_65 : memref<400x32xf32, #tpu.memory_space<vmem>>)
    } else {
    }
    %barrier3A_10 = arith.constant 0 : index
    tpu.barrier barrier_id(%barrier3A_10)
    %eq3A_11 = arith.constant 0 : i32
    %eq3A_12 = arith.cmpi eq, %arg0, %eq3A_11 : i32
    %convert_element_type3A_13 = arith.extui %eq3A_12 : i1 to i32
    %cond3A_14 = arith.constant 0 : i32
    %cond3A_15 = arith.cmpi ne, %convert_element_type3A_13, %cond3A_14 : i32
    scf.if %cond3A_15 {
      %mul3A_21 = arith.constant 3125 : i32
      %mul3A_22 = arith.muli %arg1, %mul3A_21 : i32
      %mul3A_23 = arith.constant 3125 : i32
      %mul3A_24 = arith.muli %arg1, %mul3A_23 : i32
      "tpu.region"() ({
        %run_scoped3A = tpu.sem_alloc : memref<!tpu.dma_semaphore, #tpu.memory_space<semaphore_mem>>
        %dma_start3A = arith.constant 0 : i32
        %dma_start3A_25 = tpu.memref_slice %arg7[%mul3A_24, %dma_start3A] : memref<50000x32xf32, #tpu.memory_space<hbm>> -> memref<3125x32xf32, #tpu.memory_space<hbm>>
        %dma_start3A_26 = arith.constant 0 : i32
        %dma_start3A_27 = tpu.memref_slice %arg12[%mul3A_22, %dma_start3A_26] : memref<50048x32xf32, #tpu.memory_space<vmem_shared>> -> memref<3125x32xf32, #tpu.memory_space<vmem_shared>>
        tpu.enqueue_dma source(%dma_start3A_27 : memref<3125x32xf32, #tpu.memory_space<vmem_shared>>) target(%dma_start3A_25 : memref<3125x32xf32, #tpu.memory_space<hbm>>) target_semaphore(%run_scoped3A : memref<!tpu.dma_semaphore, #tpu.memory_space<semaphore_mem>>)
        %dma_wait3A = arith.constant 0 : i32
        %dma_wait3A_28 = tpu.memref_slice %arg7[%mul3A_24, %dma_wait3A] : memref<50000x32xf32, #tpu.memory_space<hbm>> -> memref<3125x32xf32, #tpu.memory_space<hbm>>
        %dma_wait3A_29 = arith.constant 0 : i32
        %dma_wait3A_30 = tpu.memref_slice %arg12[%mul3A_22, %dma_wait3A_29] : memref<50048x32xf32, #tpu.memory_space<vmem_shared>> -> memref<3125x32xf32, #tpu.memory_space<vmem_shared>>
        tpu.wait_dma2 semaphore(%run_scoped3A : memref<!tpu.dma_semaphore, #tpu.memory_space<semaphore_mem>>) src(%dma_wait3A_30 : memref<3125x32xf32, #tpu.memory_space<vmem_shared>>) dst(%dma_wait3A_28 : memref<3125x32xf32, #tpu.memory_space<hbm>>)
        tpu.yield
      }) : () -> ()
    } else {
    }
    %eq3A_16 = arith.constant 1 : i32
    %eq3A_17 = arith.cmpi eq, %arg0, %eq3A_16 : i32
    %convert_element_type3A_18 = arith.extui %eq3A_17 : i1 to i32
    %cond3A_19 = arith.constant 0 : i32
    %cond3A_20 = arith.cmpi ne, %convert_element_type3A_18, %cond3A_19 : i32
    scf.if %cond3A_20 {
      %mul3A_21 = arith.constant 3125 : i32
      %mul3A_22 = arith.muli %arg1, %mul3A_21 : i32
      %mul3A_23 = arith.constant 3125 : i32
      %mul3A_24 = arith.muli %arg1, %mul3A_23 : i32
      "tpu.region"() ({
        %run_scoped3A = tpu.sem_alloc : memref<!tpu.dma_semaphore, #tpu.memory_space<semaphore_mem>>
        %dma_start3A = arith.constant 0 : i32
        %dma_start3A_25 = tpu.memref_slice %arg8[%mul3A_24, %dma_start3A] : memref<50000x32xf32, #tpu.memory_space<hbm>> -> memref<3125x32xf32, #tpu.memory_space<hbm>>
        %dma_start3A_26 = arith.constant 0 : i32
        %dma_start3A_27 = tpu.memref_slice %arg12[%mul3A_22, %dma_start3A_26] : memref<50048x32xf32, #tpu.memory_space<vmem_shared>> -> memref<3125x32xf32, #tpu.memory_space<vmem_shared>>
        tpu.enqueue_dma source(%dma_start3A_27 : memref<3125x32xf32, #tpu.memory_space<vmem_shared>>) target(%dma_start3A_25 : memref<3125x32xf32, #tpu.memory_space<hbm>>) target_semaphore(%run_scoped3A : memref<!tpu.dma_semaphore, #tpu.memory_space<semaphore_mem>>)
        %dma_wait3A = arith.constant 0 : i32
        %dma_wait3A_28 = tpu.memref_slice %arg8[%mul3A_24, %dma_wait3A] : memref<50000x32xf32, #tpu.memory_space<hbm>> -> memref<3125x32xf32, #tpu.memory_space<hbm>>
        %dma_wait3A_29 = arith.constant 0 : i32
        %dma_wait3A_30 = tpu.memref_slice %arg12[%mul3A_22, %dma_wait3A_29] : memref<50048x32xf32, #tpu.memory_space<vmem_shared>> -> memref<3125x32xf32, #tpu.memory_space<vmem_shared>>
        tpu.wait_dma2 semaphore(%run_scoped3A : memref<!tpu.dma_semaphore, #tpu.memory_space<semaphore_mem>>) src(%dma_wait3A_30 : memref<3125x32xf32, #tpu.memory_space<vmem_shared>>) dst(%dma_wait3A_28 : memref<3125x32xf32, #tpu.memory_space<hbm>>)
        tpu.yield
      }) : () -> ()
    } else {
    }
    return
  }
}

</mosaic_0001>

<sc_bundles>
// kernel: kernel.12.cloned.1.call-start
scs
__scs_entry_jumppad:
0x0: {  	(pc) =	sbr.rel $0x88, $3  }
0x1: {  	(tag) =	ssettag $0x0;
	lr =	simm.s32 $0x1  }
0x2: {  	[smem:$0x3F9C] =	sst lr;
	_ =	strace $0xD0000000  }
0x3: {  	_ = 	snop  }
0x4: {  	_ = 	snop  }
0x5: {  	_ = 	snop  }
0x6: {  	_ = 	snop  }
0x7: {  	_ = 	snop  }
__scs_overlays_trampoline_lowered:
0x8: {  	[smem:$0x3FAB] =	sst s0  }
0x9: {  	[smem:$0x3FAC] =	sst s1  }
0xa: {  	[smem:$0x3FAD] =	sst s2  }
0xb: {  	[smem:$0x3FAE] =	sst s3  }
0xc: {  	[smem:$0x3FAF] =	sst s4  }
0xd: {  	[smem:$0x3FB0] =	sst s5  }
0xe: {  	[smem:$0x3FB1] =	sst s6  }
0xf: {  	[smem:$0x3FB2] =	sst s7  }
0x10: {  	[smem:$0x3FB3] =	sst s8  }
0x11: {  	[smem:$0x3FB4] =	sst s9;
	s0 =	simm.s32 @!p0 $0x0  }
0x12: {  	s1 =	sld [smem:$0x3F9A];
	s0 =	simm.s32 @p0 $0x1  }
0x13: {  	[smem:$0x3FB5] =	sst s0;
	s0 =	simm.s32 @!p1 $0x0  }
0x14: {  	s2 =	sld [smem:$0x3F99];
	s0 =	simm.s32 @p1 $0x1  }
0x15: {  	[smem:$0x3FB6] =	sst s0;
	s0 =	simm.s32 @!p2 $0x0  }
0x16: {  	s3 =	sld [smem:$0x3FDB];
	s0 =	simm.s32 @p2 $0x1  }
0x17: {  	s4 =	simm.s32 $0x1BF5;
	[smem:$0x3FB8] =	sst s0  }
0x18: {  	s0 =	sld [smem:$0x3F9B];
	_ =	swait.ge [sflag:s4], $0x0  }
0x19: {  	s7 =	sld [smem:$0x3F9C]  }
0x1a: {  	s8 =	sadd.s32 $0xFFFFE003, lr  }
0x1b: {  	s9 =	sadd.s32 $0xFFFFFEF7, lr;
	s5 =	simm.s32 $0xFFFFFFFF;
	p2 =	slt.u32 s8, $0xFFFFF086  }
0x1c: {  	p1 =	slt.u32 s9, $0xF7A;
	s5 =	simm.s32 @!p2 $0x0  }
0x1d: {  	s5 =	simm.s32 @p1 $0x1;
	p0 =	seq.s32 s7, s2  }
0x1e: {  	s7 =	smul.u32 @!p0 $0xF7A, s2;
	p2 =	seq.s32 @!p0 s5, $0x0  }
0x1f: {  	s9 =	smul.u32 $0xF7A, s1;
	s8 =	simm.s32 @!p0 $0x1BF5;
	p2 =	por !p2, p0  }
0x20: {  	[sflag:s8] =	ssyncset.s32 @!p0 $0xFFFFF086;
	s6 =	sadd.s32 @!p0 s3, s7;
	s7 =	simm.s32 @!p0 $0x108  }
0x21: {  	s3 =	sadd.s32 s3, s9;
	s6 =	sadd.s32 @!p0 $0x88, s6;
	s7 =	simm.s32 @p2 $0x1082  }
0x22: {  	[simem:s7], [sflag:s8] =	dma.local @!p0 [hbm:s6], $0xF7A  }
0x23: {  	s9 =	sor.u32 $0xD0000000, s2;
	s6 =	simm.s32 $0x108;
	_ =	swait.ge @!p0 [sflag:s8], $0x0  }
0x24: {  	s3 =	sadd.s32 $0x88, s3;
	s6 =	simm.s32 @!p1 $0x1082;
	[sflag:s4] =	ssyncset.s32 $0xFFFFF086  }
0x25: {  	[simem:s6], [sflag:s4] =	dma.local [hbm:s3], $0xF7A  }
0x26: {  	[smem:$0x3F9C] =	sst s1;
	(tag) =	ssettag s2;
	_ =	strace s9  }
0x27: {  	s1 =	sld [smem:$0x3FAC]  }
0x28: {  	s2 =	sld [smem:$0x3FAD]  }
0x29: {  	s4 =	sld [smem:$0x3FAF]  }
0x2a: {  	p0 =	seq.s32 s5, $0x0;
	s5 =	sld [smem:$0x3FB0]  }
0x2b: {  	s6 =	sld [smem:$0x3FB1]  }
0x2c: {  	s7 =	sld [smem:$0x3FB2]  }
0x2d: {  	s3 =	simm.s32 $0x108;
	s8 =	sld [smem:$0x3FB3]  }
0x2e: {  	s3 =	simm.s32 @!p0 $0x1082;
	s9 =	sld [smem:$0x3FB4]  }
0x2f: {  	lr =	sadd.s32 s0, s3;
	s0 =	sld [smem:$0x3FAB]  }
0x30: {  	s3 =	sld [smem:$0x3FAE]  }
0x31: {  	[smem:$0x3FB7] =	sst s10  }
0x32: {  	s10 =	sld [smem:$0x3FB5];
	_ =	sdelay $0x3  }
0x33: {  	p0 =	seq.s32 s10, $0x1;
	s10 =	sld [smem:$0x3FB7];
	_ =	sdelay $0x3  }
0x34: {  	[smem:$0x3FB7] =	sst s10  }
0x35: {  	s10 =	sld [smem:$0x3FB6];
	_ =	sdelay $0x3  }
0x36: {  	p1 =	seq.s32 s10, $0x1;
	s10 =	sld [smem:$0x3FB7];
	_ =	sdelay $0x3  }
0x37: {  	[smem:$0x3FB7] =	sst s10  }
0x38: {  	s10 =	sld [smem:$0x3FB8]  }
0x39: {  	_ = 	snop;
	(pc) =	sbr.ind lr, $3  }
0x3a: {  	_ = 	snop  }
0x3b: {  	_ = 	snop  }
0x3c: {  	p2 =	seq.s32 s10, $0x1;
	s10 =	sld [smem:$0x3FB7]  }
0x3d: {  	_ =	shalt  }
0x3e: {  	_ =	shalt  }
0x3f: {  	_ =	shalt  }
0x40: {  	_ =	shalt  }
0x41: {  	_ =	shalt  }
0x42: {  	_ =	shalt  }
0x43: {  	_ =	shalt  }
0x44: {  	_ =	shalt  }
0x45: {  	_ =	shalt  }
0x46: {  	_ =	shalt  }
0x47: {  	_ =	shalt  }
0x48: {  	_ =	shalt  }
0x49: {  	_ =	shalt  }
0x4a: {  	_ =	shalt  }
0x4b: {  	_ =	shalt  }
0x4c: {  	_ =	shalt  }
0x4d: {  	_ =	shalt  }
0x4e: {  	_ =	shalt  }
0x4f: {  	_ =	shalt  }
0x50: {  	_ =	shalt  }
0x51: {  	_ =	shalt  }
0x52: {  	_ =	shalt  }
0x53: {  	_ =	shalt  }
0x54: {  	_ =	shalt  }
0x55: {  	_ =	shalt  }
0x56: {  	_ =	shalt  }
0x57: {  	_ =	shalt  }
0x58: {  	_ =	shalt  }
0x59: {  	_ =	shalt  }
0x5a: {  	_ =	shalt  }
0x5b: {  	_ =	shalt  }
0x5c: {  	_ =	shalt  }
0x5d: {  	_ =	shalt  }
0x5e: {  	_ =	shalt  }
0x5f: {  	_ =	shalt  }
0x60: {  	_ =	shalt  }
0x61: {  	_ =	shalt  }
0x62: {  	_ =	shalt  }
0x63: {  	_ =	shalt  }
0x64: {  	_ =	shalt  }
0x65: {  	_ =	shalt  }
0x66: {  	_ =	shalt  }
0x67: {  	_ =	shalt  }
0x68: {  	_ =	shalt  }
0x69: {  	_ =	shalt  }
0x6a: {  	_ =	shalt  }
0x6b: {  	_ =	shalt  }
0x6c: {  	_ =	shalt  }
0x6d: {  	_ =	shalt  }
0x6e: {  	_ =	shalt  }
0x6f: {  	_ =	shalt  }
0x70: {  	_ =	shalt  }
0x71: {  	_ =	shalt  }
0x72: {  	_ =	shalt  }
0x73: {  	_ =	shalt  }
0x74: {  	_ =	shalt  }
0x75: {  	_ =	shalt  }
0x76: {  	_ =	shalt  }
0x77: {  	_ =	shalt  }
0x78: {  	_ =	shalt  }
0x79: {  	_ =	shalt  }
0x7a: {  	_ =	shalt  }
0x7b: {  	_ =	shalt  }
0x7c: {  	_ =	shalt  }
0x7d: {  	_ =	shalt  }
0x7e: {  	_ =	shalt  }
0x7f: {  	_ =	shalt  }
0x80: {  	_ =	shalt  }
0x81: {  	_ =	shalt  }
0x82: {  	_ =	shalt  }
0x83: {  	_ =	shalt  }
0x84: {  	_ =	shalt  }
0x85: {  	_ =	shalt  }
0x86: {  	_ =	shalt  }
0x87: {  	_ =	shalt  }
.Lfunc_end0:
.L_simem_size_0:
called_computation.2_lowered:
.L_overlay_start_0:
0x88: {  	s2 =	sld [smem:$0x3FD9]  }
0x89: {  	s3 =	sld [smem:$0x3FFE];
	_ =	sdelay $0x1  }
0x8a: {  	s1 =	srdreg.scid  }
0x8b: {  	s0 =	sand.u32 $0x1, s1  }
0x8c: {  	s16 =	sshll.u32 s0, $0xA;
	s2 =	sadd.s32 s3, s2  }
0x8d: {  	s2 =	sadd.s32 s2, s16  }
0x8e: {  	[smem:$0x3FC3] =	sst s2  }
0x8f: {  	_ = 	snop  }
0x90: {  	(tm) =	ssettm $0x1  }
0x91: {  	s17 =	sld [smem:$0x3FFB];
	_ =	sdelay $0x3  }
0x92: {  	_ =	strace s17  }
0x93: {  	s2 =	sld [smem:$0x3FFC];
	_ =	sdelay $0x3  }
0x94: {  	_ =	strace s2  }
0x95: {  	s2 =	sld [smem:$0x3FFD];
	_ =	sdelay $0x3  }
0x96: {  	_ =	strace s2  }
0x97: {  	_ =	strace $0x8FFFFFFF  }
0x98: {  	s18 =	sld [smem:$0x3FDB];
	_ =	sdelay $0x1  }
0x99: {  	s19 =	simm.s32 $_scs_section_size  }
0x9a: {  	s4 =	simm.s32 $_size__tile_overlayer_lowered;
	s5 =	simm.s32 $_tile_overlayer_lowered  }
0x9b: {  	s22 =	simm.s32 $0x1BFF;
	s21 =	sshll.u32 s5, $0x1;
	s2 =	sadd.s32 s19, s18  }
0x9c: {  	s6 =	simm.s32 $0x0;
	s20 =	sshll.u32 s4, $0x1;
	s4 =	sadd.s32 s21, s2  }
0x9d: {  	[timem:s6], [sflag:s22] =	dma.local [hbm:s4], s20  }
0x9e: {  	_ =	swait.ge [sflag:s22], s20  }
0x9f: {  	s3 =	ssub.s32 $0x0, s20;
	[sflag:s22] =	ssyncset.done $0x0  }
0xa0: {  	[sflag:s22] =	ssyncadd.s32 s3;
	_ =	sdelay $0x1  }
0xa1: {  	s23 =	simm.s32 $0x1B8B  }
0xa2: {  	_ =	swait.ge [sflag:s23], $0x1  }
0xa3: {  	[sflag:s23] =	ssyncset.done $0x0  }
0xa4: {  	s25 =	simm.s32 $0x1B8E;
	s24 =	sld [smem:$0x3FFE];
	[sflag:s23] =	ssyncadd.s32 $0xFFFFFFFF  }
0xa5: {  	s26 =	simm.s32 $execute0_lowered;
	[smem:$0x3FD2] =	sst s25  }
0xa6: {  	s4 =	sshll.u32 s26, $0x1;
	_ =	strace $0x8000004C;
	[dreg:$0x1] =	wrdreg $0xFFFFFFFF  }
0xa7: {  	s28 =	simm.s32 $_size_execute0_lowered;
	s2 =	sadd.s32 s2, s4;
	[dreg:$0x0] =	wrdreg $0x0  }
0xa8: {  	s4 =	sshll.u32 s28, $0x1;
	[dreg:$0x2] =	wrdreg s2  }
0xa9: {  	[dreg:$0x3] =	wrdreg s4  }
0xaa: {  	[dreg:$0x4] =	wrdreg $0xC0  }
0xab: {  	_ =	task [dreg:s6], $0x5FFFF  }
0xac: {  	[dreg:$0x1] =	wrdreg $0xFFFFFFFF  }
0xad: {  	[dreg:$0x0] =	wrdreg $0x60  }
0xae: {  	[dreg:$0x2] =	wrdreg s24  }
0xaf: {  	[dreg:$0x3] =	wrdreg $0x6A400  }
0xb0: {  	[dreg:$0x4] =	wrdreg $0x9  }
0xb1: {  	_ =	task.clear_ibuf [dreg:s6], $0x5FFFF;
	_ =	strace $0x9000004C  }
0xb2: {  	s29 =	simm.s32 $0x9;
	_ =	strace $0x8000004E  }
0xb3: {  	_ =	swait.ge [sflag:s29], $0x1  }
0xb4: {  	[sflag:s29] =	ssyncadd.s32 $0xFFFFFFFF  }
0xb5: {  	_ =	strace $0x9000004E  }
0xb6: {  	_ =	sfence  }
0xb7: {  	s30 =	sld [smem:$0x0];
	_ =	sdelay $0x2  }
0xb8: {  	s31 =	sshll.u32 s1, $0xD;
	s1 =	sshrl.u32 s1, $0x2  }
0xb9: {  	s3 =	sand.u32 $0x4000, s31;
	s1 =	sadd.s32 s1, s30  }
0xba: {  	s0 =	sor.u32 s3, s0;
	s1 =	sshll.u32 s1, $0x11  }
0xbb: {  	s0 =	sor.u32 s1, s0  }
0xbc: {  	s0 =	sadd.s32 $0x8F2B, s0  }
0xbd: {  	[sflag:s0] =	ssyncadd.remote.s32 $0x1  }
0xbe: {  	_ =	sfence.sel $0xFFFF  }
0xbf: {  	[dreg:$0x0] =	wrdreg $0xFFFFFFFF;
	(pc) =	sbr.abs _section_cstart, $3  }
0xc0: {  	[dreg:$0x1] =	wrdreg $0xFFFFFFFF  }
0xc1: {  	_ =	task.clear_ibuf [dreg:s6], $0x2FFFF;
	_ =	strace $0x9FFFFFFF  }
0xc2: {  	(tm) =	ssettm $0x7FFFFFFF  }
0xc3: {  	_ =	shalt  }
tec
execute0_lowered:
.L_overlay_start_1:
0x0: {  	(tag) =	ssettag $0x1  }
0x1: {  	s0 =	rddreg [dreg:$0x0]  }
0x2: {  	s1 =	rddreg [dreg:$0x1]  }
0x3: {  	s3 =	simm.s32 $0x0;
	s12 =	stileid.u32;
	s7 =	srdreg.scid  }
0x4: {  	s28 =	simm.s32 $0x190;
	s29 =	simm.s32 $0x640;
	s30 =	simm.s32 $0x4B0  }
0x5: {  	s31 =	simm.s32 $0x3;
	[smem:$0x7FF] =	sst s3;
	s4 =	sadd.s32 $0x225C00, s0  }
0x6: {  	s2 =	smul.u32 $0x18700, s12;
	s5 =	sadd.s32 $0x1F4E00, s0;
	s6 =	sadd.s32 $0x37400, s0  }
0x7: {  	s8 =	sadd.s32 $0x5400, s0;
	s7 =	sand.u32 $0x1, s7;
	s11 =	smul.u32 $0x19000, s12  }
0x8: {  	s10 =	sadd.s32 $0x2B8600, s0;
	s18 =	sshll.u32 s12, $0x6;
	s13 =	smul.u32 $0x186A0, s12  }
0x9: {  	s26 =	smul.u32 $0x3200, s12;
	_ =	strace $0x8000004D;
	[dreg:$0x3] =	wrdreg s10  }
0xa: {  	s16 =	ssub.s32 $0x2, s7;
	p0 =	sne.s32 s7, $0x0;
	s7 =	simm.s32 $0x4  }
0xb: {  	s9 =	sshrl.u32 s2, $0x3;
	s17 =	sshrl.u32 s16, $0x1;
	s2 =	sadd.s32 s2, s1  }
0xc: {  	s19 =	sshrl.u32 s11, $0x3;
	s21 =	sor.u32 $0x190, s11;
	s11 =	sor.u32 $0x320, s11  }
0xd: {  	s15 =	sshrl.u32 s13, $0x3;
	s25 =	sadd.s32 s13, s1;
	s9 =	sadd.s32 s9, s0  }
0xe: {  	s0 =	sadd.s32 $0x287800, s0;
	s14 =	sadd.s32 s6, s19;
	s20 =	sadd.s32 s8, s19  }
0xf: {  	[dreg:$0x8] =	wrdreg s15;
	s22 =	sshrl.u32 s21, $0x3;
	s24 =	sshrl.u32 s11, $0x3  }
0x10: {  	s10 =	sadd.s32 $0x31CE, s19;
	s21 =	sadd.s32 s26, s6;
	[dreg:$0x4] =	wrdreg s0  }
0x11: {  	s25 =	sshrl.u32 s25, $0x3;
	s0 =	ssub.s32 s16, s17;
	[dreg:$0x6] =	wrdreg s14  }
0x12: {  	s9 =	sadd.s32 $0x256A00, s9;
	[dreg:$0x7] =	wrdreg s20;
	s23 =	sadd.s32 s6, s22  }
0x13: {  	s15 =	sadd.s32 s8, s22;
	s16 =	sadd.s32 s6, s24;
	s17 =	sadd.s32 s8, s24  }
0x14: {  	s19 =	sadd.s32 s8, s10;
	s20 =	sadd.s32 s26, s8;
	s22 =	sshrl.u32 s2, $0x3  }
.Ltmp0:
0x15: {  	s24 =	simm.s32 $0x320;
	s26 =	simm.s32 $0x1;
	(pc) =	sbr.rel .LBB2_1-.Ltmp0, $4  }
0x16: {  	s2 =	simm.s32 $0x3840;
	s8 =	simm.s32 $0x6;
	[dreg:$0x5] =	wrdreg s9  }
0x17: {  	s9 =	sor.u32 $0x1C07, s18;
	s0 =	smax.u32 s0, $0x1;
	[dreg:$0xa] =	wrdreg s23  }
0x18: {  	s18 =	sadd.s32 s6, s10;
	s23 =	simm.s32 $0x7;
	s6 =	simm.s32 $0x5  }
0x19: {  	s10 =	simm.s32 $0x0;
	[dreg:$0x9] =	wrdreg s0;
	s0 =	simm.s32 $0x2  }
.LBB2_7:
0x1a: {  	[spmem:s1] =	stream.indirect.scatter.add.f32 [tilespmem:s2], [sflag:$0x6], $0x20, s30, s28, $0xb8;
	[tilespmem:$0x1F140] =	vst v63  }
0x1b: {  	_ =	swait.ge [sflag:s26], $0x190  }
0x1c: {  	[sflag:s26] =	ssyncset.done $0x0  }
0x1d: {  	[sflag:s26] =	ssyncadd.s32 $0xFFFFFE70  }
0x1e: {  	_ =	swait.ge [sflag:s26], $0x190  }
0x1f: {  	[sflag:s26] =	ssyncset.done $0x0  }
0x20: {  	[sflag:s26] =	ssyncadd.s32 $0xFFFFFE70  }
0x21: {  	[tilespmem:s29], [sflag:$0x3] =	stream.indirect.gather [hbm4b:s4+s28], $0x20, s3, s28, $0xb8;
	[tilespmem:$0x1F140] =	vst v63  }
0x22: {  	_ =	swait.ge [sflag:s8], $0x3200  }
0x23: {  	[sflag:s8] =	ssyncset.done $0x0  }
0x24: {  	[sflag:s8] =	ssyncadd.s32 $0xFFFFCE00  }
0x25: {  	[tilespmem:s28], [sflag:$0x2] =	stream.linear.gather [hbm4b:s18+s3], $0x190, $0x38;
	[tilespmem:$0x1F140] =	vst v63  }
0x26: {  	_ = 	snop  }
0x27: {  	[tilespmem:s30], [sflag:$0x2] =	stream.linear.gather [hbm4b:s19+s3], $0x190, $0x38;
	[tilespmem:$0x1F140] =	vst v63  }
0x28: {  	_ =	swait.ge [sflag:s31], $0x3200  }
0x29: {  	[sflag:s31] =	ssyncset.done $0x0  }
0x2a: {  	[sflag:s31] =	ssyncadd.s32 $0xFFFFCE00  }
0x2b: {  	[spmem:s1] =	stream.indirect.scatter.add.f32 [tilespmem:s29], [sflag:$0x5], $0x20, s24, s28, $0xb8;
	[tilespmem:$0x1F140] =	vst v63  }
0x2c: {  	_ =	swait.ge [sflag:s0], $0x190  }
0x2d: {  	[sflag:s0] =	ssyncset.done $0x0  }
0x2e: {  	[sflag:s0] =	ssyncadd.s32 $0xFFFFFE70  }
0x2f: {  	_ =	swait.ge [sflag:s0], $0x190  }
0x30: {  	[sflag:s0] =	ssyncset.done $0x0  }
0x31: {  	[sflag:s0] =	ssyncadd.s32 $0xFFFFFE70  }
0x32: {  	[tilespmem:s2], [sflag:$0x4] =	stream.indirect.gather [hbm4b:s4+s28], $0x20, s28, s28, $0xb8;
	[tilespmem:$0x1F140] =	vst v63  }
0x33: {  	_ =	swait.ge [sflag:s6], $0x3200  }
0x34: {  	[sflag:s6] =	ssyncset.done $0x0  }
0x35: {  	[sflag:s6] =	ssyncadd.s32 $0xFFFFCE00  }
0x36: {  	_ =	swait.ge [sflag:s7], $0x3200  }
0x37: {  	[sflag:s7] =	ssyncset.done $0x0  }
0x38: {  	s11 =	rddreg [dreg:$0x4];
	[sflag:s7] =	ssyncadd.s32 $0xFFFFCE00  }
0x39: {  	[spmem:s1] =	stream.indirect.scatter.add.f32 [tilespmem:s2], [sflag:$0x6], $0x20, s30, s28, $0xb8;
	[tilespmem:$0x1F140] =	vst v63  }
.LBB2_8:
0x3a: {  	_ =	swait.ge [sflag:s8], $0x3200  }
0x3b: {  	[sflag:s8] =	ssyncset.done $0x0  }
0x3c: {  	s12 =	rddreg [dreg:$0x8];
	[sflag:s8] =	ssyncadd.s32 $0xFFFFCE00  }
0x3d: {  	s11 =	sadd.s32 s11, s12;
	[bflag:$0x0] =	sbarrier.arrive $0xFFFF  }
0x3e: {  	[hbm:s11], [sflag:s9] =	dma.local [spmem:s25], $0x30D4  }
0x3f: {  	_ =	swait.ge [sflag:s23], $0x30D4  }
0x40: {  	s10 =	sadd.s32 $0x1, s10;
	s14 =	rddreg [dreg:$0x9]  }
0x41: {  	p1 =	sne.s32 s10, s14  }
.Ltmp1:
0x42: {  	_ = 	snop;
	(pc) =	sbr.rel @!p1 .LBB2_9-.Ltmp1, $3  }
0x43: {  	_ =	sdelay $0x1  }
0x44: {  	[sflag:s23] =	ssyncset.done $0x0  }
0x45: {  	[sflag:s23] =	ssyncadd.s32 $0xFFFFCF2C  }
.LBB2_1:
0x46: {  	s11 =	rddreg [dreg:$0x5]  }
0x47: {  	[spmem:s22], [sflag:s9] =	dma.local [hbm:s11], $0x30E0  }
.Ltmp2:
0x48: {  	_ =	swait.ge [sflag:s23], $0x30E0;
	(pc) =	sbr.rel @p0 .LBB2_5-.Ltmp2, $3  }
0x49: {  	[sflag:s23] =	ssyncset.done $0x0  }
0x4a: {  	[sflag:s23] =	ssyncadd.s32 $0xFFFFCF20  }
0x4b: {  	[bflag:$0x0] =	sbarrier.arrive $0xFFFF;
	_ =	sdelay $0x1  }
0x4c: {  	s11 =	rddreg [dreg:$0x7]  }
0x4d: {  	[tilespmem:s3], [sflag:$0x1] =	stream.linear.gather [hbm4b:s11+s3], $0x190, $0x38;
	[tilespmem:$0x1F140] =	vst v63  }
0x4e: {  	s12 =	rddreg [dreg:$0x6]  }
0x4f: {  	[tilespmem:s24], [sflag:$0x1] =	stream.linear.gather [hbm4b:s12+s3], $0x190, $0x38;
	[tilespmem:$0x1F140] =	vst v63  }
0x50: {  	_ =	swait.ge [sflag:s26], $0x190  }
0x51: {  	[sflag:s26] =	ssyncset.done $0x0  }
0x52: {  	[sflag:s26] =	ssyncadd.s32 $0xFFFFFE70  }
0x53: {  	_ =	swait.ge [sflag:s26], $0x190  }
0x54: {  	[sflag:s26] =	ssyncset.done $0x0  }
0x55: {  	[sflag:s26] =	ssyncadd.s32 $0xFFFFFE70  }
0x56: {  	[tilespmem:s29], [sflag:$0x3] =	stream.indirect.gather [hbm4b:s5+s28], $0x20, s3, s28, $0xb8;
	[tilespmem:$0x1F140] =	vst v63  }
0x57: {  	_ = 	snop  }
0x58: {  	[tilespmem:s28], [sflag:$0x2] =	stream.linear.gather [hbm4b:s15+s3], $0x190, $0x38;
	[tilespmem:$0x1F140] =	vst v63  }
0x59: {  	s13 =	rddreg [dreg:$0xa]  }
0x5a: {  	[tilespmem:s30], [sflag:$0x2] =	stream.linear.gather [hbm4b:s13+s3], $0x190, $0x38;
	[tilespmem:$0x1F140] =	vst v63  }
0x5b: {  	_ =	swait.ge [sflag:s31], $0x3200  }
0x5c: {  	[sflag:s31] =	ssyncset.done $0x0  }
0x5d: {  	[sflag:s31] =	ssyncadd.s32 $0xFFFFCE00  }
0x5e: {  	[spmem:s1] =	stream.indirect.scatter.add.f32 [tilespmem:s29], [sflag:$0x5], $0x20, s24, s28, $0xb8;
	[tilespmem:$0x1F140] =	vst v63  }
0x5f: {  	_ =	swait.ge [sflag:s0], $0x190  }
0x60: {  	[sflag:s0] =	ssyncset.done $0x0  }
0x61: {  	[sflag:s0] =	ssyncadd.s32 $0xFFFFFE70  }
0x62: {  	_ =	swait.ge [sflag:s0], $0x190  }
0x63: {  	[sflag:s0] =	ssyncset.done $0x0  }
0x64: {  	[sflag:s0] =	ssyncadd.s32 $0xFFFFFE70  }
0x65: {  	[tilespmem:s2], [sflag:$0x4] =	stream.indirect.gather [hbm4b:s5+s28], $0x20, s28, s28, $0xb8;
	[tilespmem:$0x1F140] =	vst v63  }
0x66: {  	_ =	swait.ge [sflag:s6], $0x3200  }
0x67: {  	[sflag:s6] =	ssyncset.done $0x0  }
0x68: {  	[sflag:s6] =	ssyncadd.s32 $0xFFFFCE00  }
0x69: {  	[tilespmem:s3], [sflag:$0x1] =	stream.linear.gather [hbm4b:s17+s3], $0x190, $0x38;
	[tilespmem:$0x1F140] =	vst v63  }
0x6a: {  	_ = 	snop  }
0x6b: {  	[tilespmem:s24], [sflag:$0x1] =	stream.linear.gather [hbm4b:s16+s3], $0x190, $0x38;
	[tilespmem:$0x1F140] =	vst v63  }
0x6c: {  	_ =	swait.ge [sflag:s7], $0x3200  }
0x6d: {  	[sflag:s7] =	ssyncset.done $0x0  }
0x6e: {  	[sflag:s7] =	ssyncadd.s32 $0xFFFFCE00  }
0x6f: {  	[spmem:s1] =	stream.indirect.scatter.add.f32 [tilespmem:s2], [sflag:$0x6], $0x20, s30, s28, $0xb8;
	[tilespmem:$0x1F140] =	vst v63  }
0x70: {  	_ =	swait.ge [sflag:s26], $0x190  }
0x71: {  	[sflag:s26] =	ssyncset.done $0x0  }
0x72: {  	[sflag:s26] =	ssyncadd.s32 $0xFFFFFE70  }
0x73: {  	_ =	swait.ge [sflag:s26], $0x190  }
0x74: {  	[sflag:s26] =	ssyncset.done $0x0  }
0x75: {  	[sflag:s26] =	ssyncadd.s32 $0xFFFFFE70  }
0x76: {  	[tilespmem:s29], [sflag:$0x3] =	stream.indirect.gather [hbm4b:s5+s28], $0x20, s3, s28, $0xb8;
	[tilespmem:$0x1F140] =	vst v63  }
0x77: {  	_ =	swait.ge [sflag:s8], $0x3200  }
0x78: {  	s11 =	sadd.s32 $0xFFFFCEC8, s20;
	[sflag:s8] =	ssyncset.done $0x0  }
0x79: {  	s12 =	sadd.s32 $0x31CE, s11;
	s13 =	sadd.s32 $0xFFFFCEC8, s21;
	[sflag:s8] =	ssyncadd.s32 $0xFFFFCE00  }
0x7a: {  	[tilespmem:s28], [sflag:$0x2] =	stream.linear.gather [hbm4b:s12+s3], $0x190, $0x38;
	[tilespmem:$0x1F140] =	vst v63  }
0x7b: {  	s14 =	sadd.s32 $0x31CE, s13  }
0x7c: {  	[tilespmem:s30], [sflag:$0x2] =	stream.linear.gather [hbm4b:s14+s3], $0x190, $0x38;
	[tilespmem:$0x1F140] =	vst v63  }
0x7d: {  	_ =	swait.ge [sflag:s31], $0x3200  }
0x7e: {  	[sflag:s31] =	ssyncset.done $0x0  }
0x7f: {  	[sflag:s31] =	ssyncadd.s32 $0xFFFFCE00  }
0x80: {  	[spmem:s1] =	stream.indirect.scatter.add.f32 [tilespmem:s29], [sflag:$0x5], $0x20, s24, s28, $0xb8;
	[tilespmem:$0x1F140] =	vst v63  }
0x81: {  	_ =	swait.ge [sflag:s0], $0x190  }
0x82: {  	[sflag:s0] =	ssyncset.done $0x0  }
0x83: {  	[sflag:s0] =	ssyncadd.s32 $0xFFFFFE70  }
0x84: {  	_ =	swait.ge [sflag:s0], $0x190  }
0x85: {  	[sflag:s0] =	ssyncset.done $0x0  }
0x86: {  	[sflag:s0] =	ssyncadd.s32 $0xFFFFFE70  }
0x87: {  	[tilespmem:s2], [sflag:$0x4] =	stream.indirect.gather [hbm4b:s5+s28], $0x20, s28, s28, $0xb8;
	[tilespmem:$0x1F140] =	vst v63  }
0x88: {  	_ =	swait.ge [sflag:s6], $0x3200  }
0x89: {  	[sflag:s6] =	ssyncset.done $0x0  }
0x8a: {  	s11 =	sadd.s32 $0x3200, s11;
	[sflag:s6] =	ssyncadd.s32 $0xFFFFCE00  }
0x8b: {  	[tilespmem:s3], [sflag:$0x1] =	stream.linear.gather [hbm4b:s11+s3], $0x190, $0x38;
	[tilespmem:$0x1F140] =	vst v63  }
0x8c: {  	s14 =	sadd.s32 $0x3200, s13  }
0x8d: {  	[tilespmem:s24], [sflag:$0x1] =	stream.linear.gather [hbm4b:s14+s3], $0x190, $0x38;
	[tilespmem:$0x1F140] =	vst v63  }
0x8e: {  	_ =	swait.ge [sflag:s7], $0x3200  }
0x8f: {  	[sflag:s7] =	ssyncset.done $0x0  }
0x90: {  	s11 =	simm.s32 $0xFFFFCF2C;
	[sflag:s7] =	ssyncadd.s32 $0xFFFFCE00  }
.LBB2_3:
0x91: {  	[spmem:s1] =	stream.indirect.scatter.add.f32 [tilespmem:s2], [sflag:$0x6], $0x20, s30, s28, $0xb8;
	[tilespmem:$0x1F140] =	vst v63  }
0x92: {  	s12 =	smov.u32 s11  }
0x93: {  	p1 =	seq.s32 s11, $0xFFFFFF9C;
	s11 =	sadd.s32 $0x64, s11;
	_ =	swait.ge [sflag:s26], $0x190  }
0x94: {  	[sflag:s26] =	ssyncset.done $0x0  }
0x95: {  	[sflag:s26] =	ssyncadd.s32 $0xFFFFFE70  }
0x96: {  	_ =	swait.ge [sflag:s26], $0x190  }
0x97: {  	[sflag:s26] =	ssyncset.done $0x0  }
0x98: {  	[sflag:s26] =	ssyncadd.s32 $0xFFFFFE70  }
0x99: {  	[tilespmem:s29], [sflag:$0x3] =	stream.indirect.gather [hbm4b:s5+s28], $0x20, s3, s28, $0xb8;
	[tilespmem:$0x1F140] =	vst v63  }
0x9a: {  	_ =	swait.ge [sflag:s8], $0x3200  }
0x9b: {  	s13 =	sadd.s32 s12, s20;
	[sflag:s8] =	ssyncset.done $0x0  }
0x9c: {  	s12 =	sadd.s32 s12, s21;
	s14 =	sadd.s32 $0x31CE, s13;
	[sflag:s8] =	ssyncadd.s32 $0xFFFFCE00  }
0x9d: {  	[tilespmem:s28], [sflag:$0x2] =	stream.linear.gather [hbm4b:s14+s3], $0x190, $0x38;
	[tilespmem:$0x1F140] =	vst v63  }
0x9e: {  	s14 =	sadd.s32 $0x31CE, s12  }
0x9f: {  	[tilespmem:s30], [sflag:$0x2] =	stream.linear.gather [hbm4b:s14+s3], $0x190, $0x38;
	[tilespmem:$0x1F140] =	vst v63  }
0xa0: {  	_ =	swait.ge [sflag:s31], $0x3200  }
0xa1: {  	[sflag:s31] =	ssyncset.done $0x0  }
0xa2: {  	[sflag:s31] =	ssyncadd.s32 $0xFFFFCE00  }
0xa3: {  	[spmem:s1] =	stream.indirect.scatter.add.f32 [tilespmem:s29], [sflag:$0x5], $0x20, s24, s28, $0xb8;
	[tilespmem:$0x1F140] =	vst v63  }
0xa4: {  	_ =	swait.ge [sflag:s0], $0x190  }
0xa5: {  	[sflag:s0] =	ssyncset.done $0x0  }
0xa6: {  	[sflag:s0] =	ssyncadd.s32 $0xFFFFFE70  }
0xa7: {  	_ =	swait.ge [sflag:s0], $0x190  }
0xa8: {  	[sflag:s0] =	ssyncset.done $0x0  }
0xa9: {  	[sflag:s0] =	ssyncadd.s32 $0xFFFFFE70  }
0xaa: {  	[tilespmem:s2], [sflag:$0x4] =	stream.indirect.gather [hbm4b:s5+s28], $0x20, s28, s28, $0xb8;
	[tilespmem:$0x1F140] =	vst v63  }
0xab: {  	_ =	swait.ge [sflag:s6], $0x3200  }
0xac: {  	[sflag:s6] =	ssyncset.done $0x0  }
0xad: {  	s13 =	sadd.s32 $0x3200, s13;
	[sflag:s6] =	ssyncadd.s32 $0xFFFFCE00  }
0xae: {  	[tilespmem:s3], [sflag:$0x1] =	stream.linear.gather [hbm4b:s13+s3], $0x190, $0x38;
	[tilespmem:$0x1F140] =	vst v63  }
.Ltmp3:
0xaf: {  	s12 =	sadd.s32 $0x3200, s12;
	(pc) =	sbr.rel @!p1 .LBB2_3-.Ltmp3, $4  }
0xb0: {  	[tilespmem:s24], [sflag:$0x1] =	stream.linear.gather [hbm4b:s12+s3], $0x190, $0x38;
	[tilespmem:$0x1F140] =	vst v63  }
0xb1: {  	_ =	swait.ge [sflag:s7], $0x3200  }
0xb2: {  	[sflag:s7] =	ssyncset.done $0x0  }
0xb3: {  	[sflag:s7] =	ssyncadd.s32 $0xFFFFCE00  }
0xb4: {  	[spmem:s1] =	stream.indirect.scatter.add.f32 [tilespmem:s2], [sflag:$0x6], $0x20, s30, s28, $0xb8;
	[tilespmem:$0x1F140] =	vst v63  }
0xb5: {  	_ =	swait.ge [sflag:s26], $0x190  }
0xb6: {  	[sflag:s26] =	ssyncset.done $0x0  }
0xb7: {  	[sflag:s26] =	ssyncadd.s32 $0xFFFFFE70  }
0xb8: {  	_ =	swait.ge [sflag:s26], $0x190  }
0xb9: {  	[sflag:s26] =	ssyncset.done $0x0  }
0xba: {  	[sflag:s26] =	ssyncadd.s32 $0xFFFFFE70  }
0xbb: {  	[tilespmem:s29], [sflag:$0x3] =	stream.indirect.gather [hbm4b:s5+s28], $0x20, s3, s28, $0xb8;
	[tilespmem:$0x1F140] =	vst v63  }
0xbc: {  	_ =	swait.ge [sflag:s8], $0x3200  }
0xbd: {  	[sflag:s8] =	ssyncset.done $0x0  }
0xbe: {  	[sflag:s8] =	ssyncadd.s32 $0xFFFFCE00  }
0xbf: {  	[tilespmem:s28], [sflag:$0x2] =	stream.linear.gather [hbm4b:s19+s3], $0x190, $0x38;
	[tilespmem:$0x1F140] =	vst v63  }
0xc0: {  	_ = 	snop  }
0xc1: {  	[tilespmem:s30], [sflag:$0x2] =	stream.linear.gather [hbm4b:s18+s3], $0x190, $0x38;
	[tilespmem:$0x1F140] =	vst v63  }
0xc2: {  	_ =	swait.ge [sflag:s31], $0x3200  }
0xc3: {  	[sflag:s31] =	ssyncset.done $0x0  }
0xc4: {  	[sflag:s31] =	ssyncadd.s32 $0xFFFFCE00  }
0xc5: {  	[spmem:s1] =	stream.indirect.scatter.add.f32 [tilespmem:s29], [sflag:$0x5], $0x20, s24, s28, $0xb8;
	[tilespmem:$0x1F140] =	vst v63  }
0xc6: {  	_ =	swait.ge [sflag:s0], $0x190  }
0xc7: {  	[sflag:s0] =	ssyncset.done $0x0  }
0xc8: {  	[sflag:s0] =	ssyncadd.s32 $0xFFFFFE70  }
0xc9: {  	_ =	swait.ge [sflag:s0], $0x190  }
0xca: {  	[sflag:s0] =	ssyncset.done $0x0  }
0xcb: {  	[sflag:s0] =	ssyncadd.s32 $0xFFFFFE70  }
0xcc: {  	[tilespmem:s2], [sflag:$0x4] =	stream.indirect.gather [hbm4b:s5+s28], $0x20, s28, s28, $0xb8;
	[tilespmem:$0x1F140] =	vst v63  }
0xcd: {  	_ =	swait.ge [sflag:s6], $0x3200  }
0xce: {  	[sflag:s6] =	ssyncset.done $0x0  }
.Ltmp4:
0xcf: {  	[sflag:s6] =	ssyncadd.s32 $0xFFFFCE00;
	(pc) =	sbr.rel .LBB2_8-.Ltmp4, $4  }
0xd0: {  	_ =	swait.ge [sflag:s7], $0x3200  }
0xd1: {  	[sflag:s7] =	ssyncset.done $0x0  }
0xd2: {  	s11 =	rddreg [dreg:$0x3];
	[sflag:s7] =	ssyncadd.s32 $0xFFFFCE00  }
0xd3: {  	[spmem:s1] =	stream.indirect.scatter.add.f32 [tilespmem:s2], [sflag:$0x6], $0x20, s30, s28, $0xb8;
	[tilespmem:$0x1F140] =	vst v63  }
.LBB2_5:
0xd4: {  	s11 =	rddreg [dreg:$0x6]  }
0xd5: {  	[tilespmem:s3], [sflag:$0x1] =	stream.linear.gather [hbm4b:s11+s3], $0x190, $0x38;
	[tilespmem:$0x1F140] =	vst v63  }
0xd6: {  	s12 =	rddreg [dreg:$0x7]  }
0xd7: {  	[tilespmem:s24], [sflag:$0x1] =	stream.linear.gather [hbm4b:s12+s3], $0x190, $0x38;
	[tilespmem:$0x1F140] =	vst v63  }
0xd8: {  	_ =	swait.ge [sflag:s26], $0x190  }
0xd9: {  	[sflag:s26] =	ssyncset.done $0x0  }
0xda: {  	[sflag:s26] =	ssyncadd.s32 $0xFFFFFE70  }
0xdb: {  	_ =	swait.ge [sflag:s26], $0x190  }
0xdc: {  	[sflag:s26] =	ssyncset.done $0x0  }
0xdd: {  	[sflag:s26] =	ssyncadd.s32 $0xFFFFFE70  }
0xde: {  	[tilespmem:s29], [sflag:$0x3] =	stream.indirect.gather [hbm4b:s4+s28], $0x20, s3, s28, $0xb8;
	[tilespmem:$0x1F140] =	vst v63  }
0xdf: {  	s13 =	rddreg [dreg:$0xa]  }
0xe0: {  	[tilespmem:s28], [sflag:$0x2] =	stream.linear.gather [hbm4b:s13+s3], $0x190, $0x38;
	[tilespmem:$0x1F140] =	vst v63  }
0xe1: {  	_ = 	snop  }
0xe2: {  	[tilespmem:s30], [sflag:$0x2] =	stream.linear.gather [hbm4b:s15+s3], $0x190, $0x38;
	[tilespmem:$0x1F140] =	vst v63  }
0xe3: {  	_ =	swait.ge [sflag:s31], $0x3200  }
0xe4: {  	[sflag:s31] =	ssyncset.done $0x0  }
0xe5: {  	[sflag:s31] =	ssyncadd.s32 $0xFFFFCE00  }
0xe6: {  	[spmem:s1] =	stream.indirect.scatter.add.f32 [tilespmem:s29], [sflag:$0x5], $0x20, s24, s28, $0xb8;
	[tilespmem:$0x1F140] =	vst v63  }
0xe7: {  	_ =	swait.ge [sflag:s0], $0x190  }
0xe8: {  	[sflag:s0] =	ssyncset.done $0x0  }
0xe9: {  	[sflag:s0] =	ssyncadd.s32 $0xFFFFFE70  }
0xea: {  	_ =	swait.ge [sflag:s0], $0x190  }
0xeb: {  	[sflag:s0] =	ssyncset.done $0x0  }
0xec: {  	[sflag:s0] =	ssyncadd.s32 $0xFFFFFE70  }
0xed: {  	[tilespmem:s2], [sflag:$0x4] =	stream.indirect.gather [hbm4b:s4+s28], $0x20, s28, s28, $0xb8;
	[tilespmem:$0x1F140] =	vst v63  }
0xee: {  	_ =	swait.ge [sflag:s6], $0x3200  }
0xef: {  	[sflag:s6] =	ssyncset.done $0x0  }
0xf0: {  	[sflag:s6] =	ssyncadd.s32 $0xFFFFCE00  }
0xf1: {  	[tilespmem:s3], [sflag:$0x1] =	stream.linear.gather [hbm4b:s16+s3], $0x190, $0x38;
	[tilespmem:$0x1F140] =	vst v63  }
0xf2: {  	_ = 	snop  }
0xf3: {  	[tilespmem:s24], [sflag:$0x1] =	stream.linear.gather [hbm4b:s17+s3], $0x190, $0x38;
	[tilespmem:$0x1F140] =	vst v63  }
0xf4: {  	_ =	swait.ge [sflag:s7], $0x3200  }
0xf5: {  	[sflag:s7] =	ssyncset.done $0x0  }
0xf6: {  	[sflag:s7] =	ssyncadd.s32 $0xFFFFCE00  }
0xf7: {  	[spmem:s1] =	stream.indirect.scatter.add.f32 [tilespmem:s2], [sflag:$0x6], $0x20, s30, s28, $0xb8;
	[tilespmem:$0x1F140] =	vst v63  }
0xf8: {  	_ =	swait.ge [sflag:s26], $0x190  }
0xf9: {  	[sflag:s26] =	ssyncset.done $0x0  }
0xfa: {  	[sflag:s26] =	ssyncadd.s32 $0xFFFFFE70  }
0xfb: {  	_ =	swait.ge [sflag:s26], $0x190  }
0xfc: {  	[sflag:s26] =	ssyncset.done $0x0  }
0xfd: {  	[sflag:s26] =	ssyncadd.s32 $0xFFFFFE70  }
0xfe: {  	[tilespmem:s29], [sflag:$0x3] =	stream.indirect.gather [hbm4b:s4+s28], $0x20, s3, s28, $0xb8;
	[tilespmem:$0x1F140] =	vst v63  }
0xff: {  	_ =	swait.ge [sflag:s8], $0x3200  }
0x100: {  	s11 =	sadd.s32 $0xFFFFCEC8, s21;
	[sflag:s8] =	ssyncset.done $0x0  }
0x101: {  	s12 =	sadd.s32 $0x31CE, s11;
	s13 =	sadd.s32 $0xFFFFCEC8, s20;
	[sflag:s8] =	ssyncadd.s32 $0xFFFFCE00  }
0x102: {  	[tilespmem:s28], [sflag:$0x2] =	stream.linear.gather [hbm4b:s12+s3], $0x190, $0x38;
	[tilespmem:$0x1F140] =	vst v63  }
0x103: {  	s14 =	sadd.s32 $0x31CE, s13  }
0x104: {  	[tilespmem:s30], [sflag:$0x2] =	stream.linear.gather [hbm4b:s14+s3], $0x190, $0x38;
	[tilespmem:$0x1F140] =	vst v63  }
0x105: {  	_ =	swait.ge [sflag:s31], $0x3200  }
0x106: {  	[sflag:s31] =	ssyncset.done $0x0  }
0x107: {  	[sflag:s31] =	ssyncadd.s32 $0xFFFFCE00  }
0x108: {  	[spmem:s1] =	stream.indirect.scatter.add.f32 [tilespmem:s29], [sflag:$0x5], $0x20, s24, s28, $0xb8;
	[tilespmem:$0x1F140] =	vst v63  }
0x109: {  	_ =	swait.ge [sflag:s0], $0x190  }
0x10a: {  	[sflag:s0] =	ssyncset.done $0x0  }
0x10b: {  	[sflag:s0] =	ssyncadd.s32 $0xFFFFFE70  }
0x10c: {  	_ =	swait.ge [sflag:s0], $0x190  }
0x10d: {  	[sflag:s0] =	ssyncset.done $0x0  }
0x10e: {  	[sflag:s0] =	ssyncadd.s32 $0xFFFFFE70  }
0x10f: {  	[tilespmem:s2], [sflag:$0x4] =	stream.indirect.gather [hbm4b:s4+s28], $0x20, s28, s28, $0xb8;
	[tilespmem:$0x1F140] =	vst v63  }
0x110: {  	_ =	swait.ge [sflag:s6], $0x3200  }
0x111: {  	[sflag:s6] =	ssyncset.done $0x0  }
0x112: {  	s11 =	sadd.s32 $0x3200, s11;
	[sflag:s6] =	ssyncadd.s32 $0xFFFFCE00  }
0x113: {  	[tilespmem:s3], [sflag:$0x1] =	stream.linear.gather [hbm4b:s11+s3], $0x190, $0x38;
	[tilespmem:$0x1F140] =	vst v63  }
0x114: {  	s14 =	sadd.s32 $0x3200, s13  }
0x115: {  	[tilespmem:s24], [sflag:$0x1] =	stream.linear.gather [hbm4b:s14+s3], $0x190, $0x38;
	[tilespmem:$0x1F140] =	vst v63  }
0x116: {  	_ =	swait.ge [sflag:s7], $0x3200  }
0x117: {  	[sflag:s7] =	ssyncset.done $0x0  }
0x118: {  	s11 =	simm.s32 $0xFFFFCF2C;
	[sflag:s7] =	ssyncadd.s32 $0xFFFFCE00  }
.LBB2_6:
0x119: {  	[spmem:s1] =	stream.indirect.scatter.add.f32 [tilespmem:s2], [sflag:$0x6], $0x20, s30, s28, $0xb8;
	[tilespmem:$0x1F140] =	vst v63  }
0x11a: {  	s12 =	smov.u32 s11  }
0x11b: {  	p1 =	seq.s32 s11, $0xFFFFFF9C;
	s11 =	sadd.s32 $0x64, s11;
	_ =	swait.ge [sflag:s26], $0x190  }
0x11c: {  	[sflag:s26] =	ssyncset.done $0x0  }
0x11d: {  	[sflag:s26] =	ssyncadd.s32 $0xFFFFFE70  }
0x11e: {  	_ =	swait.ge [sflag:s26], $0x190  }
0x11f: {  	[sflag:s26] =	ssyncset.done $0x0  }
0x120: {  	[sflag:s26] =	ssyncadd.s32 $0xFFFFFE70  }
0x121: {  	[tilespmem:s29], [sflag:$0x3] =	stream.indirect.gather [hbm4b:s4+s28], $0x20, s3, s28, $0xb8;
	[tilespmem:$0x1F140] =	vst v63  }
0x122: {  	_ =	swait.ge [sflag:s8], $0x3200  }
0x123: {  	s13 =	sadd.s32 s12, s21;
	[sflag:s8] =	ssyncset.done $0x0  }
0x124: {  	s12 =	sadd.s32 s12, s20;
	s14 =	sadd.s32 $0x31CE, s13;
	[sflag:s8] =	ssyncadd.s32 $0xFFFFCE00  }
0x125: {  	[tilespmem:s28], [sflag:$0x2] =	stream.linear.gather [hbm4b:s14+s3], $0x190, $0x38;
	[tilespmem:$0x1F140] =	vst v63  }
0x126: {  	s14 =	sadd.s32 $0x31CE, s12  }
0x127: {  	[tilespmem:s30], [sflag:$0x2] =	stream.linear.gather [hbm4b:s14+s3], $0x190, $0x38;
	[tilespmem:$0x1F140] =	vst v63  }
0x128: {  	_ =	swait.ge [sflag:s31], $0x3200  }
0x129: {  	[sflag:s31] =	ssyncset.done $0x0  }
0x12a: {  	[sflag:s31] =	ssyncadd.s32 $0xFFFFCE00  }
0x12b: {  	[spmem:s1] =	stream.indirect.scatter.add.f32 [tilespmem:s29], [sflag:$0x5], $0x20, s24, s28, $0xb8;
	[tilespmem:$0x1F140] =	vst v63  }
0x12c: {  	_ =	swait.ge [sflag:s0], $0x190  }
0x12d: {  	[sflag:s0] =	ssyncset.done $0x0  }
0x12e: {  	[sflag:s0] =	ssyncadd.s32 $0xFFFFFE70  }
0x12f: {  	_ =	swait.ge [sflag:s0], $0x190  }
0x130: {  	[sflag:s0] =	ssyncset.done $0x0  }
0x131: {  	[sflag:s0] =	ssyncadd.s32 $0xFFFFFE70  }
0x132: {  	[tilespmem:s2], [sflag:$0x4] =	stream.indirect.gather [hbm4b:s4+s28], $0x20, s28, s28, $0xb8;
	[tilespmem:$0x1F140] =	vst v63  }
0x133: {  	_ =	swait.ge [sflag:s6], $0x3200  }
0x134: {  	[sflag:s6] =	ssyncset.done $0x0  }
0x135: {  	s13 =	sadd.s32 $0x3200, s13;
	[sflag:s6] =	ssyncadd.s32 $0xFFFFCE00  }
0x136: {  	[tilespmem:s3], [sflag:$0x1] =	stream.linear.gather [hbm4b:s13+s3], $0x190, $0x38;
	[tilespmem:$0x1F140] =	vst v63  }
.Ltmp5:
0x137: {  	s12 =	sadd.s32 $0x3200, s12;
	(pc) =	sbr.rel @!p1 .LBB2_6-.Ltmp5, $4  }
0x138: {  	[tilespmem:s24], [sflag:$0x1] =	stream.linear.gather [hbm4b:s12+s3], $0x190, $0x38;
	[tilespmem:$0x1F140] =	vst v63  }
0x139: {  	_ =	swait.ge [sflag:s7], $0x3200  }
0x13a: {  	[sflag:s7] =	ssyncset.done $0x0  }
0x13b: {  	[sflag:s7] =	ssyncadd.s32 $0xFFFFCE00  }
.Ltmp6:
0x13c: {  	_ = 	snop;
	(pc) =	sbr.rel .LBB2_7-.Ltmp6, $1  }
0x13d: {  	_ =	sdelay $0x3  }
.LBB2_9:
0x13e: {  	_ =	sfence.sel $0x180000  }
0x13f: {  	[bflag:$0x0] =	sbarrier.arrive $0xFFFF  }
0x140: {  	_ =	strace $0x9000004D  }
0x141: {  	s0 =	stileid.u32;
	[bflag:$0x2] =	sbarrier.arrive $0xFFFF  }
0x142: {  	p0 =	sne.s32 s0, $0x0;
	s0 =	rddreg [dreg:$0x2]  }
0x143: {  	s0 =	sadd.s32 @!p0 $0x100000, s0  }
0x144: {  	[sflag:s0] =	ssyncadd.tile.s32 @!p0 $0x1;
	_ =	shalt  }
.Lfunc_end2:
_tile_overlayer_lowered:
.L_overlay_start_2:
0x145: {  	(tag) =	ssettag $0x2  }
0x146: {  	s0 =	rddreg [dreg:$0x0];
	s2 =	stileid.u32  }
0x147: {  	s1 =	rddreg [dreg:$0x1];
	p0 =	sne.s32 s2, $0x0  }
0x148: {  	s3 =	rddreg [dreg:$0x2];
	[bflag:$0x3] =	sbarrier.arrive $0xFFFF;
	s2 =	simm.s32 @!p0 $0x1C07  }
0x149: {  	[timem:s3], [sflag:s2] =	dma.local @!p0 [hbm:s0], s1  }
0x14a: {  	s0 =	simm.s32 @!p0 $0x7  }
0x14b: {  	_ =	swait.ge @!p0 [sflag:s0], s1  }
0x14c: {  	s1 =	ssub.s32 @!p0 $0x0, s1;
	[sflag:s0] =	ssyncset.done @!p0 $0x0  }
0x14d: {  	[sflag:s0] =	ssyncadd.s32 @!p0 s1  }
0x14e: {  	[bflag:$0x3] =	sbarrier.arrive $0xFFFF  }
0x14f: {  	_ =	shalt  }

// kernel: kernel.15.cloned.1.call-start
scs
__scs_entry_jumppad:
0x0: {  	(pc) =	sbr.rel $0x88, $3  }
0x1: {  	(tag) =	ssettag $0x0;
	lr =	simm.s32 $0x1  }
0x2: {  	[smem:$0x3F9C] =	sst lr;
	_ =	strace $0xD0000000  }
0x3: {  	_ = 	snop  }
0x4: {  	_ = 	snop  }
0x5: {  	_ = 	snop  }
0x6: {  	_ = 	snop  }
0x7: {  	_ = 	snop  }
__scs_overlays_trampoline_lowered:
0x8: {  	[smem:$0x3FAB] =	sst s0  }
0x9: {  	[smem:$0x3FAC] =	sst s1  }
0xa: {  	[smem:$0x3FAD] =	sst s2  }
0xb: {  	[smem:$0x3FAE] =	sst s3  }
0xc: {  	[smem:$0x3FAF] =	sst s4  }
0xd: {  	[smem:$0x3FB0] =	sst s5  }
0xe: {  	[smem:$0x3FB1] =	sst s6  }
0xf: {  	[smem:$0x3FB2] =	sst s7  }
0x10: {  	[smem:$0x3FB3] =	sst s8  }
0x11: {  	[smem:$0x3FB4] =	sst s9;
	s0 =	simm.s32 @!p0 $0x0  }
0x12: {  	s1 =	sld [smem:$0x3F9A];
	s0 =	simm.s32 @p0 $0x1  }
0x13: {  	[smem:$0x3FB5] =	sst s0;
	s0 =	simm.s32 @!p1 $0x0  }
0x14: {  	s2 =	sld [smem:$0x3F99];
	s0 =	simm.s32 @p1 $0x1  }
0x15: {  	[smem:$0x3FB6] =	sst s0;
	s0 =	simm.s32 @!p2 $0x0  }
0x16: {  	s3 =	sld [smem:$0x3FDB];
	s0 =	simm.s32 @p2 $0x1  }
0x17: {  	s4 =	simm.s32 $0x1BF5;
	[smem:$0x3FB8] =	sst s0  }
0x18: {  	s0 =	sld [smem:$0x3F9B];
	_ =	swait.ge [sflag:s4], $0x0  }
0x19: {  	s7 =	sld [smem:$0x3F9C]  }
0x1a: {  	s8 =	sadd.s32 $0xFFFFE003, lr  }
0x1b: {  	s9 =	sadd.s32 $0xFFFFFEF7, lr;
	s5 =	simm.s32 $0xFFFFFFFF;
	p2 =	slt.u32 s8, $0xFFFFF086  }
0x1c: {  	p1 =	slt.u32 s9, $0xF7A;
	s5 =	simm.s32 @!p2 $0x0  }
0x1d: {  	s5 =	simm.s32 @p1 $0x1;
	p0 =	seq.s32 s7, s2  }
0x1e: {  	s7 =	smul.u32 @!p0 $0xF7A, s2;
	p2 =	seq.s32 @!p0 s5, $0x0  }
0x1f: {  	s9 =	smul.u32 $0xF7A, s1;
	s8 =	simm.s32 @!p0 $0x1BF5;
	p2 =	por !p2, p0  }
0x20: {  	[sflag:s8] =	ssyncset.s32 @!p0 $0xFFFFF086;
	s6 =	sadd.s32 @!p0 s3, s7;
	s7 =	simm.s32 @!p0 $0x108  }
0x21: {  	s3 =	sadd.s32 s3, s9;
	s6 =	sadd.s32 @!p0 $0x88, s6;
	s7 =	simm.s32 @p2 $0x1082  }
0x22: {  	[simem:s7], [sflag:s8] =	dma.local @!p0 [hbm:s6], $0xF7A  }
0x23: {  	s9 =	sor.u32 $0xD0000000, s2;
	s6 =	simm.s32 $0x108;
	_ =	swait.ge @!p0 [sflag:s8], $0x0  }
0x24: {  	s3 =	sadd.s32 $0x88, s3;
	s6 =	simm.s32 @!p1 $0x1082;
	[sflag:s4] =	ssyncset.s32 $0xFFFFF086  }
0x25: {  	[simem:s6], [sflag:s4] =	dma.local [hbm:s3], $0xF7A  }
0x26: {  	[smem:$0x3F9C] =	sst s1;
	(tag) =	ssettag s2;
	_ =	strace s9  }
0x27: {  	s1 =	sld [smem:$0x3FAC]  }
0x28: {  	s2 =	sld [smem:$0x3FAD]  }
0x29: {  	s4 =	sld [smem:$0x3FAF]  }
0x2a: {  	p0 =	seq.s32 s5, $0x0;
	s5 =	sld [smem:$0x3FB0]  }
0x2b: {  	s6 =	sld [smem:$0x3FB1]  }
0x2c: {  	s7 =	sld [smem:$0x3FB2]  }
0x2d: {  	s3 =	simm.s32 $0x108;
	s8 =	sld [smem:$0x3FB3]  }
0x2e: {  	s3 =	simm.s32 @!p0 $0x1082;
	s9 =	sld [smem:$0x3FB4]  }
0x2f: {  	lr =	sadd.s32 s0, s3;
	s0 =	sld [smem:$0x3FAB]  }
0x30: {  	s3 =	sld [smem:$0x3FAE]  }
0x31: {  	[smem:$0x3FB7] =	sst s10  }
0x32: {  	s10 =	sld [smem:$0x3FB5];
	_ =	sdelay $0x3  }
0x33: {  	p0 =	seq.s32 s10, $0x1;
	s10 =	sld [smem:$0x3FB7];
	_ =	sdelay $0x3  }
0x34: {  	[smem:$0x3FB7] =	sst s10  }
0x35: {  	s10 =	sld [smem:$0x3FB6];
	_ =	sdelay $0x3  }
0x36: {  	p1 =	seq.s32 s10, $0x1;
	s10 =	sld [smem:$0x3FB7];
	_ =	sdelay $0x3  }
0x37: {  	[smem:$0x3FB7] =	sst s10  }
0x38: {  	s10 =	sld [smem:$0x3FB8]  }
0x39: {  	_ = 	snop;
	(pc) =	sbr.ind lr, $3  }
0x3a: {  	_ = 	snop  }
0x3b: {  	_ = 	snop  }
0x3c: {  	p2 =	seq.s32 s10, $0x1;
	s10 =	sld [smem:$0x3FB7]  }
0x3d: {  	_ =	shalt  }
0x3e: {  	_ =	shalt  }
0x3f: {  	_ =	shalt  }
0x40: {  	_ =	shalt  }
0x41: {  	_ =	shalt  }
0x42: {  	_ =	shalt  }
0x43: {  	_ =	shalt  }
0x44: {  	_ =	shalt  }
0x45: {  	_ =	shalt  }
0x46: {  	_ =	shalt  }
0x47: {  	_ =	shalt  }
0x48: {  	_ =	shalt  }
0x49: {  	_ =	shalt  }
0x4a: {  	_ =	shalt  }
0x4b: {  	_ =	shalt  }
0x4c: {  	_ =	shalt  }
0x4d: {  	_ =	shalt  }
0x4e: {  	_ =	shalt  }
0x4f: {  	_ =	shalt  }
0x50: {  	_ =	shalt  }
0x51: {  	_ =	shalt  }
0x52: {  	_ =	shalt  }
0x53: {  	_ =	shalt  }
0x54: {  	_ =	shalt  }
0x55: {  	_ =	shalt  }
0x56: {  	_ =	shalt  }
0x57: {  	_ =	shalt  }
0x58: {  	_ =	shalt  }
0x59: {  	_ =	shalt  }
0x5a: {  	_ =	shalt  }
0x5b: {  	_ =	shalt  }
0x5c: {  	_ =	shalt  }
0x5d: {  	_ =	shalt  }
0x5e: {  	_ =	shalt  }
0x5f: {  	_ =	shalt  }
0x60: {  	_ =	shalt  }
0x61: {  	_ =	shalt  }
0x62: {  	_ =	shalt  }
0x63: {  	_ =	shalt  }
0x64: {  	_ =	shalt  }
0x65: {  	_ =	shalt  }
0x66: {  	_ =	shalt  }
0x67: {  	_ =	shalt  }
0x68: {  	_ =	shalt  }
0x69: {  	_ =	shalt  }
0x6a: {  	_ =	shalt  }
0x6b: {  	_ =	shalt  }
0x6c: {  	_ =	shalt  }
0x6d: {  	_ =	shalt  }
0x6e: {  	_ =	shalt  }
0x6f: {  	_ =	shalt  }
0x70: {  	_ =	shalt  }
0x71: {  	_ =	shalt  }
0x72: {  	_ =	shalt  }
0x73: {  	_ =	shalt  }
0x74: {  	_ =	shalt  }
0x75: {  	_ =	shalt  }
0x76: {  	_ =	shalt  }
0x77: {  	_ =	shalt  }
0x78: {  	_ =	shalt  }
0x79: {  	_ =	shalt  }
0x7a: {  	_ =	shalt  }
0x7b: {  	_ =	shalt  }
0x7c: {  	_ =	shalt  }
0x7d: {  	_ =	shalt  }
0x7e: {  	_ =	shalt  }
0x7f: {  	_ =	shalt  }
0x80: {  	_ =	shalt  }
0x81: {  	_ =	shalt  }
0x82: {  	_ =	shalt  }
0x83: {  	_ =	shalt  }
0x84: {  	_ =	shalt  }
0x85: {  	_ =	shalt  }
0x86: {  	_ =	shalt  }
0x87: {  	_ =	shalt  }
.Lfunc_end0:
.L_simem_size_0:
called_computation.3_lowered:
.L_overlay_start_0:
0x88: {  	s2 =	sld [smem:$0x3FD9]  }
0x89: {  	s3 =	sld [smem:$0x3FFE];
	_ =	sdelay $0x1  }
0x8a: {  	s1 =	srdreg.scid  }
0x8b: {  	s0 =	sand.u32 $0x1, s1  }
0x8c: {  	s17 =	sshll.u32 s0, $0xA;
	s2 =	sadd.s32 s3, s2  }
0x8d: {  	s2 =	sadd.s32 s2, s17  }
0x8e: {  	[smem:$0x3FC3] =	sst s2  }
0x8f: {  	_ = 	snop  }
0x90: {  	s2 =	sld [smem:$0x3FD0];
	(tm) =	ssettm $0x1  }
0x91: {  	s18 =	sld [smem:$0x3FFB];
	_ =	sdelay $0x3  }
0x92: {  	_ =	strace s18  }
0x93: {  	s3 =	sld [smem:$0x3FFC];
	_ =	sdelay $0x3  }
0x94: {  	_ =	strace s3  }
0x95: {  	s3 =	sld [smem:$0x3FFD];
	_ =	sdelay $0x3  }
0x96: {  	_ =	strace s3  }
0x97: {  	_ =	strace $0x8FFFFFFF  }
0x98: {  	s19 =	sld [smem:$0x3FDB];
	_ =	sdelay $0x1  }
0x99: {  	s4 =	simm.s32 $_scs_section_size  }
0x9a: {  	s5 =	simm.s32 $_size__tile_overlayer_lowered;
	s6 =	simm.s32 $_tile_overlayer_lowered  }
0x9b: {  	s22 =	simm.s32 $0x1BFF;
	s21 =	sshll.u32 s6, $0x1;
	s3 =	sadd.s32 s4, s19  }
0x9c: {  	s7 =	simm.s32 $0x0;
	s20 =	sshll.u32 s5, $0x1;
	s5 =	sadd.s32 s21, s3  }
0x9d: {  	[timem:s7], [sflag:s22] =	dma.local [hbm:s5], s20  }
0x9e: {  	_ =	swait.ge [sflag:s22], s20  }
0x9f: {  	s4 =	ssub.s32 $0x0, s20;
	[sflag:s22] =	ssyncset.done $0x0  }
0xa0: {  	[sflag:s22] =	ssyncadd.s32 s4;
	_ =	sdelay $0x1  }
0xa1: {  	s23 =	simm.s32 $0x1B8B  }
0xa2: {  	_ =	swait.ge [sflag:s23], $0x1  }
0xa3: {  	[sflag:s23] =	ssyncset.done $0x0  }
0xa4: {  	s25 =	simm.s32 $0x1B8E;
	s24 =	sld [smem:$0x3FFE];
	[sflag:s23] =	ssyncadd.s32 $0xFFFFFFFF  }
0xa5: {  	s26 =	simm.s32 $execute0_lowered;
	[smem:$0x3FD2] =	sst s25  }
0xa6: {  	s5 =	sshll.u32 s26, $0x1;
	_ =	strace $0x8000004F;
	[dreg:$0x1] =	wrdreg $0xFFFFFFFF  }
0xa7: {  	s28 =	simm.s32 $_size_execute0_lowered;
	s3 =	sadd.s32 s3, s5;
	[dreg:$0x0] =	wrdreg $0x0  }
0xa8: {  	s5 =	sshll.u32 s28, $0x1;
	[dreg:$0x2] =	wrdreg s3  }
0xa9: {  	[dreg:$0x3] =	wrdreg s5  }
0xaa: {  	[dreg:$0x4] =	wrdreg $0xC0  }
0xab: {  	_ =	task [dreg:s7], $0x5FFFF  }
0xac: {  	[dreg:$0x1] =	wrdreg $0xFFFFFFFF  }
0xad: {  	[dreg:$0x0] =	wrdreg $0x60  }
0xae: {  	[dreg:$0x2] =	wrdreg s24  }
0xaf: {  	[dreg:$0x3] =	wrdreg s2  }
0xb0: {  	[dreg:$0x4] =	wrdreg $0x9  }
0xb1: {  	_ =	task.clear_ibuf [dreg:s7], $0x5FFFF;
	_ =	strace $0x9000004F  }
0xb2: {  	s29 =	simm.s32 $0x9;
	_ =	strace $0x80000051  }
0xb3: {  	_ =	swait.ge [sflag:s29], $0x1  }
0xb4: {  	[sflag:s29] =	ssyncadd.s32 $0xFFFFFFFF  }
0xb5: {  	_ =	strace $0x90000051  }
0xb6: {  	_ =	sfence  }
0xb7: {  	s30 =	sld [smem:$0x0];
	_ =	sdelay $0x2  }
0xb8: {  	s31 =	sshll.u32 s1, $0xD;
	s1 =	sshrl.u32 s1, $0x2  }
0xb9: {  	s3 =	sand.u32 $0x4000, s31;
	s1 =	sadd.s32 s1, s30  }
0xba: {  	s0 =	sor.u32 s3, s0;
	s1 =	sshll.u32 s1, $0x11  }
0xbb: {  	s0 =	sor.u32 s1, s0  }
0xbc: {  	s0 =	sadd.s32 $0x8F2B, s0  }
0xbd: {  	[sflag:s0] =	ssyncadd.remote.s32 $0x1  }
0xbe: {  	_ =	sfence.sel $0xFFFF  }
0xbf: {  	[dreg:$0x0] =	wrdreg $0xFFFFFFFF;
	(pc) =	sbr.abs _section_cstart, $3  }
0xc0: {  	[dreg:$0x1] =	wrdreg $0xFFFFFFFF  }
0xc1: {  	_ =	task.clear_ibuf [dreg:s7], $0x2FFFF;
	_ =	strace $0x9FFFFFFF  }
0xc2: {  	(tm) =	ssettm $0x7FFFFFFF  }
0xc3: {  	_ =	shalt  }
tec
execute0_lowered:
.L_overlay_start_1:
0x0: {  	(tag) =	ssettag $0x1  }
0x1: {  	s5 =	rddreg [dreg:$0x0]  }
0x2: {  	s7 =	rddreg [dreg:$0x1]  }
0x3: {  	s0 =	rddreg [dreg:$0x2];
	s2 =	simm.s32 $0x0;
	s3 =	srdreg.scid  }
0x4: {  	s1 =	stileid.u32;
	s11 =	simm.s32 $0x400;
	s12 =	simm.s32 $0x1  }
0x5: {  	s13 =	simm.s32 $0x4400;
	s14 =	simm.s32 $0x8400;
	s15 =	simm.s32 $0x0  }
0x6: {  	[smem:$0x7FF] =	sst s2;
	s4 =	sand.u32 $0x1, s3;
	s6 =	sshll.u32 s1, $0x7  }
0x7: {  	vm0 =	vmmov $0x1;
	vm1 =	vmmov $0x3;
	vm2 =	vmmov $0x7;
	s3 =	sadd.s32 $0x36200, s5;
	s8 =	sshll.u32 s4, $0x6;
	s30 =	ssub.s32 $0x2, s4  }
0x8: {  	vm3 =	vmmov $0xf;
	vm4 =	vmmov $0x1f;
	vm5 =	vmmov $0x3f;
	_ =	strace $0x80000050;
	s8 =	sor.u32 s8, s6;
	s31 =	sshrl.u32 s30, $0x1  }
0x9: {  	vm6 =	vmmov $0x7f;
	vm7 =	vmmov $0xff;
	vm8 =	vmmov $0x1ff;
	s4 =	sadd.s32 $0x5400, s5;
	s9 =	sadd.s32 s8, s5;
	s10 =	ssub.s32 s30, s31  }
0xa: {  	vm9 =	vmmov $0x3ff;
	vm10 =	vmmov $0x7ff;
	vm11 =	vmmov $0xfff;
	s7 =	sadd.s32 s7, s8;
	s5 =	sadd.s32 $0x69C00, s9;
	s6 =	sadd.s32 $0x69400, s9  }
0xb: {  	vm12 =	vmmov $0x1fff;
	vm13 =	vmmov $0x3fff;
	vm14 =	vmmov $0x7fff;
	s8 =	smax.u32 s10, $0x1;
	s9 =	simm.s32 $0x2;
	s10 =	simm.s32 $0x200  }
.LBB2_1:
0xc: {  	[tilespmem:s2], [sflag:$0x2] =	stream.linear.gather [hbm4b:s5+s2], $0x200, $0x38;
	[tilespmem:$0x8600] =	vst v63  }
0xd: {  	_ =	swait.ge [sflag:s9], $0x200  }
0xe: {  	[sflag:s9] =	ssyncset.done $0x0  }
0xf: {  	[sflag:s9] =	ssyncadd.s32 $0xFFFFFE00  }
0x10: {  	[tilespmem:s10], [sflag:$0x2] =	stream.linear.gather [hbm4b:s6+s2], $0x200, $0x38;
	[tilespmem:$0x8600] =	vst v63  }
0x11: {  	_ =	swait.ge [sflag:s9], $0x200  }
0x12: {  	[sflag:s9] =	ssyncset.done $0x0  }
0x13: {  	[sflag:s9] =	ssyncadd.s32 $0xFFFFFE00  }
0x14: {  	[tilespmem:s11], [sflag:$0x1] =	stream.indirect.gather [hbm4b:s3+s10], $0x20, s2, s10, $0xb8;
	[tilespmem:$0x8600] =	vst v63  }
0x15: {  	_ =	swait.ge [sflag:s12], $0x4000  }
0x16: {  	[sflag:s12] =	ssyncset.done $0x0  }
0x17: {  	[sflag:s12] =	ssyncadd.s32 $0xFFFFC000  }
0x18: {  	[tilespmem:s13], [sflag:$0x1] =	stream.indirect.gather [hbm4b:s4+s10], $0x20, s10, s10, $0xb8;
	[tilespmem:$0x8600] =	vst v63  }
0x19: {  	_ =	swait.ge [sflag:s12], $0x4000  }
0x1a: {  	[sflag:s12] =	ssyncset.done $0x0  }
0x1b: {  	s16 =	simm.s32 $0x0;
	[sflag:s12] =	ssyncadd.s32 $0xFFFFC000  }
0x1c: {  	v0 =	vld [tilespmem:s16+$0x5C0]  }
0x1d: {  	v1 =	vld [tilespmem:s16+$0x45C0]  }
0x1e: {  	v2 =	vld [tilespmem:s16+$0x5D0]  }
0x1f: {  	v3 =	vld [tilespmem:s16+$0x45D0]  }
0x20: {  	v4 =	vld [tilespmem:s16+$0x5A0]  }
0x21: {  	v5 =	vld [tilespmem:s16+$0x580]  }
0x22: {  	v6 =	vld [tilespmem:s16+$0x4580]  }
0x23: {  	v7 =	vld [tilespmem:s16+$0x590]  }
0x24: {  	v8 =	vld [tilespmem:s16+$0x4590]  }
0x25: {  	v9 =	vld [tilespmem:s16+$0x560]  }
0x26: {  	v10 =	vld [tilespmem:s16+$0x4560]  }
0x27: {  	v11 =	vld [tilespmem:s16+$0x570]  }
0x28: {  	v12 =	vld [tilespmem:s16+$0x4570]  }
0x29: {  	v13 =	vld [tilespmem:s16+$0x540]  }
0x2a: {  	v14 =	vld [tilespmem:s16+$0x520]  }
0x2b: {  	v15 =	vld [tilespmem:s16+$0x4520]  }
0x2c: {  	v16 =	vld [tilespmem:s16+$0x530]  }
0x2d: {  	v17 =	vld [tilespmem:s16+$0x4530]  }
0x2e: {  	v18 =	vld [tilespmem:s16+$0x500]  }
0x2f: {  	v19 =	vld [tilespmem:s16+$0x4500]  }
0x30: {  	v20 =	vld [tilespmem:s16+$0x510]  }
0x31: {  	v21 =	vld [tilespmem:s16+$0x4510]  }
0x32: {  	v22 =	vld [tilespmem:s16+$0x4E0]  }
0x33: {  	v23 =	vld [tilespmem:s16+$0x4C0]  }
0x34: {  	v24 =	vld [tilespmem:s16+$0x44C0]  }
0x35: {  	v25 =	vld [tilespmem:s16+$0x4D0]  }
0x36: {  	v26 =	vld [tilespmem:s16+$0x44D0]  }
0x37: {  	v27 =	vld [tilespmem:s16+$0x4A0]  }
0x38: {  	v28 =	vld [tilespmem:s16+$0x44A0]  }
0x39: {  	v29 =	vld [tilespmem:s16+$0x4B0]  }
0x3a: {  	v30 =	vld [tilespmem:s16+$0x44B0]  }
0x3b: {  	v31 =	vld [tilespmem:s16+$0x480]  }
0x3c: {  	v32 =	vld [tilespmem:s16+$0x460]  }
0x3d: {  	v33 =	vld [tilespmem:s16+$0x4460]  }
0x3e: {  	v34 =	vld [tilespmem:s16+$0x470]  }
0x3f: {  	v35 =	vld [tilespmem:s16+$0x4470]  }
0x40: {  	v36 =	vld [tilespmem:s16+$0x440]  }
0x41: {  	v37 =	vld [tilespmem:s16+$0x4440]  }
0x42: {  	v38 =	vld [tilespmem:s16+$0x450]  }
0x43: {  	v39 =	vld [tilespmem:s16+$0x4450]  }
0x44: {  	v40 =	vld [tilespmem:s16+$0x4400]  }
0x45: {  	v41 =	vld [tilespmem:s16+$0x400]  }
0x46: {  	v0 =	vmul.f32 v1, v0;
	v1 =	vmul.f32 v3, v2;
	v2 =	vld [tilespmem:s16+$0x410]  }
0x47: {  	v3 =	vmul.f32 v6, v5;
	v5 =	vmul.f32 v8, v7;
	v6 =	vld [tilespmem:s16+$0x4410]  }
0x48: {  	v7 =	vmul.f32 v12, v11;
	v8 =	vld [tilespmem:s16+$0x420];
	v0 =	vadd.f32 v1, v0;
	v1 =	vmul.f32 v10, v9  }
0x49: {  	v11 =	vld [tilespmem:s16+$0x430];
	v3 =	vadd.f32 v5, v3;
	v5 =	vmul.f32 v15, v14;
	v9 =	vmul.f32 v17, v16  }
0x4a: {  	v12 =	vld [tilespmem:s16+$0x4430];
	(xrf2) =	vadd.scan.msk.f32 $0xffff, v0;
	v0 =	vadd.f32 v7, v1;
	v1 =	vmul.f32 v19, v18;
	v7 =	vmul.f32 v21, v20  }
0x4b: {  	v10 =	vld [tilespmem:s16+$0x4420];
	(xrf2) =	vadd.scan.msk.f32 $0xffff, v3;
	v3 =	vadd.f32 v9, v5;
	v5 =	vmul.f32 v24, v23;
	v9 =	vmul.f32 v26, v25  }
0x4c: {  	v14 =	vld [tilespmem:s16+$0x4480];
	(xrf2) =	vadd.scan.msk.f32 $0xffff, v0;
	v0 =	vadd.f32 v7, v1;
	v1 =	vmul.f32 v28, v27;
	v7 =	vmul.f32 v30, v29  }
0x4d: {  	v15 =	vld [tilespmem:s16+$0x490];
	(xrf2) =	vadd.scan.msk.f32 $0xffff, v3;
	v3 =	vadd.f32 v9, v5;
	v5 =	vmul.f32 v33, v32;
	v9 =	vmul.f32 v35, v34  }
0x4e: {  	v16 =	vld [tilespmem:s16+$0x4490];
	(xrf2) =	vadd.scan.msk.f32 $0xffff, v0;
	v0 =	vadd.f32 v7, v1;
	v1 =	vmul.f32 v37, v36;
	v7 =	vmul.f32 v39, v38  }
0x4f: {  	v2 =	vmul.f32 v6, v2;
	v6 =	vld [tilespmem:s16+$0x44E0];
	(xrf2) =	vadd.scan.msk.f32 $0xffff, v3;
	v3 =	vadd.f32 v9, v5  }
0x50: {  	v5 =	vmul.f32 v40, v41;
	(xrf2) =	vadd.scan.msk.f32 $0xffff, v0;
	v0 =	vadd.f32 v7, v1;
	v1 =	vmul.f32 v10, v8;
	v8 =	vld [tilespmem:s16+$0x4F0]  }
0x51: {  	v7 =	vmul.f32 v12, v11;
	v10 =	vld [tilespmem:s16+$0x4550]  }
0x52: {  	(xrf2) =	vadd.scan.msk.f32 $0xffff, v3;
	v2 =	vadd.f32 v2, v5;
	v3 =	vld [tilespmem:s16+$0x44F0]  }
0x53: {  	(xrf2) =	vadd.scan.msk.f32 $0xffff, v0;
	v0 =	vadd.f32 v7, v1;
	v1 =	vld [tilespmem:s16+$0x4540]  }
0x54: {  	v5 =	vmul.f32 v16, v15;
	v7 =	vld [tilespmem:s16+$0x550];
	(xrf2) =	vadd.scan.msk.f32 $0xffff, v2;
	v2 =	vmul.f32 v14, v31  }
0x55: {  	v14 =	vld [tilespmem:s16+$0x45B0]  }
0x56: {  	v9, _, _ =	vpop (xrf2);
	(xrf2) =	vadd.scan.msk.f32 $0xffff, v0;
	v2 =	vadd.f32 v5, v2;
	v5 =	vld [tilespmem:s16+$0x45A0]  }
0x57: {  	v6 =	vmul.f32 v6, v22;
	v0, _, _ =	vpop (xrf2);
	v3 =	vmul.f32 v3, v8;
	v8 =	vld [tilespmem:s16+$0x5B0]  }
0x58: {  	v11, _, _ =	vpop (xrf2)  }
0x59: {  	v12, _, _ =	vpop (xrf2);
	v3 =	vadd.f32 v3, v6  }
0x5a: {  	(xrf2) =	vadd.scan.msk.f32 $0xffff, v2;
	v2, _, _ =	vpop (xrf2)  }
0x5b: {  	v1 =	vmul.f32 v1, v13;
	v7 =	vmul.f32 v10, v7;
	v15, _, _ =	vpop (xrf2)  }
0x5c: {  	v4 =	vmul.f32 v5, v4;
	v13, _, _ =	vpop (xrf2);
	v5 =	vmul.f32 v14, v8  }
0x5d: {  	v10 =	vld [tilespmem:s16+$0x45E0];
	(xrf2) =	vadd.scan.msk.f32 $0xffff, v3;
	v3, _, _ =	vpop (xrf2)  }
0x5e: {  	v6 =	vld [tilespmem:s16+$0x5E0];
	v1 =	vadd.f32 v7, v1;
	v17, _, _ =	vpop (xrf2)  }
0x5f: {  	v16 =	vld [tilespmem:s16+$0x5F0];
	v8, _, _ =	vpop (xrf2)  }
0x60: {  	v7 =	vld [tilespmem:s16+$0x45F0];
	(xrf2) =	vadd.scan.msk.f32 $0xffff, v1;
	v1 =	vadd.f32 v5, v4;
	v5, _, _ =	vpop (xrf2)  }
0x61: {  	v5 =	vbroadcast v5, $0xF;
	_ =	sdelay $0x1  }
0x62: {  	v4 =	vmul.f32 v10, v6;
	v6 =	vbroadcast v8, $0xF  }
0x63: {  	v8 =	vbroadcast v17, $0xF  }
0x64: {  	v3 =	vbroadcast v3, $0xF;
	v7 =	vmul.f32 v7, v16;
	(xrf2) =	vadd.scan.msk.f32 $0xffff, v1;
	v1 =	vsel vm0, v6, v5;
	v5, _, _ =	vpop (xrf2)  }
0x65: {  	v1 =	vsel vm1, v1, v8;
	v5 =	vbroadcast v5, $0xF  }
0x66: {  	v4 =	vadd.f32 v7, v4;
	v1 =	vsel vm2, v1, v3;
	v3 =	vbroadcast v13, $0xF  }
0x67: {  	v6, _, _ =	vpop (xrf2);
	v1 =	vsel vm3, v1, v5;
	v5 =	vbroadcast v15, $0xF  }
0x68: {  	v1 =	vsel vm4, v1, v3;
	v3 =	vbroadcast v6, $0xF  }
0x69: {  	v2 =	vbroadcast v2, $0xF;
	(xrf2) =	vadd.scan.msk.f32 $0xffff, v4;
	v1 =	vsel vm5, v1, v5  }
0x6a: {  	v4, _, _ =	vpop (xrf2);
	v1 =	vsel vm6, v1, v3;
	v3 =	vbroadcast v12, $0xF  }
0x6b: {  	v1 =	vsel vm7, v1, v2;
	v2 =	vbroadcast v4, $0xF  }
0x6c: {  	v1 =	vsel vm8, v1, v3;
	v3 =	vbroadcast v11, $0xF  }
0x6d: {  	v0 =	vbroadcast v0, $0xF;
	v1 =	vsel vm9, v1, v2  }
0x6e: {  	v1 =	vsel vm10, v1, v3  }
0x6f: {  	v2, _, _ =	vpop (xrf2);
	v0 =	vsel vm11, v1, v0;
	v1 =	vbroadcast v9, $0xF  }
0x70: {  	v2 =	vbroadcast v2, $0xF;
	_ =	sdelay $0x1  }
0x71: {  	v0 =	vsel vm12, v0, v2  }
0x72: {  	v0 =	vsel vm13, v0, v1;
	v1, _, _ =	vpop (xrf2)  }
0x73: {  	v0 =	vsel vm14, v0, v1  }
0x74: {  	s17 =	simm.s32 $0x200;
	[tilespmem:s14+$0x0] =	vst v0  }
0x75: {  	v2 =	vld [tilespmem:s17+$0x5C0]  }
0x76: {  	v3 =	vld [tilespmem:s17+$0x45C0]  }
0x77: {  	v5 =	vld [tilespmem:s17+$0x5D0]  }
0x78: {  	v6 =	vld [tilespmem:s17+$0x45D0]  }
0x79: {  	v0 =	vld [tilespmem:s17+$0x5A0]  }
0x7a: {  	v7 =	vld [tilespmem:s17+$0x580]  }
0x7b: {  	v8 =	vld [tilespmem:s17+$0x4580]  }
0x7c: {  	v9 =	vld [tilespmem:s17+$0x590]  }
0x7d: {  	v10 =	vld [tilespmem:s17+$0x4590]  }
0x7e: {  	v11 =	vld [tilespmem:s17+$0x560]  }
0x7f: {  	v12 =	vld [tilespmem:s17+$0x4560]  }
0x80: {  	v13 =	vld [tilespmem:s17+$0x570]  }
0x81: {  	v14 =	vld [tilespmem:s17+$0x4570]  }
0x82: {  	v1 =	vld [tilespmem:s17+$0x540]  }
0x83: {  	v15 =	vld [tilespmem:s17+$0x520]  }
0x84: {  	v16 =	vld [tilespmem:s17+$0x4520]  }
0x85: {  	v17 =	vld [tilespmem:s17+$0x530]  }
0x86: {  	v18 =	vld [tilespmem:s17+$0x4530]  }
0x87: {  	v19 =	vld [tilespmem:s17+$0x500]  }
0x88: {  	v54 =	vld [tilespmem:s17+$0x4500]  }
0x89: {  	v55 =	vld [tilespmem:s17+$0x510]  }
0x8a: {  	v56 =	vld [tilespmem:s17+$0x4510]  }
0x8b: {  	v4 =	vld [tilespmem:s17+$0x4E0]  }
0x8c: {  	v57 =	vld [tilespmem:s17+$0x4C0]  }
0x8d: {  	v58 =	vld [tilespmem:s17+$0x44C0]  }
0x8e: {  	v59 =	vld [tilespmem:s17+$0x4D0]  }
0x8f: {  	v60 =	vld [tilespmem:s17+$0x44D0];
	v2 =	vmul.f32 v3, v2;
	v3 =	vmul.f32 v6, v5  }
0x90: {  	v61 =	vld [tilespmem:s17+$0x4A0];
	v6 =	vmul.f32 v8, v7;
	v8 =	vmul.f32 v10, v9  }
0x91: {  	v62 =	vld [tilespmem:s17+$0x44A0];
	v2 =	vadd.f32 v3, v2  }
0x92: {  	v63 =	vld [tilespmem:s17+$0x4450];
	v9 =	vmul.f32 v14, v13;
	v3 =	vmul.f32 v12, v11;
	v6 =	vadd.f32 v8, v6  }
0x93: {  	v5 =	vld [tilespmem:s17+$0x4B0];
	v8 =	vmul.f32 v16, v15;
	v11 =	vmul.f32 v18, v17;
	(xrf2) =	vadd.scan.msk.f32 $0xffff, v2  }
0x94: {  	v10 =	vld [tilespmem:s17+$0x44B0];
	v2 =	vadd.f32 v9, v3;
	(xrf2) =	vadd.scan.msk.f32 $0xffff, v6  }
0x95: {  	v7 =	vld [tilespmem:s17+$0x480];
	v3 =	vadd.f32 v11, v8  }
0x96: {  	v13 =	vld [tilespmem:s17+$0x460];
	(xrf2) =	vadd.scan.msk.f32 $0xffff, v2  }
0x97: {  	v14 =	vld [tilespmem:s17+$0x4460];
	v2 =	vmul.f32 v54, v19;
	(xrf2) =	vadd.scan.msk.f32 $0xffff, v3;
	v3 =	vmul.f32 v56, v55  }
0x98: {  	v16 =	vld [tilespmem:s17+$0x440]  }
0x99: {  	v11 =	vld [tilespmem:s17+$0x4470];
	v3 =	vadd.f32 v3, v2  }
0x9a: {  	v12 =	vmul.f32 v58, v57;
	v15 =	vmul.f32 v60, v59;
	v6 =	vld [tilespmem:s17+$0x470]  }
0x9b: {  	v17 =	vld [tilespmem:s17+$0x4440];
	(xrf2) =	vadd.scan.msk.f32 $0xffff, v3  }
0x9c: {  	v18 =	vld [tilespmem:s17+$0x450];
	v15 =	vadd.f32 v15, v12  }
0x9d: {  	v8 =	vld [tilespmem:s17+$0x4400];
	v5 =	vmul.f32 v10, v5;
	v19 =	vmul.f32 v62, v61;
	v2, _, _ =	vpop (xrf2)  }
0x9e: {  	v9 =	vld [tilespmem:s17+$0x400];
	v3, _, _ =	vpop (xrf2);
	(xrf2) =	vadd.scan.msk.f32 $0xffff, v15  }
0x9f: {  	v12 =	vld [tilespmem:s17+$0x4410];
	v19 =	vadd.f32 v5, v19;
	v6 =	vmul.f32 v11, v6  }
0xa0: {  	v10 =	vld [tilespmem:s17+$0x410];
	v14 =	vmul.f32 v14, v13  }
0xa1: {  	v13 =	vld [tilespmem:s17+$0x4420];
	(xrf2) =	vadd.scan.msk.f32 $0xffff, v19  }
0xa2: {  	v11 =	vld [tilespmem:s17+$0x420];
	v15 =	vadd.f32 v6, v14;
	v5, _, _ =	vpop (xrf2)  }
0xa3: {  	s18 =	simm.s32 $0x1000;
	s16 =	simm.s32 $0x8400;
	v16 =	vmul.f32 v17, v16;
	v17 =	vmul.f32 v63, v18;
	v14 =	vld [tilespmem:s17+$0x430];
	v6, _, _ =	vpop (xrf2)  }
.LBB2_2:
0xa4: {  	p0 =	sne.s32 s18, $0xF800;
	v18 =	vld [tilespmem:s17+$0x4430];
	(xrf2) =	vadd.scan.msk.f32 $0xffff, v15  }
0xa5: {  	v19 =	vadd.f32 v17, v16;
	v16 =	vld [tilespmem:s17+$0x4480];
	v17, _, _ =	vpop (xrf2)  }
0xa6: {  	v8 =	vmul.f32 v8, v9;
	v9 =	vmul.f32 v12, v10;
	v10 =	vld [tilespmem:s17+$0x490]  }
0xa7: {  	v12 =	vld [tilespmem:s17+$0x4490];
	(xrf2) =	vadd.scan.msk.f32 $0xffff, v19  }
0xa8: {  	v8 =	vadd.f32 v9, v8;
	v9 =	vld [tilespmem:s17+$0x44E0];
	v15, _, _ =	vpop (xrf2)  }
0xa9: {  	v11 =	vmul.f32 v13, v11;
	v19 =	vmul.f32 v18, v14;
	v14 =	vld [tilespmem:s17+$0x4F0]  }
0xaa: {  	v18 =	vld [tilespmem:s17+$0x44F0];
	(xrf2) =	vadd.scan.msk.f32 $0xffff, v8  }
0xab: {  	v8 =	vadd.f32 v19, v11;
	v11 =	vld [tilespmem:s17+$0x4540];
	v13, _, _ =	vpop (xrf2)  }
0xac: {  	v7 =	vmul.f32 v16, v7;
	v19 =	vmul.f32 v12, v10;
	v12 =	vld [tilespmem:s17+$0x550]  }
0xad: {  	v16 =	vld [tilespmem:s17+$0x4550];
	(xrf2) =	vadd.scan.msk.f32 $0xffff, v8  }
0xae: {  	v7 =	vadd.f32 v19, v7;
	v8 =	vld [tilespmem:s17+$0x45A0];
	v10, _, _ =	vpop (xrf2)  }
0xaf: {  	v4 =	vmul.f32 v9, v4;
	v19 =	vmul.f32 v18, v14;
	v14 =	vld [tilespmem:s17+$0x5B0]  }
0xb0: {  	v18 =	vld [tilespmem:s17+$0x45B0];
	(xrf2) =	vadd.scan.msk.f32 $0xffff, v7  }
0xb1: {  	v4 =	vadd.f32 v19, v4;
	v7 =	vld [tilespmem:s17+$0x5E0];
	v9, _, _ =	vpop (xrf2)  }
0xb2: {  	v1 =	vmul.f32 v11, v1;
	v19 =	vmul.f32 v16, v12;
	v12 =	vld [tilespmem:s17+$0x45E0]  }
0xb3: {  	v16 =	vld [tilespmem:s17+$0x5F0];
	(xrf2) =	vadd.scan.msk.f32 $0xffff, v4  }
0xb4: {  	v1 =	vadd.f32 v19, v1;
	v4 =	vld [tilespmem:s17+$0x45F0];
	v11, _, _ =	vpop (xrf2)  }
0xb5: {  	v0 =	vmul.f32 v8, v0;
	v8 =	vmul.f32 v18, v14  }
0xb6: {  	(xrf2) =	vadd.scan.msk.f32 $0xffff, v1  }
0xb7: {  	v0 =	vadd.f32 v8, v0;
	v1 =	vmul.f32 v12, v7;
	v7, _, _ =	vpop (xrf2)  }
0xb8: {  	v11 =	vbroadcast v11, $0xF;
	v7 =	vbroadcast v7, $0xF  }
0xb9: {  	v9 =	vbroadcast v9, $0xF;
	v4 =	vmul.f32 v4, v16;
	(xrf2) =	vadd.scan.msk.f32 $0xffff, v0  }
0xba: {  	v0 =	vsel vm0, v11, v7;
	v7 =	vbroadcast v10, $0xF;
	v8, _, _ =	vpop (xrf2)  }
0xbb: {  	v0 =	vsel vm1, v0, v9;
	v9 =	vbroadcast v8, $0xF;
	v1 =	vadd.f32 v4, v1  }
0xbc: {  	v4 =	vbroadcast v13, $0xF;
	v0 =	vsel vm2, v0, v7  }
0xbd: {  	v7 =	vbroadcast v15, $0xF;
	v0 =	vsel vm3, v0, v9;
	v8, _, _ =	vpop (xrf2);
	(xrf2) =	vadd.scan.msk.f32 $0xffff, v1  }
0xbe: {  	v0 =	vsel vm4, v0, v4;
	v1 =	vbroadcast v8, $0xF  }
0xbf: {  	v4 =	vbroadcast v17, $0xF;
	v0 =	vsel vm5, v0, v7  }
0xc0: {  	v0 =	vsel vm6, v0, v1;
	v1 =	vbroadcast v6, $0xF;
	v6, _, _ =	vpop (xrf2)  }
0xc1: {  	v0 =	vsel vm7, v0, v4;
	v6 =	vbroadcast v6, $0xF  }
0xc2: {  	v0 =	vsel vm8, v0, v1;
	v1 =	vbroadcast v5, $0xF  }
0xc3: {  	v3 =	vbroadcast v3, $0xF;
	v0 =	vsel vm9, v0, v6;
	v4, _, _ =	vpop (xrf2)  }
0xc4: {  	v0 =	vsel vm10, v0, v1;
	v4 =	vbroadcast v4, $0xF  }
0xc5: {  	v2 =	vbroadcast v2, $0xF;
	v0 =	vsel vm11, v0, v3  }
0xc6: {  	v0 =	vsel vm12, v0, v4  }
0xc7: {  	v0 =	vsel vm13, v0, v2;
	v1, _, _ =	vpop (xrf2)  }
0xc8: {  	s16 =	sadd.s32 $0x10, s16;
	v0 =	vsel vm14, v0, v1  }
0xc9: {  	s17 =	sshra.s32 s18, $0x2;
	[tilespmem:s16+$0x0] =	vst v0  }
0xca: {  	v2 =	vld [tilespmem:s17+$0x5C0]  }
0xcb: {  	v3 =	vld [tilespmem:s17+$0x45C0]  }
0xcc: {  	v5 =	vld [tilespmem:s17+$0x5D0]  }
0xcd: {  	v6 =	vld [tilespmem:s17+$0x45D0]  }
0xce: {  	v0 =	vld [tilespmem:s17+$0x5A0]  }
0xcf: {  	v7 =	vld [tilespmem:s17+$0x580]  }
0xd0: {  	v8 =	vld [tilespmem:s17+$0x4580]  }
0xd1: {  	v9 =	vld [tilespmem:s17+$0x590]  }
0xd2: {  	v10 =	vld [tilespmem:s17+$0x4590]  }
0xd3: {  	v11 =	vld [tilespmem:s17+$0x560]  }
0xd4: {  	v12 =	vld [tilespmem:s17+$0x4560]  }
0xd5: {  	v13 =	vld [tilespmem:s17+$0x570]  }
0xd6: {  	v14 =	vld [tilespmem:s17+$0x4570]  }
0xd7: {  	v1 =	vld [tilespmem:s17+$0x540]  }
0xd8: {  	v15 =	vld [tilespmem:s17+$0x520]  }
0xd9: {  	v16 =	vld [tilespmem:s17+$0x4520]  }
0xda: {  	v17 =	vld [tilespmem:s17+$0x530]  }
0xdb: {  	v18 =	vld [tilespmem:s17+$0x4530]  }
0xdc: {  	v19 =	vld [tilespmem:s17+$0x500]  }
0xdd: {  	v20 =	vld [tilespmem:s17+$0x4500]  }
0xde: {  	v21 =	vld [tilespmem:s17+$0x510]  }
0xdf: {  	v22 =	vld [tilespmem:s17+$0x4510]  }
0xe0: {  	v2 =	vmul.f32 v3, v2;
	v3 =	vmul.f32 v6, v5;
	v4 =	vld [tilespmem:s17+$0x4E0]  }
0xe1: {  	v5 =	vld [tilespmem:s17+$0x4C0]  }
0xe2: {  	v2 =	vadd.f32 v3, v2;
	v6 =	vld [tilespmem:s17+$0x44C0]  }
0xe3: {  	v7 =	vmul.f32 v8, v7;
	v8 =	vmul.f32 v10, v9;
	v3 =	vld [tilespmem:s17+$0x4D0]  }
0xe4: {  	v9 =	vld [tilespmem:s17+$0x44D0];
	(xrf2) =	vadd.scan.msk.f32 $0xffff, v2  }
0xe5: {  	v2 =	vadd.f32 v8, v7;
	v10 =	vld [tilespmem:s17+$0x4A0]  }
0xe6: {  	v7 =	vmul.f32 v12, v11;
	v8 =	vmul.f32 v14, v13;
	v23 =	vld [tilespmem:s17+$0x44A0]  }
0xe7: {  	v11 =	vld [tilespmem:s17+$0x4B0];
	(xrf2) =	vadd.scan.msk.f32 $0xffff, v2  }
0xe8: {  	v2 =	vadd.f32 v8, v7;
	v12 =	vld [tilespmem:s17+$0x44B0]  }
0xe9: {  	v13 =	vmul.f32 v18, v17;
	v8 =	vmul.f32 v16, v15;
	v7 =	vld [tilespmem:s17+$0x480]  }
0xea: {  	v14 =	vld [tilespmem:s17+$0x460];
	(xrf2) =	vadd.scan.msk.f32 $0xffff, v2  }
0xeb: {  	v24 =	vadd.f32 v13, v8;
	v15 =	vld [tilespmem:s17+$0x4460]  }
0xec: {  	v16 =	vmul.f32 v22, v21;
	v8 =	vmul.f32 v20, v19;
	v13 =	vld [tilespmem:s17+$0x470]  }
0xed: {  	v17 =	vld [tilespmem:s17+$0x4470];
	(xrf2) =	vadd.scan.msk.f32 $0xffff, v24  }
0xee: {  	v8 =	vadd.f32 v16, v8;
	v18 =	vld [tilespmem:s17+$0x440];
	v2, _, _ =	vpop (xrf2)  }
0xef: {  	v5 =	vmul.f32 v6, v5;
	v6 =	vmul.f32 v9, v3;
	v16 =	vld [tilespmem:s17+$0x4440]  }
0xf0: {  	v19 =	vld [tilespmem:s17+$0x450];
	(xrf2) =	vadd.scan.msk.f32 $0xffff, v8  }
0xf1: {  	v21 =	vadd.f32 v6, v5;
	v20 =	vld [tilespmem:s17+$0x4450];
	v3, _, _ =	vpop (xrf2)  }
0xf2: {  	v6 =	vmul.f32 v23, v10;
	v11 =	vmul.f32 v12, v11;
	v8 =	vld [tilespmem:s17+$0x4400]  }
0xf3: {  	v9 =	vld [tilespmem:s17+$0x400];
	(xrf2) =	vadd.scan.msk.f32 $0xffff, v21  }
.Ltmp0:
0xf4: {  	v21 =	vadd.f32 v11, v6;
	v10 =	vld [tilespmem:s17+$0x410];
	v5, _, _ =	vpop (xrf2);
	(pc) =	sbr.rel @p0 .LBB2_2-.Ltmp0, $4  }
0xf5: {  	v14 =	vmul.f32 v15, v14;
	v15 =	vmul.f32 v17, v13;
	v12 =	vld [tilespmem:s17+$0x4410]  }
0xf6: {  	v11 =	vld [tilespmem:s17+$0x420];
	(xrf2) =	vadd.scan.msk.f32 $0xffff, v21  }
0xf7: {  	v15 =	vadd.f32 v15, v14;
	v13 =	vld [tilespmem:s17+$0x4420];
	v6, _, _ =	vpop (xrf2)  }
0xf8: {  	s18 =	sadd.s32 $0x800, s18;
	v16 =	vmul.f32 v16, v18;
	v17 =	vmul.f32 v20, v19;
	v14 =	vld [tilespmem:s17+$0x430]  }
0xf9: {  	v18 =	vld [tilespmem:s17+$0x4430]  }
0xfa: {  	v19 =	vld [tilespmem:s17+$0x4480]  }
0xfb: {  	v20 =	vld [tilespmem:s17+$0x490]  }
0xfc: {  	v21 =	vld [tilespmem:s17+$0x4490]  }
0xfd: {  	v8 =	vmul.f32 v8, v9;
	v63 =	vld [tilespmem:s17+$0x44E0];
	v62 =	vmul.f32 v12, v10  }
0xfe: {  	v24 =	vld [tilespmem:s17+$0x4F0];
	v22 =	vadd.f32 v17, v16;
	v11 =	vmul.f32 v13, v11;
	v23 =	vmul.f32 v18, v14  }
0xff: {  	(xrf2) =	vadd.scan.msk.f32 $0xffff, v15;
	v25 =	vld [tilespmem:s17+$0x44F0];
	v8 =	vadd.f32 v62, v8  }
0x100: {  	v26 =	vld [tilespmem:s17+$0x4540];
	(xrf2) =	vadd.scan.msk.f32 $0xffff, v22;
	v11 =	vadd.f32 v23, v11  }
0x101: {  	v28 =	vld [tilespmem:s17+$0x550];
	(xrf2) =	vadd.scan.msk.f32 $0xffff, v8;
	v7 =	vmul.f32 v19, v7;
	v27 =	vmul.f32 v21, v20  }
0x102: {  	v29 =	vld [tilespmem:s17+$0x4550];
	(xrf2) =	vadd.scan.msk.f32 $0xffff, v11  }
0x103: {  	v30 =	vld [tilespmem:s17+$0x45A0];
	v7 =	vadd.f32 v27, v7  }
0x104: {  	v31 =	vld [tilespmem:s17+$0x5B0];
	v4 =	vmul.f32 v63, v4;
	v9 =	vmul.f32 v25, v24  }
0x105: {  	v32 =	vld [tilespmem:s17+$0x45B0];
	(xrf2) =	vadd.scan.msk.f32 $0xffff, v7  }
0x106: {  	v34 =	vld [tilespmem:s17+$0x5E0];
	v33, _, _ =	vpop (xrf2);
	v4 =	vadd.f32 v9, v4  }
0x107: {  	v37 =	vld [tilespmem:s17+$0x45E0];
	v35, _, _ =	vpop (xrf2);
	v1 =	vmul.f32 v26, v1;
	v36 =	vmul.f32 v29, v28  }
0x108: {  	v39 =	vld [tilespmem:s17+$0x5F0];
	v38, _, _ =	vpop (xrf2);
	(xrf2) =	vadd.scan.msk.f32 $0xffff, v4  }
0x109: {  	v41 =	vld [tilespmem:s17+$0x45F0];
	v1 =	vadd.f32 v36, v1;
	v40, _, _ =	vpop (xrf2)  }
0x10a: {  	v0 =	vmul.f32 v30, v0;
	v43 =	vmul.f32 v32, v31;
	v42, _, _ =	vpop (xrf2)  }
0x10b: {  	(xrf2) =	vadd.scan.msk.f32 $0xffff, v1;
	v44, _, _ =	vpop (xrf2)  }
0x10c: {  	v45 =	vmul.f32 v37, v34;
	v0 =	vadd.f32 v43, v0;
	v46, _, _ =	vpop (xrf2)  }
0x10d: {  	v47 =	vbroadcast v44, $0xF;
	v8 =	vbroadcast v46, $0xF  }
0x10e: {  	v49 =	vmul.f32 v41, v39;
	(xrf2) =	vadd.scan.msk.f32 $0xffff, v0;
	v48 =	vbroadcast v42, $0xF  }
0x10f: {  	v4 =	vbroadcast v40, $0xF;
	v51, _, _ =	vpop (xrf2);
	v50 =	vsel vm0, v47, v8  }
0x110: {  	v1 =	vadd.f32 v49, v45;
	v8 =	vbroadcast v51, $0xF;
	v0 =	vsel vm1, v50, v48  }
0x111: {  	v52 =	vbroadcast v38, $0xF;
	v0 =	vsel vm2, v0, v4  }
0x112: {  	v53 =	vbroadcast v35, $0xF;
	v54, _, _ =	vpop (xrf2);
	(xrf2) =	vadd.scan.msk.f32 $0xffff, v1;
	v0 =	vsel vm3, v0, v8  }
0x113: {  	v55 =	vbroadcast v54, $0xF;
	v0 =	vsel vm4, v0, v52  }
0x114: {  	v56 =	vbroadcast v33, $0xF;
	v0 =	vsel vm5, v0, v53  }
0x115: {  	v57 =	vbroadcast v6, $0xF;
	v58, _, _ =	vpop (xrf2);
	v0 =	vsel vm6, v0, v55  }
0x116: {  	v59 =	vbroadcast v58, $0xF;
	v0 =	vsel vm7, v0, v56  }
0x117: {  	v60 =	vbroadcast v5, $0xF;
	v0 =	vsel vm8, v0, v57  }
0x118: {  	v3 =	vbroadcast v3, $0xF;
	v61, _, _ =	vpop (xrf2);
	v0 =	vsel vm9, v0, v59  }
0x119: {  	v62 =	vbroadcast v61, $0xF;
	v0 =	vsel vm10, v0, v60  }
0x11a: {  	v2 =	vbroadcast v2, $0xF;
	v0 =	vsel vm11, v0, v3  }
0x11b: {  	v0 =	vsel vm12, v0, v62  }
0x11c: {  	s15 =	sadd.s32 $0x1, s15;
	v63, _, _ =	vpop (xrf2);
	v0 =	vsel vm13, v0, v2  }
0x11d: {  	s16 =	sadd.s32 $0x10, s16;
	p0 =	sne.s32 s15, s8;
	v0 =	vsel vm14, v0, v63  }
.Ltmp1:
0x11e: {  	[tilespmem:s16+$0x0] =	vst v0;
	(pc) =	sbr.rel @p0 .LBB2_1-.Ltmp1, $4  }
0x11f: {  	[hbm4b:s7+s2] =	stream.linear.scatter [tilespmem:s14], [sflag:$0x2], $0x200, $0x38;
	[tilespmem:$0x8600] =	vst v63  }
0x120: {  	_ =	swait.ge [sflag:s9], $0x200  }
0x121: {  	[sflag:s9] =	ssyncset.done $0x0  }
0x122: {  	[sflag:s9] =	ssyncadd.s32 $0xFFFFFE00  }
0x123: {  	_ =	sfence.sel $0x180000  }
0x124: {  	[bflag:$0x0] =	sbarrier.arrive $0xFFFF  }
0x125: {  	p0 =	sne.s32 s1, $0x0;
	_ =	strace $0x90000050  }
0x126: {  	s0 =	sadd.s32 @!p0 $0x100000, s0;
	[bflag:$0x2] =	sbarrier.arrive $0xFFFF  }
0x127: {  	[sflag:s0] =	ssyncadd.tile.s32 @!p0 $0x1;
	_ =	shalt  }
.Lfunc_end2:
_tile_overlayer_lowered:
.L_overlay_start_2:
0x128: {  	(tag) =	ssettag $0x2  }
0x129: {  	s0 =	rddreg [dreg:$0x0];
	s2 =	stileid.u32  }
0x12a: {  	s1 =	rddreg [dreg:$0x1];
	p0 =	sne.s32 s2, $0x0  }
0x12b: {  	s3 =	rddreg [dreg:$0x2];
	[bflag:$0x3] =	sbarrier.arrive $0xFFFF;
	s2 =	simm.s32 @!p0 $0x1C02  }
0x12c: {  	[timem:s3], [sflag:s2] =	dma.local @!p0 [hbm:s0], s1  }
0x12d: {  	s0 =	simm.s32 @!p0 $0x2  }
0x12e: {  	_ =	swait.ge @!p0 [sflag:s0], s1  }
0x12f: {  	s1 =	ssub.s32 @!p0 $0x0, s1;
	[sflag:s0] =	ssyncset.done @!p0 $0x0  }
0x130: {  	[sflag:s0] =	ssyncadd.s32 @!p0 s1  }
0x131: {  	[bflag:$0x3] =	sbarrier.arrive $0xFFFF  }
0x132: {  	_ =	shalt  }

// kernel: kernel.6.cloned.1.call-start
scs
__scs_entry_jumppad:
0x0: {  	(pc) =	sbr.rel $0x88, $3  }
0x1: {  	(tag) =	ssettag $0x0;
	lr =	simm.s32 $0x1  }
0x2: {  	[smem:$0x3F9C] =	sst lr;
	_ =	strace $0xD0000000  }
0x3: {  	_ = 	snop  }
0x4: {  	_ = 	snop  }
0x5: {  	_ = 	snop  }
0x6: {  	_ = 	snop  }
0x7: {  	_ = 	snop  }
__scs_overlays_trampoline_lowered:
0x8: {  	[smem:$0x3FAB] =	sst s0  }
0x9: {  	[smem:$0x3FAC] =	sst s1  }
0xa: {  	[smem:$0x3FAD] =	sst s2  }
0xb: {  	[smem:$0x3FAE] =	sst s3  }
0xc: {  	[smem:$0x3FAF] =	sst s4  }
0xd: {  	[smem:$0x3FB0] =	sst s5  }
0xe: {  	[smem:$0x3FB1] =	sst s6  }
0xf: {  	[smem:$0x3FB2] =	sst s7  }
0x10: {  	[smem:$0x3FB3] =	sst s8  }
0x11: {  	[smem:$0x3FB4] =	sst s9;
	s0 =	simm.s32 @!p0 $0x0  }
0x12: {  	s1 =	sld [smem:$0x3F9A];
	s0 =	simm.s32 @p0 $0x1  }
0x13: {  	[smem:$0x3FB5] =	sst s0;
	s0 =	simm.s32 @!p1 $0x0  }
0x14: {  	s2 =	sld [smem:$0x3F99];
	s0 =	simm.s32 @p1 $0x1  }
0x15: {  	[smem:$0x3FB6] =	sst s0;
	s0 =	simm.s32 @!p2 $0x0  }
0x16: {  	s3 =	sld [smem:$0x3FDB];
	s0 =	simm.s32 @p2 $0x1  }
0x17: {  	s4 =	simm.s32 $0x1BF5;
	[smem:$0x3FB8] =	sst s0  }
0x18: {  	s0 =	sld [smem:$0x3F9B];
	_ =	swait.ge [sflag:s4], $0x0  }
0x19: {  	s7 =	sld [smem:$0x3F9C]  }
0x1a: {  	s8 =	sadd.s32 $0xFFFFE003, lr  }
0x1b: {  	s9 =	sadd.s32 $0xFFFFFEF7, lr;
	s5 =	simm.s32 $0xFFFFFFFF;
	p2 =	slt.u32 s8, $0xFFFFF086  }
0x1c: {  	p1 =	slt.u32 s9, $0xF7A;
	s5 =	simm.s32 @!p2 $0x0  }
0x1d: {  	s5 =	simm.s32 @p1 $0x1;
	p0 =	seq.s32 s7, s2  }
0x1e: {  	s7 =	smul.u32 @!p0 $0xF7A, s2;
	p2 =	seq.s32 @!p0 s5, $0x0  }
0x1f: {  	s9 =	smul.u32 $0xF7A, s1;
	s8 =	simm.s32 @!p0 $0x1BF5;
	p2 =	por !p2, p0  }
0x20: {  	[sflag:s8] =	ssyncset.s32 @!p0 $0xFFFFF086;
	s6 =	sadd.s32 @!p0 s3, s7;
	s7 =	simm.s32 @!p0 $0x108  }
0x21: {  	s3 =	sadd.s32 s3, s9;
	s6 =	sadd.s32 @!p0 $0x88, s6;
	s7 =	simm.s32 @p2 $0x1082  }
0x22: {  	[simem:s7], [sflag:s8] =	dma.local @!p0 [hbm:s6], $0xF7A  }
0x23: {  	s9 =	sor.u32 $0xD0000000, s2;
	s6 =	simm.s32 $0x108;
	_ =	swait.ge @!p0 [sflag:s8], $0x0  }
0x24: {  	s3 =	sadd.s32 $0x88, s3;
	s6 =	simm.s32 @!p1 $0x1082;
	[sflag:s4] =	ssyncset.s32 $0xFFFFF086  }
0x25: {  	[simem:s6], [sflag:s4] =	dma.local [hbm:s3], $0xF7A  }
0x26: {  	[smem:$0x3F9C] =	sst s1;
	(tag) =	ssettag s2;
	_ =	strace s9  }
0x27: {  	s1 =	sld [smem:$0x3FAC]  }
0x28: {  	s2 =	sld [smem:$0x3FAD]  }
0x29: {  	s4 =	sld [smem:$0x3FAF]  }
0x2a: {  	p0 =	seq.s32 s5, $0x0;
	s5 =	sld [smem:$0x3FB0]  }
0x2b: {  	s6 =	sld [smem:$0x3FB1]  }
0x2c: {  	s7 =	sld [smem:$0x3FB2]  }
0x2d: {  	s3 =	simm.s32 $0x108;
	s8 =	sld [smem:$0x3FB3]  }
0x2e: {  	s3 =	simm.s32 @!p0 $0x1082;
	s9 =	sld [smem:$0x3FB4]  }
0x2f: {  	lr =	sadd.s32 s0, s3;
	s0 =	sld [smem:$0x3FAB]  }
0x30: {  	s3 =	sld [smem:$0x3FAE]  }
0x31: {  	[smem:$0x3FB7] =	sst s10  }
0x32: {  	s10 =	sld [smem:$0x3FB5];
	_ =	sdelay $0x3  }
0x33: {  	p0 =	seq.s32 s10, $0x1;
	s10 =	sld [smem:$0x3FB7];
	_ =	sdelay $0x3  }
0x34: {  	[smem:$0x3FB7] =	sst s10  }
0x35: {  	s10 =	sld [smem:$0x3FB6];
	_ =	sdelay $0x3  }
0x36: {  	p1 =	seq.s32 s10, $0x1;
	s10 =	sld [smem:$0x3FB7];
	_ =	sdelay $0x3  }
0x37: {  	[smem:$0x3FB7] =	sst s10  }
0x38: {  	s10 =	sld [smem:$0x3FB8]  }
0x39: {  	_ = 	snop;
	(pc) =	sbr.ind lr, $3  }
0x3a: {  	_ = 	snop  }
0x3b: {  	_ = 	snop  }
0x3c: {  	p2 =	seq.s32 s10, $0x1;
	s10 =	sld [smem:$0x3FB7]  }
0x3d: {  	_ =	shalt  }
0x3e: {  	_ =	shalt  }
0x3f: {  	_ =	shalt  }
0x40: {  	_ =	shalt  }
0x41: {  	_ =	shalt  }
0x42: {  	_ =	shalt  }
0x43: {  	_ =	shalt  }
0x44: {  	_ =	shalt  }
0x45: {  	_ =	shalt  }
0x46: {  	_ =	shalt  }
0x47: {  	_ =	shalt  }
0x48: {  	_ =	shalt  }
0x49: {  	_ =	shalt  }
0x4a: {  	_ =	shalt  }
0x4b: {  	_ =	shalt  }
0x4c: {  	_ =	shalt  }
0x4d: {  	_ =	shalt  }
0x4e: {  	_ =	shalt  }
0x4f: {  	_ =	shalt  }
0x50: {  	_ =	shalt  }
0x51: {  	_ =	shalt  }
0x52: {  	_ =	shalt  }
0x53: {  	_ =	shalt  }
0x54: {  	_ =	shalt  }
0x55: {  	_ =	shalt  }
0x56: {  	_ =	shalt  }
0x57: {  	_ =	shalt  }
0x58: {  	_ =	shalt  }
0x59: {  	_ =	shalt  }
0x5a: {  	_ =	shalt  }
0x5b: {  	_ =	shalt  }
0x5c: {  	_ =	shalt  }
0x5d: {  	_ =	shalt  }
0x5e: {  	_ =	shalt  }
0x5f: {  	_ =	shalt  }
0x60: {  	_ =	shalt  }
0x61: {  	_ =	shalt  }
0x62: {  	_ =	shalt  }
0x63: {  	_ =	shalt  }
0x64: {  	_ =	shalt  }
0x65: {  	_ =	shalt  }
0x66: {  	_ =	shalt  }
0x67: {  	_ =	shalt  }
0x68: {  	_ =	shalt  }
0x69: {  	_ =	shalt  }
0x6a: {  	_ =	shalt  }
0x6b: {  	_ =	shalt  }
0x6c: {  	_ =	shalt  }
0x6d: {  	_ =	shalt  }
0x6e: {  	_ =	shalt  }
0x6f: {  	_ =	shalt  }
0x70: {  	_ =	shalt  }
0x71: {  	_ =	shalt  }
0x72: {  	_ =	shalt  }
0x73: {  	_ =	shalt  }
0x74: {  	_ =	shalt  }
0x75: {  	_ =	shalt  }
0x76: {  	_ =	shalt  }
0x77: {  	_ =	shalt  }
0x78: {  	_ =	shalt  }
0x79: {  	_ =	shalt  }
0x7a: {  	_ =	shalt  }
0x7b: {  	_ =	shalt  }
0x7c: {  	_ =	shalt  }
0x7d: {  	_ =	shalt  }
0x7e: {  	_ =	shalt  }
0x7f: {  	_ =	shalt  }
0x80: {  	_ =	shalt  }
0x81: {  	_ =	shalt  }
0x82: {  	_ =	shalt  }
0x83: {  	_ =	shalt  }
0x84: {  	_ =	shalt  }
0x85: {  	_ =	shalt  }
0x86: {  	_ =	shalt  }
0x87: {  	_ =	shalt  }
.Lfunc_end0:
.L_simem_size_0:
called_computation_lowered:
.L_overlay_start_0:
0x88: {  	s2 =	sld [smem:$0x3FD9]  }
0x89: {  	s3 =	sld [smem:$0x3FFE];
	_ =	sdelay $0x1  }
0x8a: {  	s1 =	srdreg.scid  }
0x8b: {  	s0 =	sand.u32 $0x1, s1  }
0x8c: {  	s16 =	sshll.u32 s0, $0xA;
	s2 =	sadd.s32 s3, s2  }
0x8d: {  	s2 =	sadd.s32 s2, s16  }
0x8e: {  	[smem:$0x3FC3] =	sst s2  }
0x8f: {  	_ = 	snop  }
0x90: {  	(tm) =	ssettm $0x1  }
0x91: {  	s17 =	sld [smem:$0x3FFB];
	_ =	sdelay $0x3  }
0x92: {  	_ =	strace s17  }
0x93: {  	s2 =	sld [smem:$0x3FFC];
	_ =	sdelay $0x3  }
0x94: {  	_ =	strace s2  }
0x95: {  	s2 =	sld [smem:$0x3FFD];
	_ =	sdelay $0x3  }
0x96: {  	_ =	strace s2  }
0x97: {  	_ =	strace $0x8FFFFFFF  }
0x98: {  	s18 =	sld [smem:$0x3FDB];
	_ =	sdelay $0x1  }
0x99: {  	s19 =	simm.s32 $_scs_section_size  }
0x9a: {  	s4 =	simm.s32 $_size__tile_overlayer_lowered;
	s5 =	simm.s32 $_tile_overlayer_lowered  }
0x9b: {  	s22 =	simm.s32 $0x1BFF;
	s21 =	sshll.u32 s5, $0x1;
	s2 =	sadd.s32 s19, s18  }
0x9c: {  	s6 =	simm.s32 $0x0;
	s20 =	sshll.u32 s4, $0x1;
	s4 =	sadd.s32 s21, s2  }
0x9d: {  	[timem:s6], [sflag:s22] =	dma.local [hbm:s4], s20  }
0x9e: {  	_ =	swait.ge [sflag:s22], s20  }
0x9f: {  	s3 =	ssub.s32 $0x0, s20;
	[sflag:s22] =	ssyncset.done $0x0  }
0xa0: {  	[sflag:s22] =	ssyncadd.s32 s3;
	_ =	sdelay $0x1  }
0xa1: {  	s23 =	simm.s32 $0x1B8B  }
0xa2: {  	_ =	swait.ge [sflag:s23], $0x1  }
0xa3: {  	[sflag:s23] =	ssyncset.done $0x0  }
0xa4: {  	s25 =	simm.s32 $0x1B8E;
	s24 =	sld [smem:$0x3FFE];
	[sflag:s23] =	ssyncadd.s32 $0xFFFFFFFF  }
0xa5: {  	s26 =	simm.s32 $execute0_lowered;
	[smem:$0x3FD2] =	sst s25  }
0xa6: {  	s4 =	sshll.u32 s26, $0x1;
	_ =	strace $0x80000046;
	[dreg:$0x1] =	wrdreg $0xFFFFFFFF  }
0xa7: {  	s28 =	simm.s32 $_size_execute0_lowered;
	s2 =	sadd.s32 s2, s4;
	[dreg:$0x0] =	wrdreg $0x0  }
0xa8: {  	s4 =	sshll.u32 s28, $0x1;
	[dreg:$0x2] =	wrdreg s2  }
0xa9: {  	[dreg:$0x3] =	wrdreg s4  }
0xaa: {  	[dreg:$0x4] =	wrdreg $0xC0  }
0xab: {  	_ =	task [dreg:s6], $0x5FFFF  }
0xac: {  	[dreg:$0x1] =	wrdreg $0xFFFFFFFF  }
0xad: {  	[dreg:$0x0] =	wrdreg $0x60  }
0xae: {  	[dreg:$0x2] =	wrdreg s24  }
0xaf: {  	[dreg:$0x3] =	wrdreg $0x32000  }
0xb0: {  	[dreg:$0x4] =	wrdreg $0x9  }
0xb1: {  	_ =	task.clear_ibuf [dreg:s6], $0x5FFFF;
	_ =	strace $0x90000046  }
0xb2: {  	s29 =	simm.s32 $0x9;
	_ =	strace $0x80000048  }
0xb3: {  	_ =	swait.ge [sflag:s29], $0x1  }
0xb4: {  	[sflag:s29] =	ssyncadd.s32 $0xFFFFFFFF  }
0xb5: {  	_ =	strace $0x90000048  }
0xb6: {  	_ =	sfence  }
0xb7: {  	s30 =	sld [smem:$0x0];
	_ =	sdelay $0x2  }
0xb8: {  	s31 =	sshll.u32 s1, $0xD;
	s1 =	sshrl.u32 s1, $0x2  }
0xb9: {  	s3 =	sand.u32 $0x4000, s31;
	s1 =	sadd.s32 s1, s30  }
0xba: {  	s0 =	sor.u32 s3, s0;
	s1 =	sshll.u32 s1, $0x11  }
0xbb: {  	s0 =	sor.u32 s1, s0  }
0xbc: {  	s0 =	sadd.s32 $0x8F2B, s0  }
0xbd: {  	[sflag:s0] =	ssyncadd.remote.s32 $0x1  }
0xbe: {  	_ =	sfence.sel $0xFFFF  }
0xbf: {  	[dreg:$0x0] =	wrdreg $0xFFFFFFFF;
	(pc) =	sbr.abs _section_cstart, $3  }
0xc0: {  	[dreg:$0x1] =	wrdreg $0xFFFFFFFF  }
0xc1: {  	_ =	task.clear_ibuf [dreg:s6], $0x2FFFF;
	_ =	strace $0x9FFFFFFF  }
0xc2: {  	(tm) =	ssettm $0x7FFFFFFF  }
0xc3: {  	_ =	shalt  }
tec
execute0_lowered:
.L_overlay_start_1:
0x0: {  	(tag) =	ssettag $0x1  }
0x1: {  	s6 =	rddreg [dreg:$0x0]  }
0x2: {  	s2 =	rddreg [dreg:$0x1]  }
0x3: {  	s0 =	rddreg [dreg:$0x2];
	s1 =	stileid.u32;
	s3 =	simm.s32 $0x0  }
0x4: {  	s4 =	srdreg.scid;
	s13 =	simm.s32 $0x1;
	s7 =	smul.u32 $0xC38, s1  }
0x5: {  	s15 =	simm.s32 $0x0;
	[smem:$0x7FF] =	sst s3;
	s5 =	smul.u32 $0x3200, s1  }
0x6: {  	s14 =	sand.u32 $0x1, s4;
	s31 =	sshll.u32 s1, $0x6;
	_ =	strace $0x80000047  }
0x7: {  	s8 =	ssub.s32 $0x2, s14;
	p0 =	sne.s32 s14, $0x0;
	s14 =	simm.s32 $0x1900  }
.Ltmp0:
0x8: {  	s4 =	sshrl.u32 s7, $0x3;
	s11 =	sadd.s32 s5, s6;
	(pc) =	sbr.rel .LBB2_1-.Ltmp0, $4  }
0x9: {  	s10 =	sshrl.u32 s8, $0x1;
	s5 =	sadd.s32 $0x6C800, s6;
	s12 =	sadd.s32 s7, s2  }
0xa: {  	s9 =	sadd.s32 s4, s6;
	s6 =	sadd.s32 $0x6AE00, s6;
	s10 =	ssub.s32 s8, s10  }
0xb: {  	s8 =	sor.u32 $0x1C01, s31;
	s12 =	sshrl.u32 s12, $0x3;
	s7 =	sadd.s32 $0x69400, s9  }
0xc: {  	v0 =	vimm.f32 $1.000000000e+00;
	s9 =	smax.u32 s10, $0x1;
	s10 =	sadd.s32 $0x5400, s11;
	s11 =	sadd.s32 $0x37400, s11  }
.LBB2_9:
0xd: {  	s16 =	sadd.s32 s16, s10;
	[sflag:s13] =	ssyncadd.s32 $0xFFFFE700  }
0xe: {  	[tilespmem:s3], [sflag:$0x1] =	stream.linear.gather [hbm4b:s16+s3], $0x1900, $0x38;
	[tilespmem:$0x3E38] =	vst v63  }
0xf: {  	_ =	swait.ge [sflag:s13], $0x1900  }
0x10: {  	[sflag:s13] =	ssyncset.done $0x0  }
0x11: {  	[sflag:s13] =	ssyncadd.s32 $0xFFFFE700  }
0x12: {  	[spmem:s2] =	stream.indirect.scatter.add.f32 [tilespmem:s14], [sflag:$0x1], $0x1, s3, s14, $0xb8;
	[tilespmem:$0x3E38] =	vst v63  }
0x13: {  	_ =	swait.ge [sflag:s13], $0x1900  }
0x14: {  	[sflag:s13] =	ssyncset.done $0x0  }
0x15: {  	s16 =	smov.u32 s6;
	[sflag:s13] =	ssyncadd.s32 $0xFFFFE700  }
.LBB2_10:
0x16: {  	s15 =	sadd.s32 $0x1, s15  }
0x17: {  	p1 =	sne.s32 s15, s9  }
.Ltmp1:
0x18: {  	s16 =	sadd.s32 s16, s4;
	[bflag:$0x0] =	sbarrier.arrive $0xFFFF;
	(pc) =	sbr.rel @!p1 .LBB2_11-.Ltmp1, $4  }
0x19: {  	[hbm:s16], [sflag:s8] =	dma.local [spmem:s12], $0x187  }
0x1a: {  	_ =	swait.ge [sflag:s13], $0x187  }
0x1b: {  	[sflag:s13] =	ssyncset.done $0x0  }
0x1c: {  	[sflag:s13] =	ssyncadd.s32 $0xFFFFFE79  }
.LBB2_1:
0x1d: {  	[spmem:s12], [sflag:s8] =	dma.local [hbm:s7], $0x187  }
0x1e: {  	_ =	swait.ge [sflag:s13], $0x187  }
0x1f: {  	[sflag:s13] =	ssyncset.done $0x0  }
0x20: {  	s16 =	simm.s32 $0x40;
	s17 =	simm.s32 $0x0;
	[sflag:s13] =	ssyncadd.s32 $0xFFFFFE79  }
.LBB2_2:
0x21: {  	p1 =	sne.s32 s16, $0x63C0;
	[tilespmem:s17+$0x1900] =	vst v0;
	s17 =	smov.u32 s16;
	s16 =	sadd.s32 $0x40, s16  }
.Ltmp2:
0x22: {  	(pc) =	sbr.rel @p1 .LBB2_2-.Ltmp2, $2  }
0x23: {  	_ =	sdelay $0x2  }
0x24: {  	s17 =	sshra.s32 s17, $0x2  }
.Ltmp3:
0x25: {  	(pc) =	sbr.rel @p0 .LBB2_7-.Ltmp3, $3  }
0x26: {  	_ = 	snop  }
0x27: {  	[tilespmem:s17+$0x1900] =	vst v0  }
0x28: {  	[bflag:$0x0] =	sbarrier.arrive $0xFFFF;
	_ =	sdelay $0x1  }
0x29: {  	s16 =	sadd.s32 $0x0, s11  }
0x2a: {  	[tilespmem:s3], [sflag:$0x1] =	stream.linear.gather [hbm4b:s16+s3], $0x1900, $0x38;
	[tilespmem:$0x3E38] =	vst v63  }
0x2b: {  	_ =	swait.ge [sflag:s13], $0x1900  }
0x2c: {  	[sflag:s13] =	ssyncset.done $0x0  }
0x2d: {  	[sflag:s13] =	ssyncadd.s32 $0xFFFFE700  }
0x2e: {  	[spmem:s2] =	stream.indirect.scatter.add.f32 [tilespmem:s14], [sflag:$0x1], $0x1, s3, s14, $0xb8;
	[tilespmem:$0x3E38] =	vst v63  }
0x2f: {  	_ =	swait.ge [sflag:s13], $0x1900  }
0x30: {  	s17 =	simm.s32 $0x640;
	s16 =	simm.s32 $0x320;
	[sflag:s13] =	ssyncset.done $0x0  }
.LBB2_5:
0x31: {  	s18 =	sadd.s32 s16, s11  }
0x32: {  	[sflag:s13] =	ssyncadd.s32 $0xFFFFE700;
	s16 =	smov.u32 s17;
	s19 =	sadd.s32 $0x320, s17  }
0x33: {  	[tilespmem:s3], [sflag:$0x1] =	stream.linear.gather [hbm4b:s18+s3], $0x1900, $0x38;
	[tilespmem:$0x3E38] =	vst v63  }
0x34: {  	p1 =	seq.s32 s17, $0x2EE0;
	_ =	swait.ge [sflag:s13], $0x1900  }
.Ltmp4:
0x35: {  	[sflag:s13] =	ssyncset.done $0x0;
	(pc) =	sbr.rel @!p1 .LBB2_5-.Ltmp4, $4  }
0x36: {  	[sflag:s13] =	ssyncadd.s32 $0xFFFFE700  }
0x37: {  	[spmem:s2] =	stream.indirect.scatter.add.f32 [tilespmem:s14], [sflag:$0x1], $0x1, s3, s14, $0xb8;
	[tilespmem:$0x3E38] =	vst v63  }
0x38: {  	_ =	swait.ge [sflag:s13], $0x1900  }
0x39: {  	s17 =	smov.u32 s19;
	[sflag:s13] =	ssyncset.done $0x0  }
0x3a: {  	s16 =	sadd.s32 s16, s11;
	[sflag:s13] =	ssyncadd.s32 $0xFFFFE700  }
0x3b: {  	[tilespmem:s3], [sflag:$0x1] =	stream.linear.gather [hbm4b:s16+s3], $0x1900, $0x38;
	[tilespmem:$0x3E38] =	vst v63  }
0x3c: {  	_ =	swait.ge [sflag:s13], $0x1900  }
0x3d: {  	[sflag:s13] =	ssyncset.done $0x0  }
.Ltmp5:
0x3e: {  	[sflag:s13] =	ssyncadd.s32 $0xFFFFE700;
	(pc) =	sbr.rel .LBB2_10-.Ltmp5, $4  }
0x3f: {  	[spmem:s2] =	stream.indirect.scatter.add.f32 [tilespmem:s14], [sflag:$0x1], $0x1, s3, s14, $0xb8;
	[tilespmem:$0x3E38] =	vst v63  }
0x40: {  	_ =	swait.ge [sflag:s13], $0x1900  }
0x41: {  	[sflag:s13] =	ssyncset.done $0x0  }
0x42: {  	s16 =	smov.u32 s5;
	[sflag:s13] =	ssyncadd.s32 $0xFFFFE700  }
.LBB2_7:
0x43: {  	s16 =	sadd.s32 $0x0, s10  }
0x44: {  	[tilespmem:s3], [sflag:$0x1] =	stream.linear.gather [hbm4b:s16+s3], $0x1900, $0x38;
	[tilespmem:$0x3E38] =	vst v63  }
0x45: {  	_ =	swait.ge [sflag:s13], $0x1900  }
0x46: {  	[sflag:s13] =	ssyncset.done $0x0  }
0x47: {  	[sflag:s13] =	ssyncadd.s32 $0xFFFFE700  }
0x48: {  	[spmem:s2] =	stream.indirect.scatter.add.f32 [tilespmem:s14], [sflag:$0x1], $0x1, s3, s14, $0xb8;
	[tilespmem:$0x3E38] =	vst v63  }
0x49: {  	_ =	swait.ge [sflag:s13], $0x1900  }
0x4a: {  	s17 =	simm.s32 $0x640;
	s16 =	simm.s32 $0x320;
	[sflag:s13] =	ssyncset.done $0x0  }
.LBB2_8:
0x4b: {  	s18 =	sadd.s32 s16, s10  }
0x4c: {  	[sflag:s13] =	ssyncadd.s32 $0xFFFFE700;
	s16 =	smov.u32 s17;
	s19 =	sadd.s32 $0x320, s17  }
0x4d: {  	[tilespmem:s3], [sflag:$0x1] =	stream.linear.gather [hbm4b:s18+s3], $0x1900, $0x38;
	[tilespmem:$0x3E38] =	vst v63  }
0x4e: {  	p1 =	sne.s32 s17, $0x2EE0;
	_ =	swait.ge [sflag:s13], $0x1900  }
.Ltmp6:
0x4f: {  	[sflag:s13] =	ssyncset.done $0x0;
	(pc) =	sbr.rel @p1 .LBB2_8-.Ltmp6, $4  }
0x50: {  	[sflag:s13] =	ssyncadd.s32 $0xFFFFE700  }
0x51: {  	[spmem:s2] =	stream.indirect.scatter.add.f32 [tilespmem:s14], [sflag:$0x1], $0x1, s3, s14, $0xb8;
	[tilespmem:$0x3E38] =	vst v63  }
0x52: {  	_ =	swait.ge [sflag:s13], $0x1900  }
0x53: {  	s17 =	smov.u32 s19;
	[sflag:s13] =	ssyncset.done $0x0  }
.Ltmp7:
0x54: {  	_ = 	snop;
	(pc) =	sbr.rel .LBB2_9-.Ltmp7, $1  }
0x55: {  	_ =	sdelay $0x3  }
.LBB2_11:
0x56: {  	_ =	sfence.sel $0x180000  }
0x57: {  	[bflag:$0x0] =	sbarrier.arrive $0xFFFF  }
0x58: {  	p0 =	sne.s32 s1, $0x0;
	_ =	strace $0x90000047  }
0x59: {  	s0 =	sadd.s32 @!p0 $0x100000, s0;
	[bflag:$0x2] =	sbarrier.arrive $0xFFFF  }
0x5a: {  	[sflag:s0] =	ssyncadd.tile.s32 @!p0 $0x1;
	_ =	shalt  }
.Lfunc_end2:
_tile_overlayer_lowered:
.L_overlay_start_2:
0x5b: {  	(tag) =	ssettag $0x2  }
0x5c: {  	s0 =	rddreg [dreg:$0x0];
	s2 =	stileid.u32  }
0x5d: {  	s1 =	rddreg [dreg:$0x1];
	p0 =	sne.s32 s2, $0x0  }
0x5e: {  	s3 =	rddreg [dreg:$0x2];
	[bflag:$0x3] =	sbarrier.arrive $0xFFFF;
	s2 =	simm.s32 @!p0 $0x1C01  }
0x5f: {  	[timem:s3], [sflag:s2] =	dma.local @!p0 [hbm:s0], s1  }
0x60: {  	s0 =	simm.s32 @!p0 $0x1  }
0x61: {  	_ =	swait.ge @!p0 [sflag:s0], s1  }
0x62: {  	s1 =	ssub.s32 @!p0 $0x0, s1;
	[sflag:s0] =	ssyncset.done @!p0 $0x0  }
0x63: {  	[sflag:s0] =	ssyncadd.s32 @!p0 s1  }
0x64: {  	[bflag:$0x3] =	sbarrier.arrive $0xFFFF  }
0x65: {  	_ =	shalt  }

// kernel: kernel.9.cloned.1.call-start
scs
__scs_entry_jumppad:
0x0: {  	(pc) =	sbr.rel $0x88, $3  }
0x1: {  	(tag) =	ssettag $0x0;
	lr =	simm.s32 $0x1  }
0x2: {  	[smem:$0x3F9C] =	sst lr;
	_ =	strace $0xD0000000  }
0x3: {  	_ = 	snop  }
0x4: {  	_ = 	snop  }
0x5: {  	_ = 	snop  }
0x6: {  	_ = 	snop  }
0x7: {  	_ = 	snop  }
__scs_overlays_trampoline_lowered:
0x8: {  	[smem:$0x3FAB] =	sst s0  }
0x9: {  	[smem:$0x3FAC] =	sst s1  }
0xa: {  	[smem:$0x3FAD] =	sst s2  }
0xb: {  	[smem:$0x3FAE] =	sst s3  }
0xc: {  	[smem:$0x3FAF] =	sst s4  }
0xd: {  	[smem:$0x3FB0] =	sst s5  }
0xe: {  	[smem:$0x3FB1] =	sst s6  }
0xf: {  	[smem:$0x3FB2] =	sst s7  }
0x10: {  	[smem:$0x3FB3] =	sst s8  }
0x11: {  	[smem:$0x3FB4] =	sst s9;
	s0 =	simm.s32 @!p0 $0x0  }
0x12: {  	s1 =	sld [smem:$0x3F9A];
	s0 =	simm.s32 @p0 $0x1  }
0x13: {  	[smem:$0x3FB5] =	sst s0;
	s0 =	simm.s32 @!p1 $0x0  }
0x14: {  	s2 =	sld [smem:$0x3F99];
	s0 =	simm.s32 @p1 $0x1  }
0x15: {  	[smem:$0x3FB6] =	sst s0;
	s0 =	simm.s32 @!p2 $0x0  }
0x16: {  	s3 =	sld [smem:$0x3FDB];
	s0 =	simm.s32 @p2 $0x1  }
0x17: {  	s4 =	simm.s32 $0x1BF5;
	[smem:$0x3FB8] =	sst s0  }
0x18: {  	s0 =	sld [smem:$0x3F9B];
	_ =	swait.ge [sflag:s4], $0x0  }
0x19: {  	s7 =	sld [smem:$0x3F9C]  }
0x1a: {  	s8 =	sadd.s32 $0xFFFFE003, lr  }
0x1b: {  	s9 =	sadd.s32 $0xFFFFFEF7, lr;
	s5 =	simm.s32 $0xFFFFFFFF;
	p2 =	slt.u32 s8, $0xFFFFF086  }
0x1c: {  	p1 =	slt.u32 s9, $0xF7A;
	s5 =	simm.s32 @!p2 $0x0  }
0x1d: {  	s5 =	simm.s32 @p1 $0x1;
	p0 =	seq.s32 s7, s2  }
0x1e: {  	s7 =	smul.u32 @!p0 $0xF7A, s2;
	p2 =	seq.s32 @!p0 s5, $0x0  }
0x1f: {  	s9 =	smul.u32 $0xF7A, s1;
	s8 =	simm.s32 @!p0 $0x1BF5;
	p2 =	por !p2, p0  }
0x20: {  	[sflag:s8] =	ssyncset.s32 @!p0 $0xFFFFF086;
	s6 =	sadd.s32 @!p0 s3, s7;
	s7 =	simm.s32 @!p0 $0x108  }
0x21: {  	s3 =	sadd.s32 s3, s9;
	s6 =	sadd.s32 @!p0 $0x88, s6;
	s7 =	simm.s32 @p2 $0x1082  }
0x22: {  	[simem:s7], [sflag:s8] =	dma.local @!p0 [hbm:s6], $0xF7A  }
0x23: {  	s9 =	sor.u32 $0xD0000000, s2;
	s6 =	simm.s32 $0x108;
	_ =	swait.ge @!p0 [sflag:s8], $0x0  }
0x24: {  	s3 =	sadd.s32 $0x88, s3;
	s6 =	simm.s32 @!p1 $0x1082;
	[sflag:s4] =	ssyncset.s32 $0xFFFFF086  }
0x25: {  	[simem:s6], [sflag:s4] =	dma.local [hbm:s3], $0xF7A  }
0x26: {  	[smem:$0x3F9C] =	sst s1;
	(tag) =	ssettag s2;
	_ =	strace s9  }
0x27: {  	s1 =	sld [smem:$0x3FAC]  }
0x28: {  	s2 =	sld [smem:$0x3FAD]  }
0x29: {  	s4 =	sld [smem:$0x3FAF]  }
0x2a: {  	p0 =	seq.s32 s5, $0x0;
	s5 =	sld [smem:$0x3FB0]  }
0x2b: {  	s6 =	sld [smem:$0x3FB1]  }
0x2c: {  	s7 =	sld [smem:$0x3FB2]  }
0x2d: {  	s3 =	simm.s32 $0x108;
	s8 =	sld [smem:$0x3FB3]  }
0x2e: {  	s3 =	simm.s32 @!p0 $0x1082;
	s9 =	sld [smem:$0x3FB4]  }
0x2f: {  	lr =	sadd.s32 s0, s3;
	s0 =	sld [smem:$0x3FAB]  }
0x30: {  	s3 =	sld [smem:$0x3FAE]  }
0x31: {  	[smem:$0x3FB7] =	sst s10  }
0x32: {  	s10 =	sld [smem:$0x3FB5];
	_ =	sdelay $0x3  }
0x33: {  	p0 =	seq.s32 s10, $0x1;
	s10 =	sld [smem:$0x3FB7];
	_ =	sdelay $0x3  }
0x34: {  	[smem:$0x3FB7] =	sst s10  }
0x35: {  	s10 =	sld [smem:$0x3FB6];
	_ =	sdelay $0x3  }
0x36: {  	p1 =	seq.s32 s10, $0x1;
	s10 =	sld [smem:$0x3FB7];
	_ =	sdelay $0x3  }
0x37: {  	[smem:$0x3FB7] =	sst s10  }
0x38: {  	s10 =	sld [smem:$0x3FB8]  }
0x39: {  	_ = 	snop;
	(pc) =	sbr.ind lr, $3  }
0x3a: {  	_ = 	snop  }
0x3b: {  	_ = 	snop  }
0x3c: {  	p2 =	seq.s32 s10, $0x1;
	s10 =	sld [smem:$0x3FB7]  }
0x3d: {  	_ =	shalt  }
0x3e: {  	_ =	shalt  }
0x3f: {  	_ =	shalt  }
0x40: {  	_ =	shalt  }
0x41: {  	_ =	shalt  }
0x42: {  	_ =	shalt  }
0x43: {  	_ =	shalt  }
0x44: {  	_ =	shalt  }
0x45: {  	_ =	shalt  }
0x46: {  	_ =	shalt  }
0x47: {  	_ =	shalt  }
0x48: {  	_ =	shalt  }
0x49: {  	_ =	shalt  }
0x4a: {  	_ =	shalt  }
0x4b: {  	_ =	shalt  }
0x4c: {  	_ =	shalt  }
0x4d: {  	_ =	shalt  }
0x4e: {  	_ =	shalt  }
0x4f: {  	_ =	shalt  }
0x50: {  	_ =	shalt  }
0x51: {  	_ =	shalt  }
0x52: {  	_ =	shalt  }
0x53: {  	_ =	shalt  }
0x54: {  	_ =	shalt  }
0x55: {  	_ =	shalt  }
0x56: {  	_ =	shalt  }
0x57: {  	_ =	shalt  }
0x58: {  	_ =	shalt  }
0x59: {  	_ =	shalt  }
0x5a: {  	_ =	shalt  }
0x5b: {  	_ =	shalt  }
0x5c: {  	_ =	shalt  }
0x5d: {  	_ =	shalt  }
0x5e: {  	_ =	shalt  }
0x5f: {  	_ =	shalt  }
0x60: {  	_ =	shalt  }
0x61: {  	_ =	shalt  }
0x62: {  	_ =	shalt  }
0x63: {  	_ =	shalt  }
0x64: {  	_ =	shalt  }
0x65: {  	_ =	shalt  }
0x66: {  	_ =	shalt  }
0x67: {  	_ =	shalt  }
0x68: {  	_ =	shalt  }
0x69: {  	_ =	shalt  }
0x6a: {  	_ =	shalt  }
0x6b: {  	_ =	shalt  }
0x6c: {  	_ =	shalt  }
0x6d: {  	_ =	shalt  }
0x6e: {  	_ =	shalt  }
0x6f: {  	_ =	shalt  }
0x70: {  	_ =	shalt  }
0x71: {  	_ =	shalt  }
0x72: {  	_ =	shalt  }
0x73: {  	_ =	shalt  }
0x74: {  	_ =	shalt  }
0x75: {  	_ =	shalt  }
0x76: {  	_ =	shalt  }
0x77: {  	_ =	shalt  }
0x78: {  	_ =	shalt  }
0x79: {  	_ =	shalt  }
0x7a: {  	_ =	shalt  }
0x7b: {  	_ =	shalt  }
0x7c: {  	_ =	shalt  }
0x7d: {  	_ =	shalt  }
0x7e: {  	_ =	shalt  }
0x7f: {  	_ =	shalt  }
0x80: {  	_ =	shalt  }
0x81: {  	_ =	shalt  }
0x82: {  	_ =	shalt  }
0x83: {  	_ =	shalt  }
0x84: {  	_ =	shalt  }
0x85: {  	_ =	shalt  }
0x86: {  	_ =	shalt  }
0x87: {  	_ =	shalt  }
.Lfunc_end0:
.L_simem_size_0:
called_computation.1_lowered:
.L_overlay_start_0:
0x88: {  	s2 =	sld [smem:$0x3FD9]  }
0x89: {  	s3 =	sld [smem:$0x3FFE];
	_ =	sdelay $0x1  }
0x8a: {  	s1 =	srdreg.scid  }
0x8b: {  	s0 =	sand.u32 $0x1, s1  }
0x8c: {  	s16 =	sshll.u32 s0, $0xA;
	s2 =	sadd.s32 s3, s2  }
0x8d: {  	s2 =	sadd.s32 s2, s16  }
0x8e: {  	[smem:$0x3FC3] =	sst s2  }
0x8f: {  	_ = 	snop  }
0x90: {  	(tm) =	ssettm $0x1  }
0x91: {  	s17 =	sld [smem:$0x3FFB];
	_ =	sdelay $0x3  }
0x92: {  	_ =	strace s17  }
0x93: {  	s2 =	sld [smem:$0x3FFC];
	_ =	sdelay $0x3  }
0x94: {  	_ =	strace s2  }
0x95: {  	s2 =	sld [smem:$0x3FFD];
	_ =	sdelay $0x3  }
0x96: {  	_ =	strace s2  }
0x97: {  	_ =	strace $0x8FFFFFFF  }
0x98: {  	s18 =	sld [smem:$0x3FDB];
	_ =	sdelay $0x1  }
0x99: {  	s19 =	simm.s32 $_scs_section_size  }
0x9a: {  	s4 =	simm.s32 $_size__tile_overlayer_lowered;
	s5 =	simm.s32 $_tile_overlayer_lowered  }
0x9b: {  	s22 =	simm.s32 $0x1BFF;
	s21 =	sshll.u32 s5, $0x1;
	s2 =	sadd.s32 s19, s18  }
0x9c: {  	s6 =	simm.s32 $0x0;
	s20 =	sshll.u32 s4, $0x1;
	s4 =	sadd.s32 s21, s2  }
0x9d: {  	[timem:s6], [sflag:s22] =	dma.local [hbm:s4], s20  }
0x9e: {  	_ =	swait.ge [sflag:s22], s20  }
0x9f: {  	s3 =	ssub.s32 $0x0, s20;
	[sflag:s22] =	ssyncset.done $0x0  }
0xa0: {  	[sflag:s22] =	ssyncadd.s32 s3;
	_ =	sdelay $0x1  }
0xa1: {  	s23 =	simm.s32 $0x1B8B  }
0xa2: {  	_ =	swait.ge [sflag:s23], $0x1  }
0xa3: {  	[sflag:s23] =	ssyncset.done $0x0  }
0xa4: {  	s25 =	simm.s32 $0x1B8E;
	s24 =	sld [smem:$0x3FFE];
	[sflag:s23] =	ssyncadd.s32 $0xFFFFFFFF  }
0xa5: {  	s26 =	simm.s32 $execute0_lowered;
	[smem:$0x3FD2] =	sst s25  }
0xa6: {  	s4 =	sshll.u32 s26, $0x1;
	_ =	strace $0x80000049;
	[dreg:$0x1] =	wrdreg $0xFFFFFFFF  }
0xa7: {  	s28 =	simm.s32 $_size_execute0_lowered;
	s2 =	sadd.s32 s2, s4;
	[dreg:$0x0] =	wrdreg $0x0  }
0xa8: {  	s4 =	sshll.u32 s28, $0x1;
	[dreg:$0x2] =	wrdreg s2  }
0xa9: {  	[dreg:$0x3] =	wrdreg s4  }
0xaa: {  	[dreg:$0x4] =	wrdreg $0xC0  }
0xab: {  	_ =	task [dreg:s6], $0x5FFFF  }
0xac: {  	[dreg:$0x1] =	wrdreg $0xFFFFFFFF  }
0xad: {  	[dreg:$0x0] =	wrdreg $0x60  }
0xae: {  	[dreg:$0x2] =	wrdreg s24  }
0xaf: {  	[dreg:$0x3] =	wrdreg $0x6A400  }
0xb0: {  	[dreg:$0x4] =	wrdreg $0x9  }
0xb1: {  	_ =	task.clear_ibuf [dreg:s6], $0x5FFFF;
	_ =	strace $0x90000049  }
0xb2: {  	s29 =	simm.s32 $0x9;
	_ =	strace $0x8000004B  }
0xb3: {  	_ =	swait.ge [sflag:s29], $0x1  }
0xb4: {  	[sflag:s29] =	ssyncadd.s32 $0xFFFFFFFF  }
0xb5: {  	_ =	strace $0x9000004B  }
0xb6: {  	_ =	sfence  }
0xb7: {  	s30 =	sld [smem:$0x0];
	_ =	sdelay $0x2  }
0xb8: {  	s31 =	sshll.u32 s1, $0xD;
	s1 =	sshrl.u32 s1, $0x2  }
0xb9: {  	s3 =	sand.u32 $0x4000, s31;
	s1 =	sadd.s32 s1, s30  }
0xba: {  	s0 =	sor.u32 s3, s0;
	s1 =	sshll.u32 s1, $0x11  }
0xbb: {  	s0 =	sor.u32 s1, s0  }
0xbc: {  	s0 =	sadd.s32 $0x8F2B, s0  }
0xbd: {  	[sflag:s0] =	ssyncadd.remote.s32 $0x1  }
0xbe: {  	_ =	sfence.sel $0xFFFF  }
0xbf: {  	[dreg:$0x0] =	wrdreg $0xFFFFFFFF;
	(pc) =	sbr.abs _section_cstart, $3  }
0xc0: {  	[dreg:$0x1] =	wrdreg $0xFFFFFFFF  }
0xc1: {  	_ =	task.clear_ibuf [dreg:s6], $0x2FFFF;
	_ =	strace $0x9FFFFFFF  }
0xc2: {  	(tm) =	ssettm $0x7FFFFFFF  }
0xc3: {  	_ =	shalt  }
tec
execute0_lowered:
.L_overlay_start_1:
0x0: {  	(tag) =	ssettag $0x1  }
0x1: {  	s0 =	rddreg [dreg:$0x0]  }
0x2: {  	s1 =	rddreg [dreg:$0x1]  }
0x3: {  	s3 =	simm.s32 $0x0;
	s12 =	stileid.u32;
	s7 =	srdreg.scid  }
0x4: {  	s28 =	simm.s32 $0x190;
	s29 =	simm.s32 $0x640;
	s30 =	simm.s32 $0x4B0  }
0x5: {  	s31 =	simm.s32 $0x3;
	[smem:$0x7FF] =	sst s3;
	s4 =	sadd.s32 $0x225C00, s0  }
0x6: {  	s2 =	smul.u32 $0x18700, s12;
	s5 =	sadd.s32 $0x1F4E00, s0;
	s6 =	sadd.s32 $0x37400, s0  }
0x7: {  	s8 =	sadd.s32 $0x5400, s0;
	s7 =	sand.u32 $0x1, s7;
	s11 =	smul.u32 $0x19000, s12  }
0x8: {  	s10 =	sadd.s32 $0x2B8600, s0;
	s18 =	sshll.u32 s12, $0x6;
	s13 =	smul.u32 $0x186A0, s12  }
0x9: {  	s26 =	smul.u32 $0x3200, s12;
	_ =	strace $0x8000004A;
	[dreg:$0x3] =	wrdreg s10  }
0xa: {  	s16 =	ssub.s32 $0x2, s7;
	p0 =	sne.s32 s7, $0x0;
	s7 =	simm.s32 $0x4  }
0xb: {  	s9 =	sshrl.u32 s2, $0x3;
	s17 =	sshrl.u32 s16, $0x1;
	s2 =	sadd.s32 s2, s1  }
0xc: {  	s19 =	sshrl.u32 s11, $0x3;
	s21 =	sor.u32 $0x190, s11;
	s11 =	sor.u32 $0x320, s11  }
0xd: {  	s15 =	sshrl.u32 s13, $0x3;
	s25 =	sadd.s32 s13, s1;
	s9 =	sadd.s32 s9, s0  }
0xe: {  	s0 =	sadd.s32 $0x287800, s0;
	s14 =	sadd.s32 s6, s19;
	s20 =	sadd.s32 s8, s19  }
0xf: {  	[dreg:$0x8] =	wrdreg s15;
	s22 =	sshrl.u32 s21, $0x3;
	s24 =	sshrl.u32 s11, $0x3  }
0x10: {  	s10 =	sadd.s32 $0x31CE, s19;
	s21 =	sadd.s32 s26, s6;
	[dreg:$0x4] =	wrdreg s0  }
0x11: {  	s25 =	sshrl.u32 s25, $0x3;
	s0 =	ssub.s32 s16, s17;
	[dreg:$0x6] =	wrdreg s14  }
0x12: {  	s9 =	sadd.s32 $0x256A00, s9;
	[dreg:$0x7] =	wrdreg s20;
	s23 =	sadd.s32 s6, s22  }
0x13: {  	s15 =	sadd.s32 s8, s22;
	s16 =	sadd.s32 s6, s24;
	s17 =	sadd.s32 s8, s24  }
0x14: {  	s19 =	sadd.s32 s8, s10;
	s20 =	sadd.s32 s26, s8;
	s22 =	sshrl.u32 s2, $0x3  }
.Ltmp0:
0x15: {  	s24 =	simm.s32 $0x320;
	s26 =	simm.s32 $0x1;
	(pc) =	sbr.rel .LBB2_1-.Ltmp0, $4  }
0x16: {  	s2 =	simm.s32 $0x3840;
	s8 =	simm.s32 $0x6;
	[dreg:$0x5] =	wrdreg s9  }
0x17: {  	s9 =	sor.u32 $0x1C07, s18;
	s0 =	smax.u32 s0, $0x1;
	[dreg:$0xa] =	wrdreg s23  }
0x18: {  	s18 =	sadd.s32 s6, s10;
	s23 =	simm.s32 $0x7;
	s6 =	simm.s32 $0x5  }
0x19: {  	s10 =	simm.s32 $0x0;
	[dreg:$0x9] =	wrdreg s0;
	s0 =	simm.s32 $0x2  }
.LBB2_7:
0x1a: {  	[spmem:s1] =	stream.indirect.scatter.add.f32 [tilespmem:s2], [sflag:$0x6], $0x20, s30, s28, $0xb8;
	[tilespmem:$0x1F140] =	vst v63  }
0x1b: {  	_ =	swait.ge [sflag:s26], $0x190  }
0x1c: {  	[sflag:s26] =	ssyncset.done $0x0  }
0x1d: {  	[sflag:s26] =	ssyncadd.s32 $0xFFFFFE70  }
0x1e: {  	_ =	swait.ge [sflag:s26], $0x190  }
0x1f: {  	[sflag:s26] =	ssyncset.done $0x0  }
0x20: {  	[sflag:s26] =	ssyncadd.s32 $0xFFFFFE70  }
0x21: {  	[tilespmem:s29], [sflag:$0x3] =	stream.indirect.gather [hbm4b:s4+s28], $0x20, s3, s28, $0xb8;
	[tilespmem:$0x1F140] =	vst v63  }
0x22: {  	_ =	swait.ge [sflag:s8], $0x3200  }
0x23: {  	[sflag:s8] =	ssyncset.done $0x0  }
0x24: {  	[sflag:s8] =	ssyncadd.s32 $0xFFFFCE00  }
0x25: {  	[tilespmem:s28], [sflag:$0x2] =	stream.linear.gather [hbm4b:s18+s3], $0x190, $0x38;
	[tilespmem:$0x1F140] =	vst v63  }
0x26: {  	_ = 	snop  }
0x27: {  	[tilespmem:s30], [sflag:$0x2] =	stream.linear.gather [hbm4b:s19+s3], $0x190, $0x38;
	[tilespmem:$0x1F140] =	vst v63  }
0x28: {  	_ =	swait.ge [sflag:s31], $0x3200  }
0x29: {  	[sflag:s31] =	ssyncset.done $0x0  }
0x2a: {  	[sflag:s31] =	ssyncadd.s32 $0xFFFFCE00  }
0x2b: {  	[spmem:s1] =	stream.indirect.scatter.add.f32 [tilespmem:s29], [sflag:$0x5], $0x20, s24, s28, $0xb8;
	[tilespmem:$0x1F140] =	vst v63  }
0x2c: {  	_ =	swait.ge [sflag:s0], $0x190  }
0x2d: {  	[sflag:s0] =	ssyncset.done $0x0  }
0x2e: {  	[sflag:s0] =	ssyncadd.s32 $0xFFFFFE70  }
0x2f: {  	_ =	swait.ge [sflag:s0], $0x190  }
0x30: {  	[sflag:s0] =	ssyncset.done $0x0  }
0x31: {  	[sflag:s0] =	ssyncadd.s32 $0xFFFFFE70  }
0x32: {  	[tilespmem:s2], [sflag:$0x4] =	stream.indirect.gather [hbm4b:s4+s28], $0x20, s28, s28, $0xb8;
	[tilespmem:$0x1F140] =	vst v63  }
0x33: {  	_ =	swait.ge [sflag:s6], $0x3200  }
0x34: {  	[sflag:s6] =	ssyncset.done $0x0  }
0x35: {  	[sflag:s6] =	ssyncadd.s32 $0xFFFFCE00  }
0x36: {  	_ =	swait.ge [sflag:s7], $0x3200  }
0x37: {  	[sflag:s7] =	ssyncset.done $0x0  }
0x38: {  	s11 =	rddreg [dreg:$0x4];
	[sflag:s7] =	ssyncadd.s32 $0xFFFFCE00  }
0x39: {  	[spmem:s1] =	stream.indirect.scatter.add.f32 [tilespmem:s2], [sflag:$0x6], $0x20, s30, s28, $0xb8;
	[tilespmem:$0x1F140] =	vst v63  }
.LBB2_8:
0x3a: {  	_ =	swait.ge [sflag:s8], $0x3200  }
0x3b: {  	[sflag:s8] =	ssyncset.done $0x0  }
0x3c: {  	s12 =	rddreg [dreg:$0x8];
	[sflag:s8] =	ssyncadd.s32 $0xFFFFCE00  }
0x3d: {  	s11 =	sadd.s32 s11, s12;
	[bflag:$0x0] =	sbarrier.arrive $0xFFFF  }
0x3e: {  	[hbm:s11], [sflag:s9] =	dma.local [spmem:s25], $0x30D4  }
0x3f: {  	_ =	swait.ge [sflag:s23], $0x30D4  }
0x40: {  	s10 =	sadd.s32 $0x1, s10;
	s14 =	rddreg [dreg:$0x9]  }
0x41: {  	p1 =	sne.s32 s10, s14  }
.Ltmp1:
0x42: {  	_ = 	snop;
	(pc) =	sbr.rel @!p1 .LBB2_9-.Ltmp1, $3  }
0x43: {  	_ =	sdelay $0x1  }
0x44: {  	[sflag:s23] =	ssyncset.done $0x0  }
0x45: {  	[sflag:s23] =	ssyncadd.s32 $0xFFFFCF2C  }
.LBB2_1:
0x46: {  	s11 =	rddreg [dreg:$0x5]  }
0x47: {  	[spmem:s22], [sflag:s9] =	dma.local [hbm:s11], $0x30E0  }
.Ltmp2:
0x48: {  	_ =	swait.ge [sflag:s23], $0x30E0;
	(pc) =	sbr.rel @p0 .LBB2_5-.Ltmp2, $3  }
0x49: {  	[sflag:s23] =	ssyncset.done $0x0  }
0x4a: {  	[sflag:s23] =	ssyncadd.s32 $0xFFFFCF20  }
0x4b: {  	[bflag:$0x0] =	sbarrier.arrive $0xFFFF;
	_ =	sdelay $0x1  }
0x4c: {  	s11 =	rddreg [dreg:$0x7]  }
0x4d: {  	[tilespmem:s3], [sflag:$0x1] =	stream.linear.gather [hbm4b:s11+s3], $0x190, $0x38;
	[tilespmem:$0x1F140] =	vst v63  }
0x4e: {  	s12 =	rddreg [dreg:$0x6]  }
0x4f: {  	[tilespmem:s24], [sflag:$0x1] =	stream.linear.gather [hbm4b:s12+s3], $0x190, $0x38;
	[tilespmem:$0x1F140] =	vst v63  }
0x50: {  	_ =	swait.ge [sflag:s26], $0x190  }
0x51: {  	[sflag:s26] =	ssyncset.done $0x0  }
0x52: {  	[sflag:s26] =	ssyncadd.s32 $0xFFFFFE70  }
0x53: {  	_ =	swait.ge [sflag:s26], $0x190  }
0x54: {  	[sflag:s26] =	ssyncset.done $0x0  }
0x55: {  	[sflag:s26] =	ssyncadd.s32 $0xFFFFFE70  }
0x56: {  	[tilespmem:s29], [sflag:$0x3] =	stream.indirect.gather [hbm4b:s5+s28], $0x20, s3, s28, $0xb8;
	[tilespmem:$0x1F140] =	vst v63  }
0x57: {  	_ = 	snop  }
0x58: {  	[tilespmem:s28], [sflag:$0x2] =	stream.linear.gather [hbm4b:s15+s3], $0x190, $0x38;
	[tilespmem:$0x1F140] =	vst v63  }
0x59: {  	s13 =	rddreg [dreg:$0xa]  }
0x5a: {  	[tilespmem:s30], [sflag:$0x2] =	stream.linear.gather [hbm4b:s13+s3], $0x190, $0x38;
	[tilespmem:$0x1F140] =	vst v63  }
0x5b: {  	_ =	swait.ge [sflag:s31], $0x3200  }
0x5c: {  	[sflag:s31] =	ssyncset.done $0x0  }
0x5d: {  	[sflag:s31] =	ssyncadd.s32 $0xFFFFCE00  }
0x5e: {  	[spmem:s1] =	stream.indirect.scatter.add.f32 [tilespmem:s29], [sflag:$0x5], $0x20, s24, s28, $0xb8;
	[tilespmem:$0x1F140] =	vst v63  }
0x5f: {  	_ =	swait.ge [sflag:s0], $0x190  }
0x60: {  	[sflag:s0] =	ssyncset.done $0x0  }
0x61: {  	[sflag:s0] =	ssyncadd.s32 $0xFFFFFE70  }
0x62: {  	_ =	swait.ge [sflag:s0], $0x190  }
0x63: {  	[sflag:s0] =	ssyncset.done $0x0  }
0x64: {  	[sflag:s0] =	ssyncadd.s32 $0xFFFFFE70  }
0x65: {  	[tilespmem:s2], [sflag:$0x4] =	stream.indirect.gather [hbm4b:s5+s28], $0x20, s28, s28, $0xb8;
	[tilespmem:$0x1F140] =	vst v63  }
0x66: {  	_ =	swait.ge [sflag:s6], $0x3200  }
0x67: {  	[sflag:s6] =	ssyncset.done $0x0  }
0x68: {  	[sflag:s6] =	ssyncadd.s32 $0xFFFFCE00  }
0x69: {  	[tilespmem:s3], [sflag:$0x1] =	stream.linear.gather [hbm4b:s17+s3], $0x190, $0x38;
	[tilespmem:$0x1F140] =	vst v63  }
0x6a: {  	_ = 	snop  }
0x6b: {  	[tilespmem:s24], [sflag:$0x1] =	stream.linear.gather [hbm4b:s16+s3], $0x190, $0x38;
	[tilespmem:$0x1F140] =	vst v63  }
0x6c: {  	_ =	swait.ge [sflag:s7], $0x3200  }
0x6d: {  	[sflag:s7] =	ssyncset.done $0x0  }
0x6e: {  	[sflag:s7] =	ssyncadd.s32 $0xFFFFCE00  }
0x6f: {  	[spmem:s1] =	stream.indirect.scatter.add.f32 [tilespmem:s2], [sflag:$0x6], $0x20, s30, s28, $0xb8;
	[tilespmem:$0x1F140] =	vst v63  }
0x70: {  	_ =	swait.ge [sflag:s26], $0x190  }
0x71: {  	[sflag:s26] =	ssyncset.done $0x0  }
0x72: {  	[sflag:s26] =	ssyncadd.s32 $0xFFFFFE70  }
0x73: {  	_ =	swait.ge [sflag:s26], $0x190  }
0x74: {  	[sflag:s26] =	ssyncset.done $0x0  }
0x75: {  	[sflag:s26] =	ssyncadd.s32 $0xFFFFFE70  }
0x76: {  	[tilespmem:s29], [sflag:$0x3] =	stream.indirect.gather [hbm4b:s5+s28], $0x20, s3, s28, $0xb8;
	[tilespmem:$0x1F140] =	vst v63  }
0x77: {  	_ =	swait.ge [sflag:s8], $0x3200  }
0x78: {  	s11 =	sadd.s32 $0xFFFFCEC8, s20;
	[sflag:s8] =	ssyncset.done $0x0  }
0x79: {  	s12 =	sadd.s32 $0x31CE, s11;
	s13 =	sadd.s32 $0xFFFFCEC8, s21;
	[sflag:s8] =	ssyncadd.s32 $0xFFFFCE00  }
0x7a: {  	[tilespmem:s28], [sflag:$0x2] =	stream.linear.gather [hbm4b:s12+s3], $0x190, $0x38;
	[tilespmem:$0x1F140] =	vst v63  }
0x7b: {  	s14 =	sadd.s32 $0x31CE, s13  }
0x7c: {  	[tilespmem:s30], [sflag:$0x2] =	stream.linear.gather [hbm4b:s14+s3], $0x190, $0x38;
	[tilespmem:$0x1F140] =	vst v63  }
0x7d: {  	_ =	swait.ge [sflag:s31], $0x3200  }
0x7e: {  	[sflag:s31] =	ssyncset.done $0x0  }
0x7f: {  	[sflag:s31] =	ssyncadd.s32 $0xFFFFCE00  }
0x80: {  	[spmem:s1] =	stream.indirect.scatter.add.f32 [tilespmem:s29], [sflag:$0x5], $0x20, s24, s28, $0xb8;
	[tilespmem:$0x1F140] =	vst v63  }
0x81: {  	_ =	swait.ge [sflag:s0], $0x190  }
0x82: {  	[sflag:s0] =	ssyncset.done $0x0  }
0x83: {  	[sflag:s0] =	ssyncadd.s32 $0xFFFFFE70  }
0x84: {  	_ =	swait.ge [sflag:s0], $0x190  }
0x85: {  	[sflag:s0] =	ssyncset.done $0x0  }
0x86: {  	[sflag:s0] =	ssyncadd.s32 $0xFFFFFE70  }
0x87: {  	[tilespmem:s2], [sflag:$0x4] =	stream.indirect.gather [hbm4b:s5+s28], $0x20, s28, s28, $0xb8;
	[tilespmem:$0x1F140] =	vst v63  }
0x88: {  	_ =	swait.ge [sflag:s6], $0x3200  }
0x89: {  	[sflag:s6] =	ssyncset.done $0x0  }
0x8a: {  	s11 =	sadd.s32 $0x3200, s11;
	[sflag:s6] =	ssyncadd.s32 $0xFFFFCE00  }
0x8b: {  	[tilespmem:s3], [sflag:$0x1] =	stream.linear.gather [hbm4b:s11+s3], $0x190, $0x38;
	[tilespmem:$0x1F140] =	vst v63  }
0x8c: {  	s14 =	sadd.s32 $0x3200, s13  }
0x8d: {  	[tilespmem:s24], [sflag:$0x1] =	stream.linear.gather [hbm4b:s14+s3], $0x190, $0x38;
	[tilespmem:$0x1F140] =	vst v63  }
0x8e: {  	_ =	swait.ge [sflag:s7], $0x3200  }
0x8f: {  	[sflag:s7] =	ssyncset.done $0x0  }
0x90: {  	s11 =	simm.s32 $0xFFFFCF2C;
	[sflag:s7] =	ssyncadd.s32 $0xFFFFCE00  }
.LBB2_3:
0x91: {  	[spmem:s1] =	stream.indirect.scatter.add.f32 [tilespmem:s2], [sflag:$0x6], $0x20, s30, s28, $0xb8;
	[tilespmem:$0x1F140] =	vst v63  }
0x92: {  	s12 =	smov.u32 s11  }
0x93: {  	p1 =	seq.s32 s11, $0xFFFFFF9C;
	s11 =	sadd.s32 $0x64, s11;
	_ =	swait.ge [sflag:s26], $0x190  }
0x94: {  	[sflag:s26] =	ssyncset.done $0x0  }
0x95: {  	[sflag:s26] =	ssyncadd.s32 $0xFFFFFE70  }
0x96: {  	_ =	swait.ge [sflag:s26], $0x190  }
0x97: {  	[sflag:s26] =	ssyncset.done $0x0  }
0x98: {  	[sflag:s26] =	ssyncadd.s32 $0xFFFFFE70  }
0x99: {  	[tilespmem:s29], [sflag:$0x3] =	stream.indirect.gather [hbm4b:s5+s28], $0x20, s3, s28, $0xb8;
	[tilespmem:$0x1F140] =	vst v63  }
0x9a: {  	_ =	swait.ge [sflag:s8], $0x3200  }
0x9b: {  	s13 =	sadd.s32 s12, s20;
	[sflag:s8] =	ssyncset.done $0x0  }
0x9c: {  	s12 =	sadd.s32 s12, s21;
	s14 =	sadd.s32 $0x31CE, s13;
	[sflag:s8] =	ssyncadd.s32 $0xFFFFCE00  }
0x9d: {  	[tilespmem:s28], [sflag:$0x2] =	stream.linear.gather [hbm4b:s14+s3], $0x190, $0x38;
	[tilespmem:$0x1F140] =	vst v63  }
0x9e: {  	s14 =	sadd.s32 $0x31CE, s12  }
0x9f: {  	[tilespmem:s30], [sflag:$0x2] =	stream.linear.gather [hbm4b:s14+s3], $0x190, $0x38;
	[tilespmem:$0x1F140] =	vst v63  }
0xa0: {  	_ =	swait.ge [sflag:s31], $0x3200  }
0xa1: {  	[sflag:s31] =	ssyncset.done $0x0  }
0xa2: {  	[sflag:s31] =	ssyncadd.s32 $0xFFFFCE00  }
0xa3: {  	[spmem:s1] =	stream.indirect.scatter.add.f32 [tilespmem:s29], [sflag:$0x5], $0x20, s24, s28, $0xb8;
	[tilespmem:$0x1F140] =	vst v63  }
0xa4: {  	_ =	swait.ge [sflag:s0], $0x190  }
0xa5: {  	[sflag:s0] =	ssyncset.done $0x0  }
0xa6: {  	[sflag:s0] =	ssyncadd.s32 $0xFFFFFE70  }
0xa7: {  	_ =	swait.ge [sflag:s0], $0x190  }
0xa8: {  	[sflag:s0] =	ssyncset.done $0x0  }
0xa9: {  	[sflag:s0] =	ssyncadd.s32 $0xFFFFFE70  }
0xaa: {  	[tilespmem:s2], [sflag:$0x4] =	stream.indirect.gather [hbm4b:s5+s28], $0x20, s28, s28, $0xb8;
	[tilespmem:$0x1F140] =	vst v63  }
0xab: {  	_ =	swait.ge [sflag:s6], $0x3200  }
0xac: {  	[sflag:s6] =	ssyncset.done $0x0  }
0xad: {  	s13 =	sadd.s32 $0x3200, s13;
	[sflag:s6] =	ssyncadd.s32 $0xFFFFCE00  }
0xae: {  	[tilespmem:s3], [sflag:$0x1] =	stream.linear.gather [hbm4b:s13+s3], $0x190, $0x38;
	[tilespmem:$0x1F140] =	vst v63  }
.Ltmp3:
0xaf: {  	s12 =	sadd.s32 $0x3200, s12;
	(pc) =	sbr.rel @!p1 .LBB2_3-.Ltmp3, $4  }
0xb0: {  	[tilespmem:s24], [sflag:$0x1] =	stream.linear.gather [hbm4b:s12+s3], $0x190, $0x38;
	[tilespmem:$0x1F140] =	vst v63  }
0xb1: {  	_ =	swait.ge [sflag:s7], $0x3200  }
0xb2: {  	[sflag:s7] =	ssyncset.done $0x0  }
0xb3: {  	[sflag:s7] =	ssyncadd.s32 $0xFFFFCE00  }
0xb4: {  	[spmem:s1] =	stream.indirect.scatter.add.f32 [tilespmem:s2], [sflag:$0x6], $0x20, s30, s28, $0xb8;
	[tilespmem:$0x1F140] =	vst v63  }
0xb5: {  	_ =	swait.ge [sflag:s26], $0x190  }
0xb6: {  	[sflag:s26] =	ssyncset.done $0x0  }
0xb7: {  	[sflag:s26] =	ssyncadd.s32 $0xFFFFFE70  }
0xb8: {  	_ =	swait.ge [sflag:s26], $0x190  }
0xb9: {  	[sflag:s26] =	ssyncset.done $0x0  }
0xba: {  	[sflag:s26] =	ssyncadd.s32 $0xFFFFFE70  }
0xbb: {  	[tilespmem:s29], [sflag:$0x3] =	stream.indirect.gather [hbm4b:s5+s28], $0x20, s3, s28, $0xb8;
	[tilespmem:$0x1F140] =	vst v63  }
0xbc: {  	_ =	swait.ge [sflag:s8], $0x3200  }
0xbd: {  	[sflag:s8] =	ssyncset.done $0x0  }
0xbe: {  	[sflag:s8] =	ssyncadd.s32 $0xFFFFCE00  }
0xbf: {  	[tilespmem:s28], [sflag:$0x2] =	stream.linear.gather [hbm4b:s19+s3], $0x190, $0x38;
	[tilespmem:$0x1F140] =	vst v63  }
0xc0: {  	_ = 	snop  }
0xc1: {  	[tilespmem:s30], [sflag:$0x2] =	stream.linear.gather [hbm4b:s18+s3], $0x190, $0x38;
	[tilespmem:$0x1F140] =	vst v63  }
0xc2: {  	_ =	swait.ge [sflag:s31], $0x3200  }
0xc3: {  	[sflag:s31] =	ssyncset.done $0x0  }
0xc4: {  	[sflag:s31] =	ssyncadd.s32 $0xFFFFCE00  }
0xc5: {  	[spmem:s1] =	stream.indirect.scatter.add.f32 [tilespmem:s29], [sflag:$0x5], $0x20, s24, s28, $0xb8;
	[tilespmem:$0x1F140] =	vst v63  }
0xc6: {  	_ =	swait.ge [sflag:s0], $0x190  }
0xc7: {  	[sflag:s0] =	ssyncset.done $0x0  }
0xc8: {  	[sflag:s0] =	ssyncadd.s32 $0xFFFFFE70  }
0xc9: {  	_ =	swait.ge [sflag:s0], $0x190  }
0xca: {  	[sflag:s0] =	ssyncset.done $0x0  }
0xcb: {  	[sflag:s0] =	ssyncadd.s32 $0xFFFFFE70  }
0xcc: {  	[tilespmem:s2], [sflag:$0x4] =	stream.indirect.gather [hbm4b:s5+s28], $0x20, s28, s28, $0xb8;
	[tilespmem:$0x1F140] =	vst v63  }
0xcd: {  	_ =	swait.ge [sflag:s6], $0x3200  }
0xce: {  	[sflag:s6] =	ssyncset.done $0x0  }
.Ltmp4:
0xcf: {  	[sflag:s6] =	ssyncadd.s32 $0xFFFFCE00;
	(pc) =	sbr.rel .LBB2_8-.Ltmp4, $4  }
0xd0: {  	_ =	swait.ge [sflag:s7], $0x3200  }
0xd1: {  	[sflag:s7] =	ssyncset.done $0x0  }
0xd2: {  	s11 =	rddreg [dreg:$0x3];
	[sflag:s7] =	ssyncadd.s32 $0xFFFFCE00  }
0xd3: {  	[spmem:s1] =	stream.indirect.scatter.add.f32 [tilespmem:s2], [sflag:$0x6], $0x20, s30, s28, $0xb8;
	[tilespmem:$0x1F140] =	vst v63  }
.LBB2_5:
0xd4: {  	s11 =	rddreg [dreg:$0x6]  }
0xd5: {  	[tilespmem:s3], [sflag:$0x1] =	stream.linear.gather [hbm4b:s11+s3], $0x190, $0x38;
	[tilespmem:$0x1F140] =	vst v63  }
0xd6: {  	s12 =	rddreg [dreg:$0x7]  }
0xd7: {  	[tilespmem:s24], [sflag:$0x1] =	stream.linear.gather [hbm4b:s12+s3], $0x190, $0x38;
	[tilespmem:$0x1F140] =	vst v63  }
0xd8: {  	_ =	swait.ge [sflag:s26], $0x190  }
0xd9: {  	[sflag:s26] =	ssyncset.done $0x0  }
0xda: {  	[sflag:s26] =	ssyncadd.s32 $0xFFFFFE70  }
0xdb: {  	_ =	swait.ge [sflag:s26], $0x190  }
0xdc: {  	[sflag:s26] =	ssyncset.done $0x0  }
0xdd: {  	[sflag:s26] =	ssyncadd.s32 $0xFFFFFE70  }
0xde: {  	[tilespmem:s29], [sflag:$0x3] =	stream.indirect.gather [hbm4b:s4+s28], $0x20, s3, s28, $0xb8;
	[tilespmem:$0x1F140] =	vst v63  }
0xdf: {  	s13 =	rddreg [dreg:$0xa]  }
0xe0: {  	[tilespmem:s28], [sflag:$0x2] =	stream.linear.gather [hbm4b:s13+s3], $0x190, $0x38;
	[tilespmem:$0x1F140] =	vst v63  }
0xe1: {  	_ = 	snop  }
0xe2: {  	[tilespmem:s30], [sflag:$0x2] =	stream.linear.gather [hbm4b:s15+s3], $0x190, $0x38;
	[tilespmem:$0x1F140] =	vst v63  }
0xe3: {  	_ =	swait.ge [sflag:s31], $0x3200  }
0xe4: {  	[sflag:s31] =	ssyncset.done $0x0  }
0xe5: {  	[sflag:s31] =	ssyncadd.s32 $0xFFFFCE00  }
0xe6: {  	[spmem:s1] =	stream.indirect.scatter.add.f32 [tilespmem:s29], [sflag:$0x5], $0x20, s24, s28, $0xb8;
	[tilespmem:$0x1F140] =	vst v63  }
0xe7: {  	_ =	swait.ge [sflag:s0], $0x190  }
0xe8: {  	[sflag:s0] =	ssyncset.done $0x0  }
0xe9: {  	[sflag:s0] =	ssyncadd.s32 $0xFFFFFE70  }
0xea: {  	_ =	swait.ge [sflag:s0], $0x190  }
0xeb: {  	[sflag:s0] =	ssyncset.done $0x0  }
0xec: {  	[sflag:s0] =	ssyncadd.s32 $0xFFFFFE70  }
0xed: {  	[tilespmem:s2], [sflag:$0x4] =	stream.indirect.gather [hbm4b:s4+s28], $0x20, s28, s28, $0xb8;
	[tilespmem:$0x1F140] =	vst v63  }
0xee: {  	_ =	swait.ge [sflag:s6], $0x3200  }
0xef: {  	[sflag:s6] =	ssyncset.done $0x0  }
0xf0: {  	[sflag:s6] =	ssyncadd.s32 $0xFFFFCE00  }
0xf1: {  	[tilespmem:s3], [sflag:$0x1] =	stream.linear.gather [hbm4b:s16+s3], $0x190, $0x38;
	[tilespmem:$0x1F140] =	vst v63  }
0xf2: {  	_ = 	snop  }
0xf3: {  	[tilespmem:s24], [sflag:$0x1] =	stream.linear.gather [hbm4b:s17+s3], $0x190, $0x38;
	[tilespmem:$0x1F140] =	vst v63  }
0xf4: {  	_ =	swait.ge [sflag:s7], $0x3200  }
0xf5: {  	[sflag:s7] =	ssyncset.done $0x0  }
0xf6: {  	[sflag:s7] =	ssyncadd.s32 $0xFFFFCE00  }
0xf7: {  	[spmem:s1] =	stream.indirect.scatter.add.f32 [tilespmem:s2], [sflag:$0x6], $0x20, s30, s28, $0xb8;
	[tilespmem:$0x1F140] =	vst v63  }
0xf8: {  	_ =	swait.ge [sflag:s26], $0x190  }
0xf9: {  	[sflag:s26] =	ssyncset.done $0x0  }
0xfa: {  	[sflag:s26] =	ssyncadd.s32 $0xFFFFFE70  }
0xfb: {  	_ =	swait.ge [sflag:s26], $0x190  }
0xfc: {  	[sflag:s26] =	ssyncset.done $0x0  }
0xfd: {  	[sflag:s26] =	ssyncadd.s32 $0xFFFFFE70  }
0xfe: {  	[tilespmem:s29], [sflag:$0x3] =	stream.indirect.gather [hbm4b:s4+s28], $0x20, s3, s28, $0xb8;
	[tilespmem:$0x1F140] =	vst v63  }
0xff: {  	_ =	swait.ge [sflag:s8], $0x3200  }
0x100: {  	s11 =	sadd.s32 $0xFFFFCEC8, s21;
	[sflag:s8] =	ssyncset.done $0x0  }
0x101: {  	s12 =	sadd.s32 $0x31CE, s11;
	s13 =	sadd.s32 $0xFFFFCEC8, s20;
	[sflag:s8] =	ssyncadd.s32 $0xFFFFCE00  }
0x102: {  	[tilespmem:s28], [sflag:$0x2] =	stream.linear.gather [hbm4b:s12+s3], $0x190, $0x38;
	[tilespmem:$0x1F140] =	vst v63  }
0x103: {  	s14 =	sadd.s32 $0x31CE, s13  }
0x104: {  	[tilespmem:s30], [sflag:$0x2] =	stream.linear.gather [hbm4b:s14+s3], $0x190, $0x38;
	[tilespmem:$0x1F140] =	vst v63  }
0x105: {  	_ =	swait.ge [sflag:s31], $0x3200  }
0x106: {  	[sflag:s31] =	ssyncset.done $0x0  }
0x107: {  	[sflag:s31] =	ssyncadd.s32 $0xFFFFCE00  }
0x108: {  	[spmem:s1] =	stream.indirect.scatter.add.f32 [tilespmem:s29], [sflag:$0x5], $0x20, s24, s28, $0xb8;
	[tilespmem:$0x1F140] =	vst v63  }
0x109: {  	_ =	swait.ge [sflag:s0], $0x190  }
0x10a: {  	[sflag:s0] =	ssyncset.done $0x0  }
0x10b: {  	[sflag:s0] =	ssyncadd.s32 $0xFFFFFE70  }
0x10c: {  	_ =	swait.ge [sflag:s0], $0x190  }
0x10d: {  	[sflag:s0] =	ssyncset.done $0x0  }
0x10e: {  	[sflag:s0] =	ssyncadd.s32 $0xFFFFFE70  }
0x10f: {  	[tilespmem:s2], [sflag:$0x4] =	stream.indirect.gather [hbm4b:s4+s28], $0x20, s28, s28, $0xb8;
	[tilespmem:$0x1F140] =	vst v63  }
0x110: {  	_ =	swait.ge [sflag:s6], $0x3200  }
0x111: {  	[sflag:s6] =	ssyncset.done $0x0  }
0x112: {  	s11 =	sadd.s32 $0x3200, s11;
	[sflag:s6] =	ssyncadd.s32 $0xFFFFCE00  }
0x113: {  	[tilespmem:s3], [sflag:$0x1] =	stream.linear.gather [hbm4b:s11+s3], $0x190, $0x38;
	[tilespmem:$0x1F140] =	vst v63  }
0x114: {  	s14 =	sadd.s32 $0x3200, s13  }
0x115: {  	[tilespmem:s24], [sflag:$0x1] =	stream.linear.gather [hbm4b:s14+s3], $0x190, $0x38;
	[tilespmem:$0x1F140] =	vst v63  }
0x116: {  	_ =	swait.ge [sflag:s7], $0x3200  }
0x117: {  	[sflag:s7] =	ssyncset.done $0x0  }
0x118: {  	s11 =	simm.s32 $0xFFFFCF2C;
	[sflag:s7] =	ssyncadd.s32 $0xFFFFCE00  }
.LBB2_6:
0x119: {  	[spmem:s1] =	stream.indirect.scatter.add.f32 [tilespmem:s2], [sflag:$0x6], $0x20, s30, s28, $0xb8;
	[tilespmem:$0x1F140] =	vst v63  }
0x11a: {  	s12 =	smov.u32 s11  }
0x11b: {  	p1 =	seq.s32 s11, $0xFFFFFF9C;
	s11 =	sadd.s32 $0x64, s11;
	_ =	swait.ge [sflag:s26], $0x190  }
0x11c: {  	[sflag:s26] =	ssyncset.done $0x0  }
0x11d: {  	[sflag:s26] =	ssyncadd.s32 $0xFFFFFE70  }
0x11e: {  	_ =	swait.ge [sflag:s26], $0x190  }
0x11f: {  	[sflag:s26] =	ssyncset.done $0x0  }
0x120: {  	[sflag:s26] =	ssyncadd.s32 $0xFFFFFE70  }
0x121: {  	[tilespmem:s29], [sflag:$0x3] =	stream.indirect.gather [hbm4b:s4+s28], $0x20, s3, s28, $0xb8;
	[tilespmem:$0x1F140] =	vst v63  }
0x122: {  	_ =	swait.ge [sflag:s8], $0x3200  }
0x123: {  	s13 =	sadd.s32 s12, s21;
	[sflag:s8] =	ssyncset.done $0x0  }
0x124: {  	s12 =	sadd.s32 s12, s20;
	s14 =	sadd.s32 $0x31CE, s13;
	[sflag:s8] =	ssyncadd.s32 $0xFFFFCE00  }
0x125: {  	[tilespmem:s28], [sflag:$0x2] =	stream.linear.gather [hbm4b:s14+s3], $0x190, $0x38;
	[tilespmem:$0x1F140] =	vst v63  }
0x126: {  	s14 =	sadd.s32 $0x31CE, s12  }
0x127: {  	[tilespmem:s30], [sflag:$0x2] =	stream.linear.gather [hbm4b:s14+s3], $0x190, $0x38;
	[tilespmem:$0x1F140] =	vst v63  }
0x128: {  	_ =	swait.ge [sflag:s31], $0x3200  }
0x129: {  	[sflag:s31] =	ssyncset.done $0x0  }
0x12a: {  	[sflag:s31] =	ssyncadd.s32 $0xFFFFCE00  }
0x12b: {  	[spmem:s1] =	stream.indirect.scatter.add.f32 [tilespmem:s29], [sflag:$0x5], $0x20, s24, s28, $0xb8;
	[tilespmem:$0x1F140] =	vst v63  }
0x12c: {  	_ =	swait.ge [sflag:s0], $0x190  }
0x12d: {  	[sflag:s0] =	ssyncset.done $0x0  }
0x12e: {  	[sflag:s0] =	ssyncadd.s32 $0xFFFFFE70  }
0x12f: {  	_ =	swait.ge [sflag:s0], $0x190  }
0x130: {  	[sflag:s0] =	ssyncset.done $0x0  }
0x131: {  	[sflag:s0] =	ssyncadd.s32 $0xFFFFFE70  }
0x132: {  	[tilespmem:s2], [sflag:$0x4] =	stream.indirect.gather [hbm4b:s4+s28], $0x20, s28, s28, $0xb8;
	[tilespmem:$0x1F140] =	vst v63  }
0x133: {  	_ =	swait.ge [sflag:s6], $0x3200  }
0x134: {  	[sflag:s6] =	ssyncset.done $0x0  }
0x135: {  	s13 =	sadd.s32 $0x3200, s13;
	[sflag:s6] =	ssyncadd.s32 $0xFFFFCE00  }
0x136: {  	[tilespmem:s3], [sflag:$0x1] =	stream.linear.gather [hbm4b:s13+s3], $0x190, $0x38;
	[tilespmem:$0x1F140] =	vst v63  }
.Ltmp5:
0x137: {  	s12 =	sadd.s32 $0x3200, s12;
	(pc) =	sbr.rel @!p1 .LBB2_6-.Ltmp5, $4  }
0x138: {  	[tilespmem:s24], [sflag:$0x1] =	stream.linear.gather [hbm4b:s12+s3], $0x190, $0x38;
	[tilespmem:$0x1F140] =	vst v63  }
0x139: {  	_ =	swait.ge [sflag:s7], $0x3200  }
0x13a: {  	[sflag:s7] =	ssyncset.done $0x0  }
0x13b: {  	[sflag:s7] =	ssyncadd.s32 $0xFFFFCE00  }
.Ltmp6:
0x13c: {  	_ = 	snop;
	(pc) =	sbr.rel .LBB2_7-.Ltmp6, $1  }
0x13d: {  	_ =	sdelay $0x3  }
.LBB2_9:
0x13e: {  	_ =	sfence.sel $0x180000  }
0x13f: {  	[bflag:$0x0] =	sbarrier.arrive $0xFFFF  }
0x140: {  	_ =	strace $0x9000004A  }
0x141: {  	s0 =	stileid.u32;
	[bflag:$0x2] =	sbarrier.arrive $0xFFFF  }
0x142: {  	p0 =	sne.s32 s0, $0x0;
	s0 =	rddreg [dreg:$0x2]  }
0x143: {  	s0 =	sadd.s32 @!p0 $0x100000, s0  }
0x144: {  	[sflag:s0] =	ssyncadd.tile.s32 @!p0 $0x1;
	_ =	shalt  }
.Lfunc_end2:
_tile_overlayer_lowered:
.L_overlay_start_2:
0x145: {  	(tag) =	ssettag $0x2  }
0x146: {  	s0 =	rddreg [dreg:$0x0];
	s2 =	stileid.u32  }
0x147: {  	s1 =	rddreg [dreg:$0x1];
	p0 =	sne.s32 s2, $0x0  }
0x148: {  	s3 =	rddreg [dreg:$0x2];
	[bflag:$0x3] =	sbarrier.arrive $0xFFFF;
	s2 =	simm.s32 @!p0 $0x1C07  }
0x149: {  	[timem:s3], [sflag:s2] =	dma.local @!p0 [hbm:s0], s1  }
0x14a: {  	s0 =	simm.s32 @!p0 $0x7  }
0x14b: {  	_ =	swait.ge @!p0 [sflag:s0], s1  }
0x14c: {  	s1 =	ssub.s32 @!p0 $0x0, s1;
	[sflag:s0] =	ssyncset.done @!p0 $0x0  }
0x14d: {  	[sflag:s0] =	ssyncadd.s32 @!p0 s1  }
0x14e: {  	[bflag:$0x3] =	sbarrier.arrive $0xFFFF  }
0x14f: {  	_ =	shalt  }

</sc_bundles>
